<compile_context>
chip_gen: v7x
topology: tpu7x:2x2x1
jax: 0.10.2.dev20260603
libtpu: 0.0.44.dev20260713+nightly
codegen_flags: <defaults>
</compile_context>

<pallas_src>
import functools

import jax
import jax.numpy as jnp
from jax import lax
from jax.experimental import pallas as pl
from jax.experimental.pallas import tpu as pltpu
from jax.experimental.pallas import tpu_sc as plsc

D = 128
S = 200
B = 4096
NW = 32
ROWS_PER_W = B // NW
SCALE = 0.5 ** 0.5
CHUNK_A = 128
CHUNK_B = S - CHUNK_A

_mesh = plsc.VectorSubcoreMesh(core_axis_name="c", subcore_axis_name="s")


@functools.partial(
    pl.kernel,
    mesh=_mesh,
    out_type=jax.ShapeDtypeStruct((B * S, D), jnp.float32),
    scratch_types=[
        pltpu.VMEM((S, D), jnp.float32),
        pltpu.VMEM((CHUNK_A,), jnp.int32),
        pltpu.VMEM((CHUNK_A,), jnp.int32),
        pltpu.VMEM((CHUNK_B,), jnp.int32),
        pltpu.VMEM((CHUNK_B,), jnp.int32),
        pltpu.VMEM((2, S, D), jnp.float32),
        pltpu.SemaphoreType.DMA,
        pltpu.SemaphoreType.DMA,
        pltpu.SemaphoreType.DMA,
        pltpu.SemaphoreType.DMA,
        pltpu.SemaphoreType.DMA,
        pltpu.SemaphoreType.DMA,
        pltpu.SemaphoreType.DMA,
        pltpu.SemaphoreType.DMA,
    ],
)
def _embed_kernel(tok_hbm, word_hbm, pos_hbm, out_hbm, pos_v,
                  idx_a0, idx_a1, idx_b0, idx_b1, rows_v,
                  gsema0, gsema1, gsemb0, gsemb1, wsem0, wsem1, isem0, isem1):
    idx_a = (idx_a0, idx_a1)
    idx_b = (idx_b0, idx_b1)
    gsem_a = (gsema0, gsema1)
    gsem_b = (gsemb0, gsemb1)
    wsem = (wsem0, wsem1)
    isem = (isem0, isem1)
    wid = lax.axis_index("s") * 2 + lax.axis_index("c")
    base = wid * ROWS_PER_W

    pltpu.sync_copy(pos_hbm.at[pl.ds(0, S)], pos_v)

    def idx_issue_a(r, ph):
        flat = (base + r) * S
        pltpu.async_copy(tok_hbm.at[pl.ds(flat, CHUNK_A)], idx_a[ph], isem[ph])

    def idx_issue_b(r, ph):
        flat = (base + r) * S
        pltpu.async_copy(tok_hbm.at[pl.ds(flat + CHUNK_A, CHUNK_B)],
                         idx_b[ph], isem[ph])

    def idx_issue(r, ph):
        idx_issue_a(r, ph)
        idx_issue_b(r, ph)

    def idx_drain(ph):
        pltpu.make_async_copy(tok_hbm.at[pl.ds(0, CHUNK_A)], idx_a[ph],
                              isem[ph]).wait()
        pltpu.make_async_copy(tok_hbm.at[pl.ds(0, CHUNK_B)], idx_b[ph],
                              isem[ph]).wait()

    def gather_issue(ph):
        pltpu.async_copy(word_hbm.at[idx_a[ph]],
                         rows_v.at[ph, pl.ds(0, CHUNK_A)], gsem_a[ph])
        pltpu.async_copy(word_hbm.at[idx_b[ph]],
                         rows_v.at[ph, pl.ds(CHUNK_A, CHUNK_B)], gsem_b[ph])

    def gather_drain_a(ph):
        pltpu.make_async_copy(word_hbm.at[pl.ds(0, CHUNK_A)],
                              rows_v.at[ph, pl.ds(0, CHUNK_A)],
                              gsem_a[ph]).wait()

    def gather_drain_b(ph):
        pltpu.make_async_copy(word_hbm.at[pl.ds(0, CHUNK_B)],
                              rows_v.at[ph, pl.ds(CHUNK_A, CHUNK_B)],
                              gsem_b[ph]).wait()

    def write_issue_a(r, ph):
        pltpu.async_copy(rows_v.at[ph, pl.ds(0, CHUNK_A)],
                         out_hbm.at[pl.ds((base + r) * S, CHUNK_A)], wsem[ph])

    def write_issue_b(r, ph):
        pltpu.async_copy(rows_v.at[ph, pl.ds(CHUNK_A, CHUNK_B)],
                         out_hbm.at[pl.ds((base + r) * S + CHUNK_A, CHUNK_B)],
                         wsem[ph])

    def write_drain(ph):
        pltpu.make_async_copy(rows_v.at[ph, pl.ds(0, CHUNK_A)],
                              out_hbm.at[pl.ds(0, CHUNK_A)], wsem[ph]).wait()
        pltpu.make_async_copy(rows_v.at[ph, pl.ds(CHUNK_A, CHUNK_B)],
                              out_hbm.at[pl.ds(0, CHUNK_B)], wsem[ph]).wait()

    def compute(ph, lo, hi):
        @plsc.parallel_loop(lo, hi, step=1, unroll=4)
        def _body(s):
            for j in range(D // 16):
                rv = rows_v[ph, s, pl.ds(j * 16, 16)]
                pv = pos_v[s, pl.ds(j * 16, 16)]
                rows_v[ph, s, pl.ds(j * 16, 16)] = (rv + pv) * SCALE

    def steady(r, ph, drain_prev_write):
        ph1 = 1 - ph
        idx_drain(ph1)
        if drain_prev_write:
            write_drain(ph1)
        gather_issue(ph1)
        gather_drain_a(ph)
        idx_issue_a(r + 2, ph)
        compute(ph, 0, CHUNK_A)
        write_issue_a(r, ph)
        gather_drain_b(ph)
        idx_issue_b(r + 2, ph)
        compute(ph, CHUNK_A, S)
        write_issue_b(r, ph)

    idx_issue(0, 0)
    idx_issue(1, 1)
    idx_drain(0)
    gather_issue(0)

    steady(0, 0, drain_prev_write=False)
    steady(1, 1, drain_prev_write=True)

    def body(i, carry):
        r0 = 2 * i
        steady(r0, 0, drain_prev_write=True)
        steady(r0 + 1, 1, drain_prev_write=True)
        return carry

    lax.fori_loop(1, ROWS_PER_W // 2, body, 0, unroll=False)

    idx_drain(1)
    gather_drain_a(0)
    gather_drain_b(0)
    write_drain(1)


def kernel(tok_ids, word_table, pos_table):
    tok_flat = tok_ids.reshape(B * S).astype(jnp.int32)
    tok_flat = jnp.concatenate([tok_flat, jnp.zeros(2 * S, jnp.int32)])
    out = _embed_kernel(tok_flat, word_table, pos_table)
    return out.reshape(B, S, D)

# --- scband reference (transcript-rebuilt; emitter-appended) ---
"""Pipeline reference for scband-embedder-29583734734985 (READ-ONLY COPY).

The authoritative reference and input builder live on the scoring server;
editing this copy changes nothing except your own understanding.
"""

import jax, jax.numpy as jnp
import numpy as np

VOC_DIM = 100000
EMB_DIM = 128
MAX_LEN = 512
BATCH = 4096
SEQ = 200
PAD_IDX = 0


def setup_inputs(seed: int = 0) -> dict:
    key = jax.random.key(seed)
    k1, k2, k3 = jax.random.split(key, 3)
    tok_ids = jax.random.randint(k1, (BATCH, SEQ), 0, VOC_DIM, dtype=jnp.int64 if jax.config.read('jax_enable_x64') else jnp.int32)
    word_table = jax.random.normal(k2, (VOC_DIM, EMB_DIM), dtype=jnp.float32) * 0.02
    word_table = word_table.at[PAD_IDX].set(0.0)  # padding_idx row zeroed, as nn.Embedding does
    pos_table = jax.random.normal(k3, (MAX_LEN, EMB_DIM), dtype=jnp.float32) * 0.02
    return {"tok_ids": tok_ids, "word_table": word_table, "pos_table": pos_table}


def reference(tok_ids, word_table, pos_table):
    # Embedder.forward with config containing only 'tok' (use_pos_emb=True):
    # embedded = [get_word_embedded(batch)]; cat along -1 of a single tensor is identity.
    word_embedded = jnp.take(word_table, tok_ids, axis=0)           # [B, S, D] gather
    pos = jnp.arange(tok_ids.shape[1])                              # arange(seq_len), broadcast over batch
    pos_embedded = jnp.take(pos_table, pos, axis=0)[None, :, :]     # [1, S, D]
    out = (word_embedded + pos_embedded) * (0.5 ** 0.5)
    return out

if __name__ == "__main__":
    import jax
    _d = setup_inputs()
    print(jax.jit(kernel)(*tuple(_d.values())))

</pallas_src>

<mosaic_0001>
#map = affine_map<(d0, d1) -> (0)>
#map1 = affine_map<(d0, d1) -> (0, 0)>
module attributes {stable_mosaic.version = 14 : i64} {
  func.func @_embed_kernel(%arg0: i32, %arg1: i32, %arg2: memref<819600xi32, #tpu.memory_space<hbm>>, %arg3: memref<100000x128xf32, #tpu.memory_space<hbm>>, %arg4: memref<512x128xf32, #tpu.memory_space<hbm>>, %arg5: memref<819200x128xf32, #tpu.memory_space<hbm>>, %arg6: memref<200x128xf32, #tpu.memory_space<vmem>>, %arg7: memref<128xi32, #tpu.memory_space<vmem>>, %arg8: memref<128xi32, #tpu.memory_space<vmem>>, %arg9: memref<72xi32, #tpu.memory_space<vmem>>, %arg10: memref<72xi32, #tpu.memory_space<vmem>>, %arg11: memref<2x200x128xf32, #tpu.memory_space<vmem>>, %arg12: memref<!tpu.dma_semaphore, #tpu.memory_space<semaphore_mem>>, %arg13: memref<!tpu.dma_semaphore, #tpu.memory_space<semaphore_mem>>, %arg14: memref<!tpu.dma_semaphore, #tpu.memory_space<semaphore_mem>>, %arg15: memref<!tpu.dma_semaphore, #tpu.memory_space<semaphore_mem>>, %arg16: memref<!tpu.dma_semaphore, #tpu.memory_space<semaphore_mem>>, %arg17: memref<!tpu.dma_semaphore, #tpu.memory_space<semaphore_mem>>, %arg18: memref<!tpu.dma_semaphore, #tpu.memory_space<semaphore_mem>>, %arg19: memref<!tpu.dma_semaphore, #tpu.memory_space<semaphore_mem>>) attributes {dimension_semantics = [#tpu.dimension_semantics<core_parallel>, #tpu.dimension_semantics<subcore_parallel>], iteration_bounds = array<i64: 2, 16>, scalar_prefetch = 0 : i64, scratch_operands = 14 : i64, tpu.core_type = #tpu.core_type<sc_vector_subcore>, window_params = [{transform_indices = #map}, {transform_indices = #map1}, {transform_indices = #map1}, {transform_indices = #map1}]} {
    %mul3A = arith.constant 2 : i32
    %mul3A_0 = arith.muli %arg1, %mul3A : i32
    %add3A = arith.addi %mul3A_0, %arg0 : i32
    %mul3A_1 = arith.constant 128 : i32
    %mul3A_2 = arith.muli %add3A, %mul3A_1 : i32
    "tpu.region"() ({
      %run_scoped3A = tpu.sem_alloc : memref<!tpu.dma_semaphore, #tpu.memory_space<semaphore_mem>>
      %dma_start3A_375 = arith.constant 0 : i32
      %dma_start3A_376 = arith.constant 0 : i32
      %dma_start3A_377 = tpu.memref_slice %arg4[%dma_start3A_375, %dma_start3A_376] : memref<512x128xf32, #tpu.memory_space<hbm>> -> memref<200x128xf32, #tpu.memory_space<hbm>>
      %dma_start3A_378 = arith.constant 0 : i32
      %dma_start3A_379 = arith.constant 0 : i32
      %dma_start3A_380 = tpu.memref_slice %arg4[%dma_start3A_378, %dma_start3A_379] : memref<512x128xf32, #tpu.memory_space<hbm>> -> memref<200x128xf32, #tpu.memory_space<hbm>>
      tpu.enqueue_dma source(%dma_start3A_380 : memref<200x128xf32, #tpu.memory_space<hbm>>) target(%arg6 : memref<200x128xf32, #tpu.memory_space<vmem>>) target_semaphore(%run_scoped3A : memref<!tpu.dma_semaphore, #tpu.memory_space<semaphore_mem>>)
      %dma_wait3A_381 = arith.constant 0 : i32
      %dma_wait3A_382 = arith.constant 0 : i32
      %dma_wait3A_383 = tpu.memref_slice %arg4[%dma_wait3A_381, %dma_wait3A_382] : memref<512x128xf32, #tpu.memory_space<hbm>> -> memref<200x128xf32, #tpu.memory_space<hbm>>
      %dma_wait3A_384 = arith.constant 0 : i32
      %dma_wait3A_385 = arith.constant 0 : i32
      %dma_wait3A_386 = tpu.memref_slice %arg4[%dma_wait3A_384, %dma_wait3A_385] : memref<512x128xf32, #tpu.memory_space<hbm>> -> memref<200x128xf32, #tpu.memory_space<hbm>>
      tpu.wait_dma2 semaphore(%run_scoped3A : memref<!tpu.dma_semaphore, #tpu.memory_space<semaphore_mem>>) src(%dma_wait3A_386 : memref<200x128xf32, #tpu.memory_space<hbm>>) dst(%arg6 : memref<200x128xf32, #tpu.memory_space<vmem>>)
      tpu.yield
    }) : () -> ()
    %add3A_3 = arith.constant 0 : i32
    %add3A_4 = arith.addi %mul3A_2, %add3A_3 : i32
    %mul3A_5 = arith.constant 200 : i32
    %mul3A_6 = arith.muli %add3A_4, %mul3A_5 : i32
    %dma_start3A = tpu.memref_slice %arg2[%mul3A_6] : memref<819600xi32, #tpu.memory_space<hbm>> -> memref<128xi32, #tpu.memory_space<hbm>>
    %dma_start3A_7 = tpu.memref_slice %arg2[%mul3A_6] : memref<819600xi32, #tpu.memory_space<hbm>> -> memref<128xi32, #tpu.memory_space<hbm>>
    tpu.enqueue_dma source(%dma_start3A_7 : memref<128xi32, #tpu.memory_space<hbm>>) target(%arg7 : memref<128xi32, #tpu.memory_space<vmem>>) target_semaphore(%arg18 : memref<!tpu.dma_semaphore, #tpu.memory_space<semaphore_mem>>)
    %add3A_8 = arith.constant 0 : i32
    %add3A_9 = arith.addi %mul3A_2, %add3A_8 : i32
    %mul3A_10 = arith.constant 200 : i32
    %mul3A_11 = arith.muli %add3A_9, %mul3A_10 : i32
    %add3A_12 = arith.constant 128 : i32
    %add3A_13 = arith.addi %mul3A_11, %add3A_12 : i32
    %dma_start3A_14 = tpu.memref_slice %arg2[%add3A_13] : memref<819600xi32, #tpu.memory_space<hbm>> -> memref<72xi32, #tpu.memory_space<hbm>>
    %dma_start3A_15 = tpu.memref_slice %arg2[%add3A_13] : memref<819600xi32, #tpu.memory_space<hbm>> -> memref<72xi32, #tpu.memory_space<hbm>>
    tpu.enqueue_dma source(%dma_start3A_15 : memref<72xi32, #tpu.memory_space<hbm>>) target(%arg9 : memref<72xi32, #tpu.memory_space<vmem>>) target_semaphore(%arg18 : memref<!tpu.dma_semaphore, #tpu.memory_space<semaphore_mem>>)
    %add3A_16 = arith.constant 1 : i32
    %add3A_17 = arith.addi %mul3A_2, %add3A_16 : i32
    %mul3A_18 = arith.constant 200 : i32
    %mul3A_19 = arith.muli %add3A_17, %mul3A_18 : i32
    %dma_start3A_20 = tpu.memref_slice %arg2[%mul3A_19] : memref<819600xi32, #tpu.memory_space<hbm>> -> memref<128xi32, #tpu.memory_space<hbm>>
    %dma_start3A_21 = tpu.memref_slice %arg2[%mul3A_19] : memref<819600xi32, #tpu.memory_space<hbm>> -> memref<128xi32, #tpu.memory_space<hbm>>
    tpu.enqueue_dma source(%dma_start3A_21 : memref<128xi32, #tpu.memory_space<hbm>>) target(%arg8 : memref<128xi32, #tpu.memory_space<vmem>>) target_semaphore(%arg19 : memref<!tpu.dma_semaphore, #tpu.memory_space<semaphore_mem>>)
    %add3A_22 = arith.constant 1 : i32
    %add3A_23 = arith.addi %mul3A_2, %add3A_22 : i32
    %mul3A_24 = arith.constant 200 : i32
    %mul3A_25 = arith.muli %add3A_23, %mul3A_24 : i32
    %add3A_26 = arith.constant 128 : i32
    %add3A_27 = arith.addi %mul3A_25, %add3A_26 : i32
    %dma_start3A_28 = tpu.memref_slice %arg2[%add3A_27] : memref<819600xi32, #tpu.memory_space<hbm>> -> memref<72xi32, #tpu.memory_space<hbm>>
    %dma_start3A_29 = tpu.memref_slice %arg2[%add3A_27] : memref<819600xi32, #tpu.memory_space<hbm>> -> memref<72xi32, #tpu.memory_space<hbm>>
    tpu.enqueue_dma source(%dma_start3A_29 : memref<72xi32, #tpu.memory_space<hbm>>) target(%arg10 : memref<72xi32, #tpu.memory_space<vmem>>) target_semaphore(%arg19 : memref<!tpu.dma_semaphore, #tpu.memory_space<semaphore_mem>>)
    %dma_wait3A = arith.constant 0 : i32
    %dma_wait3A_30 = tpu.memref_slice %arg2[%dma_wait3A] : memref<819600xi32, #tpu.memory_space<hbm>> -> memref<128xi32, #tpu.memory_space<hbm>>
    %dma_wait3A_31 = arith.constant 0 : i32
    %dma_wait3A_32 = tpu.memref_slice %arg2[%dma_wait3A_31] : memref<819600xi32, #tpu.memory_space<hbm>> -> memref<128xi32, #tpu.memory_space<hbm>>
    tpu.wait_dma2 semaphore(%arg18 : memref<!tpu.dma_semaphore, #tpu.memory_space<semaphore_mem>>) src(%dma_wait3A_32 : memref<128xi32, #tpu.memory_space<hbm>>) dst(%arg7 : memref<128xi32, #tpu.memory_space<vmem>>)
    %dma_wait3A_33 = arith.constant 0 : i32
    %dma_wait3A_34 = tpu.memref_slice %arg2[%dma_wait3A_33] : memref<819600xi32, #tpu.memory_space<hbm>> -> memref<72xi32, #tpu.memory_space<hbm>>
    %dma_wait3A_35 = arith.constant 0 : i32
    %dma_wait3A_36 = tpu.memref_slice %arg2[%dma_wait3A_35] : memref<819600xi32, #tpu.memory_space<hbm>> -> memref<72xi32, #tpu.memory_space<hbm>>
    tpu.wait_dma2 semaphore(%arg18 : memref<!tpu.dma_semaphore, #tpu.memory_space<semaphore_mem>>) src(%dma_wait3A_36 : memref<72xi32, #tpu.memory_space<hbm>>) dst(%arg9 : memref<72xi32, #tpu.memory_space<vmem>>)
    %dma_start3A_37 = arith.constant 0 : i32
    %dma_start3A_38 = arith.constant 0 : i32
    %dma_start3A_39 = arith.constant 0 : i32
    %dma_start3A_40 = tpu.memref_slice %arg11[%dma_start3A_37, %dma_start3A_38, %dma_start3A_39] : memref<2x200x128xf32, #tpu.memory_space<vmem>> -> memref<1x128x128xf32, #tpu.memory_space<vmem>>
    %dma_start3A_41 = tpu.memref_squeeze %dma_start3A_40 : memref<1x128x128xf32, #tpu.memory_space<vmem>> -> memref<128x128xf32, #tpu.memory_space<vmem>>
    %dma_start3A_42 = arith.constant 0 : i32
    %dma_start3A_43 = arith.constant 0 : i32
    %dma_start3A_44 = tpu.memref_slice %arg3[%dma_start3A_42, %dma_start3A_43] : memref<100000x128xf32, #tpu.memory_space<hbm>> -> memref<100000x128xf32, #tpu.memory_space<hbm>>
    tpu.enqueue_indirect_dma source(%dma_start3A_44 : memref<100000x128xf32, #tpu.memory_space<hbm>>) target(%dma_start3A_41 : memref<128x128xf32, #tpu.memory_space<vmem>>) offsets(%arg7 : memref<128xi32, #tpu.memory_space<vmem>>) semaphore(%arg12 : memref<!tpu.dma_semaphore, #tpu.memory_space<semaphore_mem>>)
    %dma_start3A_45 = arith.constant 0 : i32
    %dma_start3A_46 = arith.constant 128 : i32
    %dma_start3A_47 = arith.constant 0 : i32
    %dma_start3A_48 = tpu.memref_slice %arg11[%dma_start3A_45, %dma_start3A_46, %dma_start3A_47] : memref<2x200x128xf32, #tpu.memory_space<vmem>> -> memref<1x72x128xf32, #tpu.memory_space<vmem>>
    %dma_start3A_49 = tpu.memref_squeeze %dma_start3A_48 : memref<1x72x128xf32, #tpu.memory_space<vmem>> -> memref<72x128xf32, #tpu.memory_space<vmem>>
    %dma_start3A_50 = arith.constant 0 : i32
    %dma_start3A_51 = arith.constant 0 : i32
    %dma_start3A_52 = tpu.memref_slice %arg3[%dma_start3A_50, %dma_start3A_51] : memref<100000x128xf32, #tpu.memory_space<hbm>> -> memref<100000x128xf32, #tpu.memory_space<hbm>>
    tpu.enqueue_indirect_dma source(%dma_start3A_52 : memref<100000x128xf32, #tpu.memory_space<hbm>>) target(%dma_start3A_49 : memref<72x128xf32, #tpu.memory_space<vmem>>) offsets(%arg9 : memref<72xi32, #tpu.memory_space<vmem>>) semaphore(%arg14 : memref<!tpu.dma_semaphore, #tpu.memory_space<semaphore_mem>>)
    %dma_wait3A_53 = arith.constant 0 : i32
    %dma_wait3A_54 = tpu.memref_slice %arg2[%dma_wait3A_53] : memref<819600xi32, #tpu.memory_space<hbm>> -> memref<128xi32, #tpu.memory_space<hbm>>
    %dma_wait3A_55 = arith.constant 0 : i32
    %dma_wait3A_56 = tpu.memref_slice %arg2[%dma_wait3A_55] : memref<819600xi32, #tpu.memory_space<hbm>> -> memref<128xi32, #tpu.memory_space<hbm>>
    tpu.wait_dma2 semaphore(%arg19 : memref<!tpu.dma_semaphore, #tpu.memory_space<semaphore_mem>>) src(%dma_wait3A_56 : memref<128xi32, #tpu.memory_space<hbm>>) dst(%arg8 : memref<128xi32, #tpu.memory_space<vmem>>)
    %dma_wait3A_57 = arith.constant 0 : i32
    %dma_wait3A_58 = tpu.memref_slice %arg2[%dma_wait3A_57] : memref<819600xi32, #tpu.memory_space<hbm>> -> memref<72xi32, #tpu.memory_space<hbm>>
    %dma_wait3A_59 = arith.constant 0 : i32
    %dma_wait3A_60 = tpu.memref_slice %arg2[%dma_wait3A_59] : memref<819600xi32, #tpu.memory_space<hbm>> -> memref<72xi32, #tpu.memory_space<hbm>>
    tpu.wait_dma2 semaphore(%arg19 : memref<!tpu.dma_semaphore, #tpu.memory_space<semaphore_mem>>) src(%dma_wait3A_60 : memref<72xi32, #tpu.memory_space<hbm>>) dst(%arg10 : memref<72xi32, #tpu.memory_space<vmem>>)
    %dma_start3A_61 = arith.constant 1 : i32
    %dma_start3A_62 = arith.constant 0 : i32
    %dma_start3A_63 = arith.constant 0 : i32
    %dma_start3A_64 = tpu.memref_slice %arg11[%dma_start3A_61, %dma_start3A_62, %dma_start3A_63] : memref<2x200x128xf32, #tpu.memory_space<vmem>> -> memref<1x128x128xf32, #tpu.memory_space<vmem>>
    %dma_start3A_65 = tpu.memref_squeeze %dma_start3A_64 : memref<1x128x128xf32, #tpu.memory_space<vmem>> -> memref<128x128xf32, #tpu.memory_space<vmem>>
    %dma_start3A_66 = arith.constant 0 : i32
    %dma_start3A_67 = arith.constant 0 : i32
    %dma_start3A_68 = tpu.memref_slice %arg3[%dma_start3A_66, %dma_start3A_67] : memref<100000x128xf32, #tpu.memory_space<hbm>> -> memref<100000x128xf32, #tpu.memory_space<hbm>>
    tpu.enqueue_indirect_dma source(%dma_start3A_68 : memref<100000x128xf32, #tpu.memory_space<hbm>>) target(%dma_start3A_65 : memref<128x128xf32, #tpu.memory_space<vmem>>) offsets(%arg8 : memref<128xi32, #tpu.memory_space<vmem>>) semaphore(%arg13 : memref<!tpu.dma_semaphore, #tpu.memory_space<semaphore_mem>>)
    %dma_start3A_69 = arith.constant 1 : i32
    %dma_start3A_70 = arith.constant 128 : i32
    %dma_start3A_71 = arith.constant 0 : i32
    %dma_start3A_72 = tpu.memref_slice %arg11[%dma_start3A_69, %dma_start3A_70, %dma_start3A_71] : memref<2x200x128xf32, #tpu.memory_space<vmem>> -> memref<1x72x128xf32, #tpu.memory_space<vmem>>
    %dma_start3A_73 = tpu.memref_squeeze %dma_start3A_72 : memref<1x72x128xf32, #tpu.memory_space<vmem>> -> memref<72x128xf32, #tpu.memory_space<vmem>>
    %dma_start3A_74 = arith.constant 0 : i32
    %dma_start3A_75 = arith.constant 0 : i32
    %dma_start3A_76 = tpu.memref_slice %arg3[%dma_start3A_74, %dma_start3A_75] : memref<100000x128xf32, #tpu.memory_space<hbm>> -> memref<100000x128xf32, #tpu.memory_space<hbm>>
    tpu.enqueue_indirect_dma source(%dma_start3A_76 : memref<100000x128xf32, #tpu.memory_space<hbm>>) target(%dma_start3A_73 : memref<72x128xf32, #tpu.memory_space<vmem>>) offsets(%arg10 : memref<72xi32, #tpu.memory_space<vmem>>) semaphore(%arg15 : memref<!tpu.dma_semaphore, #tpu.memory_space<semaphore_mem>>)
    %dma_wait3A_77 = arith.constant 0 : i32
    %dma_wait3A_78 = arith.constant 0 : i32
    %dma_wait3A_79 = arith.constant 0 : i32
    %dma_wait3A_80 = tpu.memref_slice %arg11[%dma_wait3A_77, %dma_wait3A_78, %dma_wait3A_79] : memref<2x200x128xf32, #tpu.memory_space<vmem>> -> memref<1x128x128xf32, #tpu.memory_space<vmem>>
    %dma_wait3A_81 = tpu.memref_squeeze %dma_wait3A_80 : memref<1x128x128xf32, #tpu.memory_space<vmem>> -> memref<128x128xf32, #tpu.memory_space<vmem>>
    %dma_wait3A_82 = arith.constant 0 : i32
    %dma_wait3A_83 = arith.constant 0 : i32
    %dma_wait3A_84 = tpu.memref_slice %arg3[%dma_wait3A_82, %dma_wait3A_83] : memref<100000x128xf32, #tpu.memory_space<hbm>> -> memref<128x128xf32, #tpu.memory_space<hbm>>
    %dma_wait3A_85 = arith.constant 0 : i32
    %dma_wait3A_86 = arith.constant 0 : i32
    %dma_wait3A_87 = tpu.memref_slice %arg11[%dma_wait3A_77, %dma_wait3A_85, %dma_wait3A_86] : memref<2x200x128xf32, #tpu.memory_space<vmem>> -> memref<1x128x128xf32, #tpu.memory_space<vmem>>
    %dma_wait3A_88 = tpu.memref_squeeze %dma_wait3A_87 : memref<1x128x128xf32, #tpu.memory_space<vmem>> -> memref<128x128xf32, #tpu.memory_space<vmem>>
    %dma_wait3A_89 = arith.constant 0 : i32
    %dma_wait3A_90 = arith.constant 0 : i32
    %dma_wait3A_91 = tpu.memref_slice %arg3[%dma_wait3A_89, %dma_wait3A_90] : memref<100000x128xf32, #tpu.memory_space<hbm>> -> memref<128x128xf32, #tpu.memory_space<hbm>>
    tpu.wait_dma2 semaphore(%arg12 : memref<!tpu.dma_semaphore, #tpu.memory_space<semaphore_mem>>) src(%dma_wait3A_91 : memref<128x128xf32, #tpu.memory_space<hbm>>) dst(%dma_wait3A_88 : memref<128x128xf32, #tpu.memory_space<vmem>>)
    %add3A_92 = arith.constant 2 : i32
    %add3A_93 = arith.addi %mul3A_2, %add3A_92 : i32
    %mul3A_94 = arith.constant 200 : i32
    %mul3A_95 = arith.muli %add3A_93, %mul3A_94 : i32
    %dma_start3A_96 = tpu.memref_slice %arg2[%mul3A_95] : memref<819600xi32, #tpu.memory_space<hbm>> -> memref<128xi32, #tpu.memory_space<hbm>>
    %dma_start3A_97 = tpu.memref_slice %arg2[%mul3A_95] : memref<819600xi32, #tpu.memory_space<hbm>> -> memref<128xi32, #tpu.memory_space<hbm>>
    tpu.enqueue_dma source(%dma_start3A_97 : memref<128xi32, #tpu.memory_space<hbm>>) target(%arg7 : memref<128xi32, #tpu.memory_space<vmem>>) target_semaphore(%arg18 : memref<!tpu.dma_semaphore, #tpu.memory_space<semaphore_mem>>)
    %parallel_loop3A = arith.constant 0 : i32
    %parallel_loop3A_98 = arith.constant 128 : i32
    %parallel_loop3A_99 = arith.constant 1 : i32
    scf.for %parallel_loop3A_375 = %parallel_loop3A to %parallel_loop3A_98 step %parallel_loop3A_99  : i32 {
      %parallel_loop3A_376 = arith.constant 0 : i32
      %parallel_loop3A_377 = arith.index_cast %parallel_loop3A_376 : i32 to index
      %parallel_loop3A_378 = arith.index_cast %parallel_loop3A_375 : i32 to index
      %parallel_loop3A_379 = arith.constant 0 : index
      %parallel_loop3A_380 = tpu.vector_load %arg11[%parallel_loop3A_377, %parallel_loop3A_378, %parallel_loop3A_379] {strides = array<i32>} : memref<2x200x128xf32, #tpu.memory_space<vmem>>, vector<1x1x16xf32>,
      %parallel_loop3A_381 = vector.shape_cast %parallel_loop3A_380 : vector<1x1x16xf32> to vector<16xf32>
      %parallel_loop3A_382 = arith.index_cast %parallel_loop3A_375 : i32 to index
      %parallel_loop3A_383 = arith.constant 0 : index
      %parallel_loop3A_384 = tpu.vector_load %arg6[%parallel_loop3A_382, %parallel_loop3A_383] {strides = array<i32>} : memref<200x128xf32, #tpu.memory_space<vmem>>, vector<1x16xf32>,
      %parallel_loop3A_385 = vector.shape_cast %parallel_loop3A_384 : vector<1x16xf32> to vector<16xf32>
      %parallel_loop3A_386 = arith.addf %parallel_loop3A_381, %parallel_loop3A_385 : vector<16xf32>
      %parallel_loop3A_387 = arith.constant 0.707106769 : f32
      %parallel_loop3A_388 = vector.broadcast %parallel_loop3A_387 : f32 to vector<16xf32>
      %parallel_loop3A_389 = arith.mulf %parallel_loop3A_386, %parallel_loop3A_388 : vector<16xf32>
      %parallel_loop3A_390 = arith.constant 0 : i32
      %parallel_loop3A_391 = arith.index_cast %parallel_loop3A_390 : i32 to index
      %parallel_loop3A_392 = arith.index_cast %parallel_loop3A_375 : i32 to index
      %parallel_loop3A_393 = arith.constant 0 : index
      %parallel_loop3A_394 = tpu.vector_load %arg11[%parallel_loop3A_391, %parallel_loop3A_392, %parallel_loop3A_393] {strides = array<i32>} : memref<2x200x128xf32, #tpu.memory_space<vmem>>, vector<1x1x16xf32>,
      %parallel_loop3A_395 = vector.shape_cast %parallel_loop3A_394 : vector<1x1x16xf32> to vector<16xf32>
      %parallel_loop3A_396 = vector.shape_cast %parallel_loop3A_389 : vector<16xf32> to vector<1x1x16xf32>
      tpu.vector_store %arg11[%parallel_loop3A_391, %parallel_loop3A_392, %parallel_loop3A_393], %parallel_loop3A_396 {strides = array<i32>} : memref<2x200x128xf32, #tpu.memory_space<vmem>>, vector<1x1x16xf32>,
      %parallel_loop3A_397 = arith.constant 0 : i32
      %parallel_loop3A_398 = arith.index_cast %parallel_loop3A_397 : i32 to index
      %parallel_loop3A_399 = arith.index_cast %parallel_loop3A_375 : i32 to index
      %parallel_loop3A_400 = arith.constant 16 : index
      %parallel_loop3A_401 = tpu.vector_load %arg11[%parallel_loop3A_398, %parallel_loop3A_399, %parallel_loop3A_400] {strides = array<i32>} : memref<2x200x128xf32, #tpu.memory_space<vmem>>, vector<1x1x16xf32>,
      %parallel_loop3A_402 = vector.shape_cast %parallel_loop3A_401 : vector<1x1x16xf32> to vector<16xf32>
      %parallel_loop3A_403 = arith.index_cast %parallel_loop3A_375 : i32 to index
      %parallel_loop3A_404 = arith.constant 16 : index
      %parallel_loop3A_405 = tpu.vector_load %arg6[%parallel_loop3A_403, %parallel_loop3A_404] {strides = array<i32>} : memref<200x128xf32, #tpu.memory_space<vmem>>, vector<1x16xf32>,
      %parallel_loop3A_406 = vector.shape_cast %parallel_loop3A_405 : vector<1x16xf32> to vector<16xf32>
      %parallel_loop3A_407 = arith.addf %parallel_loop3A_402, %parallel_loop3A_406 : vector<16xf32>
      %parallel_loop3A_408 = arith.constant 0.707106769 : f32
      %parallel_loop3A_409 = vector.broadcast %parallel_loop3A_408 : f32 to vector<16xf32>
      %parallel_loop3A_410 = arith.mulf %parallel_loop3A_407, %parallel_loop3A_409 : vector<16xf32>
      %parallel_loop3A_411 = arith.constant 0 : i32
      %parallel_loop3A_412 = arith.index_cast %parallel_loop3A_411 : i32 to index
      %parallel_loop3A_413 = arith.index_cast %parallel_loop3A_375 : i32 to index
      %parallel_loop3A_414 = arith.constant 16 : index
      %parallel_loop3A_415 = tpu.vector_load %arg11[%parallel_loop3A_412, %parallel_loop3A_413, %parallel_loop3A_414] {strides = array<i32>} : memref<2x200x128xf32, #tpu.memory_space<vmem>>, vector<1x1x16xf32>,
      %parallel_loop3A_416 = vector.shape_cast %parallel_loop3A_415 : vector<1x1x16xf32> to vector<16xf32>
      %parallel_loop3A_417 = vector.shape_cast %parallel_loop3A_410 : vector<16xf32> to vector<1x1x16xf32>
      tpu.vector_store %arg11[%parallel_loop3A_412, %parallel_loop3A_413, %parallel_loop3A_414], %parallel_loop3A_417 {strides = array<i32>} : memref<2x200x128xf32, #tpu.memory_space<vmem>>, vector<1x1x16xf32>,
      %parallel_loop3A_418 = arith.constant 0 : i32
      %parallel_loop3A_419 = arith.index_cast %parallel_loop3A_418 : i32 to index
      %parallel_loop3A_420 = arith.index_cast %parallel_loop3A_375 : i32 to index
      %parallel_loop3A_421 = arith.constant 32 : index
      %parallel_loop3A_422 = tpu.vector_load %arg11[%parallel_loop3A_419, %parallel_loop3A_420, %parallel_loop3A_421] {strides = array<i32>} : memref<2x200x128xf32, #tpu.memory_space<vmem>>, vector<1x1x16xf32>,
      %parallel_loop3A_423 = vector.shape_cast %parallel_loop3A_422 : vector<1x1x16xf32> to vector<16xf32>
      %parallel_loop3A_424 = arith.index_cast %parallel_loop3A_375 : i32 to index
      %parallel_loop3A_425 = arith.constant 32 : index
      %parallel_loop3A_426 = tpu.vector_load %arg6[%parallel_loop3A_424, %parallel_loop3A_425] {strides = array<i32>} : memref<200x128xf32, #tpu.memory_space<vmem>>, vector<1x16xf32>,
      %parallel_loop3A_427 = vector.shape_cast %parallel_loop3A_426 : vector<1x16xf32> to vector<16xf32>
      %parallel_loop3A_428 = arith.addf %parallel_loop3A_423, %parallel_loop3A_427 : vector<16xf32>
      %parallel_loop3A_429 = arith.constant 0.707106769 : f32
      %parallel_loop3A_430 = vector.broadcast %parallel_loop3A_429 : f32 to vector<16xf32>
      %parallel_loop3A_431 = arith.mulf %parallel_loop3A_428, %parallel_loop3A_430 : vector<16xf32>
      %parallel_loop3A_432 = arith.constant 0 : i32
      %parallel_loop3A_433 = arith.index_cast %parallel_loop3A_432 : i32 to index
      %parallel_loop3A_434 = arith.index_cast %parallel_loop3A_375 : i32 to index
      %parallel_loop3A_435 = arith.constant 32 : index
      %parallel_loop3A_436 = tpu.vector_load %arg11[%parallel_loop3A_433, %parallel_loop3A_434, %parallel_loop3A_435] {strides = array<i32>} : memref<2x200x128xf32, #tpu.memory_space<vmem>>, vector<1x1x16xf32>,
      %parallel_loop3A_437 = vector.shape_cast %parallel_loop3A_436 : vector<1x1x16xf32> to vector<16xf32>
      %parallel_loop3A_438 = vector.shape_cast %parallel_loop3A_431 : vector<16xf32> to vector<1x1x16xf32>
      tpu.vector_store %arg11[%parallel_loop3A_433, %parallel_loop3A_434, %parallel_loop3A_435], %parallel_loop3A_438 {strides = array<i32>} : memref<2x200x128xf32, #tpu.memory_space<vmem>>, vector<1x1x16xf32>,
      %parallel_loop3A_439 = arith.constant 0 : i32
      %parallel_loop3A_440 = arith.index_cast %parallel_loop3A_439 : i32 to index
      %parallel_loop3A_441 = arith.index_cast %parallel_loop3A_375 : i32 to index
      %parallel_loop3A_442 = arith.constant 48 : index
      %parallel_loop3A_443 = tpu.vector_load %arg11[%parallel_loop3A_440, %parallel_loop3A_441, %parallel_loop3A_442] {strides = array<i32>} : memref<2x200x128xf32, #tpu.memory_space<vmem>>, vector<1x1x16xf32>,
      %parallel_loop3A_444 = vector.shape_cast %parallel_loop3A_443 : vector<1x1x16xf32> to vector<16xf32>
      %parallel_loop3A_445 = arith.index_cast %parallel_loop3A_375 : i32 to index
      %parallel_loop3A_446 = arith.constant 48 : index
      %parallel_loop3A_447 = tpu.vector_load %arg6[%parallel_loop3A_445, %parallel_loop3A_446] {strides = array<i32>} : memref<200x128xf32, #tpu.memory_space<vmem>>, vector<1x16xf32>,
      %parallel_loop3A_448 = vector.shape_cast %parallel_loop3A_447 : vector<1x16xf32> to vector<16xf32>
      %parallel_loop3A_449 = arith.addf %parallel_loop3A_444, %parallel_loop3A_448 : vector<16xf32>
      %parallel_loop3A_450 = arith.constant 0.707106769 : f32
      %parallel_loop3A_451 = vector.broadcast %parallel_loop3A_450 : f32 to vector<16xf32>
      %parallel_loop3A_452 = arith.mulf %parallel_loop3A_449, %parallel_loop3A_451 : vector<16xf32>
      %parallel_loop3A_453 = arith.constant 0 : i32
      %parallel_loop3A_454 = arith.index_cast %parallel_loop3A_453 : i32 to index
      %parallel_loop3A_455 = arith.index_cast %parallel_loop3A_375 : i32 to index
      %parallel_loop3A_456 = arith.constant 48 : index
      %parallel_loop3A_457 = tpu.vector_load %arg11[%parallel_loop3A_454, %parallel_loop3A_455, %parallel_loop3A_456] {strides = array<i32>} : memref<2x200x128xf32, #tpu.memory_space<vmem>>, vector<1x1x16xf32>,
      %parallel_loop3A_458 = vector.shape_cast %parallel_loop3A_457 : vector<1x1x16xf32> to vector<16xf32>
      %parallel_loop3A_459 = vector.shape_cast %parallel_loop3A_452 : vector<16xf32> to vector<1x1x16xf32>
      tpu.vector_store %arg11[%parallel_loop3A_454, %parallel_loop3A_455, %parallel_loop3A_456], %parallel_loop3A_459 {strides = array<i32>} : memref<2x200x128xf32, #tpu.memory_space<vmem>>, vector<1x1x16xf32>,
      %parallel_loop3A_460 = arith.constant 0 : i32
      %parallel_loop3A_461 = arith.index_cast %parallel_loop3A_460 : i32 to index
      %parallel_loop3A_462 = arith.index_cast %parallel_loop3A_375 : i32 to index
      %parallel_loop3A_463 = arith.constant 64 : index
      %parallel_loop3A_464 = tpu.vector_load %arg11[%parallel_loop3A_461, %parallel_loop3A_462, %parallel_loop3A_463] {strides = array<i32>} : memref<2x200x128xf32, #tpu.memory_space<vmem>>, vector<1x1x16xf32>,
      %parallel_loop3A_465 = vector.shape_cast %parallel_loop3A_464 : vector<1x1x16xf32> to vector<16xf32>
      %parallel_loop3A_466 = arith.index_cast %parallel_loop3A_375 : i32 to index
      %parallel_loop3A_467 = arith.constant 64 : index
      %parallel_loop3A_468 = tpu.vector_load %arg6[%parallel_loop3A_466, %parallel_loop3A_467] {strides = array<i32>} : memref<200x128xf32, #tpu.memory_space<vmem>>, vector<1x16xf32>,
      %parallel_loop3A_469 = vector.shape_cast %parallel_loop3A_468 : vector<1x16xf32> to vector<16xf32>
      %parallel_loop3A_470 = arith.addf %parallel_loop3A_465, %parallel_loop3A_469 : vector<16xf32>
      %parallel_loop3A_471 = arith.constant 0.707106769 : f32
      %parallel_loop3A_472 = vector.broadcast %parallel_loop3A_471 : f32 to vector<16xf32>
      %parallel_loop3A_473 = arith.mulf %parallel_loop3A_470, %parallel_loop3A_472 : vector<16xf32>
      %parallel_loop3A_474 = arith.constant 0 : i32
      %parallel_loop3A_475 = arith.index_cast %parallel_loop3A_474 : i32 to index
      %parallel_loop3A_476 = arith.index_cast %parallel_loop3A_375 : i32 to index
      %parallel_loop3A_477 = arith.constant 64 : index
      %parallel_loop3A_478 = tpu.vector_load %arg11[%parallel_loop3A_475, %parallel_loop3A_476, %parallel_loop3A_477] {strides = array<i32>} : memref<2x200x128xf32, #tpu.memory_space<vmem>>, vector<1x1x16xf32>,
      %parallel_loop3A_479 = vector.shape_cast %parallel_loop3A_478 : vector<1x1x16xf32> to vector<16xf32>
      %parallel_loop3A_480 = vector.shape_cast %parallel_loop3A_473 : vector<16xf32> to vector<1x1x16xf32>
      tpu.vector_store %arg11[%parallel_loop3A_475, %parallel_loop3A_476, %parallel_loop3A_477], %parallel_loop3A_480 {strides = array<i32>} : memref<2x200x128xf32, #tpu.memory_space<vmem>>, vector<1x1x16xf32>,
      %parallel_loop3A_481 = arith.constant 0 : i32
      %parallel_loop3A_482 = arith.index_cast %parallel_loop3A_481 : i32 to index
      %parallel_loop3A_483 = arith.index_cast %parallel_loop3A_375 : i32 to index
      %parallel_loop3A_484 = arith.constant 80 : index
      %parallel_loop3A_485 = tpu.vector_load %arg11[%parallel_loop3A_482, %parallel_loop3A_483, %parallel_loop3A_484] {strides = array<i32>} : memref<2x200x128xf32, #tpu.memory_space<vmem>>, vector<1x1x16xf32>,
      %parallel_loop3A_486 = vector.shape_cast %parallel_loop3A_485 : vector<1x1x16xf32> to vector<16xf32>
      %parallel_loop3A_487 = arith.index_cast %parallel_loop3A_375 : i32 to index
      %parallel_loop3A_488 = arith.constant 80 : index
      %parallel_loop3A_489 = tpu.vector_load %arg6[%parallel_loop3A_487, %parallel_loop3A_488] {strides = array<i32>} : memref<200x128xf32, #tpu.memory_space<vmem>>, vector<1x16xf32>,
      %parallel_loop3A_490 = vector.shape_cast %parallel_loop3A_489 : vector<1x16xf32> to vector<16xf32>
      %parallel_loop3A_491 = arith.addf %parallel_loop3A_486, %parallel_loop3A_490 : vector<16xf32>
      %parallel_loop3A_492 = arith.constant 0.707106769 : f32
      %parallel_loop3A_493 = vector.broadcast %parallel_loop3A_492 : f32 to vector<16xf32>
      %parallel_loop3A_494 = arith.mulf %parallel_loop3A_491, %parallel_loop3A_493 : vector<16xf32>
      %parallel_loop3A_495 = arith.constant 0 : i32
      %parallel_loop3A_496 = arith.index_cast %parallel_loop3A_495 : i32 to index
      %parallel_loop3A_497 = arith.index_cast %parallel_loop3A_375 : i32 to index
      %parallel_loop3A_498 = arith.constant 80 : index
      %parallel_loop3A_499 = tpu.vector_load %arg11[%parallel_loop3A_496, %parallel_loop3A_497, %parallel_loop3A_498] {strides = array<i32>} : memref<2x200x128xf32, #tpu.memory_space<vmem>>, vector<1x1x16xf32>,
      %parallel_loop3A_500 = vector.shape_cast %parallel_loop3A_499 : vector<1x1x16xf32> to vector<16xf32>
      %parallel_loop3A_501 = vector.shape_cast %parallel_loop3A_494 : vector<16xf32> to vector<1x1x16xf32>
      tpu.vector_store %arg11[%parallel_loop3A_496, %parallel_loop3A_497, %parallel_loop3A_498], %parallel_loop3A_501 {strides = array<i32>} : memref<2x200x128xf32, #tpu.memory_space<vmem>>, vector<1x1x16xf32>,
      %parallel_loop3A_502 = arith.constant 0 : i32
      %parallel_loop3A_503 = arith.index_cast %parallel_loop3A_502 : i32 to index
      %parallel_loop3A_504 = arith.index_cast %parallel_loop3A_375 : i32 to index
      %parallel_loop3A_505 = arith.constant 96 : index
      %parallel_loop3A_506 = tpu.vector_load %arg11[%parallel_loop3A_503, %parallel_loop3A_504, %parallel_loop3A_505] {strides = array<i32>} : memref<2x200x128xf32, #tpu.memory_space<vmem>>, vector<1x1x16xf32>,
      %parallel_loop3A_507 = vector.shape_cast %parallel_loop3A_506 : vector<1x1x16xf32> to vector<16xf32>
      %parallel_loop3A_508 = arith.index_cast %parallel_loop3A_375 : i32 to index
      %parallel_loop3A_509 = arith.constant 96 : index
      %parallel_loop3A_510 = tpu.vector_load %arg6[%parallel_loop3A_508, %parallel_loop3A_509] {strides = array<i32>} : memref<200x128xf32, #tpu.memory_space<vmem>>, vector<1x16xf32>,
      %parallel_loop3A_511 = vector.shape_cast %parallel_loop3A_510 : vector<1x16xf32> to vector<16xf32>
      %parallel_loop3A_512 = arith.addf %parallel_loop3A_507, %parallel_loop3A_511 : vector<16xf32>
      %parallel_loop3A_513 = arith.constant 0.707106769 : f32
      %parallel_loop3A_514 = vector.broadcast %parallel_loop3A_513 : f32 to vector<16xf32>
      %parallel_loop3A_515 = arith.mulf %parallel_loop3A_512, %parallel_loop3A_514 : vector<16xf32>
      %parallel_loop3A_516 = arith.constant 0 : i32
      %parallel_loop3A_517 = arith.index_cast %parallel_loop3A_516 : i32 to index
      %parallel_loop3A_518 = arith.index_cast %parallel_loop3A_375 : i32 to index
      %parallel_loop3A_519 = arith.constant 96 : index
      %parallel_loop3A_520 = tpu.vector_load %arg11[%parallel_loop3A_517, %parallel_loop3A_518, %parallel_loop3A_519] {strides = array<i32>} : memref<2x200x128xf32, #tpu.memory_space<vmem>>, vector<1x1x16xf32>,
      %parallel_loop3A_521 = vector.shape_cast %parallel_loop3A_520 : vector<1x1x16xf32> to vector<16xf32>
      %parallel_loop3A_522 = vector.shape_cast %parallel_loop3A_515 : vector<16xf32> to vector<1x1x16xf32>
      tpu.vector_store %arg11[%parallel_loop3A_517, %parallel_loop3A_518, %parallel_loop3A_519], %parallel_loop3A_522 {strides = array<i32>} : memref<2x200x128xf32, #tpu.memory_space<vmem>>, vector<1x1x16xf32>,
      %parallel_loop3A_523 = arith.constant 0 : i32
      %parallel_loop3A_524 = arith.index_cast %parallel_loop3A_523 : i32 to index
      %parallel_loop3A_525 = arith.index_cast %parallel_loop3A_375 : i32 to index
      %parallel_loop3A_526 = arith.constant 112 : index
      %parallel_loop3A_527 = tpu.vector_load %arg11[%parallel_loop3A_524, %parallel_loop3A_525, %parallel_loop3A_526] {strides = array<i32>} : memref<2x200x128xf32, #tpu.memory_space<vmem>>, vector<1x1x16xf32>,
      %parallel_loop3A_528 = vector.shape_cast %parallel_loop3A_527 : vector<1x1x16xf32> to vector<16xf32>
      %parallel_loop3A_529 = arith.index_cast %parallel_loop3A_375 : i32 to index
      %parallel_loop3A_530 = arith.constant 112 : index
      %parallel_loop3A_531 = tpu.vector_load %arg6[%parallel_loop3A_529, %parallel_loop3A_530] {strides = array<i32>} : memref<200x128xf32, #tpu.memory_space<vmem>>, vector<1x16xf32>,
      %parallel_loop3A_532 = vector.shape_cast %parallel_loop3A_531 : vector<1x16xf32> to vector<16xf32>
      %parallel_loop3A_533 = arith.addf %parallel_loop3A_528, %parallel_loop3A_532 : vector<16xf32>
      %parallel_loop3A_534 = arith.constant 0.707106769 : f32
      %parallel_loop3A_535 = vector.broadcast %parallel_loop3A_534 : f32 to vector<16xf32>
      %parallel_loop3A_536 = arith.mulf %parallel_loop3A_533, %parallel_loop3A_535 : vector<16xf32>
      %parallel_loop3A_537 = arith.constant 0 : i32
      %parallel_loop3A_538 = arith.index_cast %parallel_loop3A_537 : i32 to index
      %parallel_loop3A_539 = arith.index_cast %parallel_loop3A_375 : i32 to index
      %parallel_loop3A_540 = arith.constant 112 : index
      %parallel_loop3A_541 = tpu.vector_load %arg11[%parallel_loop3A_538, %parallel_loop3A_539, %parallel_loop3A_540] {strides = array<i32>} : memref<2x200x128xf32, #tpu.memory_space<vmem>>, vector<1x1x16xf32>,
      %parallel_loop3A_542 = vector.shape_cast %parallel_loop3A_541 : vector<1x1x16xf32> to vector<16xf32>
      %parallel_loop3A_543 = vector.shape_cast %parallel_loop3A_536 : vector<16xf32> to vector<1x1x16xf32>
      tpu.vector_store %arg11[%parallel_loop3A_538, %parallel_loop3A_539, %parallel_loop3A_540], %parallel_loop3A_543 {strides = array<i32>} : memref<2x200x128xf32, #tpu.memory_space<vmem>>, vector<1x1x16xf32>,
    } {sc.loop_unroll_factor = 4 : i64, sc.parallel_access}
    %add3A_100 = arith.constant 0 : i32
    %add3A_101 = arith.addi %mul3A_2, %add3A_100 : i32
    %mul3A_102 = arith.constant 200 : i32
    %mul3A_103 = arith.muli %add3A_101, %mul3A_102 : i32
    %dma_start3A_104 = arith.constant 0 : i32
    %dma_start3A_105 = arith.constant 0 : i32
    %dma_start3A_106 = arith.constant 0 : i32
    %dma_start3A_107 = tpu.memref_slice %arg11[%dma_start3A_104, %dma_start3A_105, %dma_start3A_106] : memref<2x200x128xf32, #tpu.memory_space<vmem>> -> memref<1x128x128xf32, #tpu.memory_space<vmem>>
    %dma_start3A_108 = tpu.memref_squeeze %dma_start3A_107 : memref<1x128x128xf32, #tpu.memory_space<vmem>> -> memref<128x128xf32, #tpu.memory_space<vmem>>
    %dma_start3A_109 = arith.constant 0 : i32
    %dma_start3A_110 = tpu.memref_slice %arg5[%mul3A_103, %dma_start3A_109] : memref<819200x128xf32, #tpu.memory_space<hbm>> -> memref<128x128xf32, #tpu.memory_space<hbm>>
    %dma_start3A_111 = arith.constant 0 : i32
    %dma_start3A_112 = tpu.memref_slice %arg5[%mul3A_103, %dma_start3A_111] : memref<819200x128xf32, #tpu.memory_space<hbm>> -> memref<128x128xf32, #tpu.memory_space<hbm>>
    %dma_start3A_113 = arith.constant 0 : i32
    %dma_start3A_114 = arith.constant 0 : i32
    %dma_start3A_115 = tpu.memref_slice %arg11[%dma_start3A_104, %dma_start3A_113, %dma_start3A_114] : memref<2x200x128xf32, #tpu.memory_space<vmem>> -> memref<1x128x128xf32, #tpu.memory_space<vmem>>
    %dma_start3A_116 = tpu.memref_squeeze %dma_start3A_115 : memref<1x128x128xf32, #tpu.memory_space<vmem>> -> memref<128x128xf32, #tpu.memory_space<vmem>>
    tpu.enqueue_dma source(%dma_start3A_116 : memref<128x128xf32, #tpu.memory_space<vmem>>) target(%dma_start3A_112 : memref<128x128xf32, #tpu.memory_space<hbm>>) target_semaphore(%arg16 : memref<!tpu.dma_semaphore, #tpu.memory_space<semaphore_mem>>)
    %dma_wait3A_117 = arith.constant 0 : i32
    %dma_wait3A_118 = arith.constant 128 : i32
    %dma_wait3A_119 = arith.constant 0 : i32
    %dma_wait3A_120 = tpu.memref_slice %arg11[%dma_wait3A_117, %dma_wait3A_118, %dma_wait3A_119] : memref<2x200x128xf32, #tpu.memory_space<vmem>> -> memref<1x72x128xf32, #tpu.memory_space<vmem>>
    %dma_wait3A_121 = tpu.memref_squeeze %dma_wait3A_120 : memref<1x72x128xf32, #tpu.memory_space<vmem>> -> memref<72x128xf32, #tpu.memory_space<vmem>>
    %dma_wait3A_122 = arith.constant 0 : i32
    %dma_wait3A_123 = arith.constant 0 : i32
    %dma_wait3A_124 = tpu.memref_slice %arg3[%dma_wait3A_122, %dma_wait3A_123] : memref<100000x128xf32, #tpu.memory_space<hbm>> -> memref<72x128xf32, #tpu.memory_space<hbm>>
    %dma_wait3A_125 = arith.constant 128 : i32
    %dma_wait3A_126 = arith.constant 0 : i32
    %dma_wait3A_127 = tpu.memref_slice %arg11[%dma_wait3A_117, %dma_wait3A_125, %dma_wait3A_126] : memref<2x200x128xf32, #tpu.memory_space<vmem>> -> memref<1x72x128xf32, #tpu.memory_space<vmem>>
    %dma_wait3A_128 = tpu.memref_squeeze %dma_wait3A_127 : memref<1x72x128xf32, #tpu.memory_space<vmem>> -> memref<72x128xf32, #tpu.memory_space<vmem>>
    %dma_wait3A_129 = arith.constant 0 : i32
    %dma_wait3A_130 = arith.constant 0 : i32
    %dma_wait3A_131 = tpu.memref_slice %arg3[%dma_wait3A_129, %dma_wait3A_130] : memref<100000x128xf32, #tpu.memory_space<hbm>> -> memref<72x128xf32, #tpu.memory_space<hbm>>
    tpu.wait_dma2 semaphore(%arg14 : memref<!tpu.dma_semaphore, #tpu.memory_space<semaphore_mem>>) src(%dma_wait3A_131 : memref<72x128xf32, #tpu.memory_space<hbm>>) dst(%dma_wait3A_128 : memref<72x128xf32, #tpu.memory_space<vmem>>)
    %add3A_132 = arith.constant 2 : i32
    %add3A_133 = arith.addi %mul3A_2, %add3A_132 : i32
    %mul3A_134 = arith.constant 200 : i32
    %mul3A_135 = arith.muli %add3A_133, %mul3A_134 : i32
    %add3A_136 = arith.constant 128 : i32
    %add3A_137 = arith.addi %mul3A_135, %add3A_136 : i32
    %dma_start3A_138 = tpu.memref_slice %arg2[%add3A_137] : memref<819600xi32, #tpu.memory_space<hbm>> -> memref<72xi32, #tpu.memory_space<hbm>>
    %dma_start3A_139 = tpu.memref_slice %arg2[%add3A_137] : memref<819600xi32, #tpu.memory_space<hbm>> -> memref<72xi32, #tpu.memory_space<hbm>>
    tpu.enqueue_dma source(%dma_start3A_139 : memref<72xi32, #tpu.memory_space<hbm>>) target(%arg9 : memref<72xi32, #tpu.memory_space<vmem>>) target_semaphore(%arg18 : memref<!tpu.dma_semaphore, #tpu.memory_space<semaphore_mem>>)
    %parallel_loop3A_140 = arith.constant 128 : i32
    %parallel_loop3A_141 = arith.constant 200 : i32
    %parallel_loop3A_142 = arith.constant 1 : i32
    scf.for %parallel_loop3A_375 = %parallel_loop3A_140 to %parallel_loop3A_141 step %parallel_loop3A_142  : i32 {
      %parallel_loop3A_376 = arith.constant 0 : i32
      %parallel_loop3A_377 = arith.index_cast %parallel_loop3A_376 : i32 to index
      %parallel_loop3A_378 = arith.index_cast %parallel_loop3A_375 : i32 to index
      %parallel_loop3A_379 = arith.constant 0 : index
      %parallel_loop3A_380 = tpu.vector_load %arg11[%parallel_loop3A_377, %parallel_loop3A_378, %parallel_loop3A_379] {strides = array<i32>} : memref<2x200x128xf32, #tpu.memory_space<vmem>>, vector<1x1x16xf32>,
      %parallel_loop3A_381 = vector.shape_cast %parallel_loop3A_380 : vector<1x1x16xf32> to vector<16xf32>
      %parallel_loop3A_382 = arith.index_cast %parallel_loop3A_375 : i32 to index
      %parallel_loop3A_383 = arith.constant 0 : index
      %parallel_loop3A_384 = tpu.vector_load %arg6[%parallel_loop3A_382, %parallel_loop3A_383] {strides = array<i32>} : memref<200x128xf32, #tpu.memory_space<vmem>>, vector<1x16xf32>,
      %parallel_loop3A_385 = vector.shape_cast %parallel_loop3A_384 : vector<1x16xf32> to vector<16xf32>
      %parallel_loop3A_386 = arith.addf %parallel_loop3A_381, %parallel_loop3A_385 : vector<16xf32>
      %parallel_loop3A_387 = arith.constant 0.707106769 : f32
      %parallel_loop3A_388 = vector.broadcast %parallel_loop3A_387 : f32 to vector<16xf32>
      %parallel_loop3A_389 = arith.mulf %parallel_loop3A_386, %parallel_loop3A_388 : vector<16xf32>
      %parallel_loop3A_390 = arith.constant 0 : i32
      %parallel_loop3A_391 = arith.index_cast %parallel_loop3A_390 : i32 to index
      %parallel_loop3A_392 = arith.index_cast %parallel_loop3A_375 : i32 to index
      %parallel_loop3A_393 = arith.constant 0 : index
      %parallel_loop3A_394 = tpu.vector_load %arg11[%parallel_loop3A_391, %parallel_loop3A_392, %parallel_loop3A_393] {strides = array<i32>} : memref<2x200x128xf32, #tpu.memory_space<vmem>>, vector<1x1x16xf32>,
      %parallel_loop3A_395 = vector.shape_cast %parallel_loop3A_394 : vector<1x1x16xf32> to vector<16xf32>
      %parallel_loop3A_396 = vector.shape_cast %parallel_loop3A_389 : vector<16xf32> to vector<1x1x16xf32>
      tpu.vector_store %arg11[%parallel_loop3A_391, %parallel_loop3A_392, %parallel_loop3A_393], %parallel_loop3A_396 {strides = array<i32>} : memref<2x200x128xf32, #tpu.memory_space<vmem>>, vector<1x1x16xf32>,
      %parallel_loop3A_397 = arith.constant 0 : i32
      %parallel_loop3A_398 = arith.index_cast %parallel_loop3A_397 : i32 to index
      %parallel_loop3A_399 = arith.index_cast %parallel_loop3A_375 : i32 to index
      %parallel_loop3A_400 = arith.constant 16 : index
      %parallel_loop3A_401 = tpu.vector_load %arg11[%parallel_loop3A_398, %parallel_loop3A_399, %parallel_loop3A_400] {strides = array<i32>} : memref<2x200x128xf32, #tpu.memory_space<vmem>>, vector<1x1x16xf32>,
      %parallel_loop3A_402 = vector.shape_cast %parallel_loop3A_401 : vector<1x1x16xf32> to vector<16xf32>
      %parallel_loop3A_403 = arith.index_cast %parallel_loop3A_375 : i32 to index
      %parallel_loop3A_404 = arith.constant 16 : index
      %parallel_loop3A_405 = tpu.vector_load %arg6[%parallel_loop3A_403, %parallel_loop3A_404] {strides = array<i32>} : memref<200x128xf32, #tpu.memory_space<vmem>>, vector<1x16xf32>,
      %parallel_loop3A_406 = vector.shape_cast %parallel_loop3A_405 : vector<1x16xf32> to vector<16xf32>
      %parallel_loop3A_407 = arith.addf %parallel_loop3A_402, %parallel_loop3A_406 : vector<16xf32>
      %parallel_loop3A_408 = arith.constant 0.707106769 : f32
      %parallel_loop3A_409 = vector.broadcast %parallel_loop3A_408 : f32 to vector<16xf32>
      %parallel_loop3A_410 = arith.mulf %parallel_loop3A_407, %parallel_loop3A_409 : vector<16xf32>
      %parallel_loop3A_411 = arith.constant 0 : i32
      %parallel_loop3A_412 = arith.index_cast %parallel_loop3A_411 : i32 to index
      %parallel_loop3A_413 = arith.index_cast %parallel_loop3A_375 : i32 to index
      %parallel_loop3A_414 = arith.constant 16 : index
      %parallel_loop3A_415 = tpu.vector_load %arg11[%parallel_loop3A_412, %parallel_loop3A_413, %parallel_loop3A_414] {strides = array<i32>} : memref<2x200x128xf32, #tpu.memory_space<vmem>>, vector<1x1x16xf32>,
      %parallel_loop3A_416 = vector.shape_cast %parallel_loop3A_415 : vector<1x1x16xf32> to vector<16xf32>
      %parallel_loop3A_417 = vector.shape_cast %parallel_loop3A_410 : vector<16xf32> to vector<1x1x16xf32>
      tpu.vector_store %arg11[%parallel_loop3A_412, %parallel_loop3A_413, %parallel_loop3A_414], %parallel_loop3A_417 {strides = array<i32>} : memref<2x200x128xf32, #tpu.memory_space<vmem>>, vector<1x1x16xf32>,
      %parallel_loop3A_418 = arith.constant 0 : i32
      %parallel_loop3A_419 = arith.index_cast %parallel_loop3A_418 : i32 to index
      %parallel_loop3A_420 = arith.index_cast %parallel_loop3A_375 : i32 to index
      %parallel_loop3A_421 = arith.constant 32 : index
      %parallel_loop3A_422 = tpu.vector_load %arg11[%parallel_loop3A_419, %parallel_loop3A_420, %parallel_loop3A_421] {strides = array<i32>} : memref<2x200x128xf32, #tpu.memory_space<vmem>>, vector<1x1x16xf32>,
      %parallel_loop3A_423 = vector.shape_cast %parallel_loop3A_422 : vector<1x1x16xf32> to vector<16xf32>
      %parallel_loop3A_424 = arith.index_cast %parallel_loop3A_375 : i32 to index
      %parallel_loop3A_425 = arith.constant 32 : index
      %parallel_loop3A_426 = tpu.vector_load %arg6[%parallel_loop3A_424, %parallel_loop3A_425] {strides = array<i32>} : memref<200x128xf32, #tpu.memory_space<vmem>>, vector<1x16xf32>,
      %parallel_loop3A_427 = vector.shape_cast %parallel_loop3A_426 : vector<1x16xf32> to vector<16xf32>
      %parallel_loop3A_428 = arith.addf %parallel_loop3A_423, %parallel_loop3A_427 : vector<16xf32>
      %parallel_loop3A_429 = arith.constant 0.707106769 : f32
      %parallel_loop3A_430 = vector.broadcast %parallel_loop3A_429 : f32 to vector<16xf32>
      %parallel_loop3A_431 = arith.mulf %parallel_loop3A_428, %parallel_loop3A_430 : vector<16xf32>
      %parallel_loop3A_432 = arith.constant 0 : i32
      %parallel_loop3A_433 = arith.index_cast %parallel_loop3A_432 : i32 to index
      %parallel_loop3A_434 = arith.index_cast %parallel_loop3A_375 : i32 to index
      %parallel_loop3A_435 = arith.constant 32 : index
      %parallel_loop3A_436 = tpu.vector_load %arg11[%parallel_loop3A_433, %parallel_loop3A_434, %parallel_loop3A_435] {strides = array<i32>} : memref<2x200x128xf32, #tpu.memory_space<vmem>>, vector<1x1x16xf32>,
      %parallel_loop3A_437 = vector.shape_cast %parallel_loop3A_436 : vector<1x1x16xf32> to vector<16xf32>
      %parallel_loop3A_438 = vector.shape_cast %parallel_loop3A_431 : vector<16xf32> to vector<1x1x16xf32>
      tpu.vector_store %arg11[%parallel_loop3A_433, %parallel_loop3A_434, %parallel_loop3A_435], %parallel_loop3A_438 {strides = array<i32>} : memref<2x200x128xf32, #tpu.memory_space<vmem>>, vector<1x1x16xf32>,
      %parallel_loop3A_439 = arith.constant 0 : i32
      %parallel_loop3A_440 = arith.index_cast %parallel_loop3A_439 : i32 to index
      %parallel_loop3A_441 = arith.index_cast %parallel_loop3A_375 : i32 to index
      %parallel_loop3A_442 = arith.constant 48 : index
      %parallel_loop3A_443 = tpu.vector_load %arg11[%parallel_loop3A_440, %parallel_loop3A_441, %parallel_loop3A_442] {strides = array<i32>} : memref<2x200x128xf32, #tpu.memory_space<vmem>>, vector<1x1x16xf32>,
      %parallel_loop3A_444 = vector.shape_cast %parallel_loop3A_443 : vector<1x1x16xf32> to vector<16xf32>
      %parallel_loop3A_445 = arith.index_cast %parallel_loop3A_375 : i32 to index
      %parallel_loop3A_446 = arith.constant 48 : index
      %parallel_loop3A_447 = tpu.vector_load %arg6[%parallel_loop3A_445, %parallel_loop3A_446] {strides = array<i32>} : memref<200x128xf32, #tpu.memory_space<vmem>>, vector<1x16xf32>,
      %parallel_loop3A_448 = vector.shape_cast %parallel_loop3A_447 : vector<1x16xf32> to vector<16xf32>
      %parallel_loop3A_449 = arith.addf %parallel_loop3A_444, %parallel_loop3A_448 : vector<16xf32>
      %parallel_loop3A_450 = arith.constant 0.707106769 : f32
      %parallel_loop3A_451 = vector.broadcast %parallel_loop3A_450 : f32 to vector<16xf32>
      %parallel_loop3A_452 = arith.mulf %parallel_loop3A_449, %parallel_loop3A_451 : vector<16xf32>
      %parallel_loop3A_453 = arith.constant 0 : i32
      %parallel_loop3A_454 = arith.index_cast %parallel_loop3A_453 : i32 to index
      %parallel_loop3A_455 = arith.index_cast %parallel_loop3A_375 : i32 to index
      %parallel_loop3A_456 = arith.constant 48 : index
      %parallel_loop3A_457 = tpu.vector_load %arg11[%parallel_loop3A_454, %parallel_loop3A_455, %parallel_loop3A_456] {strides = array<i32>} : memref<2x200x128xf32, #tpu.memory_space<vmem>>, vector<1x1x16xf32>,
      %parallel_loop3A_458 = vector.shape_cast %parallel_loop3A_457 : vector<1x1x16xf32> to vector<16xf32>
      %parallel_loop3A_459 = vector.shape_cast %parallel_loop3A_452 : vector<16xf32> to vector<1x1x16xf32>
      tpu.vector_store %arg11[%parallel_loop3A_454, %parallel_loop3A_455, %parallel_loop3A_456], %parallel_loop3A_459 {strides = array<i32>} : memref<2x200x128xf32, #tpu.memory_space<vmem>>, vector<1x1x16xf32>,
      %parallel_loop3A_460 = arith.constant 0 : i32
      %parallel_loop3A_461 = arith.index_cast %parallel_loop3A_460 : i32 to index
      %parallel_loop3A_462 = arith.index_cast %parallel_loop3A_375 : i32 to index
      %parallel_loop3A_463 = arith.constant 64 : index
      %parallel_loop3A_464 = tpu.vector_load %arg11[%parallel_loop3A_461, %parallel_loop3A_462, %parallel_loop3A_463] {strides = array<i32>} : memref<2x200x128xf32, #tpu.memory_space<vmem>>, vector<1x1x16xf32>,
      %parallel_loop3A_465 = vector.shape_cast %parallel_loop3A_464 : vector<1x1x16xf32> to vector<16xf32>
      %parallel_loop3A_466 = arith.index_cast %parallel_loop3A_375 : i32 to index
      %parallel_loop3A_467 = arith.constant 64 : index
      %parallel_loop3A_468 = tpu.vector_load %arg6[%parallel_loop3A_466, %parallel_loop3A_467] {strides = array<i32>} : memref<200x128xf32, #tpu.memory_space<vmem>>, vector<1x16xf32>,
      %parallel_loop3A_469 = vector.shape_cast %parallel_loop3A_468 : vector<1x16xf32> to vector<16xf32>
      %parallel_loop3A_470 = arith.addf %parallel_loop3A_465, %parallel_loop3A_469 : vector<16xf32>
      %parallel_loop3A_471 = arith.constant 0.707106769 : f32
      %parallel_loop3A_472 = vector.broadcast %parallel_loop3A_471 : f32 to vector<16xf32>
      %parallel_loop3A_473 = arith.mulf %parallel_loop3A_470, %parallel_loop3A_472 : vector<16xf32>
      %parallel_loop3A_474 = arith.constant 0 : i32
      %parallel_loop3A_475 = arith.index_cast %parallel_loop3A_474 : i32 to index
      %parallel_loop3A_476 = arith.index_cast %parallel_loop3A_375 : i32 to index
      %parallel_loop3A_477 = arith.constant 64 : index
      %parallel_loop3A_478 = tpu.vector_load %arg11[%parallel_loop3A_475, %parallel_loop3A_476, %parallel_loop3A_477] {strides = array<i32>} : memref<2x200x128xf32, #tpu.memory_space<vmem>>, vector<1x1x16xf32>,
      %parallel_loop3A_479 = vector.shape_cast %parallel_loop3A_478 : vector<1x1x16xf32> to vector<16xf32>
      %parallel_loop3A_480 = vector.shape_cast %parallel_loop3A_473 : vector<16xf32> to vector<1x1x16xf32>
      tpu.vector_store %arg11[%parallel_loop3A_475, %parallel_loop3A_476, %parallel_loop3A_477], %parallel_loop3A_480 {strides = array<i32>} : memref<2x200x128xf32, #tpu.memory_space<vmem>>, vector<1x1x16xf32>,
      %parallel_loop3A_481 = arith.constant 0 : i32
      %parallel_loop3A_482 = arith.index_cast %parallel_loop3A_481 : i32 to index
      %parallel_loop3A_483 = arith.index_cast %parallel_loop3A_375 : i32 to index
      %parallel_loop3A_484 = arith.constant 80 : index
      %parallel_loop3A_485 = tpu.vector_load %arg11[%parallel_loop3A_482, %parallel_loop3A_483, %parallel_loop3A_484] {strides = array<i32>} : memref<2x200x128xf32, #tpu.memory_space<vmem>>, vector<1x1x16xf32>,
      %parallel_loop3A_486 = vector.shape_cast %parallel_loop3A_485 : vector<1x1x16xf32> to vector<16xf32>
      %parallel_loop3A_487 = arith.index_cast %parallel_loop3A_375 : i32 to index
      %parallel_loop3A_488 = arith.constant 80 : index
      %parallel_loop3A_489 = tpu.vector_load %arg6[%parallel_loop3A_487, %parallel_loop3A_488] {strides = array<i32>} : memref<200x128xf32, #tpu.memory_space<vmem>>, vector<1x16xf32>,
      %parallel_loop3A_490 = vector.shape_cast %parallel_loop3A_489 : vector<1x16xf32> to vector<16xf32>
      %parallel_loop3A_491 = arith.addf %parallel_loop3A_486, %parallel_loop3A_490 : vector<16xf32>
      %parallel_loop3A_492 = arith.constant 0.707106769 : f32
      %parallel_loop3A_493 = vector.broadcast %parallel_loop3A_492 : f32 to vector<16xf32>
      %parallel_loop3A_494 = arith.mulf %parallel_loop3A_491, %parallel_loop3A_493 : vector<16xf32>
      %parallel_loop3A_495 = arith.constant 0 : i32
      %parallel_loop3A_496 = arith.index_cast %parallel_loop3A_495 : i32 to index
      %parallel_loop3A_497 = arith.index_cast %parallel_loop3A_375 : i32 to index
      %parallel_loop3A_498 = arith.constant 80 : index
      %parallel_loop3A_499 = tpu.vector_load %arg11[%parallel_loop3A_496, %parallel_loop3A_497, %parallel_loop3A_498] {strides = array<i32>} : memref<2x200x128xf32, #tpu.memory_space<vmem>>, vector<1x1x16xf32>,
      %parallel_loop3A_500 = vector.shape_cast %parallel_loop3A_499 : vector<1x1x16xf32> to vector<16xf32>
      %parallel_loop3A_501 = vector.shape_cast %parallel_loop3A_494 : vector<16xf32> to vector<1x1x16xf32>
      tpu.vector_store %arg11[%parallel_loop3A_496, %parallel_loop3A_497, %parallel_loop3A_498], %parallel_loop3A_501 {strides = array<i32>} : memref<2x200x128xf32, #tpu.memory_space<vmem>>, vector<1x1x16xf32>,
      %parallel_loop3A_502 = arith.constant 0 : i32
      %parallel_loop3A_503 = arith.index_cast %parallel_loop3A_502 : i32 to index
      %parallel_loop3A_504 = arith.index_cast %parallel_loop3A_375 : i32 to index
      %parallel_loop3A_505 = arith.constant 96 : index
      %parallel_loop3A_506 = tpu.vector_load %arg11[%parallel_loop3A_503, %parallel_loop3A_504, %parallel_loop3A_505] {strides = array<i32>} : memref<2x200x128xf32, #tpu.memory_space<vmem>>, vector<1x1x16xf32>,
      %parallel_loop3A_507 = vector.shape_cast %parallel_loop3A_506 : vector<1x1x16xf32> to vector<16xf32>
      %parallel_loop3A_508 = arith.index_cast %parallel_loop3A_375 : i32 to index
      %parallel_loop3A_509 = arith.constant 96 : index
      %parallel_loop3A_510 = tpu.vector_load %arg6[%parallel_loop3A_508, %parallel_loop3A_509] {strides = array<i32>} : memref<200x128xf32, #tpu.memory_space<vmem>>, vector<1x16xf32>,
      %parallel_loop3A_511 = vector.shape_cast %parallel_loop3A_510 : vector<1x16xf32> to vector<16xf32>
      %parallel_loop3A_512 = arith.addf %parallel_loop3A_507, %parallel_loop3A_511 : vector<16xf32>
      %parallel_loop3A_513 = arith.constant 0.707106769 : f32
      %parallel_loop3A_514 = vector.broadcast %parallel_loop3A_513 : f32 to vector<16xf32>
      %parallel_loop3A_515 = arith.mulf %parallel_loop3A_512, %parallel_loop3A_514 : vector<16xf32>
      %parallel_loop3A_516 = arith.constant 0 : i32
      %parallel_loop3A_517 = arith.index_cast %parallel_loop3A_516 : i32 to index
      %parallel_loop3A_518 = arith.index_cast %parallel_loop3A_375 : i32 to index
      %parallel_loop3A_519 = arith.constant 96 : index
      %parallel_loop3A_520 = tpu.vector_load %arg11[%parallel_loop3A_517, %parallel_loop3A_518, %parallel_loop3A_519] {strides = array<i32>} : memref<2x200x128xf32, #tpu.memory_space<vmem>>, vector<1x1x16xf32>,
      %parallel_loop3A_521 = vector.shape_cast %parallel_loop3A_520 : vector<1x1x16xf32> to vector<16xf32>
      %parallel_loop3A_522 = vector.shape_cast %parallel_loop3A_515 : vector<16xf32> to vector<1x1x16xf32>
      tpu.vector_store %arg11[%parallel_loop3A_517, %parallel_loop3A_518, %parallel_loop3A_519], %parallel_loop3A_522 {strides = array<i32>} : memref<2x200x128xf32, #tpu.memory_space<vmem>>, vector<1x1x16xf32>,
      %parallel_loop3A_523 = arith.constant 0 : i32
      %parallel_loop3A_524 = arith.index_cast %parallel_loop3A_523 : i32 to index
      %parallel_loop3A_525 = arith.index_cast %parallel_loop3A_375 : i32 to index
      %parallel_loop3A_526 = arith.constant 112 : index
      %parallel_loop3A_527 = tpu.vector_load %arg11[%parallel_loop3A_524, %parallel_loop3A_525, %parallel_loop3A_526] {strides = array<i32>} : memref<2x200x128xf32, #tpu.memory_space<vmem>>, vector<1x1x16xf32>,
      %parallel_loop3A_528 = vector.shape_cast %parallel_loop3A_527 : vector<1x1x16xf32> to vector<16xf32>
      %parallel_loop3A_529 = arith.index_cast %parallel_loop3A_375 : i32 to index
      %parallel_loop3A_530 = arith.constant 112 : index
      %parallel_loop3A_531 = tpu.vector_load %arg6[%parallel_loop3A_529, %parallel_loop3A_530] {strides = array<i32>} : memref<200x128xf32, #tpu.memory_space<vmem>>, vector<1x16xf32>,
      %parallel_loop3A_532 = vector.shape_cast %parallel_loop3A_531 : vector<1x16xf32> to vector<16xf32>
      %parallel_loop3A_533 = arith.addf %parallel_loop3A_528, %parallel_loop3A_532 : vector<16xf32>
      %parallel_loop3A_534 = arith.constant 0.707106769 : f32
      %parallel_loop3A_535 = vector.broadcast %parallel_loop3A_534 : f32 to vector<16xf32>
      %parallel_loop3A_536 = arith.mulf %parallel_loop3A_533, %parallel_loop3A_535 : vector<16xf32>
      %parallel_loop3A_537 = arith.constant 0 : i32
      %parallel_loop3A_538 = arith.index_cast %parallel_loop3A_537 : i32 to index
      %parallel_loop3A_539 = arith.index_cast %parallel_loop3A_375 : i32 to index
      %parallel_loop3A_540 = arith.constant 112 : index
      %parallel_loop3A_541 = tpu.vector_load %arg11[%parallel_loop3A_538, %parallel_loop3A_539, %parallel_loop3A_540] {strides = array<i32>} : memref<2x200x128xf32, #tpu.memory_space<vmem>>, vector<1x1x16xf32>,
      %parallel_loop3A_542 = vector.shape_cast %parallel_loop3A_541 : vector<1x1x16xf32> to vector<16xf32>
      %parallel_loop3A_543 = vector.shape_cast %parallel_loop3A_536 : vector<16xf32> to vector<1x1x16xf32>
      tpu.vector_store %arg11[%parallel_loop3A_538, %parallel_loop3A_539, %parallel_loop3A_540], %parallel_loop3A_543 {strides = array<i32>} : memref<2x200x128xf32, #tpu.memory_space<vmem>>, vector<1x1x16xf32>,
    } {sc.loop_unroll_factor = 4 : i64, sc.parallel_access}
    %add3A_143 = arith.constant 0 : i32
    %add3A_144 = arith.addi %mul3A_2, %add3A_143 : i32
    %mul3A_145 = arith.constant 200 : i32
    %mul3A_146 = arith.muli %add3A_144, %mul3A_145 : i32
    %add3A_147 = arith.constant 128 : i32
    %add3A_148 = arith.addi %mul3A_146, %add3A_147 : i32
    %dma_start3A_149 = arith.constant 0 : i32
    %dma_start3A_150 = arith.constant 128 : i32
    %dma_start3A_151 = arith.constant 0 : i32
    %dma_start3A_152 = tpu.memref_slice %arg11[%dma_start3A_149, %dma_start3A_150, %dma_start3A_151] : memref<2x200x128xf32, #tpu.memory_space<vmem>> -> memref<1x72x128xf32, #tpu.memory_space<vmem>>
    %dma_start3A_153 = tpu.memref_squeeze %dma_start3A_152 : memref<1x72x128xf32, #tpu.memory_space<vmem>> -> memref<72x128xf32, #tpu.memory_space<vmem>>
    %dma_start3A_154 = arith.constant 0 : i32
    %dma_start3A_155 = tpu.memref_slice %arg5[%add3A_148, %dma_start3A_154] : memref<819200x128xf32, #tpu.memory_space<hbm>> -> memref<72x128xf32, #tpu.memory_space<hbm>>
    %dma_start3A_156 = arith.constant 0 : i32
    %dma_start3A_157 = tpu.memref_slice %arg5[%add3A_148, %dma_start3A_156] : memref<819200x128xf32, #tpu.memory_space<hbm>> -> memref<72x128xf32, #tpu.memory_space<hbm>>
    %dma_start3A_158 = arith.constant 128 : i32
    %dma_start3A_159 = arith.constant 0 : i32
    %dma_start3A_160 = tpu.memref_slice %arg11[%dma_start3A_149, %dma_start3A_158, %dma_start3A_159] : memref<2x200x128xf32, #tpu.memory_space<vmem>> -> memref<1x72x128xf32, #tpu.memory_space<vmem>>
    %dma_start3A_161 = tpu.memref_squeeze %dma_start3A_160 : memref<1x72x128xf32, #tpu.memory_space<vmem>> -> memref<72x128xf32, #tpu.memory_space<vmem>>
    tpu.enqueue_dma source(%dma_start3A_161 : memref<72x128xf32, #tpu.memory_space<vmem>>) target(%dma_start3A_157 : memref<72x128xf32, #tpu.memory_space<hbm>>) target_semaphore(%arg16 : memref<!tpu.dma_semaphore, #tpu.memory_space<semaphore_mem>>)
    %dma_wait3A_162 = arith.constant 0 : i32
    %dma_wait3A_163 = tpu.memref_slice %arg2[%dma_wait3A_162] : memref<819600xi32, #tpu.memory_space<hbm>> -> memref<128xi32, #tpu.memory_space<hbm>>
    %dma_wait3A_164 = arith.constant 0 : i32
    %dma_wait3A_165 = tpu.memref_slice %arg2[%dma_wait3A_164] : memref<819600xi32, #tpu.memory_space<hbm>> -> memref<128xi32, #tpu.memory_space<hbm>>
    tpu.wait_dma2 semaphore(%arg18 : memref<!tpu.dma_semaphore, #tpu.memory_space<semaphore_mem>>) src(%dma_wait3A_165 : memref<128xi32, #tpu.memory_space<hbm>>) dst(%arg7 : memref<128xi32, #tpu.memory_space<vmem>>)
    %dma_wait3A_166 = arith.constant 0 : i32
    %dma_wait3A_167 = tpu.memref_slice %arg2[%dma_wait3A_166] : memref<819600xi32, #tpu.memory_space<hbm>> -> memref<72xi32, #tpu.memory_space<hbm>>
    %dma_wait3A_168 = arith.constant 0 : i32
    %dma_wait3A_169 = tpu.memref_slice %arg2[%dma_wait3A_168] : memref<819600xi32, #tpu.memory_space<hbm>> -> memref<72xi32, #tpu.memory_space<hbm>>
    tpu.wait_dma2 semaphore(%arg18 : memref<!tpu.dma_semaphore, #tpu.memory_space<semaphore_mem>>) src(%dma_wait3A_169 : memref<72xi32, #tpu.memory_space<hbm>>) dst(%arg9 : memref<72xi32, #tpu.memory_space<vmem>>)
    %dma_wait3A_170 = arith.constant 0 : i32
    %dma_wait3A_171 = arith.constant 0 : i32
    %dma_wait3A_172 = arith.constant 0 : i32
    %dma_wait3A_173 = tpu.memref_slice %arg11[%dma_wait3A_170, %dma_wait3A_171, %dma_wait3A_172] : memref<2x200x128xf32, #tpu.memory_space<vmem>> -> memref<1x128x128xf32, #tpu.memory_space<vmem>>
    %dma_wait3A_174 = tpu.memref_squeeze %dma_wait3A_173 : memref<1x128x128xf32, #tpu.memory_space<vmem>> -> memref<128x128xf32, #tpu.memory_space<vmem>>
    %dma_wait3A_175 = arith.constant 0 : i32
    %dma_wait3A_176 = arith.constant 0 : i32
    %dma_wait3A_177 = tpu.memref_slice %arg5[%dma_wait3A_175, %dma_wait3A_176] : memref<819200x128xf32, #tpu.memory_space<hbm>> -> memref<128x128xf32, #tpu.memory_space<hbm>>
    %dma_wait3A_178 = arith.constant 0 : i32
    %dma_wait3A_179 = arith.constant 0 : i32
    %dma_wait3A_180 = tpu.memref_slice %arg5[%dma_wait3A_178, %dma_wait3A_179] : memref<819200x128xf32, #tpu.memory_space<hbm>> -> memref<128x128xf32, #tpu.memory_space<hbm>>
    %dma_wait3A_181 = arith.constant 0 : i32
    %dma_wait3A_182 = arith.constant 0 : i32
    %dma_wait3A_183 = tpu.memref_slice %arg11[%dma_wait3A_170, %dma_wait3A_181, %dma_wait3A_182] : memref<2x200x128xf32, #tpu.memory_space<vmem>> -> memref<1x128x128xf32, #tpu.memory_space<vmem>>
    %dma_wait3A_184 = tpu.memref_squeeze %dma_wait3A_183 : memref<1x128x128xf32, #tpu.memory_space<vmem>> -> memref<128x128xf32, #tpu.memory_space<vmem>>
    tpu.wait_dma2 semaphore(%arg16 : memref<!tpu.dma_semaphore, #tpu.memory_space<semaphore_mem>>) src(%dma_wait3A_184 : memref<128x128xf32, #tpu.memory_space<vmem>>) dst(%dma_wait3A_180 : memref<128x128xf32, #tpu.memory_space<hbm>>)
    %dma_wait3A_185 = arith.constant 0 : i32
    %dma_wait3A_186 = arith.constant 128 : i32
    %dma_wait3A_187 = arith.constant 0 : i32
    %dma_wait3A_188 = tpu.memref_slice %arg11[%dma_wait3A_185, %dma_wait3A_186, %dma_wait3A_187] : memref<2x200x128xf32, #tpu.memory_space<vmem>> -> memref<1x72x128xf32, #tpu.memory_space<vmem>>
    %dma_wait3A_189 = tpu.memref_squeeze %dma_wait3A_188 : memref<1x72x128xf32, #tpu.memory_space<vmem>> -> memref<72x128xf32, #tpu.memory_space<vmem>>
    %dma_wait3A_190 = arith.constant 0 : i32
    %dma_wait3A_191 = arith.constant 0 : i32
    %dma_wait3A_192 = tpu.memref_slice %arg5[%dma_wait3A_190, %dma_wait3A_191] : memref<819200x128xf32, #tpu.memory_space<hbm>> -> memref<72x128xf32, #tpu.memory_space<hbm>>
    %dma_wait3A_193 = arith.constant 0 : i32
    %dma_wait3A_194 = arith.constant 0 : i32
    %dma_wait3A_195 = tpu.memref_slice %arg5[%dma_wait3A_193, %dma_wait3A_194] : memref<819200x128xf32, #tpu.memory_space<hbm>> -> memref<72x128xf32, #tpu.memory_space<hbm>>
    %dma_wait3A_196 = arith.constant 128 : i32
    %dma_wait3A_197 = arith.constant 0 : i32
    %dma_wait3A_198 = tpu.memref_slice %arg11[%dma_wait3A_185, %dma_wait3A_196, %dma_wait3A_197] : memref<2x200x128xf32, #tpu.memory_space<vmem>> -> memref<1x72x128xf32, #tpu.memory_space<vmem>>
    %dma_wait3A_199 = tpu.memref_squeeze %dma_wait3A_198 : memref<1x72x128xf32, #tpu.memory_space<vmem>> -> memref<72x128xf32, #tpu.memory_space<vmem>>
    tpu.wait_dma2 semaphore(%arg16 : memref<!tpu.dma_semaphore, #tpu.memory_space<semaphore_mem>>) src(%dma_wait3A_199 : memref<72x128xf32, #tpu.memory_space<vmem>>) dst(%dma_wait3A_195 : memref<72x128xf32, #tpu.memory_space<hbm>>)
    %dma_start3A_200 = arith.constant 0 : i32
    %dma_start3A_201 = arith.constant 0 : i32
    %dma_start3A_202 = arith.constant 0 : i32
    %dma_start3A_203 = tpu.memref_slice %arg11[%dma_start3A_200, %dma_start3A_201, %dma_start3A_202] : memref<2x200x128xf32, #tpu.memory_space<vmem>> -> memref<1x128x128xf32, #tpu.memory_space<vmem>>
    %dma_start3A_204 = tpu.memref_squeeze %dma_start3A_203 : memref<1x128x128xf32, #tpu.memory_space<vmem>> -> memref<128x128xf32, #tpu.memory_space<vmem>>
    %dma_start3A_205 = arith.constant 0 : i32
    %dma_start3A_206 = arith.constant 0 : i32
    %dma_start3A_207 = tpu.memref_slice %arg3[%dma_start3A_205, %dma_start3A_206] : memref<100000x128xf32, #tpu.memory_space<hbm>> -> memref<100000x128xf32, #tpu.memory_space<hbm>>
    tpu.enqueue_indirect_dma source(%dma_start3A_207 : memref<100000x128xf32, #tpu.memory_space<hbm>>) target(%dma_start3A_204 : memref<128x128xf32, #tpu.memory_space<vmem>>) offsets(%arg7 : memref<128xi32, #tpu.memory_space<vmem>>) semaphore(%arg12 : memref<!tpu.dma_semaphore, #tpu.memory_space<semaphore_mem>>)
    %dma_start3A_208 = arith.constant 0 : i32
    %dma_start3A_209 = arith.constant 128 : i32
    %dma_start3A_210 = arith.constant 0 : i32
    %dma_start3A_211 = tpu.memref_slice %arg11[%dma_start3A_208, %dma_start3A_209, %dma_start3A_210] : memref<2x200x128xf32, #tpu.memory_space<vmem>> -> memref<1x72x128xf32, #tpu.memory_space<vmem>>
    %dma_start3A_212 = tpu.memref_squeeze %dma_start3A_211 : memref<1x72x128xf32, #tpu.memory_space<vmem>> -> memref<72x128xf32, #tpu.memory_space<vmem>>
    %dma_start3A_213 = arith.constant 0 : i32
    %dma_start3A_214 = arith.constant 0 : i32
    %dma_start3A_215 = tpu.memref_slice %arg3[%dma_start3A_213, %dma_start3A_214] : memref<100000x128xf32, #tpu.memory_space<hbm>> -> memref<100000x128xf32, #tpu.memory_space<hbm>>
    tpu.enqueue_indirect_dma source(%dma_start3A_215 : memref<100000x128xf32, #tpu.memory_space<hbm>>) target(%dma_start3A_212 : memref<72x128xf32, #tpu.memory_space<vmem>>) offsets(%arg9 : memref<72xi32, #tpu.memory_space<vmem>>) semaphore(%arg14 : memref<!tpu.dma_semaphore, #tpu.memory_space<semaphore_mem>>)
    %dma_wait3A_216 = arith.constant 1 : i32
    %dma_wait3A_217 = arith.constant 0 : i32
    %dma_wait3A_218 = arith.constant 0 : i32
    %dma_wait3A_219 = tpu.memref_slice %arg11[%dma_wait3A_216, %dma_wait3A_217, %dma_wait3A_218] : memref<2x200x128xf32, #tpu.memory_space<vmem>> -> memref<1x128x128xf32, #tpu.memory_space<vmem>>
    %dma_wait3A_220 = tpu.memref_squeeze %dma_wait3A_219 : memref<1x128x128xf32, #tpu.memory_space<vmem>> -> memref<128x128xf32, #tpu.memory_space<vmem>>
    %dma_wait3A_221 = arith.constant 0 : i32
    %dma_wait3A_222 = arith.constant 0 : i32
    %dma_wait3A_223 = tpu.memref_slice %arg3[%dma_wait3A_221, %dma_wait3A_222] : memref<100000x128xf32, #tpu.memory_space<hbm>> -> memref<128x128xf32, #tpu.memory_space<hbm>>
    %dma_wait3A_224 = arith.constant 0 : i32
    %dma_wait3A_225 = arith.constant 0 : i32
    %dma_wait3A_226 = tpu.memref_slice %arg11[%dma_wait3A_216, %dma_wait3A_224, %dma_wait3A_225] : memref<2x200x128xf32, #tpu.memory_space<vmem>> -> memref<1x128x128xf32, #tpu.memory_space<vmem>>
    %dma_wait3A_227 = tpu.memref_squeeze %dma_wait3A_226 : memref<1x128x128xf32, #tpu.memory_space<vmem>> -> memref<128x128xf32, #tpu.memory_space<vmem>>
    %dma_wait3A_228 = arith.constant 0 : i32
    %dma_wait3A_229 = arith.constant 0 : i32
    %dma_wait3A_230 = tpu.memref_slice %arg3[%dma_wait3A_228, %dma_wait3A_229] : memref<100000x128xf32, #tpu.memory_space<hbm>> -> memref<128x128xf32, #tpu.memory_space<hbm>>
    tpu.wait_dma2 semaphore(%arg13 : memref<!tpu.dma_semaphore, #tpu.memory_space<semaphore_mem>>) src(%dma_wait3A_230 : memref<128x128xf32, #tpu.memory_space<hbm>>) dst(%dma_wait3A_227 : memref<128x128xf32, #tpu.memory_space<vmem>>)
    %add3A_231 = arith.constant 3 : i32
    %add3A_232 = arith.addi %mul3A_2, %add3A_231 : i32
    %mul3A_233 = arith.constant 200 : i32
    %mul3A_234 = arith.muli %add3A_232, %mul3A_233 : i32
    %dma_start3A_235 = tpu.memref_slice %arg2[%mul3A_234] : memref<819600xi32, #tpu.memory_space<hbm>> -> memref<128xi32, #tpu.memory_space<hbm>>
    %dma_start3A_236 = tpu.memref_slice %arg2[%mul3A_234] : memref<819600xi32, #tpu.memory_space<hbm>> -> memref<128xi32, #tpu.memory_space<hbm>>
    tpu.enqueue_dma source(%dma_start3A_236 : memref<128xi32, #tpu.memory_space<hbm>>) target(%arg8 : memref<128xi32, #tpu.memory_space<vmem>>) target_semaphore(%arg19 : memref<!tpu.dma_semaphore, #tpu.memory_space<semaphore_mem>>)
    %parallel_loop3A_237 = arith.constant 0 : i32
    %parallel_loop3A_238 = arith.constant 128 : i32
    %parallel_loop3A_239 = arith.constant 1 : i32
    scf.for %parallel_loop3A_375 = %parallel_loop3A_237 to %parallel_loop3A_238 step %parallel_loop3A_239  : i32 {
      %parallel_loop3A_376 = arith.constant 1 : i32
      %parallel_loop3A_377 = arith.index_cast %parallel_loop3A_376 : i32 to index
      %parallel_loop3A_378 = arith.index_cast %parallel_loop3A_375 : i32 to index
      %parallel_loop3A_379 = arith.constant 0 : index
      %parallel_loop3A_380 = tpu.vector_load %arg11[%parallel_loop3A_377, %parallel_loop3A_378, %parallel_loop3A_379] {strides = array<i32>} : memref<2x200x128xf32, #tpu.memory_space<vmem>>, vector<1x1x16xf32>,
      %parallel_loop3A_381 = vector.shape_cast %parallel_loop3A_380 : vector<1x1x16xf32> to vector<16xf32>
      %parallel_loop3A_382 = arith.index_cast %parallel_loop3A_375 : i32 to index
      %parallel_loop3A_383 = arith.constant 0 : index
      %parallel_loop3A_384 = tpu.vector_load %arg6[%parallel_loop3A_382, %parallel_loop3A_383] {strides = array<i32>} : memref<200x128xf32, #tpu.memory_space<vmem>>, vector<1x16xf32>,
      %parallel_loop3A_385 = vector.shape_cast %parallel_loop3A_384 : vector<1x16xf32> to vector<16xf32>
      %parallel_loop3A_386 = arith.addf %parallel_loop3A_381, %parallel_loop3A_385 : vector<16xf32>
      %parallel_loop3A_387 = arith.constant 0.707106769 : f32
      %parallel_loop3A_388 = vector.broadcast %parallel_loop3A_387 : f32 to vector<16xf32>
      %parallel_loop3A_389 = arith.mulf %parallel_loop3A_386, %parallel_loop3A_388 : vector<16xf32>
      %parallel_loop3A_390 = arith.constant 1 : i32
      %parallel_loop3A_391 = arith.index_cast %parallel_loop3A_390 : i32 to index
      %parallel_loop3A_392 = arith.index_cast %parallel_loop3A_375 : i32 to index
      %parallel_loop3A_393 = arith.constant 0 : index
      %parallel_loop3A_394 = tpu.vector_load %arg11[%parallel_loop3A_391, %parallel_loop3A_392, %parallel_loop3A_393] {strides = array<i32>} : memref<2x200x128xf32, #tpu.memory_space<vmem>>, vector<1x1x16xf32>,
      %parallel_loop3A_395 = vector.shape_cast %parallel_loop3A_394 : vector<1x1x16xf32> to vector<16xf32>
      %parallel_loop3A_396 = vector.shape_cast %parallel_loop3A_389 : vector<16xf32> to vector<1x1x16xf32>
      tpu.vector_store %arg11[%parallel_loop3A_391, %parallel_loop3A_392, %parallel_loop3A_393], %parallel_loop3A_396 {strides = array<i32>} : memref<2x200x128xf32, #tpu.memory_space<vmem>>, vector<1x1x16xf32>,
      %parallel_loop3A_397 = arith.constant 1 : i32
      %parallel_loop3A_398 = arith.index_cast %parallel_loop3A_397 : i32 to index
      %parallel_loop3A_399 = arith.index_cast %parallel_loop3A_375 : i32 to index
      %parallel_loop3A_400 = arith.constant 16 : index
      %parallel_loop3A_401 = tpu.vector_load %arg11[%parallel_loop3A_398, %parallel_loop3A_399, %parallel_loop3A_400] {strides = array<i32>} : memref<2x200x128xf32, #tpu.memory_space<vmem>>, vector<1x1x16xf32>,
      %parallel_loop3A_402 = vector.shape_cast %parallel_loop3A_401 : vector<1x1x16xf32> to vector<16xf32>
      %parallel_loop3A_403 = arith.index_cast %parallel_loop3A_375 : i32 to index
      %parallel_loop3A_404 = arith.constant 16 : index
      %parallel_loop3A_405 = tpu.vector_load %arg6[%parallel_loop3A_403, %parallel_loop3A_404] {strides = array<i32>} : memref<200x128xf32, #tpu.memory_space<vmem>>, vector<1x16xf32>,
      %parallel_loop3A_406 = vector.shape_cast %parallel_loop3A_405 : vector<1x16xf32> to vector<16xf32>
      %parallel_loop3A_407 = arith.addf %parallel_loop3A_402, %parallel_loop3A_406 : vector<16xf32>
      %parallel_loop3A_408 = arith.constant 0.707106769 : f32
      %parallel_loop3A_409 = vector.broadcast %parallel_loop3A_408 : f32 to vector<16xf32>
      %parallel_loop3A_410 = arith.mulf %parallel_loop3A_407, %parallel_loop3A_409 : vector<16xf32>
      %parallel_loop3A_411 = arith.constant 1 : i32
      %parallel_loop3A_412 = arith.index_cast %parallel_loop3A_411 : i32 to index
      %parallel_loop3A_413 = arith.index_cast %parallel_loop3A_375 : i32 to index
      %parallel_loop3A_414 = arith.constant 16 : index
      %parallel_loop3A_415 = tpu.vector_load %arg11[%parallel_loop3A_412, %parallel_loop3A_413, %parallel_loop3A_414] {strides = array<i32>} : memref<2x200x128xf32, #tpu.memory_space<vmem>>, vector<1x1x16xf32>,
      %parallel_loop3A_416 = vector.shape_cast %parallel_loop3A_415 : vector<1x1x16xf32> to vector<16xf32>
      %parallel_loop3A_417 = vector.shape_cast %parallel_loop3A_410 : vector<16xf32> to vector<1x1x16xf32>
      tpu.vector_store %arg11[%parallel_loop3A_412, %parallel_loop3A_413, %parallel_loop3A_414], %parallel_loop3A_417 {strides = array<i32>} : memref<2x200x128xf32, #tpu.memory_space<vmem>>, vector<1x1x16xf32>,
      %parallel_loop3A_418 = arith.constant 1 : i32
      %parallel_loop3A_419 = arith.index_cast %parallel_loop3A_418 : i32 to index
      %parallel_loop3A_420 = arith.index_cast %parallel_loop3A_375 : i32 to index
      %parallel_loop3A_421 = arith.constant 32 : index
      %parallel_loop3A_422 = tpu.vector_load %arg11[%parallel_loop3A_419, %parallel_loop3A_420, %parallel_loop3A_421] {strides = array<i32>} : memref<2x200x128xf32, #tpu.memory_space<vmem>>, vector<1x1x16xf32>,
      %parallel_loop3A_423 = vector.shape_cast %parallel_loop3A_422 : vector<1x1x16xf32> to vector<16xf32>
      %parallel_loop3A_424 = arith.index_cast %parallel_loop3A_375 : i32 to index
      %parallel_loop3A_425 = arith.constant 32 : index
      %parallel_loop3A_426 = tpu.vector_load %arg6[%parallel_loop3A_424, %parallel_loop3A_425] {strides = array<i32>} : memref<200x128xf32, #tpu.memory_space<vmem>>, vector<1x16xf32>,
      %parallel_loop3A_427 = vector.shape_cast %parallel_loop3A_426 : vector<1x16xf32> to vector<16xf32>
      %parallel_loop3A_428 = arith.addf %parallel_loop3A_423, %parallel_loop3A_427 : vector<16xf32>
      %parallel_loop3A_429 = arith.constant 0.707106769 : f32
      %parallel_loop3A_430 = vector.broadcast %parallel_loop3A_429 : f32 to vector<16xf32>
      %parallel_loop3A_431 = arith.mulf %parallel_loop3A_428, %parallel_loop3A_430 : vector<16xf32>
      %parallel_loop3A_432 = arith.constant 1 : i32
      %parallel_loop3A_433 = arith.index_cast %parallel_loop3A_432 : i32 to index
      %parallel_loop3A_434 = arith.index_cast %parallel_loop3A_375 : i32 to index
      %parallel_loop3A_435 = arith.constant 32 : index
      %parallel_loop3A_436 = tpu.vector_load %arg11[%parallel_loop3A_433, %parallel_loop3A_434, %parallel_loop3A_435] {strides = array<i32>} : memref<2x200x128xf32, #tpu.memory_space<vmem>>, vector<1x1x16xf32>,
      %parallel_loop3A_437 = vector.shape_cast %parallel_loop3A_436 : vector<1x1x16xf32> to vector<16xf32>
      %parallel_loop3A_438 = vector.shape_cast %parallel_loop3A_431 : vector<16xf32> to vector<1x1x16xf32>
      tpu.vector_store %arg11[%parallel_loop3A_433, %parallel_loop3A_434, %parallel_loop3A_435], %parallel_loop3A_438 {strides = array<i32>} : memref<2x200x128xf32, #tpu.memory_space<vmem>>, vector<1x1x16xf32>,
      %parallel_loop3A_439 = arith.constant 1 : i32
      %parallel_loop3A_440 = arith.index_cast %parallel_loop3A_439 : i32 to index
      %parallel_loop3A_441 = arith.index_cast %parallel_loop3A_375 : i32 to index
      %parallel_loop3A_442 = arith.constant 48 : index
      %parallel_loop3A_443 = tpu.vector_load %arg11[%parallel_loop3A_440, %parallel_loop3A_441, %parallel_loop3A_442] {strides = array<i32>} : memref<2x200x128xf32, #tpu.memory_space<vmem>>, vector<1x1x16xf32>,
      %parallel_loop3A_444 = vector.shape_cast %parallel_loop3A_443 : vector<1x1x16xf32> to vector<16xf32>
      %parallel_loop3A_445 = arith.index_cast %parallel_loop3A_375 : i32 to index
      %parallel_loop3A_446 = arith.constant 48 : index
      %parallel_loop3A_447 = tpu.vector_load %arg6[%parallel_loop3A_445, %parallel_loop3A_446] {strides = array<i32>} : memref<200x128xf32, #tpu.memory_space<vmem>>, vector<1x16xf32>,
      %parallel_loop3A_448 = vector.shape_cast %parallel_loop3A_447 : vector<1x16xf32> to vector<16xf32>
      %parallel_loop3A_449 = arith.addf %parallel_loop3A_444, %parallel_loop3A_448 : vector<16xf32>
      %parallel_loop3A_450 = arith.constant 0.707106769 : f32
      %parallel_loop3A_451 = vector.broadcast %parallel_loop3A_450 : f32 to vector<16xf32>
      %parallel_loop3A_452 = arith.mulf %parallel_loop3A_449, %parallel_loop3A_451 : vector<16xf32>
      %parallel_loop3A_453 = arith.constant 1 : i32
      %parallel_loop3A_454 = arith.index_cast %parallel_loop3A_453 : i32 to index
      %parallel_loop3A_455 = arith.index_cast %parallel_loop3A_375 : i32 to index
      %parallel_loop3A_456 = arith.constant 48 : index
      %parallel_loop3A_457 = tpu.vector_load %arg11[%parallel_loop3A_454, %parallel_loop3A_455, %parallel_loop3A_456] {strides = array<i32>} : memref<2x200x128xf32, #tpu.memory_space<vmem>>, vector<1x1x16xf32>,
      %parallel_loop3A_458 = vector.shape_cast %parallel_loop3A_457 : vector<1x1x16xf32> to vector<16xf32>
      %parallel_loop3A_459 = vector.shape_cast %parallel_loop3A_452 : vector<16xf32> to vector<1x1x16xf32>
      tpu.vector_store %arg11[%parallel_loop3A_454, %parallel_loop3A_455, %parallel_loop3A_456], %parallel_loop3A_459 {strides = array<i32>} : memref<2x200x128xf32, #tpu.memory_space<vmem>>, vector<1x1x16xf32>,
      %parallel_loop3A_460 = arith.constant 1 : i32
      %parallel_loop3A_461 = arith.index_cast %parallel_loop3A_460 : i32 to index
      %parallel_loop3A_462 = arith.index_cast %parallel_loop3A_375 : i32 to index
      %parallel_loop3A_463 = arith.constant 64 : index
      %parallel_loop3A_464 = tpu.vector_load %arg11[%parallel_loop3A_461, %parallel_loop3A_462, %parallel_loop3A_463] {strides = array<i32>} : memref<2x200x128xf32, #tpu.memory_space<vmem>>, vector<1x1x16xf32>,
      %parallel_loop3A_465 = vector.shape_cast %parallel_loop3A_464 : vector<1x1x16xf32> to vector<16xf32>
      %parallel_loop3A_466 = arith.index_cast %parallel_loop3A_375 : i32 to index
      %parallel_loop3A_467 = arith.constant 64 : index
      %parallel_loop3A_468 = tpu.vector_load %arg6[%parallel_loop3A_466, %parallel_loop3A_467] {strides = array<i32>} : memref<200x128xf32, #tpu.memory_space<vmem>>, vector<1x16xf32>,
      %parallel_loop3A_469 = vector.shape_cast %parallel_loop3A_468 : vector<1x16xf32> to vector<16xf32>
      %parallel_loop3A_470 = arith.addf %parallel_loop3A_465, %parallel_loop3A_469 : vector<16xf32>
      %parallel_loop3A_471 = arith.constant 0.707106769 : f32
      %parallel_loop3A_472 = vector.broadcast %parallel_loop3A_471 : f32 to vector<16xf32>
      %parallel_loop3A_473 = arith.mulf %parallel_loop3A_470, %parallel_loop3A_472 : vector<16xf32>
      %parallel_loop3A_474 = arith.constant 1 : i32
      %parallel_loop3A_475 = arith.index_cast %parallel_loop3A_474 : i32 to index
      %parallel_loop3A_476 = arith.index_cast %parallel_loop3A_375 : i32 to index
      %parallel_loop3A_477 = arith.constant 64 : index
      %parallel_loop3A_478 = tpu.vector_load %arg11[%parallel_loop3A_475, %parallel_loop3A_476, %parallel_loop3A_477] {strides = array<i32>} : memref<2x200x128xf32, #tpu.memory_space<vmem>>, vector<1x1x16xf32>,
      %parallel_loop3A_479 = vector.shape_cast %parallel_loop3A_478 : vector<1x1x16xf32> to vector<16xf32>
      %parallel_loop3A_480 = vector.shape_cast %parallel_loop3A_473 : vector<16xf32> to vector<1x1x16xf32>
      tpu.vector_store %arg11[%parallel_loop3A_475, %parallel_loop3A_476, %parallel_loop3A_477], %parallel_loop3A_480 {strides = array<i32>} : memref<2x200x128xf32, #tpu.memory_space<vmem>>, vector<1x1x16xf32>,
      %parallel_loop3A_481 = arith.constant 1 : i32
      %parallel_loop3A_482 = arith.index_cast %parallel_loop3A_481 : i32 to index
      %parallel_loop3A_483 = arith.index_cast %parallel_loop3A_375 : i32 to index
      %parallel_loop3A_484 = arith.constant 80 : index
      %parallel_loop3A_485 = tpu.vector_load %arg11[%parallel_loop3A_482, %parallel_loop3A_483, %parallel_loop3A_484] {strides = array<i32>} : memref<2x200x128xf32, #tpu.memory_space<vmem>>, vector<1x1x16xf32>,
      %parallel_loop3A_486 = vector.shape_cast %parallel_loop3A_485 : vector<1x1x16xf32> to vector<16xf32>
      %parallel_loop3A_487 = arith.index_cast %parallel_loop3A_375 : i32 to index
      %parallel_loop3A_488 = arith.constant 80 : index
      %parallel_loop3A_489 = tpu.vector_load %arg6[%parallel_loop3A_487, %parallel_loop3A_488] {strides = array<i32>} : memref<200x128xf32, #tpu.memory_space<vmem>>, vector<1x16xf32>,
      %parallel_loop3A_490 = vector.shape_cast %parallel_loop3A_489 : vector<1x16xf32> to vector<16xf32>
      %parallel_loop3A_491 = arith.addf %parallel_loop3A_486, %parallel_loop3A_490 : vector<16xf32>
      %parallel_loop3A_492 = arith.constant 0.707106769 : f32
      %parallel_loop3A_493 = vector.broadcast %parallel_loop3A_492 : f32 to vector<16xf32>
      %parallel_loop3A_494 = arith.mulf %parallel_loop3A_491, %parallel_loop3A_493 : vector<16xf32>
      %parallel_loop3A_495 = arith.constant 1 : i32
      %parallel_loop3A_496 = arith.index_cast %parallel_loop3A_495 : i32 to index
      %parallel_loop3A_497 = arith.index_cast %parallel_loop3A_375 : i32 to index
      %parallel_loop3A_498 = arith.constant 80 : index
      %parallel_loop3A_499 = tpu.vector_load %arg11[%parallel_loop3A_496, %parallel_loop3A_497, %parallel_loop3A_498] {strides = array<i32>} : memref<2x200x128xf32, #tpu.memory_space<vmem>>, vector<1x1x16xf32>,
      %parallel_loop3A_500 = vector.shape_cast %parallel_loop3A_499 : vector<1x1x16xf32> to vector<16xf32>
      %parallel_loop3A_501 = vector.shape_cast %parallel_loop3A_494 : vector<16xf32> to vector<1x1x16xf32>
      tpu.vector_store %arg11[%parallel_loop3A_496, %parallel_loop3A_497, %parallel_loop3A_498], %parallel_loop3A_501 {strides = array<i32>} : memref<2x200x128xf32, #tpu.memory_space<vmem>>, vector<1x1x16xf32>,
      %parallel_loop3A_502 = arith.constant 1 : i32
      %parallel_loop3A_503 = arith.index_cast %parallel_loop3A_502 : i32 to index
      %parallel_loop3A_504 = arith.index_cast %parallel_loop3A_375 : i32 to index
      %parallel_loop3A_505 = arith.constant 96 : index
      %parallel_loop3A_506 = tpu.vector_load %arg11[%parallel_loop3A_503, %parallel_loop3A_504, %parallel_loop3A_505] {strides = array<i32>} : memref<2x200x128xf32, #tpu.memory_space<vmem>>, vector<1x1x16xf32>,
      %parallel_loop3A_507 = vector.shape_cast %parallel_loop3A_506 : vector<1x1x16xf32> to vector<16xf32>
      %parallel_loop3A_508 = arith.index_cast %parallel_loop3A_375 : i32 to index
      %parallel_loop3A_509 = arith.constant 96 : index
      %parallel_loop3A_510 = tpu.vector_load %arg6[%parallel_loop3A_508, %parallel_loop3A_509] {strides = array<i32>} : memref<200x128xf32, #tpu.memory_space<vmem>>, vector<1x16xf32>,
      %parallel_loop3A_511 = vector.shape_cast %parallel_loop3A_510 : vector<1x16xf32> to vector<16xf32>
      %parallel_loop3A_512 = arith.addf %parallel_loop3A_507, %parallel_loop3A_511 : vector<16xf32>
      %parallel_loop3A_513 = arith.constant 0.707106769 : f32
      %parallel_loop3A_514 = vector.broadcast %parallel_loop3A_513 : f32 to vector<16xf32>
      %parallel_loop3A_515 = arith.mulf %parallel_loop3A_512, %parallel_loop3A_514 : vector<16xf32>
      %parallel_loop3A_516 = arith.constant 1 : i32
      %parallel_loop3A_517 = arith.index_cast %parallel_loop3A_516 : i32 to index
      %parallel_loop3A_518 = arith.index_cast %parallel_loop3A_375 : i32 to index
      %parallel_loop3A_519 = arith.constant 96 : index
      %parallel_loop3A_520 = tpu.vector_load %arg11[%parallel_loop3A_517, %parallel_loop3A_518, %parallel_loop3A_519] {strides = array<i32>} : memref<2x200x128xf32, #tpu.memory_space<vmem>>, vector<1x1x16xf32>,
      %parallel_loop3A_521 = vector.shape_cast %parallel_loop3A_520 : vector<1x1x16xf32> to vector<16xf32>
      %parallel_loop3A_522 = vector.shape_cast %parallel_loop3A_515 : vector<16xf32> to vector<1x1x16xf32>
      tpu.vector_store %arg11[%parallel_loop3A_517, %parallel_loop3A_518, %parallel_loop3A_519], %parallel_loop3A_522 {strides = array<i32>} : memref<2x200x128xf32, #tpu.memory_space<vmem>>, vector<1x1x16xf32>,
      %parallel_loop3A_523 = arith.constant 1 : i32
      %parallel_loop3A_524 = arith.index_cast %parallel_loop3A_523 : i32 to index
      %parallel_loop3A_525 = arith.index_cast %parallel_loop3A_375 : i32 to index
      %parallel_loop3A_526 = arith.constant 112 : index
      %parallel_loop3A_527 = tpu.vector_load %arg11[%parallel_loop3A_524, %parallel_loop3A_525, %parallel_loop3A_526] {strides = array<i32>} : memref<2x200x128xf32, #tpu.memory_space<vmem>>, vector<1x1x16xf32>,
      %parallel_loop3A_528 = vector.shape_cast %parallel_loop3A_527 : vector<1x1x16xf32> to vector<16xf32>
      %parallel_loop3A_529 = arith.index_cast %parallel_loop3A_375 : i32 to index
      %parallel_loop3A_530 = arith.constant 112 : index
      %parallel_loop3A_531 = tpu.vector_load %arg6[%parallel_loop3A_529, %parallel_loop3A_530] {strides = array<i32>} : memref<200x128xf32, #tpu.memory_space<vmem>>, vector<1x16xf32>,
      %parallel_loop3A_532 = vector.shape_cast %parallel_loop3A_531 : vector<1x16xf32> to vector<16xf32>
      %parallel_loop3A_533 = arith.addf %parallel_loop3A_528, %parallel_loop3A_532 : vector<16xf32>
      %parallel_loop3A_534 = arith.constant 0.707106769 : f32
      %parallel_loop3A_535 = vector.broadcast %parallel_loop3A_534 : f32 to vector<16xf32>
      %parallel_loop3A_536 = arith.mulf %parallel_loop3A_533, %parallel_loop3A_535 : vector<16xf32>
      %parallel_loop3A_537 = arith.constant 1 : i32
      %parallel_loop3A_538 = arith.index_cast %parallel_loop3A_537 : i32 to index
      %parallel_loop3A_539 = arith.index_cast %parallel_loop3A_375 : i32 to index
      %parallel_loop3A_540 = arith.constant 112 : index
      %parallel_loop3A_541 = tpu.vector_load %arg11[%parallel_loop3A_538, %parallel_loop3A_539, %parallel_loop3A_540] {strides = array<i32>} : memref<2x200x128xf32, #tpu.memory_space<vmem>>, vector<1x1x16xf32>,
      %parallel_loop3A_542 = vector.shape_cast %parallel_loop3A_541 : vector<1x1x16xf32> to vector<16xf32>
      %parallel_loop3A_543 = vector.shape_cast %parallel_loop3A_536 : vector<16xf32> to vector<1x1x16xf32>
      tpu.vector_store %arg11[%parallel_loop3A_538, %parallel_loop3A_539, %parallel_loop3A_540], %parallel_loop3A_543 {strides = array<i32>} : memref<2x200x128xf32, #tpu.memory_space<vmem>>, vector<1x1x16xf32>,
    } {sc.loop_unroll_factor = 4 : i64, sc.parallel_access}
    %add3A_240 = arith.constant 1 : i32
    %add3A_241 = arith.addi %mul3A_2, %add3A_240 : i32
    %mul3A_242 = arith.constant 200 : i32
    %mul3A_243 = arith.muli %add3A_241, %mul3A_242 : i32
    %dma_start3A_244 = arith.constant 1 : i32
    %dma_start3A_245 = arith.constant 0 : i32
    %dma_start3A_246 = arith.constant 0 : i32
    %dma_start3A_247 = tpu.memref_slice %arg11[%dma_start3A_244, %dma_start3A_245, %dma_start3A_246] : memref<2x200x128xf32, #tpu.memory_space<vmem>> -> memref<1x128x128xf32, #tpu.memory_space<vmem>>
    %dma_start3A_248 = tpu.memref_squeeze %dma_start3A_247 : memref<1x128x128xf32, #tpu.memory_space<vmem>> -> memref<128x128xf32, #tpu.memory_space<vmem>>
    %dma_start3A_249 = arith.constant 0 : i32
    %dma_start3A_250 = tpu.memref_slice %arg5[%mul3A_243, %dma_start3A_249] : memref<819200x128xf32, #tpu.memory_space<hbm>> -> memref<128x128xf32, #tpu.memory_space<hbm>>
    %dma_start3A_251 = arith.constant 0 : i32
    %dma_start3A_252 = tpu.memref_slice %arg5[%mul3A_243, %dma_start3A_251] : memref<819200x128xf32, #tpu.memory_space<hbm>> -> memref<128x128xf32, #tpu.memory_space<hbm>>
    %dma_start3A_253 = arith.constant 0 : i32
    %dma_start3A_254 = arith.constant 0 : i32
    %dma_start3A_255 = tpu.memref_slice %arg11[%dma_start3A_244, %dma_start3A_253, %dma_start3A_254] : memref<2x200x128xf32, #tpu.memory_space<vmem>> -> memref<1x128x128xf32, #tpu.memory_space<vmem>>
    %dma_start3A_256 = tpu.memref_squeeze %dma_start3A_255 : memref<1x128x128xf32, #tpu.memory_space<vmem>> -> memref<128x128xf32, #tpu.memory_space<vmem>>
    tpu.enqueue_dma source(%dma_start3A_256 : memref<128x128xf32, #tpu.memory_space<vmem>>) target(%dma_start3A_252 : memref<128x128xf32, #tpu.memory_space<hbm>>) target_semaphore(%arg17 : memref<!tpu.dma_semaphore, #tpu.memory_space<semaphore_mem>>)
    %dma_wait3A_257 = arith.constant 1 : i32
    %dma_wait3A_258 = arith.constant 128 : i32
    %dma_wait3A_259 = arith.constant 0 : i32
    %dma_wait3A_260 = tpu.memref_slice %arg11[%dma_wait3A_257, %dma_wait3A_258, %dma_wait3A_259] : memref<2x200x128xf32, #tpu.memory_space<vmem>> -> memref<1x72x128xf32, #tpu.memory_space<vmem>>
    %dma_wait3A_261 = tpu.memref_squeeze %dma_wait3A_260 : memref<1x72x128xf32, #tpu.memory_space<vmem>> -> memref<72x128xf32, #tpu.memory_space<vmem>>
    %dma_wait3A_262 = arith.constant 0 : i32
    %dma_wait3A_263 = arith.constant 0 : i32
    %dma_wait3A_264 = tpu.memref_slice %arg3[%dma_wait3A_262, %dma_wait3A_263] : memref<100000x128xf32, #tpu.memory_space<hbm>> -> memref<72x128xf32, #tpu.memory_space<hbm>>
    %dma_wait3A_265 = arith.constant 128 : i32
    %dma_wait3A_266 = arith.constant 0 : i32
    %dma_wait3A_267 = tpu.memref_slice %arg11[%dma_wait3A_257, %dma_wait3A_265, %dma_wait3A_266] : memref<2x200x128xf32, #tpu.memory_space<vmem>> -> memref<1x72x128xf32, #tpu.memory_space<vmem>>
    %dma_wait3A_268 = tpu.memref_squeeze %dma_wait3A_267 : memref<1x72x128xf32, #tpu.memory_space<vmem>> -> memref<72x128xf32, #tpu.memory_space<vmem>>
    %dma_wait3A_269 = arith.constant 0 : i32
    %dma_wait3A_270 = arith.constant 0 : i32
    %dma_wait3A_271 = tpu.memref_slice %arg3[%dma_wait3A_269, %dma_wait3A_270] : memref<100000x128xf32, #tpu.memory_space<hbm>> -> memref<72x128xf32, #tpu.memory_space<hbm>>
    tpu.wait_dma2 semaphore(%arg15 : memref<!tpu.dma_semaphore, #tpu.memory_space<semaphore_mem>>) src(%dma_wait3A_271 : memref<72x128xf32, #tpu.memory_space<hbm>>) dst(%dma_wait3A_268 : memref<72x128xf32, #tpu.memory_space<vmem>>)
    %add3A_272 = arith.constant 3 : i32
    %add3A_273 = arith.addi %mul3A_2, %add3A_272 : i32
    %mul3A_274 = arith.constant 200 : i32
    %mul3A_275 = arith.muli %add3A_273, %mul3A_274 : i32
    %add3A_276 = arith.constant 128 : i32
    %add3A_277 = arith.addi %mul3A_275, %add3A_276 : i32
    %dma_start3A_278 = tpu.memref_slice %arg2[%add3A_277] : memref<819600xi32, #tpu.memory_space<hbm>> -> memref<72xi32, #tpu.memory_space<hbm>>
    %dma_start3A_279 = tpu.memref_slice %arg2[%add3A_277] : memref<819600xi32, #tpu.memory_space<hbm>> -> memref<72xi32, #tpu.memory_space<hbm>>
    tpu.enqueue_dma source(%dma_start3A_279 : memref<72xi32, #tpu.memory_space<hbm>>) target(%arg10 : memref<72xi32, #tpu.memory_space<vmem>>) target_semaphore(%arg19 : memref<!tpu.dma_semaphore, #tpu.memory_space<semaphore_mem>>)
    %parallel_loop3A_280 = arith.constant 128 : i32
    %parallel_loop3A_281 = arith.constant 200 : i32
    %parallel_loop3A_282 = arith.constant 1 : i32
    scf.for %parallel_loop3A_375 = %parallel_loop3A_280 to %parallel_loop3A_281 step %parallel_loop3A_282  : i32 {
      %parallel_loop3A_376 = arith.constant 1 : i32
      %parallel_loop3A_377 = arith.index_cast %parallel_loop3A_376 : i32 to index
      %parallel_loop3A_378 = arith.index_cast %parallel_loop3A_375 : i32 to index
      %parallel_loop3A_379 = arith.constant 0 : index
      %parallel_loop3A_380 = tpu.vector_load %arg11[%parallel_loop3A_377, %parallel_loop3A_378, %parallel_loop3A_379] {strides = array<i32>} : memref<2x200x128xf32, #tpu.memory_space<vmem>>, vector<1x1x16xf32>,
      %parallel_loop3A_381 = vector.shape_cast %parallel_loop3A_380 : vector<1x1x16xf32> to vector<16xf32>
      %parallel_loop3A_382 = arith.index_cast %parallel_loop3A_375 : i32 to index
      %parallel_loop3A_383 = arith.constant 0 : index
      %parallel_loop3A_384 = tpu.vector_load %arg6[%parallel_loop3A_382, %parallel_loop3A_383] {strides = array<i32>} : memref<200x128xf32, #tpu.memory_space<vmem>>, vector<1x16xf32>,
      %parallel_loop3A_385 = vector.shape_cast %parallel_loop3A_384 : vector<1x16xf32> to vector<16xf32>
      %parallel_loop3A_386 = arith.addf %parallel_loop3A_381, %parallel_loop3A_385 : vector<16xf32>
      %parallel_loop3A_387 = arith.constant 0.707106769 : f32
      %parallel_loop3A_388 = vector.broadcast %parallel_loop3A_387 : f32 to vector<16xf32>
      %parallel_loop3A_389 = arith.mulf %parallel_loop3A_386, %parallel_loop3A_388 : vector<16xf32>
      %parallel_loop3A_390 = arith.constant 1 : i32
      %parallel_loop3A_391 = arith.index_cast %parallel_loop3A_390 : i32 to index
      %parallel_loop3A_392 = arith.index_cast %parallel_loop3A_375 : i32 to index
      %parallel_loop3A_393 = arith.constant 0 : index
      %parallel_loop3A_394 = tpu.vector_load %arg11[%parallel_loop3A_391, %parallel_loop3A_392, %parallel_loop3A_393] {strides = array<i32>} : memref<2x200x128xf32, #tpu.memory_space<vmem>>, vector<1x1x16xf32>,
      %parallel_loop3A_395 = vector.shape_cast %parallel_loop3A_394 : vector<1x1x16xf32> to vector<16xf32>
      %parallel_loop3A_396 = vector.shape_cast %parallel_loop3A_389 : vector<16xf32> to vector<1x1x16xf32>
      tpu.vector_store %arg11[%parallel_loop3A_391, %parallel_loop3A_392, %parallel_loop3A_393], %parallel_loop3A_396 {strides = array<i32>} : memref<2x200x128xf32, #tpu.memory_space<vmem>>, vector<1x1x16xf32>,
      %parallel_loop3A_397 = arith.constant 1 : i32
      %parallel_loop3A_398 = arith.index_cast %parallel_loop3A_397 : i32 to index
      %parallel_loop3A_399 = arith.index_cast %parallel_loop3A_375 : i32 to index
      %parallel_loop3A_400 = arith.constant 16 : index
      %parallel_loop3A_401 = tpu.vector_load %arg11[%parallel_loop3A_398, %parallel_loop3A_399, %parallel_loop3A_400] {strides = array<i32>} : memref<2x200x128xf32, #tpu.memory_space<vmem>>, vector<1x1x16xf32>,
      %parallel_loop3A_402 = vector.shape_cast %parallel_loop3A_401 : vector<1x1x16xf32> to vector<16xf32>
      %parallel_loop3A_403 = arith.index_cast %parallel_loop3A_375 : i32 to index
      %parallel_loop3A_404 = arith.constant 16 : index
      %parallel_loop3A_405 = tpu.vector_load %arg6[%parallel_loop3A_403, %parallel_loop3A_404] {strides = array<i32>} : memref<200x128xf32, #tpu.memory_space<vmem>>, vector<1x16xf32>,
      %parallel_loop3A_406 = vector.shape_cast %parallel_loop3A_405 : vector<1x16xf32> to vector<16xf32>
      %parallel_loop3A_407 = arith.addf %parallel_loop3A_402, %parallel_loop3A_406 : vector<16xf32>
      %parallel_loop3A_408 = arith.constant 0.707106769 : f32
      %parallel_loop3A_409 = vector.broadcast %parallel_loop3A_408 : f32 to vector<16xf32>
      %parallel_loop3A_410 = arith.mulf %parallel_loop3A_407, %parallel_loop3A_409 : vector<16xf32>
      %parallel_loop3A_411 = arith.constant 1 : i32
      %parallel_loop3A_412 = arith.index_cast %parallel_loop3A_411 : i32 to index
      %parallel_loop3A_413 = arith.index_cast %parallel_loop3A_375 : i32 to index
      %parallel_loop3A_414 = arith.constant 16 : index
      %parallel_loop3A_415 = tpu.vector_load %arg11[%parallel_loop3A_412, %parallel_loop3A_413, %parallel_loop3A_414] {strides = array<i32>} : memref<2x200x128xf32, #tpu.memory_space<vmem>>, vector<1x1x16xf32>,
      %parallel_loop3A_416 = vector.shape_cast %parallel_loop3A_415 : vector<1x1x16xf32> to vector<16xf32>
      %parallel_loop3A_417 = vector.shape_cast %parallel_loop3A_410 : vector<16xf32> to vector<1x1x16xf32>
      tpu.vector_store %arg11[%parallel_loop3A_412, %parallel_loop3A_413, %parallel_loop3A_414], %parallel_loop3A_417 {strides = array<i32>} : memref<2x200x128xf32, #tpu.memory_space<vmem>>, vector<1x1x16xf32>,
      %parallel_loop3A_418 = arith.constant 1 : i32
      %parallel_loop3A_419 = arith.index_cast %parallel_loop3A_418 : i32 to index
      %parallel_loop3A_420 = arith.index_cast %parallel_loop3A_375 : i32 to index
      %parallel_loop3A_421 = arith.constant 32 : index
      %parallel_loop3A_422 = tpu.vector_load %arg11[%parallel_loop3A_419, %parallel_loop3A_420, %parallel_loop3A_421] {strides = array<i32>} : memref<2x200x128xf32, #tpu.memory_space<vmem>>, vector<1x1x16xf32>,
      %parallel_loop3A_423 = vector.shape_cast %parallel_loop3A_422 : vector<1x1x16xf32> to vector<16xf32>
      %parallel_loop3A_424 = arith.index_cast %parallel_loop3A_375 : i32 to index
      %parallel_loop3A_425 = arith.constant 32 : index
      %parallel_loop3A_426 = tpu.vector_load %arg6[%parallel_loop3A_424, %parallel_loop3A_425] {strides = array<i32>} : memref<200x128xf32, #tpu.memory_space<vmem>>, vector<1x16xf32>,
      %parallel_loop3A_427 = vector.shape_cast %parallel_loop3A_426 : vector<1x16xf32> to vector<16xf32>
      %parallel_loop3A_428 = arith.addf %parallel_loop3A_423, %parallel_loop3A_427 : vector<16xf32>
      %parallel_loop3A_429 = arith.constant 0.707106769 : f32
      %parallel_loop3A_430 = vector.broadcast %parallel_loop3A_429 : f32 to vector<16xf32>
      %parallel_loop3A_431 = arith.mulf %parallel_loop3A_428, %parallel_loop3A_430 : vector<16xf32>
      %parallel_loop3A_432 = arith.constant 1 : i32
      %parallel_loop3A_433 = arith.index_cast %parallel_loop3A_432 : i32 to index
      %parallel_loop3A_434 = arith.index_cast %parallel_loop3A_375 : i32 to index
      %parallel_loop3A_435 = arith.constant 32 : index
      %parallel_loop3A_436 = tpu.vector_load %arg11[%parallel_loop3A_433, %parallel_loop3A_434, %parallel_loop3A_435] {strides = array<i32>} : memref<2x200x128xf32, #tpu.memory_space<vmem>>, vector<1x1x16xf32>,
      %parallel_loop3A_437 = vector.shape_cast %parallel_loop3A_436 : vector<1x1x16xf32> to vector<16xf32>
      %parallel_loop3A_438 = vector.shape_cast %parallel_loop3A_431 : vector<16xf32> to vector<1x1x16xf32>
      tpu.vector_store %arg11[%parallel_loop3A_433, %parallel_loop3A_434, %parallel_loop3A_435], %parallel_loop3A_438 {strides = array<i32>} : memref<2x200x128xf32, #tpu.memory_space<vmem>>, vector<1x1x16xf32>,
      %parallel_loop3A_439 = arith.constant 1 : i32
      %parallel_loop3A_440 = arith.index_cast %parallel_loop3A_439 : i32 to index
      %parallel_loop3A_441 = arith.index_cast %parallel_loop3A_375 : i32 to index
      %parallel_loop3A_442 = arith.constant 48 : index
      %parallel_loop3A_443 = tpu.vector_load %arg11[%parallel_loop3A_440, %parallel_loop3A_441, %parallel_loop3A_442] {strides = array<i32>} : memref<2x200x128xf32, #tpu.memory_space<vmem>>, vector<1x1x16xf32>,
      %parallel_loop3A_444 = vector.shape_cast %parallel_loop3A_443 : vector<1x1x16xf32> to vector<16xf32>
      %parallel_loop3A_445 = arith.index_cast %parallel_loop3A_375 : i32 to index
      %parallel_loop3A_446 = arith.constant 48 : index
      %parallel_loop3A_447 = tpu.vector_load %arg6[%parallel_loop3A_445, %parallel_loop3A_446] {strides = array<i32>} : memref<200x128xf32, #tpu.memory_space<vmem>>, vector<1x16xf32>,
      %parallel_loop3A_448 = vector.shape_cast %parallel_loop3A_447 : vector<1x16xf32> to vector<16xf32>
      %parallel_loop3A_449 = arith.addf %parallel_loop3A_444, %parallel_loop3A_448 : vector<16xf32>
      %parallel_loop3A_450 = arith.constant 0.707106769 : f32
      %parallel_loop3A_451 = vector.broadcast %parallel_loop3A_450 : f32 to vector<16xf32>
      %parallel_loop3A_452 = arith.mulf %parallel_loop3A_449, %parallel_loop3A_451 : vector<16xf32>
      %parallel_loop3A_453 = arith.constant 1 : i32
      %parallel_loop3A_454 = arith.index_cast %parallel_loop3A_453 : i32 to index
      %parallel_loop3A_455 = arith.index_cast %parallel_loop3A_375 : i32 to index
      %parallel_loop3A_456 = arith.constant 48 : index
      %parallel_loop3A_457 = tpu.vector_load %arg11[%parallel_loop3A_454, %parallel_loop3A_455, %parallel_loop3A_456] {strides = array<i32>} : memref<2x200x128xf32, #tpu.memory_space<vmem>>, vector<1x1x16xf32>,
      %parallel_loop3A_458 = vector.shape_cast %parallel_loop3A_457 : vector<1x1x16xf32> to vector<16xf32>
      %parallel_loop3A_459 = vector.shape_cast %parallel_loop3A_452 : vector<16xf32> to vector<1x1x16xf32>
      tpu.vector_store %arg11[%parallel_loop3A_454, %parallel_loop3A_455, %parallel_loop3A_456], %parallel_loop3A_459 {strides = array<i32>} : memref<2x200x128xf32, #tpu.memory_space<vmem>>, vector<1x1x16xf32>,
      %parallel_loop3A_460 = arith.constant 1 : i32
      %parallel_loop3A_461 = arith.index_cast %parallel_loop3A_460 : i32 to index
      %parallel_loop3A_462 = arith.index_cast %parallel_loop3A_375 : i32 to index
      %parallel_loop3A_463 = arith.constant 64 : index
      %parallel_loop3A_464 = tpu.vector_load %arg11[%parallel_loop3A_461, %parallel_loop3A_462, %parallel_loop3A_463] {strides = array<i32>} : memref<2x200x128xf32, #tpu.memory_space<vmem>>, vector<1x1x16xf32>,
      %parallel_loop3A_465 = vector.shape_cast %parallel_loop3A_464 : vector<1x1x16xf32> to vector<16xf32>
      %parallel_loop3A_466 = arith.index_cast %parallel_loop3A_375 : i32 to index
      %parallel_loop3A_467 = arith.constant 64 : index
      %parallel_loop3A_468 = tpu.vector_load %arg6[%parallel_loop3A_466, %parallel_loop3A_467] {strides = array<i32>} : memref<200x128xf32, #tpu.memory_space<vmem>>, vector<1x16xf32>,
      %parallel_loop3A_469 = vector.shape_cast %parallel_loop3A_468 : vector<1x16xf32> to vector<16xf32>
      %parallel_loop3A_470 = arith.addf %parallel_loop3A_465, %parallel_loop3A_469 : vector<16xf32>
      %parallel_loop3A_471 = arith.constant 0.707106769 : f32
      %parallel_loop3A_472 = vector.broadcast %parallel_loop3A_471 : f32 to vector<16xf32>
      %parallel_loop3A_473 = arith.mulf %parallel_loop3A_470, %parallel_loop3A_472 : vector<16xf32>
      %parallel_loop3A_474 = arith.constant 1 : i32
      %parallel_loop3A_475 = arith.index_cast %parallel_loop3A_474 : i32 to index
      %parallel_loop3A_476 = arith.index_cast %parallel_loop3A_375 : i32 to index
      %parallel_loop3A_477 = arith.constant 64 : index
      %parallel_loop3A_478 = tpu.vector_load %arg11[%parallel_loop3A_475, %parallel_loop3A_476, %parallel_loop3A_477] {strides = array<i32>} : memref<2x200x128xf32, #tpu.memory_space<vmem>>, vector<1x1x16xf32>,
      %parallel_loop3A_479 = vector.shape_cast %parallel_loop3A_478 : vector<1x1x16xf32> to vector<16xf32>
      %parallel_loop3A_480 = vector.shape_cast %parallel_loop3A_473 : vector<16xf32> to vector<1x1x16xf32>
      tpu.vector_store %arg11[%parallel_loop3A_475, %parallel_loop3A_476, %parallel_loop3A_477], %parallel_loop3A_480 {strides = array<i32>} : memref<2x200x128xf32, #tpu.memory_space<vmem>>, vector<1x1x16xf32>,
      %parallel_loop3A_481 = arith.constant 1 : i32
      %parallel_loop3A_482 = arith.index_cast %parallel_loop3A_481 : i32 to index
      %parallel_loop3A_483 = arith.index_cast %parallel_loop3A_375 : i32 to index
      %parallel_loop3A_484 = arith.constant 80 : index
      %parallel_loop3A_485 = tpu.vector_load %arg11[%parallel_loop3A_482, %parallel_loop3A_483, %parallel_loop3A_484] {strides = array<i32>} : memref<2x200x128xf32, #tpu.memory_space<vmem>>, vector<1x1x16xf32>,
      %parallel_loop3A_486 = vector.shape_cast %parallel_loop3A_485 : vector<1x1x16xf32> to vector<16xf32>
      %parallel_loop3A_487 = arith.index_cast %parallel_loop3A_375 : i32 to index
      %parallel_loop3A_488 = arith.constant 80 : index
      %parallel_loop3A_489 = tpu.vector_load %arg6[%parallel_loop3A_487, %parallel_loop3A_488] {strides = array<i32>} : memref<200x128xf32, #tpu.memory_space<vmem>>, vector<1x16xf32>,
      %parallel_loop3A_490 = vector.shape_cast %parallel_loop3A_489 : vector<1x16xf32> to vector<16xf32>
      %parallel_loop3A_491 = arith.addf %parallel_loop3A_486, %parallel_loop3A_490 : vector<16xf32>
      %parallel_loop3A_492 = arith.constant 0.707106769 : f32
      %parallel_loop3A_493 = vector.broadcast %parallel_loop3A_492 : f32 to vector<16xf32>
      %parallel_loop3A_494 = arith.mulf %parallel_loop3A_491, %parallel_loop3A_493 : vector<16xf32>
      %parallel_loop3A_495 = arith.constant 1 : i32
      %parallel_loop3A_496 = arith.index_cast %parallel_loop3A_495 : i32 to index
      %parallel_loop3A_497 = arith.index_cast %parallel_loop3A_375 : i32 to index
      %parallel_loop3A_498 = arith.constant 80 : index
      %parallel_loop3A_499 = tpu.vector_load %arg11[%parallel_loop3A_496, %parallel_loop3A_497, %parallel_loop3A_498] {strides = array<i32>} : memref<2x200x128xf32, #tpu.memory_space<vmem>>, vector<1x1x16xf32>,
      %parallel_loop3A_500 = vector.shape_cast %parallel_loop3A_499 : vector<1x1x16xf32> to vector<16xf32>
      %parallel_loop3A_501 = vector.shape_cast %parallel_loop3A_494 : vector<16xf32> to vector<1x1x16xf32>
      tpu.vector_store %arg11[%parallel_loop3A_496, %parallel_loop3A_497, %parallel_loop3A_498], %parallel_loop3A_501 {strides = array<i32>} : memref<2x200x128xf32, #tpu.memory_space<vmem>>, vector<1x1x16xf32>,
      %parallel_loop3A_502 = arith.constant 1 : i32
      %parallel_loop3A_503 = arith.index_cast %parallel_loop3A_502 : i32 to index
      %parallel_loop3A_504 = arith.index_cast %parallel_loop3A_375 : i32 to index
      %parallel_loop3A_505 = arith.constant 96 : index
      %parallel_loop3A_506 = tpu.vector_load %arg11[%parallel_loop3A_503, %parallel_loop3A_504, %parallel_loop3A_505] {strides = array<i32>} : memref<2x200x128xf32, #tpu.memory_space<vmem>>, vector<1x1x16xf32>,
      %parallel_loop3A_507 = vector.shape_cast %parallel_loop3A_506 : vector<1x1x16xf32> to vector<16xf32>
      %parallel_loop3A_508 = arith.index_cast %parallel_loop3A_375 : i32 to index
      %parallel_loop3A_509 = arith.constant 96 : index
      %parallel_loop3A_510 = tpu.vector_load %arg6[%parallel_loop3A_508, %parallel_loop3A_509] {strides = array<i32>} : memref<200x128xf32, #tpu.memory_space<vmem>>, vector<1x16xf32>,
      %parallel_loop3A_511 = vector.shape_cast %parallel_loop3A_510 : vector<1x16xf32> to vector<16xf32>
      %parallel_loop3A_512 = arith.addf %parallel_loop3A_507, %parallel_loop3A_511 : vector<16xf32>
      %parallel_loop3A_513 = arith.constant 0.707106769 : f32
      %parallel_loop3A_514 = vector.broadcast %parallel_loop3A_513 : f32 to vector<16xf32>
      %parallel_loop3A_515 = arith.mulf %parallel_loop3A_512, %parallel_loop3A_514 : vector<16xf32>
      %parallel_loop3A_516 = arith.constant 1 : i32
      %parallel_loop3A_517 = arith.index_cast %parallel_loop3A_516 : i32 to index
      %parallel_loop3A_518 = arith.index_cast %parallel_loop3A_375 : i32 to index
      %parallel_loop3A_519 = arith.constant 96 : index
      %parallel_loop3A_520 = tpu.vector_load %arg11[%parallel_loop3A_517, %parallel_loop3A_518, %parallel_loop3A_519] {strides = array<i32>} : memref<2x200x128xf32, #tpu.memory_space<vmem>>, vector<1x1x16xf32>,
      %parallel_loop3A_521 = vector.shape_cast %parallel_loop3A_520 : vector<1x1x16xf32> to vector<16xf32>
      %parallel_loop3A_522 = vector.shape_cast %parallel_loop3A_515 : vector<16xf32> to vector<1x1x16xf32>
      tpu.vector_store %arg11[%parallel_loop3A_517, %parallel_loop3A_518, %parallel_loop3A_519], %parallel_loop3A_522 {strides = array<i32>} : memref<2x200x128xf32, #tpu.memory_space<vmem>>, vector<1x1x16xf32>,
      %parallel_loop3A_523 = arith.constant 1 : i32
      %parallel_loop3A_524 = arith.index_cast %parallel_loop3A_523 : i32 to index
      %parallel_loop3A_525 = arith.index_cast %parallel_loop3A_375 : i32 to index
      %parallel_loop3A_526 = arith.constant 112 : index
      %parallel_loop3A_527 = tpu.vector_load %arg11[%parallel_loop3A_524, %parallel_loop3A_525, %parallel_loop3A_526] {strides = array<i32>} : memref<2x200x128xf32, #tpu.memory_space<vmem>>, vector<1x1x16xf32>,
      %parallel_loop3A_528 = vector.shape_cast %parallel_loop3A_527 : vector<1x1x16xf32> to vector<16xf32>
      %parallel_loop3A_529 = arith.index_cast %parallel_loop3A_375 : i32 to index
      %parallel_loop3A_530 = arith.constant 112 : index
      %parallel_loop3A_531 = tpu.vector_load %arg6[%parallel_loop3A_529, %parallel_loop3A_530] {strides = array<i32>} : memref<200x128xf32, #tpu.memory_space<vmem>>, vector<1x16xf32>,
      %parallel_loop3A_532 = vector.shape_cast %parallel_loop3A_531 : vector<1x16xf32> to vector<16xf32>
      %parallel_loop3A_533 = arith.addf %parallel_loop3A_528, %parallel_loop3A_532 : vector<16xf32>
      %parallel_loop3A_534 = arith.constant 0.707106769 : f32
      %parallel_loop3A_535 = vector.broadcast %parallel_loop3A_534 : f32 to vector<16xf32>
      %parallel_loop3A_536 = arith.mulf %parallel_loop3A_533, %parallel_loop3A_535 : vector<16xf32>
      %parallel_loop3A_537 = arith.constant 1 : i32
      %parallel_loop3A_538 = arith.index_cast %parallel_loop3A_537 : i32 to index
      %parallel_loop3A_539 = arith.index_cast %parallel_loop3A_375 : i32 to index
      %parallel_loop3A_540 = arith.constant 112 : index
      %parallel_loop3A_541 = tpu.vector_load %arg11[%parallel_loop3A_538, %parallel_loop3A_539, %parallel_loop3A_540] {strides = array<i32>} : memref<2x200x128xf32, #tpu.memory_space<vmem>>, vector<1x1x16xf32>,
      %parallel_loop3A_542 = vector.shape_cast %parallel_loop3A_541 : vector<1x1x16xf32> to vector<16xf32>
      %parallel_loop3A_543 = vector.shape_cast %parallel_loop3A_536 : vector<16xf32> to vector<1x1x16xf32>
      tpu.vector_store %arg11[%parallel_loop3A_538, %parallel_loop3A_539, %parallel_loop3A_540], %parallel_loop3A_543 {strides = array<i32>} : memref<2x200x128xf32, #tpu.memory_space<vmem>>, vector<1x1x16xf32>,
    } {sc.loop_unroll_factor = 4 : i64, sc.parallel_access}
    %add3A_283 = arith.constant 1 : i32
    %add3A_284 = arith.addi %mul3A_2, %add3A_283 : i32
    %mul3A_285 = arith.constant 200 : i32
    %mul3A_286 = arith.muli %add3A_284, %mul3A_285 : i32
    %add3A_287 = arith.constant 128 : i32
    %add3A_288 = arith.addi %mul3A_286, %add3A_287 : i32
    %dma_start3A_289 = arith.constant 1 : i32
    %dma_start3A_290 = arith.constant 128 : i32
    %dma_start3A_291 = arith.constant 0 : i32
    %dma_start3A_292 = tpu.memref_slice %arg11[%dma_start3A_289, %dma_start3A_290, %dma_start3A_291] : memref<2x200x128xf32, #tpu.memory_space<vmem>> -> memref<1x72x128xf32, #tpu.memory_space<vmem>>
    %dma_start3A_293 = tpu.memref_squeeze %dma_start3A_292 : memref<1x72x128xf32, #tpu.memory_space<vmem>> -> memref<72x128xf32, #tpu.memory_space<vmem>>
    %dma_start3A_294 = arith.constant 0 : i32
    %dma_start3A_295 = tpu.memref_slice %arg5[%add3A_288, %dma_start3A_294] : memref<819200x128xf32, #tpu.memory_space<hbm>> -> memref<72x128xf32, #tpu.memory_space<hbm>>
    %dma_start3A_296 = arith.constant 0 : i32
    %dma_start3A_297 = tpu.memref_slice %arg5[%add3A_288, %dma_start3A_296] : memref<819200x128xf32, #tpu.memory_space<hbm>> -> memref<72x128xf32, #tpu.memory_space<hbm>>
    %dma_start3A_298 = arith.constant 128 : i32
    %dma_start3A_299 = arith.constant 0 : i32
    %dma_start3A_300 = tpu.memref_slice %arg11[%dma_start3A_289, %dma_start3A_298, %dma_start3A_299] : memref<2x200x128xf32, #tpu.memory_space<vmem>> -> memref<1x72x128xf32, #tpu.memory_space<vmem>>
    %dma_start3A_301 = tpu.memref_squeeze %dma_start3A_300 : memref<1x72x128xf32, #tpu.memory_space<vmem>> -> memref<72x128xf32, #tpu.memory_space<vmem>>
    tpu.enqueue_dma source(%dma_start3A_301 : memref<72x128xf32, #tpu.memory_space<vmem>>) target(%dma_start3A_297 : memref<72x128xf32, #tpu.memory_space<hbm>>) target_semaphore(%arg17 : memref<!tpu.dma_semaphore, #tpu.memory_space<semaphore_mem>>)
    %scan3A = arith.constant 0 : i32
    %scan3A_302 = arith.constant 1 : i32
    %scan3A_303 = arith.constant 63 : i32
    %scan3A_304 = arith.addi %scan3A_302, %scan3A_303 : i32
    %scan3A_305 = arith.constant 1 : i32
    scf.for %scan3A_375 = %scan3A_302 to %scan3A_304 step %scan3A_305  : i32 {
      %mul3A_376 = arith.constant 2 : i32
      %mul3A_377 = arith.muli %mul3A_376, %scan3A_375 : i32
      %dma_wait3A_378 = arith.constant 0 : i32
      %dma_wait3A_379 = tpu.memref_slice %arg2[%dma_wait3A_378] : memref<819600xi32, #tpu.memory_space<hbm>> -> memref<128xi32, #tpu.memory_space<hbm>>
      %dma_wait3A_380 = arith.constant 0 : i32
      %dma_wait3A_381 = tpu.memref_slice %arg2[%dma_wait3A_380] : memref<819600xi32, #tpu.memory_space<hbm>> -> memref<128xi32, #tpu.memory_space<hbm>>
      tpu.wait_dma2 semaphore(%arg19 : memref<!tpu.dma_semaphore, #tpu.memory_space<semaphore_mem>>) src(%dma_wait3A_381 : memref<128xi32, #tpu.memory_space<hbm>>) dst(%arg8 : memref<128xi32, #tpu.memory_space<vmem>>)
      %dma_wait3A_382 = arith.constant 0 : i32
      %dma_wait3A_383 = tpu.memref_slice %arg2[%dma_wait3A_382] : memref<819600xi32, #tpu.memory_space<hbm>> -> memref<72xi32, #tpu.memory_space<hbm>>
      %dma_wait3A_384 = arith.constant 0 : i32
      %dma_wait3A_385 = tpu.memref_slice %arg2[%dma_wait3A_384] : memref<819600xi32, #tpu.memory_space<hbm>> -> memref<72xi32, #tpu.memory_space<hbm>>
      tpu.wait_dma2 semaphore(%arg19 : memref<!tpu.dma_semaphore, #tpu.memory_space<semaphore_mem>>) src(%dma_wait3A_385 : memref<72xi32, #tpu.memory_space<hbm>>) dst(%arg10 : memref<72xi32, #tpu.memory_space<vmem>>)
      %dma_wait3A_386 = arith.constant 1 : i32
      %dma_wait3A_387 = arith.constant 0 : i32
      %dma_wait3A_388 = arith.constant 0 : i32
      %dma_wait3A_389 = tpu.memref_slice %arg11[%dma_wait3A_386, %dma_wait3A_387, %dma_wait3A_388] : memref<2x200x128xf32, #tpu.memory_space<vmem>> -> memref<1x128x128xf32, #tpu.memory_space<vmem>>
      %dma_wait3A_390 = tpu.memref_squeeze %dma_wait3A_389 : memref<1x128x128xf32, #tpu.memory_space<vmem>> -> memref<128x128xf32, #tpu.memory_space<vmem>>
      %dma_wait3A_391 = arith.constant 0 : i32
      %dma_wait3A_392 = arith.constant 0 : i32
      %dma_wait3A_393 = tpu.memref_slice %arg5[%dma_wait3A_391, %dma_wait3A_392] : memref<819200x128xf32, #tpu.memory_space<hbm>> -> memref<128x128xf32, #tpu.memory_space<hbm>>
      %dma_wait3A_394 = arith.constant 0 : i32
      %dma_wait3A_395 = arith.constant 0 : i32
      %dma_wait3A_396 = tpu.memref_slice %arg5[%dma_wait3A_394, %dma_wait3A_395] : memref<819200x128xf32, #tpu.memory_space<hbm>> -> memref<128x128xf32, #tpu.memory_space<hbm>>
      %dma_wait3A_397 = arith.constant 0 : i32
      %dma_wait3A_398 = arith.constant 0 : i32
      %dma_wait3A_399 = tpu.memref_slice %arg11[%dma_wait3A_386, %dma_wait3A_397, %dma_wait3A_398] : memref<2x200x128xf32, #tpu.memory_space<vmem>> -> memref<1x128x128xf32, #tpu.memory_space<vmem>>
      %dma_wait3A_400 = tpu.memref_squeeze %dma_wait3A_399 : memref<1x128x128xf32, #tpu.memory_space<vmem>> -> memref<128x128xf32, #tpu.memory_space<vmem>>
      tpu.wait_dma2 semaphore(%arg17 : memref<!tpu.dma_semaphore, #tpu.memory_space<semaphore_mem>>) src(%dma_wait3A_400 : memref<128x128xf32, #tpu.memory_space<vmem>>) dst(%dma_wait3A_396 : memref<128x128xf32, #tpu.memory_space<hbm>>)
      %dma_wait3A_401 = arith.constant 1 : i32
      %dma_wait3A_402 = arith.constant 128 : i32
      %dma_wait3A_403 = arith.constant 0 : i32
      %dma_wait3A_404 = tpu.memref_slice %arg11[%dma_wait3A_401, %dma_wait3A_402, %dma_wait3A_403] : memref<2x200x128xf32, #tpu.memory_space<vmem>> -> memref<1x72x128xf32, #tpu.memory_space<vmem>>
      %dma_wait3A_405 = tpu.memref_squeeze %dma_wait3A_404 : memref<1x72x128xf32, #tpu.memory_space<vmem>> -> memref<72x128xf32, #tpu.memory_space<vmem>>
      %dma_wait3A_406 = arith.constant 0 : i32
      %dma_wait3A_407 = arith.constant 0 : i32
      %dma_wait3A_408 = tpu.memref_slice %arg5[%dma_wait3A_406, %dma_wait3A_407] : memref<819200x128xf32, #tpu.memory_space<hbm>> -> memref<72x128xf32, #tpu.memory_space<hbm>>
      %dma_wait3A_409 = arith.constant 0 : i32
      %dma_wait3A_410 = arith.constant 0 : i32
      %dma_wait3A_411 = tpu.memref_slice %arg5[%dma_wait3A_409, %dma_wait3A_410] : memref<819200x128xf32, #tpu.memory_space<hbm>> -> memref<72x128xf32, #tpu.memory_space<hbm>>
      %dma_wait3A_412 = arith.constant 128 : i32
      %dma_wait3A_413 = arith.constant 0 : i32
      %dma_wait3A_414 = tpu.memref_slice %arg11[%dma_wait3A_401, %dma_wait3A_412, %dma_wait3A_413] : memref<2x200x128xf32, #tpu.memory_space<vmem>> -> memref<1x72x128xf32, #tpu.memory_space<vmem>>
      %dma_wait3A_415 = tpu.memref_squeeze %dma_wait3A_414 : memref<1x72x128xf32, #tpu.memory_space<vmem>> -> memref<72x128xf32, #tpu.memory_space<vmem>>
      tpu.wait_dma2 semaphore(%arg17 : memref<!tpu.dma_semaphore, #tpu.memory_space<semaphore_mem>>) src(%dma_wait3A_415 : memref<72x128xf32, #tpu.memory_space<vmem>>) dst(%dma_wait3A_411 : memref<72x128xf32, #tpu.memory_space<hbm>>)
      %dma_start3A_416 = arith.constant 1 : i32
      %dma_start3A_417 = arith.constant 0 : i32
      %dma_start3A_418 = arith.constant 0 : i32
      %dma_start3A_419 = tpu.memref_slice %arg11[%dma_start3A_416, %dma_start3A_417, %dma_start3A_418] : memref<2x200x128xf32, #tpu.memory_space<vmem>> -> memref<1x128x128xf32, #tpu.memory_space<vmem>>
      %dma_start3A_420 = tpu.memref_squeeze %dma_start3A_419 : memref<1x128x128xf32, #tpu.memory_space<vmem>> -> memref<128x128xf32, #tpu.memory_space<vmem>>
      %dma_start3A_421 = arith.constant 0 : i32
      %dma_start3A_422 = arith.constant 0 : i32
      %dma_start3A_423 = tpu.memref_slice %arg3[%dma_start3A_421, %dma_start3A_422] : memref<100000x128xf32, #tpu.memory_space<hbm>> -> memref<100000x128xf32, #tpu.memory_space<hbm>>
      tpu.enqueue_indirect_dma source(%dma_start3A_423 : memref<100000x128xf32, #tpu.memory_space<hbm>>) target(%dma_start3A_420 : memref<128x128xf32, #tpu.memory_space<vmem>>) offsets(%arg8 : memref<128xi32, #tpu.memory_space<vmem>>) semaphore(%arg13 : memref<!tpu.dma_semaphore, #tpu.memory_space<semaphore_mem>>)
      %dma_start3A_424 = arith.constant 1 : i32
      %dma_start3A_425 = arith.constant 128 : i32
      %dma_start3A_426 = arith.constant 0 : i32
      %dma_start3A_427 = tpu.memref_slice %arg11[%dma_start3A_424, %dma_start3A_425, %dma_start3A_426] : memref<2x200x128xf32, #tpu.memory_space<vmem>> -> memref<1x72x128xf32, #tpu.memory_space<vmem>>
      %dma_start3A_428 = tpu.memref_squeeze %dma_start3A_427 : memref<1x72x128xf32, #tpu.memory_space<vmem>> -> memref<72x128xf32, #tpu.memory_space<vmem>>
      %dma_start3A_429 = arith.constant 0 : i32
      %dma_start3A_430 = arith.constant 0 : i32
      %dma_start3A_431 = tpu.memref_slice %arg3[%dma_start3A_429, %dma_start3A_430] : memref<100000x128xf32, #tpu.memory_space<hbm>> -> memref<100000x128xf32, #tpu.memory_space<hbm>>
      tpu.enqueue_indirect_dma source(%dma_start3A_431 : memref<100000x128xf32, #tpu.memory_space<hbm>>) target(%dma_start3A_428 : memref<72x128xf32, #tpu.memory_space<vmem>>) offsets(%arg10 : memref<72xi32, #tpu.memory_space<vmem>>) semaphore(%arg15 : memref<!tpu.dma_semaphore, #tpu.memory_space<semaphore_mem>>)
      %dma_wait3A_432 = arith.constant 0 : i32
      %dma_wait3A_433 = arith.constant 0 : i32
      %dma_wait3A_434 = arith.constant 0 : i32
      %dma_wait3A_435 = tpu.memref_slice %arg11[%dma_wait3A_432, %dma_wait3A_433, %dma_wait3A_434] : memref<2x200x128xf32, #tpu.memory_space<vmem>> -> memref<1x128x128xf32, #tpu.memory_space<vmem>>
      %dma_wait3A_436 = tpu.memref_squeeze %dma_wait3A_435 : memref<1x128x128xf32, #tpu.memory_space<vmem>> -> memref<128x128xf32, #tpu.memory_space<vmem>>
      %dma_wait3A_437 = arith.constant 0 : i32
      %dma_wait3A_438 = arith.constant 0 : i32
      %dma_wait3A_439 = tpu.memref_slice %arg3[%dma_wait3A_437, %dma_wait3A_438] : memref<100000x128xf32, #tpu.memory_space<hbm>> -> memref<128x128xf32, #tpu.memory_space<hbm>>
      %dma_wait3A_440 = arith.constant 0 : i32
      %dma_wait3A_441 = arith.constant 0 : i32
      %dma_wait3A_442 = tpu.memref_slice %arg11[%dma_wait3A_432, %dma_wait3A_440, %dma_wait3A_441] : memref<2x200x128xf32, #tpu.memory_space<vmem>> -> memref<1x128x128xf32, #tpu.memory_space<vmem>>
      %dma_wait3A_443 = tpu.memref_squeeze %dma_wait3A_442 : memref<1x128x128xf32, #tpu.memory_space<vmem>> -> memref<128x128xf32, #tpu.memory_space<vmem>>
      %dma_wait3A_444 = arith.constant 0 : i32
      %dma_wait3A_445 = arith.constant 0 : i32
      %dma_wait3A_446 = tpu.memref_slice %arg3[%dma_wait3A_444, %dma_wait3A_445] : memref<100000x128xf32, #tpu.memory_space<hbm>> -> memref<128x128xf32, #tpu.memory_space<hbm>>
      tpu.wait_dma2 semaphore(%arg12 : memref<!tpu.dma_semaphore, #tpu.memory_space<semaphore_mem>>) src(%dma_wait3A_446 : memref<128x128xf32, #tpu.memory_space<hbm>>) dst(%dma_wait3A_443 : memref<128x128xf32, #tpu.memory_space<vmem>>)
      %add3A_447 = arith.constant 2 : i32
      %add3A_448 = arith.addi %mul3A_377, %add3A_447 : i32
      %add3A_449 = arith.addi %mul3A_2, %add3A_448 : i32
      %mul3A_450 = arith.constant 200 : i32
      %mul3A_451 = arith.muli %add3A_449, %mul3A_450 : i32
      %dma_start3A_452 = tpu.memref_slice %arg2[%mul3A_451] : memref<819600xi32, #tpu.memory_space<hbm>> -> memref<128xi32, #tpu.memory_space<hbm>>
      %dma_start3A_453 = tpu.memref_slice %arg2[%mul3A_451] : memref<819600xi32, #tpu.memory_space<hbm>> -> memref<128xi32, #tpu.memory_space<hbm>>
      tpu.enqueue_dma source(%dma_start3A_453 : memref<128xi32, #tpu.memory_space<hbm>>) target(%arg7 : memref<128xi32, #tpu.memory_space<vmem>>) target_semaphore(%arg18 : memref<!tpu.dma_semaphore, #tpu.memory_space<semaphore_mem>>)
      %parallel_loop3A_454 = arith.constant 0 : i32
      %parallel_loop3A_455 = arith.constant 128 : i32
      %parallel_loop3A_456 = arith.constant 1 : i32
      scf.for %parallel_loop3A_660 = %parallel_loop3A_454 to %parallel_loop3A_455 step %parallel_loop3A_456  : i32 {
        %parallel_loop3A_661 = arith.constant 0 : i32
        %parallel_loop3A_662 = arith.index_cast %parallel_loop3A_661 : i32 to index
        %parallel_loop3A_663 = arith.index_cast %parallel_loop3A_660 : i32 to index
        %parallel_loop3A_664 = arith.constant 0 : index
        %parallel_loop3A_665 = tpu.vector_load %arg11[%parallel_loop3A_662, %parallel_loop3A_663, %parallel_loop3A_664] {strides = array<i32>} : memref<2x200x128xf32, #tpu.memory_space<vmem>>, vector<1x1x16xf32>,
        %parallel_loop3A_666 = vector.shape_cast %parallel_loop3A_665 : vector<1x1x16xf32> to vector<16xf32>
        %parallel_loop3A_667 = arith.index_cast %parallel_loop3A_660 : i32 to index
        %parallel_loop3A_668 = arith.constant 0 : index
        %parallel_loop3A_669 = tpu.vector_load %arg6[%parallel_loop3A_667, %parallel_loop3A_668] {strides = array<i32>} : memref<200x128xf32, #tpu.memory_space<vmem>>, vector<1x16xf32>,
        %parallel_loop3A_670 = vector.shape_cast %parallel_loop3A_669 : vector<1x16xf32> to vector<16xf32>
        %parallel_loop3A_671 = arith.addf %parallel_loop3A_666, %parallel_loop3A_670 : vector<16xf32>
        %parallel_loop3A_672 = arith.constant 0.707106769 : f32
        %parallel_loop3A_673 = vector.broadcast %parallel_loop3A_672 : f32 to vector<16xf32>
        %parallel_loop3A_674 = arith.mulf %parallel_loop3A_671, %parallel_loop3A_673 : vector<16xf32>
        %parallel_loop3A_675 = arith.constant 0 : i32
        %parallel_loop3A_676 = arith.index_cast %parallel_loop3A_675 : i32 to index
        %parallel_loop3A_677 = arith.index_cast %parallel_loop3A_660 : i32 to index
        %parallel_loop3A_678 = arith.constant 0 : index
        %parallel_loop3A_679 = tpu.vector_load %arg11[%parallel_loop3A_676, %parallel_loop3A_677, %parallel_loop3A_678] {strides = array<i32>} : memref<2x200x128xf32, #tpu.memory_space<vmem>>, vector<1x1x16xf32>,
        %parallel_loop3A_680 = vector.shape_cast %parallel_loop3A_679 : vector<1x1x16xf32> to vector<16xf32>
        %parallel_loop3A_681 = vector.shape_cast %parallel_loop3A_674 : vector<16xf32> to vector<1x1x16xf32>
        tpu.vector_store %arg11[%parallel_loop3A_676, %parallel_loop3A_677, %parallel_loop3A_678], %parallel_loop3A_681 {strides = array<i32>} : memref<2x200x128xf32, #tpu.memory_space<vmem>>, vector<1x1x16xf32>,
        %parallel_loop3A_682 = arith.constant 0 : i32
        %parallel_loop3A_683 = arith.index_cast %parallel_loop3A_682 : i32 to index
        %parallel_loop3A_684 = arith.index_cast %parallel_loop3A_660 : i32 to index
        %parallel_loop3A_685 = arith.constant 16 : index
        %parallel_loop3A_686 = tpu.vector_load %arg11[%parallel_loop3A_683, %parallel_loop3A_684, %parallel_loop3A_685] {strides = array<i32>} : memref<2x200x128xf32, #tpu.memory_space<vmem>>, vector<1x1x16xf32>,
        %parallel_loop3A_687 = vector.shape_cast %parallel_loop3A_686 : vector<1x1x16xf32> to vector<16xf32>
        %parallel_loop3A_688 = arith.index_cast %parallel_loop3A_660 : i32 to index
        %parallel_loop3A_689 = arith.constant 16 : index
        %parallel_loop3A_690 = tpu.vector_load %arg6[%parallel_loop3A_688, %parallel_loop3A_689] {strides = array<i32>} : memref<200x128xf32, #tpu.memory_space<vmem>>, vector<1x16xf32>,
        %parallel_loop3A_691 = vector.shape_cast %parallel_loop3A_690 : vector<1x16xf32> to vector<16xf32>
        %parallel_loop3A_692 = arith.addf %parallel_loop3A_687, %parallel_loop3A_691 : vector<16xf32>
        %parallel_loop3A_693 = arith.constant 0.707106769 : f32
        %parallel_loop3A_694 = vector.broadcast %parallel_loop3A_693 : f32 to vector<16xf32>
        %parallel_loop3A_695 = arith.mulf %parallel_loop3A_692, %parallel_loop3A_694 : vector<16xf32>
        %parallel_loop3A_696 = arith.constant 0 : i32
        %parallel_loop3A_697 = arith.index_cast %parallel_loop3A_696 : i32 to index
        %parallel_loop3A_698 = arith.index_cast %parallel_loop3A_660 : i32 to index
        %parallel_loop3A_699 = arith.constant 16 : index
        %parallel_loop3A_700 = tpu.vector_load %arg11[%parallel_loop3A_697, %parallel_loop3A_698, %parallel_loop3A_699] {strides = array<i32>} : memref<2x200x128xf32, #tpu.memory_space<vmem>>, vector<1x1x16xf32>,
        %parallel_loop3A_701 = vector.shape_cast %parallel_loop3A_700 : vector<1x1x16xf32> to vector<16xf32>
        %parallel_loop3A_702 = vector.shape_cast %parallel_loop3A_695 : vector<16xf32> to vector<1x1x16xf32>
        tpu.vector_store %arg11[%parallel_loop3A_697, %parallel_loop3A_698, %parallel_loop3A_699], %parallel_loop3A_702 {strides = array<i32>} : memref<2x200x128xf32, #tpu.memory_space<vmem>>, vector<1x1x16xf32>,
        %parallel_loop3A_703 = arith.constant 0 : i32
        %parallel_loop3A_704 = arith.index_cast %parallel_loop3A_703 : i32 to index
        %parallel_loop3A_705 = arith.index_cast %parallel_loop3A_660 : i32 to index
        %parallel_loop3A_706 = arith.constant 32 : index
        %parallel_loop3A_707 = tpu.vector_load %arg11[%parallel_loop3A_704, %parallel_loop3A_705, %parallel_loop3A_706] {strides = array<i32>} : memref<2x200x128xf32, #tpu.memory_space<vmem>>, vector<1x1x16xf32>,
        %parallel_loop3A_708 = vector.shape_cast %parallel_loop3A_707 : vector<1x1x16xf32> to vector<16xf32>
        %parallel_loop3A_709 = arith.index_cast %parallel_loop3A_660 : i32 to index
        %parallel_loop3A_710 = arith.constant 32 : index
        %parallel_loop3A_711 = tpu.vector_load %arg6[%parallel_loop3A_709, %parallel_loop3A_710] {strides = array<i32>} : memref<200x128xf32, #tpu.memory_space<vmem>>, vector<1x16xf32>,
        %parallel_loop3A_712 = vector.shape_cast %parallel_loop3A_711 : vector<1x16xf32> to vector<16xf32>
        %parallel_loop3A_713 = arith.addf %parallel_loop3A_708, %parallel_loop3A_712 : vector<16xf32>
        %parallel_loop3A_714 = arith.constant 0.707106769 : f32
        %parallel_loop3A_715 = vector.broadcast %parallel_loop3A_714 : f32 to vector<16xf32>
        %parallel_loop3A_716 = arith.mulf %parallel_loop3A_713, %parallel_loop3A_715 : vector<16xf32>
        %parallel_loop3A_717 = arith.constant 0 : i32
        %parallel_loop3A_718 = arith.index_cast %parallel_loop3A_717 : i32 to index
        %parallel_loop3A_719 = arith.index_cast %parallel_loop3A_660 : i32 to index
        %parallel_loop3A_720 = arith.constant 32 : index
        %parallel_loop3A_721 = tpu.vector_load %arg11[%parallel_loop3A_718, %parallel_loop3A_719, %parallel_loop3A_720] {strides = array<i32>} : memref<2x200x128xf32, #tpu.memory_space<vmem>>, vector<1x1x16xf32>,
        %parallel_loop3A_722 = vector.shape_cast %parallel_loop3A_721 : vector<1x1x16xf32> to vector<16xf32>
        %parallel_loop3A_723 = vector.shape_cast %parallel_loop3A_716 : vector<16xf32> to vector<1x1x16xf32>
        tpu.vector_store %arg11[%parallel_loop3A_718, %parallel_loop3A_719, %parallel_loop3A_720], %parallel_loop3A_723 {strides = array<i32>} : memref<2x200x128xf32, #tpu.memory_space<vmem>>, vector<1x1x16xf32>,
        %parallel_loop3A_724 = arith.constant 0 : i32
        %parallel_loop3A_725 = arith.index_cast %parallel_loop3A_724 : i32 to index
        %parallel_loop3A_726 = arith.index_cast %parallel_loop3A_660 : i32 to index
        %parallel_loop3A_727 = arith.constant 48 : index
        %parallel_loop3A_728 = tpu.vector_load %arg11[%parallel_loop3A_725, %parallel_loop3A_726, %parallel_loop3A_727] {strides = array<i32>} : memref<2x200x128xf32, #tpu.memory_space<vmem>>, vector<1x1x16xf32>,
        %parallel_loop3A_729 = vector.shape_cast %parallel_loop3A_728 : vector<1x1x16xf32> to vector<16xf32>
        %parallel_loop3A_730 = arith.index_cast %parallel_loop3A_660 : i32 to index
        %parallel_loop3A_731 = arith.constant 48 : index
        %parallel_loop3A_732 = tpu.vector_load %arg6[%parallel_loop3A_730, %parallel_loop3A_731] {strides = array<i32>} : memref<200x128xf32, #tpu.memory_space<vmem>>, vector<1x16xf32>,
        %parallel_loop3A_733 = vector.shape_cast %parallel_loop3A_732 : vector<1x16xf32> to vector<16xf32>
        %parallel_loop3A_734 = arith.addf %parallel_loop3A_729, %parallel_loop3A_733 : vector<16xf32>
        %parallel_loop3A_735 = arith.constant 0.707106769 : f32
        %parallel_loop3A_736 = vector.broadcast %parallel_loop3A_735 : f32 to vector<16xf32>
        %parallel_loop3A_737 = arith.mulf %parallel_loop3A_734, %parallel_loop3A_736 : vector<16xf32>
        %parallel_loop3A_738 = arith.constant 0 : i32
        %parallel_loop3A_739 = arith.index_cast %parallel_loop3A_738 : i32 to index
        %parallel_loop3A_740 = arith.index_cast %parallel_loop3A_660 : i32 to index
        %parallel_loop3A_741 = arith.constant 48 : index
        %parallel_loop3A_742 = tpu.vector_load %arg11[%parallel_loop3A_739, %parallel_loop3A_740, %parallel_loop3A_741] {strides = array<i32>} : memref<2x200x128xf32, #tpu.memory_space<vmem>>, vector<1x1x16xf32>,
        %parallel_loop3A_743 = vector.shape_cast %parallel_loop3A_742 : vector<1x1x16xf32> to vector<16xf32>
        %parallel_loop3A_744 = vector.shape_cast %parallel_loop3A_737 : vector<16xf32> to vector<1x1x16xf32>
        tpu.vector_store %arg11[%parallel_loop3A_739, %parallel_loop3A_740, %parallel_loop3A_741], %parallel_loop3A_744 {strides = array<i32>} : memref<2x200x128xf32, #tpu.memory_space<vmem>>, vector<1x1x16xf32>,
        %parallel_loop3A_745 = arith.constant 0 : i32
        %parallel_loop3A_746 = arith.index_cast %parallel_loop3A_745 : i32 to index
        %parallel_loop3A_747 = arith.index_cast %parallel_loop3A_660 : i32 to index
        %parallel_loop3A_748 = arith.constant 64 : index
        %parallel_loop3A_749 = tpu.vector_load %arg11[%parallel_loop3A_746, %parallel_loop3A_747, %parallel_loop3A_748] {strides = array<i32>} : memref<2x200x128xf32, #tpu.memory_space<vmem>>, vector<1x1x16xf32>,
        %parallel_loop3A_750 = vector.shape_cast %parallel_loop3A_749 : vector<1x1x16xf32> to vector<16xf32>
        %parallel_loop3A_751 = arith.index_cast %parallel_loop3A_660 : i32 to index
        %parallel_loop3A_752 = arith.constant 64 : index
        %parallel_loop3A_753 = tpu.vector_load %arg6[%parallel_loop3A_751, %parallel_loop3A_752] {strides = array<i32>} : memref<200x128xf32, #tpu.memory_space<vmem>>, vector<1x16xf32>,
        %parallel_loop3A_754 = vector.shape_cast %parallel_loop3A_753 : vector<1x16xf32> to vector<16xf32>
        %parallel_loop3A_755 = arith.addf %parallel_loop3A_750, %parallel_loop3A_754 : vector<16xf32>
        %parallel_loop3A_756 = arith.constant 0.707106769 : f32
        %parallel_loop3A_757 = vector.broadcast %parallel_loop3A_756 : f32 to vector<16xf32>
        %parallel_loop3A_758 = arith.mulf %parallel_loop3A_755, %parallel_loop3A_757 : vector<16xf32>
        %parallel_loop3A_759 = arith.constant 0 : i32
        %parallel_loop3A_760 = arith.index_cast %parallel_loop3A_759 : i32 to index
        %parallel_loop3A_761 = arith.index_cast %parallel_loop3A_660 : i32 to index
        %parallel_loop3A_762 = arith.constant 64 : index
        %parallel_loop3A_763 = tpu.vector_load %arg11[%parallel_loop3A_760, %parallel_loop3A_761, %parallel_loop3A_762] {strides = array<i32>} : memref<2x200x128xf32, #tpu.memory_space<vmem>>, vector<1x1x16xf32>,
        %parallel_loop3A_764 = vector.shape_cast %parallel_loop3A_763 : vector<1x1x16xf32> to vector<16xf32>
        %parallel_loop3A_765 = vector.shape_cast %parallel_loop3A_758 : vector<16xf32> to vector<1x1x16xf32>
        tpu.vector_store %arg11[%parallel_loop3A_760, %parallel_loop3A_761, %parallel_loop3A_762], %parallel_loop3A_765 {strides = array<i32>} : memref<2x200x128xf32, #tpu.memory_space<vmem>>, vector<1x1x16xf32>,
        %parallel_loop3A_766 = arith.constant 0 : i32
        %parallel_loop3A_767 = arith.index_cast %parallel_loop3A_766 : i32 to index
        %parallel_loop3A_768 = arith.index_cast %parallel_loop3A_660 : i32 to index
        %parallel_loop3A_769 = arith.constant 80 : index
        %parallel_loop3A_770 = tpu.vector_load %arg11[%parallel_loop3A_767, %parallel_loop3A_768, %parallel_loop3A_769] {strides = array<i32>} : memref<2x200x128xf32, #tpu.memory_space<vmem>>, vector<1x1x16xf32>,
        %parallel_loop3A_771 = vector.shape_cast %parallel_loop3A_770 : vector<1x1x16xf32> to vector<16xf32>
        %parallel_loop3A_772 = arith.index_cast %parallel_loop3A_660 : i32 to index
        %parallel_loop3A_773 = arith.constant 80 : index
        %parallel_loop3A_774 = tpu.vector_load %arg6[%parallel_loop3A_772, %parallel_loop3A_773] {strides = array<i32>} : memref<200x128xf32, #tpu.memory_space<vmem>>, vector<1x16xf32>,
        %parallel_loop3A_775 = vector.shape_cast %parallel_loop3A_774 : vector<1x16xf32> to vector<16xf32>
        %parallel_loop3A_776 = arith.addf %parallel_loop3A_771, %parallel_loop3A_775 : vector<16xf32>
        %parallel_loop3A_777 = arith.constant 0.707106769 : f32
        %parallel_loop3A_778 = vector.broadcast %parallel_loop3A_777 : f32 to vector<16xf32>
        %parallel_loop3A_779 = arith.mulf %parallel_loop3A_776, %parallel_loop3A_778 : vector<16xf32>
        %parallel_loop3A_780 = arith.constant 0 : i32
        %parallel_loop3A_781 = arith.index_cast %parallel_loop3A_780 : i32 to index
        %parallel_loop3A_782 = arith.index_cast %parallel_loop3A_660 : i32 to index
        %parallel_loop3A_783 = arith.constant 80 : index
        %parallel_loop3A_784 = tpu.vector_load %arg11[%parallel_loop3A_781, %parallel_loop3A_782, %parallel_loop3A_783] {strides = array<i32>} : memref<2x200x128xf32, #tpu.memory_space<vmem>>, vector<1x1x16xf32>,
        %parallel_loop3A_785 = vector.shape_cast %parallel_loop3A_784 : vector<1x1x16xf32> to vector<16xf32>
        %parallel_loop3A_786 = vector.shape_cast %parallel_loop3A_779 : vector<16xf32> to vector<1x1x16xf32>
        tpu.vector_store %arg11[%parallel_loop3A_781, %parallel_loop3A_782, %parallel_loop3A_783], %parallel_loop3A_786 {strides = array<i32>} : memref<2x200x128xf32, #tpu.memory_space<vmem>>, vector<1x1x16xf32>,
        %parallel_loop3A_787 = arith.constant 0 : i32
        %parallel_loop3A_788 = arith.index_cast %parallel_loop3A_787 : i32 to index
        %parallel_loop3A_789 = arith.index_cast %parallel_loop3A_660 : i32 to index
        %parallel_loop3A_790 = arith.constant 96 : index
        %parallel_loop3A_791 = tpu.vector_load %arg11[%parallel_loop3A_788, %parallel_loop3A_789, %parallel_loop3A_790] {strides = array<i32>} : memref<2x200x128xf32, #tpu.memory_space<vmem>>, vector<1x1x16xf32>,
        %parallel_loop3A_792 = vector.shape_cast %parallel_loop3A_791 : vector<1x1x16xf32> to vector<16xf32>
        %parallel_loop3A_793 = arith.index_cast %parallel_loop3A_660 : i32 to index
        %parallel_loop3A_794 = arith.constant 96 : index
        %parallel_loop3A_795 = tpu.vector_load %arg6[%parallel_loop3A_793, %parallel_loop3A_794] {strides = array<i32>} : memref<200x128xf32, #tpu.memory_space<vmem>>, vector<1x16xf32>,
        %parallel_loop3A_796 = vector.shape_cast %parallel_loop3A_795 : vector<1x16xf32> to vector<16xf32>
        %parallel_loop3A_797 = arith.addf %parallel_loop3A_792, %parallel_loop3A_796 : vector<16xf32>
        %parallel_loop3A_798 = arith.constant 0.707106769 : f32
        %parallel_loop3A_799 = vector.broadcast %parallel_loop3A_798 : f32 to vector<16xf32>
        %parallel_loop3A_800 = arith.mulf %parallel_loop3A_797, %parallel_loop3A_799 : vector<16xf32>
        %parallel_loop3A_801 = arith.constant 0 : i32
        %parallel_loop3A_802 = arith.index_cast %parallel_loop3A_801 : i32 to index
        %parallel_loop3A_803 = arith.index_cast %parallel_loop3A_660 : i32 to index
        %parallel_loop3A_804 = arith.constant 96 : index
        %parallel_loop3A_805 = tpu.vector_load %arg11[%parallel_loop3A_802, %parallel_loop3A_803, %parallel_loop3A_804] {strides = array<i32>} : memref<2x200x128xf32, #tpu.memory_space<vmem>>, vector<1x1x16xf32>,
        %parallel_loop3A_806 = vector.shape_cast %parallel_loop3A_805 : vector<1x1x16xf32> to vector<16xf32>
        %parallel_loop3A_807 = vector.shape_cast %parallel_loop3A_800 : vector<16xf32> to vector<1x1x16xf32>
        tpu.vector_store %arg11[%parallel_loop3A_802, %parallel_loop3A_803, %parallel_loop3A_804], %parallel_loop3A_807 {strides = array<i32>} : memref<2x200x128xf32, #tpu.memory_space<vmem>>, vector<1x1x16xf32>,
        %parallel_loop3A_808 = arith.constant 0 : i32
        %parallel_loop3A_809 = arith.index_cast %parallel_loop3A_808 : i32 to index
        %parallel_loop3A_810 = arith.index_cast %parallel_loop3A_660 : i32 to index
        %parallel_loop3A_811 = arith.constant 112 : index
        %parallel_loop3A_812 = tpu.vector_load %arg11[%parallel_loop3A_809, %parallel_loop3A_810, %parallel_loop3A_811] {strides = array<i32>} : memref<2x200x128xf32, #tpu.memory_space<vmem>>, vector<1x1x16xf32>,
        %parallel_loop3A_813 = vector.shape_cast %parallel_loop3A_812 : vector<1x1x16xf32> to vector<16xf32>
        %parallel_loop3A_814 = arith.index_cast %parallel_loop3A_660 : i32 to index
        %parallel_loop3A_815 = arith.constant 112 : index
        %parallel_loop3A_816 = tpu.vector_load %arg6[%parallel_loop3A_814, %parallel_loop3A_815] {strides = array<i32>} : memref<200x128xf32, #tpu.memory_space<vmem>>, vector<1x16xf32>,
        %parallel_loop3A_817 = vector.shape_cast %parallel_loop3A_816 : vector<1x16xf32> to vector<16xf32>
        %parallel_loop3A_818 = arith.addf %parallel_loop3A_813, %parallel_loop3A_817 : vector<16xf32>
        %parallel_loop3A_819 = arith.constant 0.707106769 : f32
        %parallel_loop3A_820 = vector.broadcast %parallel_loop3A_819 : f32 to vector<16xf32>
        %parallel_loop3A_821 = arith.mulf %parallel_loop3A_818, %parallel_loop3A_820 : vector<16xf32>
        %parallel_loop3A_822 = arith.constant 0 : i32
        %parallel_loop3A_823 = arith.index_cast %parallel_loop3A_822 : i32 to index
        %parallel_loop3A_824 = arith.index_cast %parallel_loop3A_660 : i32 to index
        %parallel_loop3A_825 = arith.constant 112 : index
        %parallel_loop3A_826 = tpu.vector_load %arg11[%parallel_loop3A_823, %parallel_loop3A_824, %parallel_loop3A_825] {strides = array<i32>} : memref<2x200x128xf32, #tpu.memory_space<vmem>>, vector<1x1x16xf32>,
        %parallel_loop3A_827 = vector.shape_cast %parallel_loop3A_826 : vector<1x1x16xf32> to vector<16xf32>
        %parallel_loop3A_828 = vector.shape_cast %parallel_loop3A_821 : vector<16xf32> to vector<1x1x16xf32>
        tpu.vector_store %arg11[%parallel_loop3A_823, %parallel_loop3A_824, %parallel_loop3A_825], %parallel_loop3A_828 {strides = array<i32>} : memref<2x200x128xf32, #tpu.memory_space<vmem>>, vector<1x1x16xf32>,
      } {sc.loop_unroll_factor = 4 : i64, sc.parallel_access}
      %add3A_457 = arith.addi %mul3A_2, %mul3A_377 : i32
      %mul3A_458 = arith.constant 200 : i32
      %mul3A_459 = arith.muli %add3A_457, %mul3A_458 : i32
      %dma_start3A_460 = arith.constant 0 : i32
      %dma_start3A_461 = arith.constant 0 : i32
      %dma_start3A_462 = arith.constant 0 : i32
      %dma_start3A_463 = tpu.memref_slice %arg11[%dma_start3A_460, %dma_start3A_461, %dma_start3A_462] : memref<2x200x128xf32, #tpu.memory_space<vmem>> -> memref<1x128x128xf32, #tpu.memory_space<vmem>>
      %dma_start3A_464 = tpu.memref_squeeze %dma_start3A_463 : memref<1x128x128xf32, #tpu.memory_space<vmem>> -> memref<128x128xf32, #tpu.memory_space<vmem>>
      %dma_start3A_465 = arith.constant 0 : i32
      %dma_start3A_466 = tpu.memref_slice %arg5[%mul3A_459, %dma_start3A_465] : memref<819200x128xf32, #tpu.memory_space<hbm>> -> memref<128x128xf32, #tpu.memory_space<hbm>>
      %dma_start3A_467 = arith.constant 0 : i32
      %dma_start3A_468 = tpu.memref_slice %arg5[%mul3A_459, %dma_start3A_467] : memref<819200x128xf32, #tpu.memory_space<hbm>> -> memref<128x128xf32, #tpu.memory_space<hbm>>
      %dma_start3A_469 = arith.constant 0 : i32
      %dma_start3A_470 = arith.constant 0 : i32
      %dma_start3A_471 = tpu.memref_slice %arg11[%dma_start3A_460, %dma_start3A_469, %dma_start3A_470] : memref<2x200x128xf32, #tpu.memory_space<vmem>> -> memref<1x128x128xf32, #tpu.memory_space<vmem>>
      %dma_start3A_472 = tpu.memref_squeeze %dma_start3A_471 : memref<1x128x128xf32, #tpu.memory_space<vmem>> -> memref<128x128xf32, #tpu.memory_space<vmem>>
      tpu.enqueue_dma source(%dma_start3A_472 : memref<128x128xf32, #tpu.memory_space<vmem>>) target(%dma_start3A_468 : memref<128x128xf32, #tpu.memory_space<hbm>>) target_semaphore(%arg16 : memref<!tpu.dma_semaphore, #tpu.memory_space<semaphore_mem>>)
      %dma_wait3A_473 = arith.constant 0 : i32
      %dma_wait3A_474 = arith.constant 128 : i32
      %dma_wait3A_475 = arith.constant 0 : i32
      %dma_wait3A_476 = tpu.memref_slice %arg11[%dma_wait3A_473, %dma_wait3A_474, %dma_wait3A_475] : memref<2x200x128xf32, #tpu.memory_space<vmem>> -> memref<1x72x128xf32, #tpu.memory_space<vmem>>
      %dma_wait3A_477 = tpu.memref_squeeze %dma_wait3A_476 : memref<1x72x128xf32, #tpu.memory_space<vmem>> -> memref<72x128xf32, #tpu.memory_space<vmem>>
      %dma_wait3A_478 = arith.constant 0 : i32
      %dma_wait3A_479 = arith.constant 0 : i32
      %dma_wait3A_480 = tpu.memref_slice %arg3[%dma_wait3A_478, %dma_wait3A_479] : memref<100000x128xf32, #tpu.memory_space<hbm>> -> memref<72x128xf32, #tpu.memory_space<hbm>>
      %dma_wait3A_481 = arith.constant 128 : i32
      %dma_wait3A_482 = arith.constant 0 : i32
      %dma_wait3A_483 = tpu.memref_slice %arg11[%dma_wait3A_473, %dma_wait3A_481, %dma_wait3A_482] : memref<2x200x128xf32, #tpu.memory_space<vmem>> -> memref<1x72x128xf32, #tpu.memory_space<vmem>>
      %dma_wait3A_484 = tpu.memref_squeeze %dma_wait3A_483 : memref<1x72x128xf32, #tpu.memory_space<vmem>> -> memref<72x128xf32, #tpu.memory_space<vmem>>
      %dma_wait3A_485 = arith.constant 0 : i32
      %dma_wait3A_486 = arith.constant 0 : i32
      %dma_wait3A_487 = tpu.memref_slice %arg3[%dma_wait3A_485, %dma_wait3A_486] : memref<100000x128xf32, #tpu.memory_space<hbm>> -> memref<72x128xf32, #tpu.memory_space<hbm>>
      tpu.wait_dma2 semaphore(%arg14 : memref<!tpu.dma_semaphore, #tpu.memory_space<semaphore_mem>>) src(%dma_wait3A_487 : memref<72x128xf32, #tpu.memory_space<hbm>>) dst(%dma_wait3A_484 : memref<72x128xf32, #tpu.memory_space<vmem>>)
      %add3A_488 = arith.constant 2 : i32
      %add3A_489 = arith.addi %mul3A_377, %add3A_488 : i32
      %add3A_490 = arith.addi %mul3A_2, %add3A_489 : i32
      %mul3A_491 = arith.constant 200 : i32
      %mul3A_492 = arith.muli %add3A_490, %mul3A_491 : i32
      %add3A_493 = arith.constant 128 : i32
      %add3A_494 = arith.addi %mul3A_492, %add3A_493 : i32
      %dma_start3A_495 = tpu.memref_slice %arg2[%add3A_494] : memref<819600xi32, #tpu.memory_space<hbm>> -> memref<72xi32, #tpu.memory_space<hbm>>
      %dma_start3A_496 = tpu.memref_slice %arg2[%add3A_494] : memref<819600xi32, #tpu.memory_space<hbm>> -> memref<72xi32, #tpu.memory_space<hbm>>
      tpu.enqueue_dma source(%dma_start3A_496 : memref<72xi32, #tpu.memory_space<hbm>>) target(%arg9 : memref<72xi32, #tpu.memory_space<vmem>>) target_semaphore(%arg18 : memref<!tpu.dma_semaphore, #tpu.memory_space<semaphore_mem>>)
      %parallel_loop3A_497 = arith.constant 128 : i32
      %parallel_loop3A_498 = arith.constant 200 : i32
      %parallel_loop3A_499 = arith.constant 1 : i32
      scf.for %parallel_loop3A_660 = %parallel_loop3A_497 to %parallel_loop3A_498 step %parallel_loop3A_499  : i32 {
        %parallel_loop3A_661 = arith.constant 0 : i32
        %parallel_loop3A_662 = arith.index_cast %parallel_loop3A_661 : i32 to index
        %parallel_loop3A_663 = arith.index_cast %parallel_loop3A_660 : i32 to index
        %parallel_loop3A_664 = arith.constant 0 : index
        %parallel_loop3A_665 = tpu.vector_load %arg11[%parallel_loop3A_662, %parallel_loop3A_663, %parallel_loop3A_664] {strides = array<i32>} : memref<2x200x128xf32, #tpu.memory_space<vmem>>, vector<1x1x16xf32>,
        %parallel_loop3A_666 = vector.shape_cast %parallel_loop3A_665 : vector<1x1x16xf32> to vector<16xf32>
        %parallel_loop3A_667 = arith.index_cast %parallel_loop3A_660 : i32 to index
        %parallel_loop3A_668 = arith.constant 0 : index
        %parallel_loop3A_669 = tpu.vector_load %arg6[%parallel_loop3A_667, %parallel_loop3A_668] {strides = array<i32>} : memref<200x128xf32, #tpu.memory_space<vmem>>, vector<1x16xf32>,
        %parallel_loop3A_670 = vector.shape_cast %parallel_loop3A_669 : vector<1x16xf32> to vector<16xf32>
        %parallel_loop3A_671 = arith.addf %parallel_loop3A_666, %parallel_loop3A_670 : vector<16xf32>
        %parallel_loop3A_672 = arith.constant 0.707106769 : f32
        %parallel_loop3A_673 = vector.broadcast %parallel_loop3A_672 : f32 to vector<16xf32>
        %parallel_loop3A_674 = arith.mulf %parallel_loop3A_671, %parallel_loop3A_673 : vector<16xf32>
        %parallel_loop3A_675 = arith.constant 0 : i32
        %parallel_loop3A_676 = arith.index_cast %parallel_loop3A_675 : i32 to index
        %parallel_loop3A_677 = arith.index_cast %parallel_loop3A_660 : i32 to index
        %parallel_loop3A_678 = arith.constant 0 : index
        %parallel_loop3A_679 = tpu.vector_load %arg11[%parallel_loop3A_676, %parallel_loop3A_677, %parallel_loop3A_678] {strides = array<i32>} : memref<2x200x128xf32, #tpu.memory_space<vmem>>, vector<1x1x16xf32>,
        %parallel_loop3A_680 = vector.shape_cast %parallel_loop3A_679 : vector<1x1x16xf32> to vector<16xf32>
        %parallel_loop3A_681 = vector.shape_cast %parallel_loop3A_674 : vector<16xf32> to vector<1x1x16xf32>
        tpu.vector_store %arg11[%parallel_loop3A_676, %parallel_loop3A_677, %parallel_loop3A_678], %parallel_loop3A_681 {strides = array<i32>} : memref<2x200x128xf32, #tpu.memory_space<vmem>>, vector<1x1x16xf32>,
        %parallel_loop3A_682 = arith.constant 0 : i32
        %parallel_loop3A_683 = arith.index_cast %parallel_loop3A_682 : i32 to index
        %parallel_loop3A_684 = arith.index_cast %parallel_loop3A_660 : i32 to index
        %parallel_loop3A_685 = arith.constant 16 : index
        %parallel_loop3A_686 = tpu.vector_load %arg11[%parallel_loop3A_683, %parallel_loop3A_684, %parallel_loop3A_685] {strides = array<i32>} : memref<2x200x128xf32, #tpu.memory_space<vmem>>, vector<1x1x16xf32>,
        %parallel_loop3A_687 = vector.shape_cast %parallel_loop3A_686 : vector<1x1x16xf32> to vector<16xf32>
        %parallel_loop3A_688 = arith.index_cast %parallel_loop3A_660 : i32 to index
        %parallel_loop3A_689 = arith.constant 16 : index
        %parallel_loop3A_690 = tpu.vector_load %arg6[%parallel_loop3A_688, %parallel_loop3A_689] {strides = array<i32>} : memref<200x128xf32, #tpu.memory_space<vmem>>, vector<1x16xf32>,
        %parallel_loop3A_691 = vector.shape_cast %parallel_loop3A_690 : vector<1x16xf32> to vector<16xf32>
        %parallel_loop3A_692 = arith.addf %parallel_loop3A_687, %parallel_loop3A_691 : vector<16xf32>
        %parallel_loop3A_693 = arith.constant 0.707106769 : f32
        %parallel_loop3A_694 = vector.broadcast %parallel_loop3A_693 : f32 to vector<16xf32>
        %parallel_loop3A_695 = arith.mulf %parallel_loop3A_692, %parallel_loop3A_694 : vector<16xf32>
        %parallel_loop3A_696 = arith.constant 0 : i32
        %parallel_loop3A_697 = arith.index_cast %parallel_loop3A_696 : i32 to index
        %parallel_loop3A_698 = arith.index_cast %parallel_loop3A_660 : i32 to index
        %parallel_loop3A_699 = arith.constant 16 : index
        %parallel_loop3A_700 = tpu.vector_load %arg11[%parallel_loop3A_697, %parallel_loop3A_698, %parallel_loop3A_699] {strides = array<i32>} : memref<2x200x128xf32, #tpu.memory_space<vmem>>, vector<1x1x16xf32>,
        %parallel_loop3A_701 = vector.shape_cast %parallel_loop3A_700 : vector<1x1x16xf32> to vector<16xf32>
        %parallel_loop3A_702 = vector.shape_cast %parallel_loop3A_695 : vector<16xf32> to vector<1x1x16xf32>
        tpu.vector_store %arg11[%parallel_loop3A_697, %parallel_loop3A_698, %parallel_loop3A_699], %parallel_loop3A_702 {strides = array<i32>} : memref<2x200x128xf32, #tpu.memory_space<vmem>>, vector<1x1x16xf32>,
        %parallel_loop3A_703 = arith.constant 0 : i32
        %parallel_loop3A_704 = arith.index_cast %parallel_loop3A_703 : i32 to index
        %parallel_loop3A_705 = arith.index_cast %parallel_loop3A_660 : i32 to index
        %parallel_loop3A_706 = arith.constant 32 : index
        %parallel_loop3A_707 = tpu.vector_load %arg11[%parallel_loop3A_704, %parallel_loop3A_705, %parallel_loop3A_706] {strides = array<i32>} : memref<2x200x128xf32, #tpu.memory_space<vmem>>, vector<1x1x16xf32>,
        %parallel_loop3A_708 = vector.shape_cast %parallel_loop3A_707 : vector<1x1x16xf32> to vector<16xf32>
        %parallel_loop3A_709 = arith.index_cast %parallel_loop3A_660 : i32 to index
        %parallel_loop3A_710 = arith.constant 32 : index
        %parallel_loop3A_711 = tpu.vector_load %arg6[%parallel_loop3A_709, %parallel_loop3A_710] {strides = array<i32>} : memref<200x128xf32, #tpu.memory_space<vmem>>, vector<1x16xf32>,
        %parallel_loop3A_712 = vector.shape_cast %parallel_loop3A_711 : vector<1x16xf32> to vector<16xf32>
        %parallel_loop3A_713 = arith.addf %parallel_loop3A_708, %parallel_loop3A_712 : vector<16xf32>
        %parallel_loop3A_714 = arith.constant 0.707106769 : f32
        %parallel_loop3A_715 = vector.broadcast %parallel_loop3A_714 : f32 to vector<16xf32>
        %parallel_loop3A_716 = arith.mulf %parallel_loop3A_713, %parallel_loop3A_715 : vector<16xf32>
        %parallel_loop3A_717 = arith.constant 0 : i32
        %parallel_loop3A_718 = arith.index_cast %parallel_loop3A_717 : i32 to index
        %parallel_loop3A_719 = arith.index_cast %parallel_loop3A_660 : i32 to index
        %parallel_loop3A_720 = arith.constant 32 : index
        %parallel_loop3A_721 = tpu.vector_load %arg11[%parallel_loop3A_718, %parallel_loop3A_719, %parallel_loop3A_720] {strides = array<i32>} : memref<2x200x128xf32, #tpu.memory_space<vmem>>, vector<1x1x16xf32>,
        %parallel_loop3A_722 = vector.shape_cast %parallel_loop3A_721 : vector<1x1x16xf32> to vector<16xf32>
        %parallel_loop3A_723 = vector.shape_cast %parallel_loop3A_716 : vector<16xf32> to vector<1x1x16xf32>
        tpu.vector_store %arg11[%parallel_loop3A_718, %parallel_loop3A_719, %parallel_loop3A_720], %parallel_loop3A_723 {strides = array<i32>} : memref<2x200x128xf32, #tpu.memory_space<vmem>>, vector<1x1x16xf32>,
        %parallel_loop3A_724 = arith.constant 0 : i32
        %parallel_loop3A_725 = arith.index_cast %parallel_loop3A_724 : i32 to index
        %parallel_loop3A_726 = arith.index_cast %parallel_loop3A_660 : i32 to index
        %parallel_loop3A_727 = arith.constant 48 : index
        %parallel_loop3A_728 = tpu.vector_load %arg11[%parallel_loop3A_725, %parallel_loop3A_726, %parallel_loop3A_727] {strides = array<i32>} : memref<2x200x128xf32, #tpu.memory_space<vmem>>, vector<1x1x16xf32>,
        %parallel_loop3A_729 = vector.shape_cast %parallel_loop3A_728 : vector<1x1x16xf32> to vector<16xf32>
        %parallel_loop3A_730 = arith.index_cast %parallel_loop3A_660 : i32 to index
        %parallel_loop3A_731 = arith.constant 48 : index
        %parallel_loop3A_732 = tpu.vector_load %arg6[%parallel_loop3A_730, %parallel_loop3A_731] {strides = array<i32>} : memref<200x128xf32, #tpu.memory_space<vmem>>, vector<1x16xf32>,
        %parallel_loop3A_733 = vector.shape_cast %parallel_loop3A_732 : vector<1x16xf32> to vector<16xf32>
        %parallel_loop3A_734 = arith.addf %parallel_loop3A_729, %parallel_loop3A_733 : vector<16xf32>
        %parallel_loop3A_735 = arith.constant 0.707106769 : f32
        %parallel_loop3A_736 = vector.broadcast %parallel_loop3A_735 : f32 to vector<16xf32>
        %parallel_loop3A_737 = arith.mulf %parallel_loop3A_734, %parallel_loop3A_736 : vector<16xf32>
        %parallel_loop3A_738 = arith.constant 0 : i32
        %parallel_loop3A_739 = arith.index_cast %parallel_loop3A_738 : i32 to index
        %parallel_loop3A_740 = arith.index_cast %parallel_loop3A_660 : i32 to index
        %parallel_loop3A_741 = arith.constant 48 : index
        %parallel_loop3A_742 = tpu.vector_load %arg11[%parallel_loop3A_739, %parallel_loop3A_740, %parallel_loop3A_741] {strides = array<i32>} : memref<2x200x128xf32, #tpu.memory_space<vmem>>, vector<1x1x16xf32>,
        %parallel_loop3A_743 = vector.shape_cast %parallel_loop3A_742 : vector<1x1x16xf32> to vector<16xf32>
        %parallel_loop3A_744 = vector.shape_cast %parallel_loop3A_737 : vector<16xf32> to vector<1x1x16xf32>
        tpu.vector_store %arg11[%parallel_loop3A_739, %parallel_loop3A_740, %parallel_loop3A_741], %parallel_loop3A_744 {strides = array<i32>} : memref<2x200x128xf32, #tpu.memory_space<vmem>>, vector<1x1x16xf32>,
        %parallel_loop3A_745 = arith.constant 0 : i32
        %parallel_loop3A_746 = arith.index_cast %parallel_loop3A_745 : i32 to index
        %parallel_loop3A_747 = arith.index_cast %parallel_loop3A_660 : i32 to index
        %parallel_loop3A_748 = arith.constant 64 : index
        %parallel_loop3A_749 = tpu.vector_load %arg11[%parallel_loop3A_746, %parallel_loop3A_747, %parallel_loop3A_748] {strides = array<i32>} : memref<2x200x128xf32, #tpu.memory_space<vmem>>, vector<1x1x16xf32>,
        %parallel_loop3A_750 = vector.shape_cast %parallel_loop3A_749 : vector<1x1x16xf32> to vector<16xf32>
        %parallel_loop3A_751 = arith.index_cast %parallel_loop3A_660 : i32 to index
        %parallel_loop3A_752 = arith.constant 64 : index
        %parallel_loop3A_753 = tpu.vector_load %arg6[%parallel_loop3A_751, %parallel_loop3A_752] {strides = array<i32>} : memref<200x128xf32, #tpu.memory_space<vmem>>, vector<1x16xf32>,
        %parallel_loop3A_754 = vector.shape_cast %parallel_loop3A_753 : vector<1x16xf32> to vector<16xf32>
        %parallel_loop3A_755 = arith.addf %parallel_loop3A_750, %parallel_loop3A_754 : vector<16xf32>
        %parallel_loop3A_756 = arith.constant 0.707106769 : f32
        %parallel_loop3A_757 = vector.broadcast %parallel_loop3A_756 : f32 to vector<16xf32>
        %parallel_loop3A_758 = arith.mulf %parallel_loop3A_755, %parallel_loop3A_757 : vector<16xf32>
        %parallel_loop3A_759 = arith.constant 0 : i32
        %parallel_loop3A_760 = arith.index_cast %parallel_loop3A_759 : i32 to index
        %parallel_loop3A_761 = arith.index_cast %parallel_loop3A_660 : i32 to index
        %parallel_loop3A_762 = arith.constant 64 : index
        %parallel_loop3A_763 = tpu.vector_load %arg11[%parallel_loop3A_760, %parallel_loop3A_761, %parallel_loop3A_762] {strides = array<i32>} : memref<2x200x128xf32, #tpu.memory_space<vmem>>, vector<1x1x16xf32>,
        %parallel_loop3A_764 = vector.shape_cast %parallel_loop3A_763 : vector<1x1x16xf32> to vector<16xf32>
        %parallel_loop3A_765 = vector.shape_cast %parallel_loop3A_758 : vector<16xf32> to vector<1x1x16xf32>
        tpu.vector_store %arg11[%parallel_loop3A_760, %parallel_loop3A_761, %parallel_loop3A_762], %parallel_loop3A_765 {strides = array<i32>} : memref<2x200x128xf32, #tpu.memory_space<vmem>>, vector<1x1x16xf32>,
        %parallel_loop3A_766 = arith.constant 0 : i32
        %parallel_loop3A_767 = arith.index_cast %parallel_loop3A_766 : i32 to index
        %parallel_loop3A_768 = arith.index_cast %parallel_loop3A_660 : i32 to index
        %parallel_loop3A_769 = arith.constant 80 : index
        %parallel_loop3A_770 = tpu.vector_load %arg11[%parallel_loop3A_767, %parallel_loop3A_768, %parallel_loop3A_769] {strides = array<i32>} : memref<2x200x128xf32, #tpu.memory_space<vmem>>, vector<1x1x16xf32>,
        %parallel_loop3A_771 = vector.shape_cast %parallel_loop3A_770 : vector<1x1x16xf32> to vector<16xf32>
        %parallel_loop3A_772 = arith.index_cast %parallel_loop3A_660 : i32 to index
        %parallel_loop3A_773 = arith.constant 80 : index
        %parallel_loop3A_774 = tpu.vector_load %arg6[%parallel_loop3A_772, %parallel_loop3A_773] {strides = array<i32>} : memref<200x128xf32, #tpu.memory_space<vmem>>, vector<1x16xf32>,
        %parallel_loop3A_775 = vector.shape_cast %parallel_loop3A_774 : vector<1x16xf32> to vector<16xf32>
        %parallel_loop3A_776 = arith.addf %parallel_loop3A_771, %parallel_loop3A_775 : vector<16xf32>
        %parallel_loop3A_777 = arith.constant 0.707106769 : f32
        %parallel_loop3A_778 = vector.broadcast %parallel_loop3A_777 : f32 to vector<16xf32>
        %parallel_loop3A_779 = arith.mulf %parallel_loop3A_776, %parallel_loop3A_778 : vector<16xf32>
        %parallel_loop3A_780 = arith.constant 0 : i32
        %parallel_loop3A_781 = arith.index_cast %parallel_loop3A_780 : i32 to index
        %parallel_loop3A_782 = arith.index_cast %parallel_loop3A_660 : i32 to index
        %parallel_loop3A_783 = arith.constant 80 : index
        %parallel_loop3A_784 = tpu.vector_load %arg11[%parallel_loop3A_781, %parallel_loop3A_782, %parallel_loop3A_783] {strides = array<i32>} : memref<2x200x128xf32, #tpu.memory_space<vmem>>, vector<1x1x16xf32>,
        %parallel_loop3A_785 = vector.shape_cast %parallel_loop3A_784 : vector<1x1x16xf32> to vector<16xf32>
        %parallel_loop3A_786 = vector.shape_cast %parallel_loop3A_779 : vector<16xf32> to vector<1x1x16xf32>
        tpu.vector_store %arg11[%parallel_loop3A_781, %parallel_loop3A_782, %parallel_loop3A_783], %parallel_loop3A_786 {strides = array<i32>} : memref<2x200x128xf32, #tpu.memory_space<vmem>>, vector<1x1x16xf32>,
        %parallel_loop3A_787 = arith.constant 0 : i32
        %parallel_loop3A_788 = arith.index_cast %parallel_loop3A_787 : i32 to index
        %parallel_loop3A_789 = arith.index_cast %parallel_loop3A_660 : i32 to index
        %parallel_loop3A_790 = arith.constant 96 : index
        %parallel_loop3A_791 = tpu.vector_load %arg11[%parallel_loop3A_788, %parallel_loop3A_789, %parallel_loop3A_790] {strides = array<i32>} : memref<2x200x128xf32, #tpu.memory_space<vmem>>, vector<1x1x16xf32>,
        %parallel_loop3A_792 = vector.shape_cast %parallel_loop3A_791 : vector<1x1x16xf32> to vector<16xf32>
        %parallel_loop3A_793 = arith.index_cast %parallel_loop3A_660 : i32 to index
        %parallel_loop3A_794 = arith.constant 96 : index
        %parallel_loop3A_795 = tpu.vector_load %arg6[%parallel_loop3A_793, %parallel_loop3A_794] {strides = array<i32>} : memref<200x128xf32, #tpu.memory_space<vmem>>, vector<1x16xf32>,
        %parallel_loop3A_796 = vector.shape_cast %parallel_loop3A_795 : vector<1x16xf32> to vector<16xf32>
        %parallel_loop3A_797 = arith.addf %parallel_loop3A_792, %parallel_loop3A_796 : vector<16xf32>
        %parallel_loop3A_798 = arith.constant 0.707106769 : f32
        %parallel_loop3A_799 = vector.broadcast %parallel_loop3A_798 : f32 to vector<16xf32>
        %parallel_loop3A_800 = arith.mulf %parallel_loop3A_797, %parallel_loop3A_799 : vector<16xf32>
        %parallel_loop3A_801 = arith.constant 0 : i32
        %parallel_loop3A_802 = arith.index_cast %parallel_loop3A_801 : i32 to index
        %parallel_loop3A_803 = arith.index_cast %parallel_loop3A_660 : i32 to index
        %parallel_loop3A_804 = arith.constant 96 : index
        %parallel_loop3A_805 = tpu.vector_load %arg11[%parallel_loop3A_802, %parallel_loop3A_803, %parallel_loop3A_804] {strides = array<i32>} : memref<2x200x128xf32, #tpu.memory_space<vmem>>, vector<1x1x16xf32>,
        %parallel_loop3A_806 = vector.shape_cast %parallel_loop3A_805 : vector<1x1x16xf32> to vector<16xf32>
        %parallel_loop3A_807 = vector.shape_cast %parallel_loop3A_800 : vector<16xf32> to vector<1x1x16xf32>
        tpu.vector_store %arg11[%parallel_loop3A_802, %parallel_loop3A_803, %parallel_loop3A_804], %parallel_loop3A_807 {strides = array<i32>} : memref<2x200x128xf32, #tpu.memory_space<vmem>>, vector<1x1x16xf32>,
        %parallel_loop3A_808 = arith.constant 0 : i32
        %parallel_loop3A_809 = arith.index_cast %parallel_loop3A_808 : i32 to index
        %parallel_loop3A_810 = arith.index_cast %parallel_loop3A_660 : i32 to index
        %parallel_loop3A_811 = arith.constant 112 : index
        %parallel_loop3A_812 = tpu.vector_load %arg11[%parallel_loop3A_809, %parallel_loop3A_810, %parallel_loop3A_811] {strides = array<i32>} : memref<2x200x128xf32, #tpu.memory_space<vmem>>, vector<1x1x16xf32>,
        %parallel_loop3A_813 = vector.shape_cast %parallel_loop3A_812 : vector<1x1x16xf32> to vector<16xf32>
        %parallel_loop3A_814 = arith.index_cast %parallel_loop3A_660 : i32 to index
        %parallel_loop3A_815 = arith.constant 112 : index
        %parallel_loop3A_816 = tpu.vector_load %arg6[%parallel_loop3A_814, %parallel_loop3A_815] {strides = array<i32>} : memref<200x128xf32, #tpu.memory_space<vmem>>, vector<1x16xf32>,
        %parallel_loop3A_817 = vector.shape_cast %parallel_loop3A_816 : vector<1x16xf32> to vector<16xf32>
        %parallel_loop3A_818 = arith.addf %parallel_loop3A_813, %parallel_loop3A_817 : vector<16xf32>
        %parallel_loop3A_819 = arith.constant 0.707106769 : f32
        %parallel_loop3A_820 = vector.broadcast %parallel_loop3A_819 : f32 to vector<16xf32>
        %parallel_loop3A_821 = arith.mulf %parallel_loop3A_818, %parallel_loop3A_820 : vector<16xf32>
        %parallel_loop3A_822 = arith.constant 0 : i32
        %parallel_loop3A_823 = arith.index_cast %parallel_loop3A_822 : i32 to index
        %parallel_loop3A_824 = arith.index_cast %parallel_loop3A_660 : i32 to index
        %parallel_loop3A_825 = arith.constant 112 : index
        %parallel_loop3A_826 = tpu.vector_load %arg11[%parallel_loop3A_823, %parallel_loop3A_824, %parallel_loop3A_825] {strides = array<i32>} : memref<2x200x128xf32, #tpu.memory_space<vmem>>, vector<1x1x16xf32>,
        %parallel_loop3A_827 = vector.shape_cast %parallel_loop3A_826 : vector<1x1x16xf32> to vector<16xf32>
        %parallel_loop3A_828 = vector.shape_cast %parallel_loop3A_821 : vector<16xf32> to vector<1x1x16xf32>
        tpu.vector_store %arg11[%parallel_loop3A_823, %parallel_loop3A_824, %parallel_loop3A_825], %parallel_loop3A_828 {strides = array<i32>} : memref<2x200x128xf32, #tpu.memory_space<vmem>>, vector<1x1x16xf32>,
      } {sc.loop_unroll_factor = 4 : i64, sc.parallel_access}
      %add3A_500 = arith.addi %mul3A_2, %mul3A_377 : i32
      %mul3A_501 = arith.constant 200 : i32
      %mul3A_502 = arith.muli %add3A_500, %mul3A_501 : i32
      %add3A_503 = arith.constant 128 : i32
      %add3A_504 = arith.addi %mul3A_502, %add3A_503 : i32
      %dma_start3A_505 = arith.constant 0 : i32
      %dma_start3A_506 = arith.constant 128 : i32
      %dma_start3A_507 = arith.constant 0 : i32
      %dma_start3A_508 = tpu.memref_slice %arg11[%dma_start3A_505, %dma_start3A_506, %dma_start3A_507] : memref<2x200x128xf32, #tpu.memory_space<vmem>> -> memref<1x72x128xf32, #tpu.memory_space<vmem>>
      %dma_start3A_509 = tpu.memref_squeeze %dma_start3A_508 : memref<1x72x128xf32, #tpu.memory_space<vmem>> -> memref<72x128xf32, #tpu.memory_space<vmem>>
      %dma_start3A_510 = arith.constant 0 : i32
      %dma_start3A_511 = tpu.memref_slice %arg5[%add3A_504, %dma_start3A_510] : memref<819200x128xf32, #tpu.memory_space<hbm>> -> memref<72x128xf32, #tpu.memory_space<hbm>>
      %dma_start3A_512 = arith.constant 0 : i32
      %dma_start3A_513 = tpu.memref_slice %arg5[%add3A_504, %dma_start3A_512] : memref<819200x128xf32, #tpu.memory_space<hbm>> -> memref<72x128xf32, #tpu.memory_space<hbm>>
      %dma_start3A_514 = arith.constant 128 : i32
      %dma_start3A_515 = arith.constant 0 : i32
      %dma_start3A_516 = tpu.memref_slice %arg11[%dma_start3A_505, %dma_start3A_514, %dma_start3A_515] : memref<2x200x128xf32, #tpu.memory_space<vmem>> -> memref<1x72x128xf32, #tpu.memory_space<vmem>>
      %dma_start3A_517 = tpu.memref_squeeze %dma_start3A_516 : memref<1x72x128xf32, #tpu.memory_space<vmem>> -> memref<72x128xf32, #tpu.memory_space<vmem>>
      tpu.enqueue_dma source(%dma_start3A_517 : memref<72x128xf32, #tpu.memory_space<vmem>>) target(%dma_start3A_513 : memref<72x128xf32, #tpu.memory_space<hbm>>) target_semaphore(%arg16 : memref<!tpu.dma_semaphore, #tpu.memory_space<semaphore_mem>>)
      %add3A_518 = arith.constant 1 : i32
      %add3A_519 = arith.addi %mul3A_377, %add3A_518 : i32
      %dma_wait3A_520 = arith.constant 0 : i32
      %dma_wait3A_521 = tpu.memref_slice %arg2[%dma_wait3A_520] : memref<819600xi32, #tpu.memory_space<hbm>> -> memref<128xi32, #tpu.memory_space<hbm>>
      %dma_wait3A_522 = arith.constant 0 : i32
      %dma_wait3A_523 = tpu.memref_slice %arg2[%dma_wait3A_522] : memref<819600xi32, #tpu.memory_space<hbm>> -> memref<128xi32, #tpu.memory_space<hbm>>
      tpu.wait_dma2 semaphore(%arg18 : memref<!tpu.dma_semaphore, #tpu.memory_space<semaphore_mem>>) src(%dma_wait3A_523 : memref<128xi32, #tpu.memory_space<hbm>>) dst(%arg7 : memref<128xi32, #tpu.memory_space<vmem>>)
      %dma_wait3A_524 = arith.constant 0 : i32
      %dma_wait3A_525 = tpu.memref_slice %arg2[%dma_wait3A_524] : memref<819600xi32, #tpu.memory_space<hbm>> -> memref<72xi32, #tpu.memory_space<hbm>>
      %dma_wait3A_526 = arith.constant 0 : i32
      %dma_wait3A_527 = tpu.memref_slice %arg2[%dma_wait3A_526] : memref<819600xi32, #tpu.memory_space<hbm>> -> memref<72xi32, #tpu.memory_space<hbm>>
      tpu.wait_dma2 semaphore(%arg18 : memref<!tpu.dma_semaphore, #tpu.memory_space<semaphore_mem>>) src(%dma_wait3A_527 : memref<72xi32, #tpu.memory_space<hbm>>) dst(%arg9 : memref<72xi32, #tpu.memory_space<vmem>>)
      %dma_wait3A_528 = arith.constant 0 : i32
      %dma_wait3A_529 = arith.constant 0 : i32
      %dma_wait3A_530 = arith.constant 0 : i32
      %dma_wait3A_531 = tpu.memref_slice %arg11[%dma_wait3A_528, %dma_wait3A_529, %dma_wait3A_530] : memref<2x200x128xf32, #tpu.memory_space<vmem>> -> memref<1x128x128xf32, #tpu.memory_space<vmem>>
      %dma_wait3A_532 = tpu.memref_squeeze %dma_wait3A_531 : memref<1x128x128xf32, #tpu.memory_space<vmem>> -> memref<128x128xf32, #tpu.memory_space<vmem>>
      %dma_wait3A_533 = arith.constant 0 : i32
      %dma_wait3A_534 = arith.constant 0 : i32
      %dma_wait3A_535 = tpu.memref_slice %arg5[%dma_wait3A_533, %dma_wait3A_534] : memref<819200x128xf32, #tpu.memory_space<hbm>> -> memref<128x128xf32, #tpu.memory_space<hbm>>
      %dma_wait3A_536 = arith.constant 0 : i32
      %dma_wait3A_537 = arith.constant 0 : i32
      %dma_wait3A_538 = tpu.memref_slice %arg5[%dma_wait3A_536, %dma_wait3A_537] : memref<819200x128xf32, #tpu.memory_space<hbm>> -> memref<128x128xf32, #tpu.memory_space<hbm>>
      %dma_wait3A_539 = arith.constant 0 : i32
      %dma_wait3A_540 = arith.constant 0 : i32
      %dma_wait3A_541 = tpu.memref_slice %arg11[%dma_wait3A_528, %dma_wait3A_539, %dma_wait3A_540] : memref<2x200x128xf32, #tpu.memory_space<vmem>> -> memref<1x128x128xf32, #tpu.memory_space<vmem>>
      %dma_wait3A_542 = tpu.memref_squeeze %dma_wait3A_541 : memref<1x128x128xf32, #tpu.memory_space<vmem>> -> memref<128x128xf32, #tpu.memory_space<vmem>>
      tpu.wait_dma2 semaphore(%arg16 : memref<!tpu.dma_semaphore, #tpu.memory_space<semaphore_mem>>) src(%dma_wait3A_542 : memref<128x128xf32, #tpu.memory_space<vmem>>) dst(%dma_wait3A_538 : memref<128x128xf32, #tpu.memory_space<hbm>>)
      %dma_wait3A_543 = arith.constant 0 : i32
      %dma_wait3A_544 = arith.constant 128 : i32
      %dma_wait3A_545 = arith.constant 0 : i32
      %dma_wait3A_546 = tpu.memref_slice %arg11[%dma_wait3A_543, %dma_wait3A_544, %dma_wait3A_545] : memref<2x200x128xf32, #tpu.memory_space<vmem>> -> memref<1x72x128xf32, #tpu.memory_space<vmem>>
      %dma_wait3A_547 = tpu.memref_squeeze %dma_wait3A_546 : memref<1x72x128xf32, #tpu.memory_space<vmem>> -> memref<72x128xf32, #tpu.memory_space<vmem>>
      %dma_wait3A_548 = arith.constant 0 : i32
      %dma_wait3A_549 = arith.constant 0 : i32
      %dma_wait3A_550 = tpu.memref_slice %arg5[%dma_wait3A_548, %dma_wait3A_549] : memref<819200x128xf32, #tpu.memory_space<hbm>> -> memref<72x128xf32, #tpu.memory_space<hbm>>
      %dma_wait3A_551 = arith.constant 0 : i32
      %dma_wait3A_552 = arith.constant 0 : i32
      %dma_wait3A_553 = tpu.memref_slice %arg5[%dma_wait3A_551, %dma_wait3A_552] : memref<819200x128xf32, #tpu.memory_space<hbm>> -> memref<72x128xf32, #tpu.memory_space<hbm>>
      %dma_wait3A_554 = arith.constant 128 : i32
      %dma_wait3A_555 = arith.constant 0 : i32
      %dma_wait3A_556 = tpu.memref_slice %arg11[%dma_wait3A_543, %dma_wait3A_554, %dma_wait3A_555] : memref<2x200x128xf32, #tpu.memory_space<vmem>> -> memref<1x72x128xf32, #tpu.memory_space<vmem>>
      %dma_wait3A_557 = tpu.memref_squeeze %dma_wait3A_556 : memref<1x72x128xf32, #tpu.memory_space<vmem>> -> memref<72x128xf32, #tpu.memory_space<vmem>>
      tpu.wait_dma2 semaphore(%arg16 : memref<!tpu.dma_semaphore, #tpu.memory_space<semaphore_mem>>) src(%dma_wait3A_557 : memref<72x128xf32, #tpu.memory_space<vmem>>) dst(%dma_wait3A_553 : memref<72x128xf32, #tpu.memory_space<hbm>>)
      %dma_start3A_558 = arith.constant 0 : i32
      %dma_start3A_559 = arith.constant 0 : i32
      %dma_start3A_560 = arith.constant 0 : i32
      %dma_start3A_561 = tpu.memref_slice %arg11[%dma_start3A_558, %dma_start3A_559, %dma_start3A_560] : memref<2x200x128xf32, #tpu.memory_space<vmem>> -> memref<1x128x128xf32, #tpu.memory_space<vmem>>
      %dma_start3A_562 = tpu.memref_squeeze %dma_start3A_561 : memref<1x128x128xf32, #tpu.memory_space<vmem>> -> memref<128x128xf32, #tpu.memory_space<vmem>>
      %dma_start3A_563 = arith.constant 0 : i32
      %dma_start3A_564 = arith.constant 0 : i32
      %dma_start3A_565 = tpu.memref_slice %arg3[%dma_start3A_563, %dma_start3A_564] : memref<100000x128xf32, #tpu.memory_space<hbm>> -> memref<100000x128xf32, #tpu.memory_space<hbm>>
      tpu.enqueue_indirect_dma source(%dma_start3A_565 : memref<100000x128xf32, #tpu.memory_space<hbm>>) target(%dma_start3A_562 : memref<128x128xf32, #tpu.memory_space<vmem>>) offsets(%arg7 : memref<128xi32, #tpu.memory_space<vmem>>) semaphore(%arg12 : memref<!tpu.dma_semaphore, #tpu.memory_space<semaphore_mem>>)
      %dma_start3A_566 = arith.constant 0 : i32
      %dma_start3A_567 = arith.constant 128 : i32
      %dma_start3A_568 = arith.constant 0 : i32
      %dma_start3A_569 = tpu.memref_slice %arg11[%dma_start3A_566, %dma_start3A_567, %dma_start3A_568] : memref<2x200x128xf32, #tpu.memory_space<vmem>> -> memref<1x72x128xf32, #tpu.memory_space<vmem>>
      %dma_start3A_570 = tpu.memref_squeeze %dma_start3A_569 : memref<1x72x128xf32, #tpu.memory_space<vmem>> -> memref<72x128xf32, #tpu.memory_space<vmem>>
      %dma_start3A_571 = arith.constant 0 : i32
      %dma_start3A_572 = arith.constant 0 : i32
      %dma_start3A_573 = tpu.memref_slice %arg3[%dma_start3A_571, %dma_start3A_572] : memref<100000x128xf32, #tpu.memory_space<hbm>> -> memref<100000x128xf32, #tpu.memory_space<hbm>>
      tpu.enqueue_indirect_dma source(%dma_start3A_573 : memref<100000x128xf32, #tpu.memory_space<hbm>>) target(%dma_start3A_570 : memref<72x128xf32, #tpu.memory_space<vmem>>) offsets(%arg9 : memref<72xi32, #tpu.memory_space<vmem>>) semaphore(%arg14 : memref<!tpu.dma_semaphore, #tpu.memory_space<semaphore_mem>>)
      %dma_wait3A_574 = arith.constant 1 : i32
      %dma_wait3A_575 = arith.constant 0 : i32
      %dma_wait3A_576 = arith.constant 0 : i32
      %dma_wait3A_577 = tpu.memref_slice %arg11[%dma_wait3A_574, %dma_wait3A_575, %dma_wait3A_576] : memref<2x200x128xf32, #tpu.memory_space<vmem>> -> memref<1x128x128xf32, #tpu.memory_space<vmem>>
      %dma_wait3A_578 = tpu.memref_squeeze %dma_wait3A_577 : memref<1x128x128xf32, #tpu.memory_space<vmem>> -> memref<128x128xf32, #tpu.memory_space<vmem>>
      %dma_wait3A_579 = arith.constant 0 : i32
      %dma_wait3A_580 = arith.constant 0 : i32
      %dma_wait3A_581 = tpu.memref_slice %arg3[%dma_wait3A_579, %dma_wait3A_580] : memref<100000x128xf32, #tpu.memory_space<hbm>> -> memref<128x128xf32, #tpu.memory_space<hbm>>
      %dma_wait3A_582 = arith.constant 0 : i32
      %dma_wait3A_583 = arith.constant 0 : i32
      %dma_wait3A_584 = tpu.memref_slice %arg11[%dma_wait3A_574, %dma_wait3A_582, %dma_wait3A_583] : memref<2x200x128xf32, #tpu.memory_space<vmem>> -> memref<1x128x128xf32, #tpu.memory_space<vmem>>
      %dma_wait3A_585 = tpu.memref_squeeze %dma_wait3A_584 : memref<1x128x128xf32, #tpu.memory_space<vmem>> -> memref<128x128xf32, #tpu.memory_space<vmem>>
      %dma_wait3A_586 = arith.constant 0 : i32
      %dma_wait3A_587 = arith.constant 0 : i32
      %dma_wait3A_588 = tpu.memref_slice %arg3[%dma_wait3A_586, %dma_wait3A_587] : memref<100000x128xf32, #tpu.memory_space<hbm>> -> memref<128x128xf32, #tpu.memory_space<hbm>>
      tpu.wait_dma2 semaphore(%arg13 : memref<!tpu.dma_semaphore, #tpu.memory_space<semaphore_mem>>) src(%dma_wait3A_588 : memref<128x128xf32, #tpu.memory_space<hbm>>) dst(%dma_wait3A_585 : memref<128x128xf32, #tpu.memory_space<vmem>>)
      %add3A_589 = arith.constant 2 : i32
      %add3A_590 = arith.addi %add3A_519, %add3A_589 : i32
      %add3A_591 = arith.addi %mul3A_2, %add3A_590 : i32
      %mul3A_592 = arith.constant 200 : i32
      %mul3A_593 = arith.muli %add3A_591, %mul3A_592 : i32
      %dma_start3A_594 = tpu.memref_slice %arg2[%mul3A_593] : memref<819600xi32, #tpu.memory_space<hbm>> -> memref<128xi32, #tpu.memory_space<hbm>>
      %dma_start3A_595 = tpu.memref_slice %arg2[%mul3A_593] : memref<819600xi32, #tpu.memory_space<hbm>> -> memref<128xi32, #tpu.memory_space<hbm>>
      tpu.enqueue_dma source(%dma_start3A_595 : memref<128xi32, #tpu.memory_space<hbm>>) target(%arg8 : memref<128xi32, #tpu.memory_space<vmem>>) target_semaphore(%arg19 : memref<!tpu.dma_semaphore, #tpu.memory_space<semaphore_mem>>)
      %parallel_loop3A_596 = arith.constant 0 : i32
      %parallel_loop3A_597 = arith.constant 128 : i32
      %parallel_loop3A_598 = arith.constant 1 : i32
      scf.for %parallel_loop3A_660 = %parallel_loop3A_596 to %parallel_loop3A_597 step %parallel_loop3A_598  : i32 {
        %parallel_loop3A_661 = arith.constant 1 : i32
        %parallel_loop3A_662 = arith.index_cast %parallel_loop3A_661 : i32 to index
        %parallel_loop3A_663 = arith.index_cast %parallel_loop3A_660 : i32 to index
        %parallel_loop3A_664 = arith.constant 0 : index
        %parallel_loop3A_665 = tpu.vector_load %arg11[%parallel_loop3A_662, %parallel_loop3A_663, %parallel_loop3A_664] {strides = array<i32>} : memref<2x200x128xf32, #tpu.memory_space<vmem>>, vector<1x1x16xf32>,
        %parallel_loop3A_666 = vector.shape_cast %parallel_loop3A_665 : vector<1x1x16xf32> to vector<16xf32>
        %parallel_loop3A_667 = arith.index_cast %parallel_loop3A_660 : i32 to index
        %parallel_loop3A_668 = arith.constant 0 : index
        %parallel_loop3A_669 = tpu.vector_load %arg6[%parallel_loop3A_667, %parallel_loop3A_668] {strides = array<i32>} : memref<200x128xf32, #tpu.memory_space<vmem>>, vector<1x16xf32>,
        %parallel_loop3A_670 = vector.shape_cast %parallel_loop3A_669 : vector<1x16xf32> to vector<16xf32>
        %parallel_loop3A_671 = arith.addf %parallel_loop3A_666, %parallel_loop3A_670 : vector<16xf32>
        %parallel_loop3A_672 = arith.constant 0.707106769 : f32
        %parallel_loop3A_673 = vector.broadcast %parallel_loop3A_672 : f32 to vector<16xf32>
        %parallel_loop3A_674 = arith.mulf %parallel_loop3A_671, %parallel_loop3A_673 : vector<16xf32>
        %parallel_loop3A_675 = arith.constant 1 : i32
        %parallel_loop3A_676 = arith.index_cast %parallel_loop3A_675 : i32 to index
        %parallel_loop3A_677 = arith.index_cast %parallel_loop3A_660 : i32 to index
        %parallel_loop3A_678 = arith.constant 0 : index
        %parallel_loop3A_679 = tpu.vector_load %arg11[%parallel_loop3A_676, %parallel_loop3A_677, %parallel_loop3A_678] {strides = array<i32>} : memref<2x200x128xf32, #tpu.memory_space<vmem>>, vector<1x1x16xf32>,
        %parallel_loop3A_680 = vector.shape_cast %parallel_loop3A_679 : vector<1x1x16xf32> to vector<16xf32>
        %parallel_loop3A_681 = vector.shape_cast %parallel_loop3A_674 : vector<16xf32> to vector<1x1x16xf32>
        tpu.vector_store %arg11[%parallel_loop3A_676, %parallel_loop3A_677, %parallel_loop3A_678], %parallel_loop3A_681 {strides = array<i32>} : memref<2x200x128xf32, #tpu.memory_space<vmem>>, vector<1x1x16xf32>,
        %parallel_loop3A_682 = arith.constant 1 : i32
        %parallel_loop3A_683 = arith.index_cast %parallel_loop3A_682 : i32 to index
        %parallel_loop3A_684 = arith.index_cast %parallel_loop3A_660 : i32 to index
        %parallel_loop3A_685 = arith.constant 16 : index
        %parallel_loop3A_686 = tpu.vector_load %arg11[%parallel_loop3A_683, %parallel_loop3A_684, %parallel_loop3A_685] {strides = array<i32>} : memref<2x200x128xf32, #tpu.memory_space<vmem>>, vector<1x1x16xf32>,
        %parallel_loop3A_687 = vector.shape_cast %parallel_loop3A_686 : vector<1x1x16xf32> to vector<16xf32>
        %parallel_loop3A_688 = arith.index_cast %parallel_loop3A_660 : i32 to index
        %parallel_loop3A_689 = arith.constant 16 : index
        %parallel_loop3A_690 = tpu.vector_load %arg6[%parallel_loop3A_688, %parallel_loop3A_689] {strides = array<i32>} : memref<200x128xf32, #tpu.memory_space<vmem>>, vector<1x16xf32>,
        %parallel_loop3A_691 = vector.shape_cast %parallel_loop3A_690 : vector<1x16xf32> to vector<16xf32>
        %parallel_loop3A_692 = arith.addf %parallel_loop3A_687, %parallel_loop3A_691 : vector<16xf32>
        %parallel_loop3A_693 = arith.constant 0.707106769 : f32
        %parallel_loop3A_694 = vector.broadcast %parallel_loop3A_693 : f32 to vector<16xf32>
        %parallel_loop3A_695 = arith.mulf %parallel_loop3A_692, %parallel_loop3A_694 : vector<16xf32>
        %parallel_loop3A_696 = arith.constant 1 : i32
        %parallel_loop3A_697 = arith.index_cast %parallel_loop3A_696 : i32 to index
        %parallel_loop3A_698 = arith.index_cast %parallel_loop3A_660 : i32 to index
        %parallel_loop3A_699 = arith.constant 16 : index
        %parallel_loop3A_700 = tpu.vector_load %arg11[%parallel_loop3A_697, %parallel_loop3A_698, %parallel_loop3A_699] {strides = array<i32>} : memref<2x200x128xf32, #tpu.memory_space<vmem>>, vector<1x1x16xf32>,
        %parallel_loop3A_701 = vector.shape_cast %parallel_loop3A_700 : vector<1x1x16xf32> to vector<16xf32>
        %parallel_loop3A_702 = vector.shape_cast %parallel_loop3A_695 : vector<16xf32> to vector<1x1x16xf32>
        tpu.vector_store %arg11[%parallel_loop3A_697, %parallel_loop3A_698, %parallel_loop3A_699], %parallel_loop3A_702 {strides = array<i32>} : memref<2x200x128xf32, #tpu.memory_space<vmem>>, vector<1x1x16xf32>,
        %parallel_loop3A_703 = arith.constant 1 : i32
        %parallel_loop3A_704 = arith.index_cast %parallel_loop3A_703 : i32 to index
        %parallel_loop3A_705 = arith.index_cast %parallel_loop3A_660 : i32 to index
        %parallel_loop3A_706 = arith.constant 32 : index
        %parallel_loop3A_707 = tpu.vector_load %arg11[%parallel_loop3A_704, %parallel_loop3A_705, %parallel_loop3A_706] {strides = array<i32>} : memref<2x200x128xf32, #tpu.memory_space<vmem>>, vector<1x1x16xf32>,
        %parallel_loop3A_708 = vector.shape_cast %parallel_loop3A_707 : vector<1x1x16xf32> to vector<16xf32>
        %parallel_loop3A_709 = arith.index_cast %parallel_loop3A_660 : i32 to index
        %parallel_loop3A_710 = arith.constant 32 : index
        %parallel_loop3A_711 = tpu.vector_load %arg6[%parallel_loop3A_709, %parallel_loop3A_710] {strides = array<i32>} : memref<200x128xf32, #tpu.memory_space<vmem>>, vector<1x16xf32>,
        %parallel_loop3A_712 = vector.shape_cast %parallel_loop3A_711 : vector<1x16xf32> to vector<16xf32>
        %parallel_loop3A_713 = arith.addf %parallel_loop3A_708, %parallel_loop3A_712 : vector<16xf32>
        %parallel_loop3A_714 = arith.constant 0.707106769 : f32
        %parallel_loop3A_715 = vector.broadcast %parallel_loop3A_714 : f32 to vector<16xf32>
        %parallel_loop3A_716 = arith.mulf %parallel_loop3A_713, %parallel_loop3A_715 : vector<16xf32>
        %parallel_loop3A_717 = arith.constant 1 : i32
        %parallel_loop3A_718 = arith.index_cast %parallel_loop3A_717 : i32 to index
        %parallel_loop3A_719 = arith.index_cast %parallel_loop3A_660 : i32 to index
        %parallel_loop3A_720 = arith.constant 32 : index
        %parallel_loop3A_721 = tpu.vector_load %arg11[%parallel_loop3A_718, %parallel_loop3A_719, %parallel_loop3A_720] {strides = array<i32>} : memref<2x200x128xf32, #tpu.memory_space<vmem>>, vector<1x1x16xf32>,
        %parallel_loop3A_722 = vector.shape_cast %parallel_loop3A_721 : vector<1x1x16xf32> to vector<16xf32>
        %parallel_loop3A_723 = vector.shape_cast %parallel_loop3A_716 : vector<16xf32> to vector<1x1x16xf32>
        tpu.vector_store %arg11[%parallel_loop3A_718, %parallel_loop3A_719, %parallel_loop3A_720], %parallel_loop3A_723 {strides = array<i32>} : memref<2x200x128xf32, #tpu.memory_space<vmem>>, vector<1x1x16xf32>,
        %parallel_loop3A_724 = arith.constant 1 : i32
        %parallel_loop3A_725 = arith.index_cast %parallel_loop3A_724 : i32 to index
        %parallel_loop3A_726 = arith.index_cast %parallel_loop3A_660 : i32 to index
        %parallel_loop3A_727 = arith.constant 48 : index
        %parallel_loop3A_728 = tpu.vector_load %arg11[%parallel_loop3A_725, %parallel_loop3A_726, %parallel_loop3A_727] {strides = array<i32>} : memref<2x200x128xf32, #tpu.memory_space<vmem>>, vector<1x1x16xf32>,
        %parallel_loop3A_729 = vector.shape_cast %parallel_loop3A_728 : vector<1x1x16xf32> to vector<16xf32>
        %parallel_loop3A_730 = arith.index_cast %parallel_loop3A_660 : i32 to index
        %parallel_loop3A_731 = arith.constant 48 : index
        %parallel_loop3A_732 = tpu.vector_load %arg6[%parallel_loop3A_730, %parallel_loop3A_731] {strides = array<i32>} : memref<200x128xf32, #tpu.memory_space<vmem>>, vector<1x16xf32>,
        %parallel_loop3A_733 = vector.shape_cast %parallel_loop3A_732 : vector<1x16xf32> to vector<16xf32>
        %parallel_loop3A_734 = arith.addf %parallel_loop3A_729, %parallel_loop3A_733 : vector<16xf32>
        %parallel_loop3A_735 = arith.constant 0.707106769 : f32
        %parallel_loop3A_736 = vector.broadcast %parallel_loop3A_735 : f32 to vector<16xf32>
        %parallel_loop3A_737 = arith.mulf %parallel_loop3A_734, %parallel_loop3A_736 : vector<16xf32>
        %parallel_loop3A_738 = arith.constant 1 : i32
        %parallel_loop3A_739 = arith.index_cast %parallel_loop3A_738 : i32 to index
        %parallel_loop3A_740 = arith.index_cast %parallel_loop3A_660 : i32 to index
        %parallel_loop3A_741 = arith.constant 48 : index
        %parallel_loop3A_742 = tpu.vector_load %arg11[%parallel_loop3A_739, %parallel_loop3A_740, %parallel_loop3A_741] {strides = array<i32>} : memref<2x200x128xf32, #tpu.memory_space<vmem>>, vector<1x1x16xf32>,
        %parallel_loop3A_743 = vector.shape_cast %parallel_loop3A_742 : vector<1x1x16xf32> to vector<16xf32>
        %parallel_loop3A_744 = vector.shape_cast %parallel_loop3A_737 : vector<16xf32> to vector<1x1x16xf32>
        tpu.vector_store %arg11[%parallel_loop3A_739, %parallel_loop3A_740, %parallel_loop3A_741], %parallel_loop3A_744 {strides = array<i32>} : memref<2x200x128xf32, #tpu.memory_space<vmem>>, vector<1x1x16xf32>,
        %parallel_loop3A_745 = arith.constant 1 : i32
        %parallel_loop3A_746 = arith.index_cast %parallel_loop3A_745 : i32 to index
        %parallel_loop3A_747 = arith.index_cast %parallel_loop3A_660 : i32 to index
        %parallel_loop3A_748 = arith.constant 64 : index
        %parallel_loop3A_749 = tpu.vector_load %arg11[%parallel_loop3A_746, %parallel_loop3A_747, %parallel_loop3A_748] {strides = array<i32>} : memref<2x200x128xf32, #tpu.memory_space<vmem>>, vector<1x1x16xf32>,
        %parallel_loop3A_750 = vector.shape_cast %parallel_loop3A_749 : vector<1x1x16xf32> to vector<16xf32>
        %parallel_loop3A_751 = arith.index_cast %parallel_loop3A_660 : i32 to index
        %parallel_loop3A_752 = arith.constant 64 : index
        %parallel_loop3A_753 = tpu.vector_load %arg6[%parallel_loop3A_751, %parallel_loop3A_752] {strides = array<i32>} : memref<200x128xf32, #tpu.memory_space<vmem>>, vector<1x16xf32>,
        %parallel_loop3A_754 = vector.shape_cast %parallel_loop3A_753 : vector<1x16xf32> to vector<16xf32>
        %parallel_loop3A_755 = arith.addf %parallel_loop3A_750, %parallel_loop3A_754 : vector<16xf32>
        %parallel_loop3A_756 = arith.constant 0.707106769 : f32
        %parallel_loop3A_757 = vector.broadcast %parallel_loop3A_756 : f32 to vector<16xf32>
        %parallel_loop3A_758 = arith.mulf %parallel_loop3A_755, %parallel_loop3A_757 : vector<16xf32>
        %parallel_loop3A_759 = arith.constant 1 : i32
        %parallel_loop3A_760 = arith.index_cast %parallel_loop3A_759 : i32 to index
        %parallel_loop3A_761 = arith.index_cast %parallel_loop3A_660 : i32 to index
        %parallel_loop3A_762 = arith.constant 64 : index
        %parallel_loop3A_763 = tpu.vector_load %arg11[%parallel_loop3A_760, %parallel_loop3A_761, %parallel_loop3A_762] {strides = array<i32>} : memref<2x200x128xf32, #tpu.memory_space<vmem>>, vector<1x1x16xf32>,
        %parallel_loop3A_764 = vector.shape_cast %parallel_loop3A_763 : vector<1x1x16xf32> to vector<16xf32>
        %parallel_loop3A_765 = vector.shape_cast %parallel_loop3A_758 : vector<16xf32> to vector<1x1x16xf32>
        tpu.vector_store %arg11[%parallel_loop3A_760, %parallel_loop3A_761, %parallel_loop3A_762], %parallel_loop3A_765 {strides = array<i32>} : memref<2x200x128xf32, #tpu.memory_space<vmem>>, vector<1x1x16xf32>,
        %parallel_loop3A_766 = arith.constant 1 : i32
        %parallel_loop3A_767 = arith.index_cast %parallel_loop3A_766 : i32 to index
        %parallel_loop3A_768 = arith.index_cast %parallel_loop3A_660 : i32 to index
        %parallel_loop3A_769 = arith.constant 80 : index
        %parallel_loop3A_770 = tpu.vector_load %arg11[%parallel_loop3A_767, %parallel_loop3A_768, %parallel_loop3A_769] {strides = array<i32>} : memref<2x200x128xf32, #tpu.memory_space<vmem>>, vector<1x1x16xf32>,
        %parallel_loop3A_771 = vector.shape_cast %parallel_loop3A_770 : vector<1x1x16xf32> to vector<16xf32>
        %parallel_loop3A_772 = arith.index_cast %parallel_loop3A_660 : i32 to index
        %parallel_loop3A_773 = arith.constant 80 : index
        %parallel_loop3A_774 = tpu.vector_load %arg6[%parallel_loop3A_772, %parallel_loop3A_773] {strides = array<i32>} : memref<200x128xf32, #tpu.memory_space<vmem>>, vector<1x16xf32>,
        %parallel_loop3A_775 = vector.shape_cast %parallel_loop3A_774 : vector<1x16xf32> to vector<16xf32>
        %parallel_loop3A_776 = arith.addf %parallel_loop3A_771, %parallel_loop3A_775 : vector<16xf32>
        %parallel_loop3A_777 = arith.constant 0.707106769 : f32
        %parallel_loop3A_778 = vector.broadcast %parallel_loop3A_777 : f32 to vector<16xf32>
        %parallel_loop3A_779 = arith.mulf %parallel_loop3A_776, %parallel_loop3A_778 : vector<16xf32>
        %parallel_loop3A_780 = arith.constant 1 : i32
        %parallel_loop3A_781 = arith.index_cast %parallel_loop3A_780 : i32 to index
        %parallel_loop3A_782 = arith.index_cast %parallel_loop3A_660 : i32 to index
        %parallel_loop3A_783 = arith.constant 80 : index
        %parallel_loop3A_784 = tpu.vector_load %arg11[%parallel_loop3A_781, %parallel_loop3A_782, %parallel_loop3A_783] {strides = array<i32>} : memref<2x200x128xf32, #tpu.memory_space<vmem>>, vector<1x1x16xf32>,
        %parallel_loop3A_785 = vector.shape_cast %parallel_loop3A_784 : vector<1x1x16xf32> to vector<16xf32>
        %parallel_loop3A_786 = vector.shape_cast %parallel_loop3A_779 : vector<16xf32> to vector<1x1x16xf32>
        tpu.vector_store %arg11[%parallel_loop3A_781, %parallel_loop3A_782, %parallel_loop3A_783], %parallel_loop3A_786 {strides = array<i32>} : memref<2x200x128xf32, #tpu.memory_space<vmem>>, vector<1x1x16xf32>,
        %parallel_loop3A_787 = arith.constant 1 : i32
        %parallel_loop3A_788 = arith.index_cast %parallel_loop3A_787 : i32 to index
        %parallel_loop3A_789 = arith.index_cast %parallel_loop3A_660 : i32 to index
        %parallel_loop3A_790 = arith.constant 96 : index
        %parallel_loop3A_791 = tpu.vector_load %arg11[%parallel_loop3A_788, %parallel_loop3A_789, %parallel_loop3A_790] {strides = array<i32>} : memref<2x200x128xf32, #tpu.memory_space<vmem>>, vector<1x1x16xf32>,
        %parallel_loop3A_792 = vector.shape_cast %parallel_loop3A_791 : vector<1x1x16xf32> to vector<16xf32>
        %parallel_loop3A_793 = arith.index_cast %parallel_loop3A_660 : i32 to index
        %parallel_loop3A_794 = arith.constant 96 : index
        %parallel_loop3A_795 = tpu.vector_load %arg6[%parallel_loop3A_793, %parallel_loop3A_794] {strides = array<i32>} : memref<200x128xf32, #tpu.memory_space<vmem>>, vector<1x16xf32>,
        %parallel_loop3A_796 = vector.shape_cast %parallel_loop3A_795 : vector<1x16xf32> to vector<16xf32>
        %parallel_loop3A_797 = arith.addf %parallel_loop3A_792, %parallel_loop3A_796 : vector<16xf32>
        %parallel_loop3A_798 = arith.constant 0.707106769 : f32
        %parallel_loop3A_799 = vector.broadcast %parallel_loop3A_798 : f32 to vector<16xf32>
        %parallel_loop3A_800 = arith.mulf %parallel_loop3A_797, %parallel_loop3A_799 : vector<16xf32>
        %parallel_loop3A_801 = arith.constant 1 : i32
        %parallel_loop3A_802 = arith.index_cast %parallel_loop3A_801 : i32 to index
        %parallel_loop3A_803 = arith.index_cast %parallel_loop3A_660 : i32 to index
        %parallel_loop3A_804 = arith.constant 96 : index
        %parallel_loop3A_805 = tpu.vector_load %arg11[%parallel_loop3A_802, %parallel_loop3A_803, %parallel_loop3A_804] {strides = array<i32>} : memref<2x200x128xf32, #tpu.memory_space<vmem>>, vector<1x1x16xf32>,
        %parallel_loop3A_806 = vector.shape_cast %parallel_loop3A_805 : vector<1x1x16xf32> to vector<16xf32>
        %parallel_loop3A_807 = vector.shape_cast %parallel_loop3A_800 : vector<16xf32> to vector<1x1x16xf32>
        tpu.vector_store %arg11[%parallel_loop3A_802, %parallel_loop3A_803, %parallel_loop3A_804], %parallel_loop3A_807 {strides = array<i32>} : memref<2x200x128xf32, #tpu.memory_space<vmem>>, vector<1x1x16xf32>,
        %parallel_loop3A_808 = arith.constant 1 : i32
        %parallel_loop3A_809 = arith.index_cast %parallel_loop3A_808 : i32 to index
        %parallel_loop3A_810 = arith.index_cast %parallel_loop3A_660 : i32 to index
        %parallel_loop3A_811 = arith.constant 112 : index
        %parallel_loop3A_812 = tpu.vector_load %arg11[%parallel_loop3A_809, %parallel_loop3A_810, %parallel_loop3A_811] {strides = array<i32>} : memref<2x200x128xf32, #tpu.memory_space<vmem>>, vector<1x1x16xf32>,
        %parallel_loop3A_813 = vector.shape_cast %parallel_loop3A_812 : vector<1x1x16xf32> to vector<16xf32>
        %parallel_loop3A_814 = arith.index_cast %parallel_loop3A_660 : i32 to index
        %parallel_loop3A_815 = arith.constant 112 : index
        %parallel_loop3A_816 = tpu.vector_load %arg6[%parallel_loop3A_814, %parallel_loop3A_815] {strides = array<i32>} : memref<200x128xf32, #tpu.memory_space<vmem>>, vector<1x16xf32>,
        %parallel_loop3A_817 = vector.shape_cast %parallel_loop3A_816 : vector<1x16xf32> to vector<16xf32>
        %parallel_loop3A_818 = arith.addf %parallel_loop3A_813, %parallel_loop3A_817 : vector<16xf32>
        %parallel_loop3A_819 = arith.constant 0.707106769 : f32
        %parallel_loop3A_820 = vector.broadcast %parallel_loop3A_819 : f32 to vector<16xf32>
        %parallel_loop3A_821 = arith.mulf %parallel_loop3A_818, %parallel_loop3A_820 : vector<16xf32>
        %parallel_loop3A_822 = arith.constant 1 : i32
        %parallel_loop3A_823 = arith.index_cast %parallel_loop3A_822 : i32 to index
        %parallel_loop3A_824 = arith.index_cast %parallel_loop3A_660 : i32 to index
        %parallel_loop3A_825 = arith.constant 112 : index
        %parallel_loop3A_826 = tpu.vector_load %arg11[%parallel_loop3A_823, %parallel_loop3A_824, %parallel_loop3A_825] {strides = array<i32>} : memref<2x200x128xf32, #tpu.memory_space<vmem>>, vector<1x1x16xf32>,
        %parallel_loop3A_827 = vector.shape_cast %parallel_loop3A_826 : vector<1x1x16xf32> to vector<16xf32>
        %parallel_loop3A_828 = vector.shape_cast %parallel_loop3A_821 : vector<16xf32> to vector<1x1x16xf32>
        tpu.vector_store %arg11[%parallel_loop3A_823, %parallel_loop3A_824, %parallel_loop3A_825], %parallel_loop3A_828 {strides = array<i32>} : memref<2x200x128xf32, #tpu.memory_space<vmem>>, vector<1x1x16xf32>,
      } {sc.loop_unroll_factor = 4 : i64, sc.parallel_access}
      %add3A_599 = arith.addi %mul3A_2, %add3A_519 : i32
      %mul3A_600 = arith.constant 200 : i32
      %mul3A_601 = arith.muli %add3A_599, %mul3A_600 : i32
      %dma_start3A_602 = arith.constant 1 : i32
      %dma_start3A_603 = arith.constant 0 : i32
      %dma_start3A_604 = arith.constant 0 : i32
      %dma_start3A_605 = tpu.memref_slice %arg11[%dma_start3A_602, %dma_start3A_603, %dma_start3A_604] : memref<2x200x128xf32, #tpu.memory_space<vmem>> -> memref<1x128x128xf32, #tpu.memory_space<vmem>>
      %dma_start3A_606 = tpu.memref_squeeze %dma_start3A_605 : memref<1x128x128xf32, #tpu.memory_space<vmem>> -> memref<128x128xf32, #tpu.memory_space<vmem>>
      %dma_start3A_607 = arith.constant 0 : i32
      %dma_start3A_608 = tpu.memref_slice %arg5[%mul3A_601, %dma_start3A_607] : memref<819200x128xf32, #tpu.memory_space<hbm>> -> memref<128x128xf32, #tpu.memory_space<hbm>>
      %dma_start3A_609 = arith.constant 0 : i32
      %dma_start3A_610 = tpu.memref_slice %arg5[%mul3A_601, %dma_start3A_609] : memref<819200x128xf32, #tpu.memory_space<hbm>> -> memref<128x128xf32, #tpu.memory_space<hbm>>
      %dma_start3A_611 = arith.constant 0 : i32
      %dma_start3A_612 = arith.constant 0 : i32
      %dma_start3A_613 = tpu.memref_slice %arg11[%dma_start3A_602, %dma_start3A_611, %dma_start3A_612] : memref<2x200x128xf32, #tpu.memory_space<vmem>> -> memref<1x128x128xf32, #tpu.memory_space<vmem>>
      %dma_start3A_614 = tpu.memref_squeeze %dma_start3A_613 : memref<1x128x128xf32, #tpu.memory_space<vmem>> -> memref<128x128xf32, #tpu.memory_space<vmem>>
      tpu.enqueue_dma source(%dma_start3A_614 : memref<128x128xf32, #tpu.memory_space<vmem>>) target(%dma_start3A_610 : memref<128x128xf32, #tpu.memory_space<hbm>>) target_semaphore(%arg17 : memref<!tpu.dma_semaphore, #tpu.memory_space<semaphore_mem>>)
      %dma_wait3A_615 = arith.constant 1 : i32
      %dma_wait3A_616 = arith.constant 128 : i32
      %dma_wait3A_617 = arith.constant 0 : i32
      %dma_wait3A_618 = tpu.memref_slice %arg11[%dma_wait3A_615, %dma_wait3A_616, %dma_wait3A_617] : memref<2x200x128xf32, #tpu.memory_space<vmem>> -> memref<1x72x128xf32, #tpu.memory_space<vmem>>
      %dma_wait3A_619 = tpu.memref_squeeze %dma_wait3A_618 : memref<1x72x128xf32, #tpu.memory_space<vmem>> -> memref<72x128xf32, #tpu.memory_space<vmem>>
      %dma_wait3A_620 = arith.constant 0 : i32
      %dma_wait3A_621 = arith.constant 0 : i32
      %dma_wait3A_622 = tpu.memref_slice %arg3[%dma_wait3A_620, %dma_wait3A_621] : memref<100000x128xf32, #tpu.memory_space<hbm>> -> memref<72x128xf32, #tpu.memory_space<hbm>>
      %dma_wait3A_623 = arith.constant 128 : i32
      %dma_wait3A_624 = arith.constant 0 : i32
      %dma_wait3A_625 = tpu.memref_slice %arg11[%dma_wait3A_615, %dma_wait3A_623, %dma_wait3A_624] : memref<2x200x128xf32, #tpu.memory_space<vmem>> -> memref<1x72x128xf32, #tpu.memory_space<vmem>>
      %dma_wait3A_626 = tpu.memref_squeeze %dma_wait3A_625 : memref<1x72x128xf32, #tpu.memory_space<vmem>> -> memref<72x128xf32, #tpu.memory_space<vmem>>
      %dma_wait3A_627 = arith.constant 0 : i32
      %dma_wait3A_628 = arith.constant 0 : i32
      %dma_wait3A_629 = tpu.memref_slice %arg3[%dma_wait3A_627, %dma_wait3A_628] : memref<100000x128xf32, #tpu.memory_space<hbm>> -> memref<72x128xf32, #tpu.memory_space<hbm>>
      tpu.wait_dma2 semaphore(%arg15 : memref<!tpu.dma_semaphore, #tpu.memory_space<semaphore_mem>>) src(%dma_wait3A_629 : memref<72x128xf32, #tpu.memory_space<hbm>>) dst(%dma_wait3A_626 : memref<72x128xf32, #tpu.memory_space<vmem>>)
      %add3A_630 = arith.constant 2 : i32
      %add3A_631 = arith.addi %add3A_519, %add3A_630 : i32
      %add3A_632 = arith.addi %mul3A_2, %add3A_631 : i32
      %mul3A_633 = arith.constant 200 : i32
      %mul3A_634 = arith.muli %add3A_632, %mul3A_633 : i32
      %add3A_635 = arith.constant 128 : i32
      %add3A_636 = arith.addi %mul3A_634, %add3A_635 : i32
      %dma_start3A_637 = tpu.memref_slice %arg2[%add3A_636] : memref<819600xi32, #tpu.memory_space<hbm>> -> memref<72xi32, #tpu.memory_space<hbm>>
      %dma_start3A_638 = tpu.memref_slice %arg2[%add3A_636] : memref<819600xi32, #tpu.memory_space<hbm>> -> memref<72xi32, #tpu.memory_space<hbm>>
      tpu.enqueue_dma source(%dma_start3A_638 : memref<72xi32, #tpu.memory_space<hbm>>) target(%arg10 : memref<72xi32, #tpu.memory_space<vmem>>) target_semaphore(%arg19 : memref<!tpu.dma_semaphore, #tpu.memory_space<semaphore_mem>>)
      %parallel_loop3A_639 = arith.constant 128 : i32
      %parallel_loop3A_640 = arith.constant 200 : i32
      %parallel_loop3A_641 = arith.constant 1 : i32
      scf.for %parallel_loop3A_660 = %parallel_loop3A_639 to %parallel_loop3A_640 step %parallel_loop3A_641  : i32 {
        %parallel_loop3A_661 = arith.constant 1 : i32
        %parallel_loop3A_662 = arith.index_cast %parallel_loop3A_661 : i32 to index
        %parallel_loop3A_663 = arith.index_cast %parallel_loop3A_660 : i32 to index
        %parallel_loop3A_664 = arith.constant 0 : index
        %parallel_loop3A_665 = tpu.vector_load %arg11[%parallel_loop3A_662, %parallel_loop3A_663, %parallel_loop3A_664] {strides = array<i32>} : memref<2x200x128xf32, #tpu.memory_space<vmem>>, vector<1x1x16xf32>,
        %parallel_loop3A_666 = vector.shape_cast %parallel_loop3A_665 : vector<1x1x16xf32> to vector<16xf32>
        %parallel_loop3A_667 = arith.index_cast %parallel_loop3A_660 : i32 to index
        %parallel_loop3A_668 = arith.constant 0 : index
        %parallel_loop3A_669 = tpu.vector_load %arg6[%parallel_loop3A_667, %parallel_loop3A_668] {strides = array<i32>} : memref<200x128xf32, #tpu.memory_space<vmem>>, vector<1x16xf32>,
        %parallel_loop3A_670 = vector.shape_cast %parallel_loop3A_669 : vector<1x16xf32> to vector<16xf32>
        %parallel_loop3A_671 = arith.addf %parallel_loop3A_666, %parallel_loop3A_670 : vector<16xf32>
        %parallel_loop3A_672 = arith.constant 0.707106769 : f32
        %parallel_loop3A_673 = vector.broadcast %parallel_loop3A_672 : f32 to vector<16xf32>
        %parallel_loop3A_674 = arith.mulf %parallel_loop3A_671, %parallel_loop3A_673 : vector<16xf32>
        %parallel_loop3A_675 = arith.constant 1 : i32
        %parallel_loop3A_676 = arith.index_cast %parallel_loop3A_675 : i32 to index
        %parallel_loop3A_677 = arith.index_cast %parallel_loop3A_660 : i32 to index
        %parallel_loop3A_678 = arith.constant 0 : index
        %parallel_loop3A_679 = tpu.vector_load %arg11[%parallel_loop3A_676, %parallel_loop3A_677, %parallel_loop3A_678] {strides = array<i32>} : memref<2x200x128xf32, #tpu.memory_space<vmem>>, vector<1x1x16xf32>,
        %parallel_loop3A_680 = vector.shape_cast %parallel_loop3A_679 : vector<1x1x16xf32> to vector<16xf32>
        %parallel_loop3A_681 = vector.shape_cast %parallel_loop3A_674 : vector<16xf32> to vector<1x1x16xf32>
        tpu.vector_store %arg11[%parallel_loop3A_676, %parallel_loop3A_677, %parallel_loop3A_678], %parallel_loop3A_681 {strides = array<i32>} : memref<2x200x128xf32, #tpu.memory_space<vmem>>, vector<1x1x16xf32>,
        %parallel_loop3A_682 = arith.constant 1 : i32
        %parallel_loop3A_683 = arith.index_cast %parallel_loop3A_682 : i32 to index
        %parallel_loop3A_684 = arith.index_cast %parallel_loop3A_660 : i32 to index
        %parallel_loop3A_685 = arith.constant 16 : index
        %parallel_loop3A_686 = tpu.vector_load %arg11[%parallel_loop3A_683, %parallel_loop3A_684, %parallel_loop3A_685] {strides = array<i32>} : memref<2x200x128xf32, #tpu.memory_space<vmem>>, vector<1x1x16xf32>,
        %parallel_loop3A_687 = vector.shape_cast %parallel_loop3A_686 : vector<1x1x16xf32> to vector<16xf32>
        %parallel_loop3A_688 = arith.index_cast %parallel_loop3A_660 : i32 to index
        %parallel_loop3A_689 = arith.constant 16 : index
        %parallel_loop3A_690 = tpu.vector_load %arg6[%parallel_loop3A_688, %parallel_loop3A_689] {strides = array<i32>} : memref<200x128xf32, #tpu.memory_space<vmem>>, vector<1x16xf32>,
        %parallel_loop3A_691 = vector.shape_cast %parallel_loop3A_690 : vector<1x16xf32> to vector<16xf32>
        %parallel_loop3A_692 = arith.addf %parallel_loop3A_687, %parallel_loop3A_691 : vector<16xf32>
        %parallel_loop3A_693 = arith.constant 0.707106769 : f32
        %parallel_loop3A_694 = vector.broadcast %parallel_loop3A_693 : f32 to vector<16xf32>
        %parallel_loop3A_695 = arith.mulf %parallel_loop3A_692, %parallel_loop3A_694 : vector<16xf32>
        %parallel_loop3A_696 = arith.constant 1 : i32
        %parallel_loop3A_697 = arith.index_cast %parallel_loop3A_696 : i32 to index
        %parallel_loop3A_698 = arith.index_cast %parallel_loop3A_660 : i32 to index
        %parallel_loop3A_699 = arith.constant 16 : index
        %parallel_loop3A_700 = tpu.vector_load %arg11[%parallel_loop3A_697, %parallel_loop3A_698, %parallel_loop3A_699] {strides = array<i32>} : memref<2x200x128xf32, #tpu.memory_space<vmem>>, vector<1x1x16xf32>,
        %parallel_loop3A_701 = vector.shape_cast %parallel_loop3A_700 : vector<1x1x16xf32> to vector<16xf32>
        %parallel_loop3A_702 = vector.shape_cast %parallel_loop3A_695 : vector<16xf32> to vector<1x1x16xf32>
        tpu.vector_store %arg11[%parallel_loop3A_697, %parallel_loop3A_698, %parallel_loop3A_699], %parallel_loop3A_702 {strides = array<i32>} : memref<2x200x128xf32, #tpu.memory_space<vmem>>, vector<1x1x16xf32>,
        %parallel_loop3A_703 = arith.constant 1 : i32
        %parallel_loop3A_704 = arith.index_cast %parallel_loop3A_703 : i32 to index
        %parallel_loop3A_705 = arith.index_cast %parallel_loop3A_660 : i32 to index
        %parallel_loop3A_706 = arith.constant 32 : index
        %parallel_loop3A_707 = tpu.vector_load %arg11[%parallel_loop3A_704, %parallel_loop3A_705, %parallel_loop3A_706] {strides = array<i32>} : memref<2x200x128xf32, #tpu.memory_space<vmem>>, vector<1x1x16xf32>,
        %parallel_loop3A_708 = vector.shape_cast %parallel_loop3A_707 : vector<1x1x16xf32> to vector<16xf32>
        %parallel_loop3A_709 = arith.index_cast %parallel_loop3A_660 : i32 to index
        %parallel_loop3A_710 = arith.constant 32 : index
        %parallel_loop3A_711 = tpu.vector_load %arg6[%parallel_loop3A_709, %parallel_loop3A_710] {strides = array<i32>} : memref<200x128xf32, #tpu.memory_space<vmem>>, vector<1x16xf32>,
        %parallel_loop3A_712 = vector.shape_cast %parallel_loop3A_711 : vector<1x16xf32> to vector<16xf32>
        %parallel_loop3A_713 = arith.addf %parallel_loop3A_708, %parallel_loop3A_712 : vector<16xf32>
        %parallel_loop3A_714 = arith.constant 0.707106769 : f32
        %parallel_loop3A_715 = vector.broadcast %parallel_loop3A_714 : f32 to vector<16xf32>
        %parallel_loop3A_716 = arith.mulf %parallel_loop3A_713, %parallel_loop3A_715 : vector<16xf32>
        %parallel_loop3A_717 = arith.constant 1 : i32
        %parallel_loop3A_718 = arith.index_cast %parallel_loop3A_717 : i32 to index
        %parallel_loop3A_719 = arith.index_cast %parallel_loop3A_660 : i32 to index
        %parallel_loop3A_720 = arith.constant 32 : index
        %parallel_loop3A_721 = tpu.vector_load %arg11[%parallel_loop3A_718, %parallel_loop3A_719, %parallel_loop3A_720] {strides = array<i32>} : memref<2x200x128xf32, #tpu.memory_space<vmem>>, vector<1x1x16xf32>,
        %parallel_loop3A_722 = vector.shape_cast %parallel_loop3A_721 : vector<1x1x16xf32> to vector<16xf32>
        %parallel_loop3A_723 = vector.shape_cast %parallel_loop3A_716 : vector<16xf32> to vector<1x1x16xf32>
        tpu.vector_store %arg11[%parallel_loop3A_718, %parallel_loop3A_719, %parallel_loop3A_720], %parallel_loop3A_723 {strides = array<i32>} : memref<2x200x128xf32, #tpu.memory_space<vmem>>, vector<1x1x16xf32>,
        %parallel_loop3A_724 = arith.constant 1 : i32
        %parallel_loop3A_725 = arith.index_cast %parallel_loop3A_724 : i32 to index
        %parallel_loop3A_726 = arith.index_cast %parallel_loop3A_660 : i32 to index
        %parallel_loop3A_727 = arith.constant 48 : index
        %parallel_loop3A_728 = tpu.vector_load %arg11[%parallel_loop3A_725, %parallel_loop3A_726, %parallel_loop3A_727] {strides = array<i32>} : memref<2x200x128xf32, #tpu.memory_space<vmem>>, vector<1x1x16xf32>,
        %parallel_loop3A_729 = vector.shape_cast %parallel_loop3A_728 : vector<1x1x16xf32> to vector<16xf32>
        %parallel_loop3A_730 = arith.index_cast %parallel_loop3A_660 : i32 to index
        %parallel_loop3A_731 = arith.constant 48 : index
        %parallel_loop3A_732 = tpu.vector_load %arg6[%parallel_loop3A_730, %parallel_loop3A_731] {strides = array<i32>} : memref<200x128xf32, #tpu.memory_space<vmem>>, vector<1x16xf32>,
        %parallel_loop3A_733 = vector.shape_cast %parallel_loop3A_732 : vector<1x16xf32> to vector<16xf32>
        %parallel_loop3A_734 = arith.addf %parallel_loop3A_729, %parallel_loop3A_733 : vector<16xf32>
        %parallel_loop3A_735 = arith.constant 0.707106769 : f32
        %parallel_loop3A_736 = vector.broadcast %parallel_loop3A_735 : f32 to vector<16xf32>
        %parallel_loop3A_737 = arith.mulf %parallel_loop3A_734, %parallel_loop3A_736 : vector<16xf32>
        %parallel_loop3A_738 = arith.constant 1 : i32
        %parallel_loop3A_739 = arith.index_cast %parallel_loop3A_738 : i32 to index
        %parallel_loop3A_740 = arith.index_cast %parallel_loop3A_660 : i32 to index
        %parallel_loop3A_741 = arith.constant 48 : index
        %parallel_loop3A_742 = tpu.vector_load %arg11[%parallel_loop3A_739, %parallel_loop3A_740, %parallel_loop3A_741] {strides = array<i32>} : memref<2x200x128xf32, #tpu.memory_space<vmem>>, vector<1x1x16xf32>,
        %parallel_loop3A_743 = vector.shape_cast %parallel_loop3A_742 : vector<1x1x16xf32> to vector<16xf32>
        %parallel_loop3A_744 = vector.shape_cast %parallel_loop3A_737 : vector<16xf32> to vector<1x1x16xf32>
        tpu.vector_store %arg11[%parallel_loop3A_739, %parallel_loop3A_740, %parallel_loop3A_741], %parallel_loop3A_744 {strides = array<i32>} : memref<2x200x128xf32, #tpu.memory_space<vmem>>, vector<1x1x16xf32>,
        %parallel_loop3A_745 = arith.constant 1 : i32
        %parallel_loop3A_746 = arith.index_cast %parallel_loop3A_745 : i32 to index
        %parallel_loop3A_747 = arith.index_cast %parallel_loop3A_660 : i32 to index
        %parallel_loop3A_748 = arith.constant 64 : index
        %parallel_loop3A_749 = tpu.vector_load %arg11[%parallel_loop3A_746, %parallel_loop3A_747, %parallel_loop3A_748] {strides = array<i32>} : memref<2x200x128xf32, #tpu.memory_space<vmem>>, vector<1x1x16xf32>,
        %parallel_loop3A_750 = vector.shape_cast %parallel_loop3A_749 : vector<1x1x16xf32> to vector<16xf32>
        %parallel_loop3A_751 = arith.index_cast %parallel_loop3A_660 : i32 to index
        %parallel_loop3A_752 = arith.constant 64 : index
        %parallel_loop3A_753 = tpu.vector_load %arg6[%parallel_loop3A_751, %parallel_loop3A_752] {strides = array<i32>} : memref<200x128xf32, #tpu.memory_space<vmem>>, vector<1x16xf32>,
        %parallel_loop3A_754 = vector.shape_cast %parallel_loop3A_753 : vector<1x16xf32> to vector<16xf32>
        %parallel_loop3A_755 = arith.addf %parallel_loop3A_750, %parallel_loop3A_754 : vector<16xf32>
        %parallel_loop3A_756 = arith.constant 0.707106769 : f32
        %parallel_loop3A_757 = vector.broadcast %parallel_loop3A_756 : f32 to vector<16xf32>
        %parallel_loop3A_758 = arith.mulf %parallel_loop3A_755, %parallel_loop3A_757 : vector<16xf32>
        %parallel_loop3A_759 = arith.constant 1 : i32
        %parallel_loop3A_760 = arith.index_cast %parallel_loop3A_759 : i32 to index
        %parallel_loop3A_761 = arith.index_cast %parallel_loop3A_660 : i32 to index
        %parallel_loop3A_762 = arith.constant 64 : index
        %parallel_loop3A_763 = tpu.vector_load %arg11[%parallel_loop3A_760, %parallel_loop3A_761, %parallel_loop3A_762] {strides = array<i32>} : memref<2x200x128xf32, #tpu.memory_space<vmem>>, vector<1x1x16xf32>,
        %parallel_loop3A_764 = vector.shape_cast %parallel_loop3A_763 : vector<1x1x16xf32> to vector<16xf32>
        %parallel_loop3A_765 = vector.shape_cast %parallel_loop3A_758 : vector<16xf32> to vector<1x1x16xf32>
        tpu.vector_store %arg11[%parallel_loop3A_760, %parallel_loop3A_761, %parallel_loop3A_762], %parallel_loop3A_765 {strides = array<i32>} : memref<2x200x128xf32, #tpu.memory_space<vmem>>, vector<1x1x16xf32>,
        %parallel_loop3A_766 = arith.constant 1 : i32
        %parallel_loop3A_767 = arith.index_cast %parallel_loop3A_766 : i32 to index
        %parallel_loop3A_768 = arith.index_cast %parallel_loop3A_660 : i32 to index
        %parallel_loop3A_769 = arith.constant 80 : index
        %parallel_loop3A_770 = tpu.vector_load %arg11[%parallel_loop3A_767, %parallel_loop3A_768, %parallel_loop3A_769] {strides = array<i32>} : memref<2x200x128xf32, #tpu.memory_space<vmem>>, vector<1x1x16xf32>,
        %parallel_loop3A_771 = vector.shape_cast %parallel_loop3A_770 : vector<1x1x16xf32> to vector<16xf32>
        %parallel_loop3A_772 = arith.index_cast %parallel_loop3A_660 : i32 to index
        %parallel_loop3A_773 = arith.constant 80 : index
        %parallel_loop3A_774 = tpu.vector_load %arg6[%parallel_loop3A_772, %parallel_loop3A_773] {strides = array<i32>} : memref<200x128xf32, #tpu.memory_space<vmem>>, vector<1x16xf32>,
        %parallel_loop3A_775 = vector.shape_cast %parallel_loop3A_774 : vector<1x16xf32> to vector<16xf32>
        %parallel_loop3A_776 = arith.addf %parallel_loop3A_771, %parallel_loop3A_775 : vector<16xf32>
        %parallel_loop3A_777 = arith.constant 0.707106769 : f32
        %parallel_loop3A_778 = vector.broadcast %parallel_loop3A_777 : f32 to vector<16xf32>
        %parallel_loop3A_779 = arith.mulf %parallel_loop3A_776, %parallel_loop3A_778 : vector<16xf32>
        %parallel_loop3A_780 = arith.constant 1 : i32
        %parallel_loop3A_781 = arith.index_cast %parallel_loop3A_780 : i32 to index
        %parallel_loop3A_782 = arith.index_cast %parallel_loop3A_660 : i32 to index
        %parallel_loop3A_783 = arith.constant 80 : index
        %parallel_loop3A_784 = tpu.vector_load %arg11[%parallel_loop3A_781, %parallel_loop3A_782, %parallel_loop3A_783] {strides = array<i32>} : memref<2x200x128xf32, #tpu.memory_space<vmem>>, vector<1x1x16xf32>,
        %parallel_loop3A_785 = vector.shape_cast %parallel_loop3A_784 : vector<1x1x16xf32> to vector<16xf32>
        %parallel_loop3A_786 = vector.shape_cast %parallel_loop3A_779 : vector<16xf32> to vector<1x1x16xf32>
        tpu.vector_store %arg11[%parallel_loop3A_781, %parallel_loop3A_782, %parallel_loop3A_783], %parallel_loop3A_786 {strides = array<i32>} : memref<2x200x128xf32, #tpu.memory_space<vmem>>, vector<1x1x16xf32>,
        %parallel_loop3A_787 = arith.constant 1 : i32
        %parallel_loop3A_788 = arith.index_cast %parallel_loop3A_787 : i32 to index
        %parallel_loop3A_789 = arith.index_cast %parallel_loop3A_660 : i32 to index
        %parallel_loop3A_790 = arith.constant 96 : index
        %parallel_loop3A_791 = tpu.vector_load %arg11[%parallel_loop3A_788, %parallel_loop3A_789, %parallel_loop3A_790] {strides = array<i32>} : memref<2x200x128xf32, #tpu.memory_space<vmem>>, vector<1x1x16xf32>,
        %parallel_loop3A_792 = vector.shape_cast %parallel_loop3A_791 : vector<1x1x16xf32> to vector<16xf32>
        %parallel_loop3A_793 = arith.index_cast %parallel_loop3A_660 : i32 to index
        %parallel_loop3A_794 = arith.constant 96 : index
        %parallel_loop3A_795 = tpu.vector_load %arg6[%parallel_loop3A_793, %parallel_loop3A_794] {strides = array<i32>} : memref<200x128xf32, #tpu.memory_space<vmem>>, vector<1x16xf32>,
        %parallel_loop3A_796 = vector.shape_cast %parallel_loop3A_795 : vector<1x16xf32> to vector<16xf32>
        %parallel_loop3A_797 = arith.addf %parallel_loop3A_792, %parallel_loop3A_796 : vector<16xf32>
        %parallel_loop3A_798 = arith.constant 0.707106769 : f32
        %parallel_loop3A_799 = vector.broadcast %parallel_loop3A_798 : f32 to vector<16xf32>
        %parallel_loop3A_800 = arith.mulf %parallel_loop3A_797, %parallel_loop3A_799 : vector<16xf32>
        %parallel_loop3A_801 = arith.constant 1 : i32
        %parallel_loop3A_802 = arith.index_cast %parallel_loop3A_801 : i32 to index
        %parallel_loop3A_803 = arith.index_cast %parallel_loop3A_660 : i32 to index
        %parallel_loop3A_804 = arith.constant 96 : index
        %parallel_loop3A_805 = tpu.vector_load %arg11[%parallel_loop3A_802, %parallel_loop3A_803, %parallel_loop3A_804] {strides = array<i32>} : memref<2x200x128xf32, #tpu.memory_space<vmem>>, vector<1x1x16xf32>,
        %parallel_loop3A_806 = vector.shape_cast %parallel_loop3A_805 : vector<1x1x16xf32> to vector<16xf32>
        %parallel_loop3A_807 = vector.shape_cast %parallel_loop3A_800 : vector<16xf32> to vector<1x1x16xf32>
        tpu.vector_store %arg11[%parallel_loop3A_802, %parallel_loop3A_803, %parallel_loop3A_804], %parallel_loop3A_807 {strides = array<i32>} : memref<2x200x128xf32, #tpu.memory_space<vmem>>, vector<1x1x16xf32>,
        %parallel_loop3A_808 = arith.constant 1 : i32
        %parallel_loop3A_809 = arith.index_cast %parallel_loop3A_808 : i32 to index
        %parallel_loop3A_810 = arith.index_cast %parallel_loop3A_660 : i32 to index
        %parallel_loop3A_811 = arith.constant 112 : index
        %parallel_loop3A_812 = tpu.vector_load %arg11[%parallel_loop3A_809, %parallel_loop3A_810, %parallel_loop3A_811] {strides = array<i32>} : memref<2x200x128xf32, #tpu.memory_space<vmem>>, vector<1x1x16xf32>,
        %parallel_loop3A_813 = vector.shape_cast %parallel_loop3A_812 : vector<1x1x16xf32> to vector<16xf32>
        %parallel_loop3A_814 = arith.index_cast %parallel_loop3A_660 : i32 to index
        %parallel_loop3A_815 = arith.constant 112 : index
        %parallel_loop3A_816 = tpu.vector_load %arg6[%parallel_loop3A_814, %parallel_loop3A_815] {strides = array<i32>} : memref<200x128xf32, #tpu.memory_space<vmem>>, vector<1x16xf32>,
        %parallel_loop3A_817 = vector.shape_cast %parallel_loop3A_816 : vector<1x16xf32> to vector<16xf32>
        %parallel_loop3A_818 = arith.addf %parallel_loop3A_813, %parallel_loop3A_817 : vector<16xf32>
        %parallel_loop3A_819 = arith.constant 0.707106769 : f32
        %parallel_loop3A_820 = vector.broadcast %parallel_loop3A_819 : f32 to vector<16xf32>
        %parallel_loop3A_821 = arith.mulf %parallel_loop3A_818, %parallel_loop3A_820 : vector<16xf32>
        %parallel_loop3A_822 = arith.constant 1 : i32
        %parallel_loop3A_823 = arith.index_cast %parallel_loop3A_822 : i32 to index
        %parallel_loop3A_824 = arith.index_cast %parallel_loop3A_660 : i32 to index
        %parallel_loop3A_825 = arith.constant 112 : index
        %parallel_loop3A_826 = tpu.vector_load %arg11[%parallel_loop3A_823, %parallel_loop3A_824, %parallel_loop3A_825] {strides = array<i32>} : memref<2x200x128xf32, #tpu.memory_space<vmem>>, vector<1x1x16xf32>,
        %parallel_loop3A_827 = vector.shape_cast %parallel_loop3A_826 : vector<1x1x16xf32> to vector<16xf32>
        %parallel_loop3A_828 = vector.shape_cast %parallel_loop3A_821 : vector<16xf32> to vector<1x1x16xf32>
        tpu.vector_store %arg11[%parallel_loop3A_823, %parallel_loop3A_824, %parallel_loop3A_825], %parallel_loop3A_828 {strides = array<i32>} : memref<2x200x128xf32, #tpu.memory_space<vmem>>, vector<1x1x16xf32>,
      } {sc.loop_unroll_factor = 4 : i64, sc.parallel_access}
      %add3A_642 = arith.addi %mul3A_2, %add3A_519 : i32
      %mul3A_643 = arith.constant 200 : i32
      %mul3A_644 = arith.muli %add3A_642, %mul3A_643 : i32
      %add3A_645 = arith.constant 128 : i32
      %add3A_646 = arith.addi %mul3A_644, %add3A_645 : i32
      %dma_start3A_647 = arith.constant 1 : i32
      %dma_start3A_648 = arith.constant 128 : i32
      %dma_start3A_649 = arith.constant 0 : i32
      %dma_start3A_650 = tpu.memref_slice %arg11[%dma_start3A_647, %dma_start3A_648, %dma_start3A_649] : memref<2x200x128xf32, #tpu.memory_space<vmem>> -> memref<1x72x128xf32, #tpu.memory_space<vmem>>
      %dma_start3A_651 = tpu.memref_squeeze %dma_start3A_650 : memref<1x72x128xf32, #tpu.memory_space<vmem>> -> memref<72x128xf32, #tpu.memory_space<vmem>>
      %dma_start3A_652 = arith.constant 0 : i32
      %dma_start3A_653 = tpu.memref_slice %arg5[%add3A_646, %dma_start3A_652] : memref<819200x128xf32, #tpu.memory_space<hbm>> -> memref<72x128xf32, #tpu.memory_space<hbm>>
      %dma_start3A_654 = arith.constant 0 : i32
      %dma_start3A_655 = tpu.memref_slice %arg5[%add3A_646, %dma_start3A_654] : memref<819200x128xf32, #tpu.memory_space<hbm>> -> memref<72x128xf32, #tpu.memory_space<hbm>>
      %dma_start3A_656 = arith.constant 128 : i32
      %dma_start3A_657 = arith.constant 0 : i32
      %dma_start3A_658 = tpu.memref_slice %arg11[%dma_start3A_647, %dma_start3A_656, %dma_start3A_657] : memref<2x200x128xf32, #tpu.memory_space<vmem>> -> memref<1x72x128xf32, #tpu.memory_space<vmem>>
      %dma_start3A_659 = tpu.memref_squeeze %dma_start3A_658 : memref<1x72x128xf32, #tpu.memory_space<vmem>> -> memref<72x128xf32, #tpu.memory_space<vmem>>
      tpu.enqueue_dma source(%dma_start3A_659 : memref<72x128xf32, #tpu.memory_space<vmem>>) target(%dma_start3A_655 : memref<72x128xf32, #tpu.memory_space<hbm>>) target_semaphore(%arg17 : memref<!tpu.dma_semaphore, #tpu.memory_space<semaphore_mem>>)
    }
    %scan3A_306 = arith.constant 63 : i32
    %dma_wait3A_307 = arith.constant 0 : i32
    %dma_wait3A_308 = tpu.memref_slice %arg2[%dma_wait3A_307] : memref<819600xi32, #tpu.memory_space<hbm>> -> memref<128xi32, #tpu.memory_space<hbm>>
    %dma_wait3A_309 = arith.constant 0 : i32
    %dma_wait3A_310 = tpu.memref_slice %arg2[%dma_wait3A_309] : memref<819600xi32, #tpu.memory_space<hbm>> -> memref<128xi32, #tpu.memory_space<hbm>>
    tpu.wait_dma2 semaphore(%arg19 : memref<!tpu.dma_semaphore, #tpu.memory_space<semaphore_mem>>) src(%dma_wait3A_310 : memref<128xi32, #tpu.memory_space<hbm>>) dst(%arg8 : memref<128xi32, #tpu.memory_space<vmem>>)
    %dma_wait3A_311 = arith.constant 0 : i32
    %dma_wait3A_312 = tpu.memref_slice %arg2[%dma_wait3A_311] : memref<819600xi32, #tpu.memory_space<hbm>> -> memref<72xi32, #tpu.memory_space<hbm>>
    %dma_wait3A_313 = arith.constant 0 : i32
    %dma_wait3A_314 = tpu.memref_slice %arg2[%dma_wait3A_313] : memref<819600xi32, #tpu.memory_space<hbm>> -> memref<72xi32, #tpu.memory_space<hbm>>
    tpu.wait_dma2 semaphore(%arg19 : memref<!tpu.dma_semaphore, #tpu.memory_space<semaphore_mem>>) src(%dma_wait3A_314 : memref<72xi32, #tpu.memory_space<hbm>>) dst(%arg10 : memref<72xi32, #tpu.memory_space<vmem>>)
    %dma_wait3A_315 = arith.constant 0 : i32
    %dma_wait3A_316 = arith.constant 0 : i32
    %dma_wait3A_317 = arith.constant 0 : i32
    %dma_wait3A_318 = tpu.memref_slice %arg11[%dma_wait3A_315, %dma_wait3A_316, %dma_wait3A_317] : memref<2x200x128xf32, #tpu.memory_space<vmem>> -> memref<1x128x128xf32, #tpu.memory_space<vmem>>
    %dma_wait3A_319 = tpu.memref_squeeze %dma_wait3A_318 : memref<1x128x128xf32, #tpu.memory_space<vmem>> -> memref<128x128xf32, #tpu.memory_space<vmem>>
    %dma_wait3A_320 = arith.constant 0 : i32
    %dma_wait3A_321 = arith.constant 0 : i32
    %dma_wait3A_322 = tpu.memref_slice %arg3[%dma_wait3A_320, %dma_wait3A_321] : memref<100000x128xf32, #tpu.memory_space<hbm>> -> memref<128x128xf32, #tpu.memory_space<hbm>>
    %dma_wait3A_323 = arith.constant 0 : i32
    %dma_wait3A_324 = arith.constant 0 : i32
    %dma_wait3A_325 = tpu.memref_slice %arg11[%dma_wait3A_315, %dma_wait3A_323, %dma_wait3A_324] : memref<2x200x128xf32, #tpu.memory_space<vmem>> -> memref<1x128x128xf32, #tpu.memory_space<vmem>>
    %dma_wait3A_326 = tpu.memref_squeeze %dma_wait3A_325 : memref<1x128x128xf32, #tpu.memory_space<vmem>> -> memref<128x128xf32, #tpu.memory_space<vmem>>
    %dma_wait3A_327 = arith.constant 0 : i32
    %dma_wait3A_328 = arith.constant 0 : i32
    %dma_wait3A_329 = tpu.memref_slice %arg3[%dma_wait3A_327, %dma_wait3A_328] : memref<100000x128xf32, #tpu.memory_space<hbm>> -> memref<128x128xf32, #tpu.memory_space<hbm>>
    tpu.wait_dma2 semaphore(%arg12 : memref<!tpu.dma_semaphore, #tpu.memory_space<semaphore_mem>>) src(%dma_wait3A_329 : memref<128x128xf32, #tpu.memory_space<hbm>>) dst(%dma_wait3A_326 : memref<128x128xf32, #tpu.memory_space<vmem>>)
    %dma_wait3A_330 = arith.constant 0 : i32
    %dma_wait3A_331 = arith.constant 128 : i32
    %dma_wait3A_332 = arith.constant 0 : i32
    %dma_wait3A_333 = tpu.memref_slice %arg11[%dma_wait3A_330, %dma_wait3A_331, %dma_wait3A_332] : memref<2x200x128xf32, #tpu.memory_space<vmem>> -> memref<1x72x128xf32, #tpu.memory_space<vmem>>
    %dma_wait3A_334 = tpu.memref_squeeze %dma_wait3A_333 : memref<1x72x128xf32, #tpu.memory_space<vmem>> -> memref<72x128xf32, #tpu.memory_space<vmem>>
    %dma_wait3A_335 = arith.constant 0 : i32
    %dma_wait3A_336 = arith.constant 0 : i32
    %dma_wait3A_337 = tpu.memref_slice %arg3[%dma_wait3A_335, %dma_wait3A_336] : memref<100000x128xf32, #tpu.memory_space<hbm>> -> memref<72x128xf32, #tpu.memory_space<hbm>>
    %dma_wait3A_338 = arith.constant 128 : i32
    %dma_wait3A_339 = arith.constant 0 : i32
    %dma_wait3A_340 = tpu.memref_slice %arg11[%dma_wait3A_330, %dma_wait3A_338, %dma_wait3A_339] : memref<2x200x128xf32, #tpu.memory_space<vmem>> -> memref<1x72x128xf32, #tpu.memory_space<vmem>>
    %dma_wait3A_341 = tpu.memref_squeeze %dma_wait3A_340 : memref<1x72x128xf32, #tpu.memory_space<vmem>> -> memref<72x128xf32, #tpu.memory_space<vmem>>
    %dma_wait3A_342 = arith.constant 0 : i32
    %dma_wait3A_343 = arith.constant 0 : i32
    %dma_wait3A_344 = tpu.memref_slice %arg3[%dma_wait3A_342, %dma_wait3A_343] : memref<100000x128xf32, #tpu.memory_space<hbm>> -> memref<72x128xf32, #tpu.memory_space<hbm>>
    tpu.wait_dma2 semaphore(%arg14 : memref<!tpu.dma_semaphore, #tpu.memory_space<semaphore_mem>>) src(%dma_wait3A_344 : memref<72x128xf32, #tpu.memory_space<hbm>>) dst(%dma_wait3A_341 : memref<72x128xf32, #tpu.memory_space<vmem>>)
    %dma_wait3A_345 = arith.constant 1 : i32
    %dma_wait3A_346 = arith.constant 0 : i32
    %dma_wait3A_347 = arith.constant 0 : i32
    %dma_wait3A_348 = tpu.memref_slice %arg11[%dma_wait3A_345, %dma_wait3A_346, %dma_wait3A_347] : memref<2x200x128xf32, #tpu.memory_space<vmem>> -> memref<1x128x128xf32, #tpu.memory_space<vmem>>
    %dma_wait3A_349 = tpu.memref_squeeze %dma_wait3A_348 : memref<1x128x128xf32, #tpu.memory_space<vmem>> -> memref<128x128xf32, #tpu.memory_space<vmem>>
    %dma_wait3A_350 = arith.constant 0 : i32
    %dma_wait3A_351 = arith.constant 0 : i32
    %dma_wait3A_352 = tpu.memref_slice %arg5[%dma_wait3A_350, %dma_wait3A_351] : memref<819200x128xf32, #tpu.memory_space<hbm>> -> memref<128x128xf32, #tpu.memory_space<hbm>>
    %dma_wait3A_353 = arith.constant 0 : i32
    %dma_wait3A_354 = arith.constant 0 : i32
    %dma_wait3A_355 = tpu.memref_slice %arg5[%dma_wait3A_353, %dma_wait3A_354] : memref<819200x128xf32, #tpu.memory_space<hbm>> -> memref<128x128xf32, #tpu.memory_space<hbm>>
    %dma_wait3A_356 = arith.constant 0 : i32
    %dma_wait3A_357 = arith.constant 0 : i32
    %dma_wait3A_358 = tpu.memref_slice %arg11[%dma_wait3A_345, %dma_wait3A_356, %dma_wait3A_357] : memref<2x200x128xf32, #tpu.memory_space<vmem>> -> memref<1x128x128xf32, #tpu.memory_space<vmem>>
    %dma_wait3A_359 = tpu.memref_squeeze %dma_wait3A_358 : memref<1x128x128xf32, #tpu.memory_space<vmem>> -> memref<128x128xf32, #tpu.memory_space<vmem>>
    tpu.wait_dma2 semaphore(%arg17 : memref<!tpu.dma_semaphore, #tpu.memory_space<semaphore_mem>>) src(%dma_wait3A_359 : memref<128x128xf32, #tpu.memory_space<vmem>>) dst(%dma_wait3A_355 : memref<128x128xf32, #tpu.memory_space<hbm>>)
    %dma_wait3A_360 = arith.constant 1 : i32
    %dma_wait3A_361 = arith.constant 128 : i32
    %dma_wait3A_362 = arith.constant 0 : i32
    %dma_wait3A_363 = tpu.memref_slice %arg11[%dma_wait3A_360, %dma_wait3A_361, %dma_wait3A_362] : memref<2x200x128xf32, #tpu.memory_space<vmem>> -> memref<1x72x128xf32, #tpu.memory_space<vmem>>
    %dma_wait3A_364 = tpu.memref_squeeze %dma_wait3A_363 : memref<1x72x128xf32, #tpu.memory_space<vmem>> -> memref<72x128xf32, #tpu.memory_space<vmem>>
    %dma_wait3A_365 = arith.constant 0 : i32
    %dma_wait3A_366 = arith.constant 0 : i32
    %dma_wait3A_367 = tpu.memref_slice %arg5[%dma_wait3A_365, %dma_wait3A_366] : memref<819200x128xf32, #tpu.memory_space<hbm>> -> memref<72x128xf32, #tpu.memory_space<hbm>>
    %dma_wait3A_368 = arith.constant 0 : i32
    %dma_wait3A_369 = arith.constant 0 : i32
    %dma_wait3A_370 = tpu.memref_slice %arg5[%dma_wait3A_368, %dma_wait3A_369] : memref<819200x128xf32, #tpu.memory_space<hbm>> -> memref<72x128xf32, #tpu.memory_space<hbm>>
    %dma_wait3A_371 = arith.constant 128 : i32
    %dma_wait3A_372 = arith.constant 0 : i32
    %dma_wait3A_373 = tpu.memref_slice %arg11[%dma_wait3A_360, %dma_wait3A_371, %dma_wait3A_372] : memref<2x200x128xf32, #tpu.memory_space<vmem>> -> memref<1x72x128xf32, #tpu.memory_space<vmem>>
    %dma_wait3A_374 = tpu.memref_squeeze %dma_wait3A_373 : memref<1x72x128xf32, #tpu.memory_space<vmem>> -> memref<72x128xf32, #tpu.memory_space<vmem>>
    tpu.wait_dma2 semaphore(%arg17 : memref<!tpu.dma_semaphore, #tpu.memory_space<semaphore_mem>>) src(%dma_wait3A_374 : memref<72x128xf32, #tpu.memory_space<vmem>>) dst(%dma_wait3A_370 : memref<72x128xf32, #tpu.memory_space<hbm>>)
    return
  }
}

</mosaic_0001>

<sc_bundles>
// kernel: kernel.3.cloned.1.call-start
scs
__scs_entry_jumppad:
0x0: {  	(pc) =	sbr.rel $0x88, $3  }
0x1: {  	(tag) =	ssettag $0x0;
	lr =	simm.s32 $0x1  }
0x2: {  	[smem:$0x3F9E] =	sst lr;
	_ =	strace $0xD0000000  }
0x3: {  	_ = 	snop  }
0x4: {  	_ = 	snop  }
0x5: {  	_ = 	snop  }
0x6: {  	_ = 	snop  }
0x7: {  	_ = 	snop  }
__scs_overlays_trampoline_lowered:
0x8: {  	[smem:$0x3FAD] =	sst s0  }
0x9: {  	[smem:$0x3FAE] =	sst s1  }
0xa: {  	[smem:$0x3FAF] =	sst s2  }
0xb: {  	[smem:$0x3FB0] =	sst s3  }
0xc: {  	[smem:$0x3FB1] =	sst s4  }
0xd: {  	[smem:$0x3FB2] =	sst s5  }
0xe: {  	[smem:$0x3FB3] =	sst s6  }
0xf: {  	[smem:$0x3FB4] =	sst s7  }
0x10: {  	[smem:$0x3FB5] =	sst s8  }
0x11: {  	[smem:$0x3FB6] =	sst s9;
	s0 =	simm.s32 @!p0 $0x0  }
0x12: {  	s1 =	sld [smem:$0x3F9C];
	s0 =	simm.s32 @p0 $0x1  }
0x13: {  	[smem:$0x3FB7] =	sst s0;
	s0 =	simm.s32 @!p1 $0x0  }
0x14: {  	s2 =	sld [smem:$0x3F9B];
	s0 =	simm.s32 @p1 $0x1  }
0x15: {  	[smem:$0x3FB8] =	sst s0;
	s0 =	simm.s32 @!p2 $0x0  }
0x16: {  	s3 =	sld [smem:$0x3FDB];
	s0 =	simm.s32 @p2 $0x1  }
0x17: {  	s4 =	simm.s32 $0x1BF5;
	[smem:$0x3FBA] =	sst s0  }
0x18: {  	s0 =	sld [smem:$0x3F9D];
	_ =	swait.ge [sflag:s4], $0x0  }
0x19: {  	s7 =	sld [smem:$0x3F9E]  }
0x1a: {  	s8 =	sadd.s32 $0xFFFFE003, lr  }
0x1b: {  	s9 =	sadd.s32 $0xFFFFFEF7, lr;
	s5 =	simm.s32 $0xFFFFFFFF;
	p2 =	slt.u32 s8, $0xFFFFF086  }
0x1c: {  	p1 =	slt.u32 s9, $0xF7A;
	s5 =	simm.s32 @!p2 $0x0  }
0x1d: {  	s5 =	simm.s32 @p1 $0x1;
	p0 =	seq.s32 s7, s2  }
0x1e: {  	s7 =	smul.u32 @!p0 $0xF7A, s2;
	p2 =	seq.s32 @!p0 s5, $0x0  }
0x1f: {  	s9 =	smul.u32 $0xF7A, s1;
	s8 =	simm.s32 @!p0 $0x1BF5;
	p2 =	por !p2, p0  }
0x20: {  	[sflag:s8] =	ssyncset.s32 @!p0 $0xFFFFF086;
	s6 =	sadd.s32 @!p0 s3, s7;
	s7 =	simm.s32 @!p0 $0x108  }
0x21: {  	s3 =	sadd.s32 s3, s9;
	s6 =	sadd.s32 @!p0 $0x88, s6;
	s7 =	simm.s32 @p2 $0x1082  }
0x22: {  	[simem:s7], [sflag:s8] =	dma.local @!p0 [hbm:s6], $0xF7A  }
0x23: {  	s9 =	sor.u32 $0xD0000000, s2;
	s6 =	simm.s32 $0x108;
	_ =	swait.ge @!p0 [sflag:s8], $0x0  }
0x24: {  	s3 =	sadd.s32 $0x88, s3;
	s6 =	simm.s32 @!p1 $0x1082;
	[sflag:s4] =	ssyncset.s32 $0xFFFFF086  }
0x25: {  	[simem:s6], [sflag:s4] =	dma.local [hbm:s3], $0xF7A  }
0x26: {  	[smem:$0x3F9E] =	sst s1;
	(tag) =	ssettag s2;
	_ =	strace s9  }
0x27: {  	s1 =	sld [smem:$0x3FAE]  }
0x28: {  	s2 =	sld [smem:$0x3FAF]  }
0x29: {  	s4 =	sld [smem:$0x3FB1]  }
0x2a: {  	p0 =	seq.s32 s5, $0x0;
	s5 =	sld [smem:$0x3FB2]  }
0x2b: {  	s6 =	sld [smem:$0x3FB3]  }
0x2c: {  	s7 =	sld [smem:$0x3FB4]  }
0x2d: {  	s3 =	simm.s32 $0x108;
	s8 =	sld [smem:$0x3FB5]  }
0x2e: {  	s3 =	simm.s32 @!p0 $0x1082;
	s9 =	sld [smem:$0x3FB6]  }
0x2f: {  	lr =	sadd.s32 s0, s3;
	s0 =	sld [smem:$0x3FAD]  }
0x30: {  	s3 =	sld [smem:$0x3FB0]  }
0x31: {  	[smem:$0x3FB9] =	sst s10  }
0x32: {  	s10 =	sld [smem:$0x3FB7];
	_ =	sdelay $0x3  }
0x33: {  	p0 =	seq.s32 s10, $0x1;
	s10 =	sld [smem:$0x3FB9];
	_ =	sdelay $0x3  }
0x34: {  	[smem:$0x3FB9] =	sst s10  }
0x35: {  	s10 =	sld [smem:$0x3FB8];
	_ =	sdelay $0x3  }
0x36: {  	p1 =	seq.s32 s10, $0x1;
	s10 =	sld [smem:$0x3FB9];
	_ =	sdelay $0x3  }
0x37: {  	[smem:$0x3FB9] =	sst s10  }
0x38: {  	s10 =	sld [smem:$0x3FBA]  }
0x39: {  	_ = 	snop;
	(pc) =	sbr.ind lr, $3  }
0x3a: {  	_ = 	snop  }
0x3b: {  	_ = 	snop  }
0x3c: {  	p2 =	seq.s32 s10, $0x1;
	s10 =	sld [smem:$0x3FB9]  }
0x3d: {  	_ =	shalt  }
0x3e: {  	_ =	shalt  }
0x3f: {  	_ =	shalt  }
0x40: {  	_ =	shalt  }
0x41: {  	_ =	shalt  }
0x42: {  	_ =	shalt  }
0x43: {  	_ =	shalt  }
0x44: {  	_ =	shalt  }
0x45: {  	_ =	shalt  }
0x46: {  	_ =	shalt  }
0x47: {  	_ =	shalt  }
0x48: {  	_ =	shalt  }
0x49: {  	_ =	shalt  }
0x4a: {  	_ =	shalt  }
0x4b: {  	_ =	shalt  }
0x4c: {  	_ =	shalt  }
0x4d: {  	_ =	shalt  }
0x4e: {  	_ =	shalt  }
0x4f: {  	_ =	shalt  }
0x50: {  	_ =	shalt  }
0x51: {  	_ =	shalt  }
0x52: {  	_ =	shalt  }
0x53: {  	_ =	shalt  }
0x54: {  	_ =	shalt  }
0x55: {  	_ =	shalt  }
0x56: {  	_ =	shalt  }
0x57: {  	_ =	shalt  }
0x58: {  	_ =	shalt  }
0x59: {  	_ =	shalt  }
0x5a: {  	_ =	shalt  }
0x5b: {  	_ =	shalt  }
0x5c: {  	_ =	shalt  }
0x5d: {  	_ =	shalt  }
0x5e: {  	_ =	shalt  }
0x5f: {  	_ =	shalt  }
0x60: {  	_ =	shalt  }
0x61: {  	_ =	shalt  }
0x62: {  	_ =	shalt  }
0x63: {  	_ =	shalt  }
0x64: {  	_ =	shalt  }
0x65: {  	_ =	shalt  }
0x66: {  	_ =	shalt  }
0x67: {  	_ =	shalt  }
0x68: {  	_ =	shalt  }
0x69: {  	_ =	shalt  }
0x6a: {  	_ =	shalt  }
0x6b: {  	_ =	shalt  }
0x6c: {  	_ =	shalt  }
0x6d: {  	_ =	shalt  }
0x6e: {  	_ =	shalt  }
0x6f: {  	_ =	shalt  }
0x70: {  	_ =	shalt  }
0x71: {  	_ =	shalt  }
0x72: {  	_ =	shalt  }
0x73: {  	_ =	shalt  }
0x74: {  	_ =	shalt  }
0x75: {  	_ =	shalt  }
0x76: {  	_ =	shalt  }
0x77: {  	_ =	shalt  }
0x78: {  	_ =	shalt  }
0x79: {  	_ =	shalt  }
0x7a: {  	_ =	shalt  }
0x7b: {  	_ =	shalt  }
0x7c: {  	_ =	shalt  }
0x7d: {  	_ =	shalt  }
0x7e: {  	_ =	shalt  }
0x7f: {  	_ =	shalt  }
0x80: {  	_ =	shalt  }
0x81: {  	_ =	shalt  }
0x82: {  	_ =	shalt  }
0x83: {  	_ =	shalt  }
0x84: {  	_ =	shalt  }
0x85: {  	_ =	shalt  }
0x86: {  	_ =	shalt  }
0x87: {  	_ =	shalt  }
.Lfunc_end0:
.L_simem_size_0:
called_computation_lowered:
.L_overlay_start_0:
0x88: {  	s2 =	sld [smem:$0x3FD9]  }
0x89: {  	s3 =	sld [smem:$0x3FFE];
	_ =	sdelay $0x1  }
0x8a: {  	s1 =	srdreg.scid  }
0x8b: {  	s0 =	sand.u32 $0x1, s1  }
0x8c: {  	s17 =	sshll.u32 s0, $0xA;
	s2 =	sadd.s32 s3, s2  }
0x8d: {  	s2 =	sadd.s32 s2, s17  }
0x8e: {  	[smem:$0x3FC5] =	sst s2  }
0x8f: {  	_ = 	snop  }
0x90: {  	s2 =	sld [smem:$0x3FC8]  }
0x91: {  	s18 =	sld [smem:$0x3FC7]  }
0x92: {  	s4 =	sld [smem:$0x3FD0];
	(tm) =	ssettm $0x1  }
0x93: {  	s5 =	sld [smem:$0x3FFB];
	_ =	sdelay $0x3  }
0x94: {  	_ =	strace s5  }
0x95: {  	s5 =	sld [smem:$0x3FFC];
	_ =	sdelay $0x3  }
0x96: {  	_ =	strace s5  }
0x97: {  	s5 =	sld [smem:$0x3FFD];
	_ =	sdelay $0x3  }
0x98: {  	_ =	strace s5  }
0x99: {  	_ =	strace $0x8FFFFFFF  }
0x9a: {  	s19 =	sld [smem:$0x3FDB];
	_ =	sdelay $0x1  }
0x9b: {  	s6 =	simm.s32 $_scs_section_size  }
0x9c: {  	s7 =	simm.s32 $_size__tile_overlayer_lowered;
	s8 =	simm.s32 $_tile_overlayer_lowered  }
0x9d: {  	s22 =	simm.s32 $0x1BFF;
	s21 =	sshll.u32 s8, $0x1;
	s5 =	sadd.s32 s6, s19  }
0x9e: {  	s9 =	simm.s32 $0x0;
	s20 =	sshll.u32 s7, $0x1;
	s7 =	sadd.s32 s21, s5  }
0x9f: {  	[timem:s9], [sflag:s22] =	dma.local [hbm:s7], s20  }
0xa0: {  	_ =	swait.ge [sflag:s22], s20  }
0xa1: {  	s6 =	ssub.s32 $0x0, s20;
	[sflag:s22] =	ssyncset.done $0x0  }
0xa2: {  	[sflag:s22] =	ssyncadd.s32 s6;
	_ =	sdelay $0x1  }
0xa3: {  	s23 =	simm.s32 $0x1B8B  }
0xa4: {  	_ =	swait.ge [sflag:s23], $0x1  }
0xa5: {  	[sflag:s23] =	ssyncset.done $0x0  }
0xa6: {  	s25 =	simm.s32 $0x1B8E;
	s24 =	sld [smem:$0x3FFE];
	[sflag:s23] =	ssyncadd.s32 $0xFFFFFFFF  }
0xa7: {  	s26 =	simm.s32 $execute0_lowered;
	[smem:$0x3FD2] =	sst s25  }
0xa8: {  	s7 =	sshll.u32 s26, $0x1;
	_ =	strace $0x80000046;
	[dreg:$0x1] =	wrdreg $0xFFFFFFFF  }
0xa9: {  	s28 =	simm.s32 $_size_execute0_lowered;
	s5 =	sadd.s32 s5, s7;
	[dreg:$0x0] =	wrdreg $0x0  }
0xaa: {  	s7 =	sshll.u32 s28, $0x1;
	[dreg:$0x2] =	wrdreg s5  }
0xab: {  	[dreg:$0x3] =	wrdreg s7  }
0xac: {  	[dreg:$0x4] =	wrdreg $0xC0  }
0xad: {  	_ =	task [dreg:s9], $0x5FFFF  }
0xae: {  	[dreg:$0x1] =	wrdreg $0xFFFFFFFF  }
0xaf: {  	[dreg:$0x0] =	wrdreg $0x60  }
0xb0: {  	[dreg:$0x2] =	wrdreg s24  }
0xb1: {  	[dreg:$0x3] =	wrdreg s2  }
0xb2: {  	[dreg:$0x4] =	wrdreg s18  }
0xb3: {  	[dreg:$0x5] =	wrdreg s4  }
0xb4: {  	[dreg:$0x6] =	wrdreg $0x9  }
0xb5: {  	_ =	task.clear_ibuf [dreg:s9], $0x7FFFF;
	_ =	strace $0x90000046  }
0xb6: {  	s29 =	simm.s32 $0x9;
	_ =	strace $0x80000048  }
0xb7: {  	_ =	swait.ge [sflag:s29], $0x1  }
0xb8: {  	[sflag:s29] =	ssyncadd.s32 $0xFFFFFFFF  }
0xb9: {  	_ =	strace $0x90000048  }
0xba: {  	_ =	sfence  }
0xbb: {  	s30 =	sld [smem:$0x0];
	_ =	sdelay $0x2  }
0xbc: {  	s31 =	sshll.u32 s1, $0xD;
	s1 =	sshrl.u32 s1, $0x2  }
0xbd: {  	s3 =	sand.u32 $0x4000, s31;
	s1 =	sadd.s32 s1, s30  }
0xbe: {  	s0 =	sor.u32 s3, s0;
	s1 =	sshll.u32 s1, $0x11  }
0xbf: {  	s0 =	sor.u32 s1, s0  }
0xc0: {  	s0 =	sadd.s32 $0x8F2B, s0  }
0xc1: {  	[sflag:s0] =	ssyncadd.remote.s32 $0x1  }
0xc2: {  	_ =	sfence.sel $0xFFFF  }
0xc3: {  	[dreg:$0x0] =	wrdreg $0xFFFFFFFF;
	(pc) =	sbr.abs _section_cstart, $3  }
0xc4: {  	[dreg:$0x1] =	wrdreg $0xFFFFFFFF  }
0xc5: {  	_ =	task.clear_ibuf [dreg:s9], $0x2FFFF;
	_ =	strace $0x9FFFFFFF  }
0xc6: {  	(tm) =	ssettm $0x7FFFFFFF  }
0xc7: {  	_ =	shalt  }
tec
execute0_lowered:
.L_overlay_start_1:
0x0: {  	(tag) =	ssettag $0x1  }
0x1: {  	s0 =	rddreg [dreg:$0x0]  }
0x2: {  	s1 =	rddreg [dreg:$0x1];
	s2 =	srdreg.scid  }
0x3: {  	s3 =	stileid.u32;
	s4 =	rddreg [dreg:$0x3];
	s5 =	simm.s32 $0x0  }
0x4: {  	s28 =	simm.s32 $0x6580;
	s29 =	simm.s32 $0x7;
	s30 =	simm.s32 $0x80  }
0x5: {  	s31 =	simm.s32 $0x6600;
	s13 =	simm.s32 $0x5;
	s2 =	sand.u32 $0x1, s2  }
0x6: {  	s3 =	sshll.u32 s3, $0x1;
	[smem:$0x7FF] =	sst s5;
	s6 =	sadd.s32 $0x400, s0  }
0x7: {  	s3 =	sor.u32 s2, s3;
	s2 =	ssub.s32 $0x2, s2;
	_ =	strace $0x80000047  }
0x8: {  	s7 =	smul.u32 $0x6400, s3;
	s14 =	sshrl.u32 s2, $0x1;
	s11 =	sshll.u32 s3, $0x7  }
0x9: {  	s3 =	smul.u32 $0x64000, s3;
	s0 =	ssub.s32 s2, s14;
	s25 =	sor.u32 $0x2, s11  }
0xa: {  	[dreg:$0x5] =	wrdreg s11;
	s26 =	sor.u32 $0x3, s11;
	s11 =	simm.s32 $0x1  }
0xb: {  	s14 =	simm.s32 $0x2;
	s15 =	sshrl.u32 s7, $0x3;
	s8 =	sor.u32 $0x80, s7  }
0xc: {  	s17 =	sor.u32 $0xC8, s7;
	s7 =	sor.u32 $0x148, s7;
	[dreg:$0x12] =	wrdreg s25  }
0xd: {  	s3 =	sadd.s32 s4, s3;
	[dreg:$0x13] =	wrdreg s26;
	s0 =	smax.u32 s0, $0x1  }
0xe: {  	s25 =	simm.s32 $0x6500;
	s26 =	simm.s32 $0x6480;
	s12 =	sadd.s32 s6, s15  }
0xf: {  	s16 =	sshrl.u32 s8, $0x3;
	s9 =	sshrl.u32 s17, $0x3;
	[dreg:$0xb] =	wrdreg s3  }
0x10: {  	s10 =	sshrl.u32 s7, $0x3;
	s21 =	sshll.u32 s8, $0x4;
	[dreg:$0x14] =	wrdreg s0  }
0x11: {  	s24 =	sshll.u32 s7, $0x4;
	s2 =	sadd.s32 s6, s16;
	[dreg:$0x6] =	wrdreg s12  }
0x12: {  	s0 =	simm.s32 $0xA600;
	s9 =	sadd.s32 s6, s9;
	[dreg:$0x7] =	wrdreg s2  }
0x13: {  	s15 =	simm.s32 $0x4;
	s18 =	sadd.s32 s6, s10;
	[dreg:$0x8] =	wrdreg s9  }
0x14: {  	s8 =	simm.s32 $0x0;
	s19 =	sadd.s32 $0x32, s12;
	[dreg:$0x9] =	wrdreg s18  }
0x15: {  	s20 =	sadd.s32 $0x42, s12;
	s3 =	sadd.s32 s4, s21;
	[dreg:$0xa] =	wrdreg s19  }
0x16: {  	s22 =	sadd.s32 $0x4B, s12;
	s23 =	sadd.s32 $0x5B, s12;
	[dreg:$0xc] =	wrdreg s20  }
0x17: {  	s10 =	simm.s32 $0x10A00;
	s12 =	simm.s32 $0x3;
	[dreg:$0xd] =	wrdreg s3  }
0x18: {  	s16 =	simm.s32 $0x6;
	[dreg:$0xe] =	wrdreg s22;
	s2 =	sshll.u32 s17, $0x4  }
0x19: {  	[dreg:$0x10] =	wrdreg s23;
	s3 =	simm.s32 $0x8;
	s2 =	sadd.s32 s4, s2  }
0x1a: {  	s9 =	simm.s32 $0xCA00;
	[dreg:$0xf] =	wrdreg s2;
	s2 =	sadd.s32 s4, s24  }
0x1b: {  	s24 =	simm.s32 $0x6400;
	[dreg:$0x11] =	wrdreg s2;
	s2 =	simm.s32 $0x48  }
.LBB2_1:
0x1c: {  	[dreg:$0x15] =	wrdreg s8  }
0x1d: {  	s7 =	rddreg [dreg:$0x2];
	s17 =	simm.s32 $0x9  }
0x1e: {  	[tilespmem:s5], [sflag:$0x9] =	stream.linear.gather [hbm4b:s7+s5], $0x6400, $0x38;
	[tilespmem:$0x12E00] =	vst v63  }
0x1f: {  	_ =	swait.ge [sflag:s17], $0x6400  }
0x20: {  	[sflag:s17] =	ssyncset.done $0x0  }
0x21: {  	s18 =	rddreg [dreg:$0x6];
	[sflag:s17] =	ssyncadd.s32 $0xFFFF9C00  }
0x22: {  	[tilespmem:s24], [sflag:$0x7] =	stream.linear.gather [hbm4b:s18+s5], $0x80, $0x38;
	[tilespmem:$0x12E00] =	vst v63  }
0x23: {  	s19 =	rddreg [dreg:$0x7]  }
0x24: {  	[tilespmem:s25], [sflag:$0x7] =	stream.linear.gather [hbm4b:s19+s5], $0x48, $0x38;
	[tilespmem:$0x12E00] =	vst v63  }
0x25: {  	s20 =	rddreg [dreg:$0x8]  }
0x26: {  	[tilespmem:s26], [sflag:$0x8] =	stream.linear.gather [hbm4b:s20+s5], $0x80, $0x38;
	[tilespmem:$0x12E00] =	vst v63  }
0x27: {  	s21 =	rddreg [dreg:$0x9]  }
0x28: {  	[tilespmem:s28], [sflag:$0x8] =	stream.linear.gather [hbm4b:s21+s5], $0x48, $0x38;
	[tilespmem:$0x12E00] =	vst v63  }
0x29: {  	_ =	swait.ge [sflag:s29], $0x80  }
0x2a: {  	[sflag:s29] =	ssyncset.done $0x0  }
0x2b: {  	[sflag:s29] =	ssyncadd.s32 $0xFFFFFF80  }
0x2c: {  	_ =	swait.ge [sflag:s29], $0x48  }
0x2d: {  	[sflag:s29] =	ssyncset.done $0x0  }
0x2e: {  	[sflag:s29] =	ssyncadd.s32 $0xFFFFFFB8  }
0x2f: {  	[tilespmem:s31], [sflag:$0x1] =	stream.indirect.gather [hbm4b:s1+s30], $0x80, s24, s30, $0xb8;
	[tilespmem:$0x12E00] =	vst v63  }
0x30: {  	_ = 	snop  }
0x31: {  	[tilespmem:s0], [sflag:$0x3] =	stream.indirect.gather [hbm4b:s1+s2], $0x80, s25, s2, $0xb8;
	[tilespmem:$0x12E00] =	vst v63  }
0x32: {  	_ =	swait.ge [sflag:s3], $0x80  }
0x33: {  	[sflag:s3] =	ssyncset.done $0x0  }
0x34: {  	[sflag:s3] =	ssyncadd.s32 $0xFFFFFF80  }
0x35: {  	_ =	swait.ge [sflag:s3], $0x48  }
0x36: {  	[sflag:s3] =	ssyncset.done $0x0  }
0x37: {  	[sflag:s3] =	ssyncadd.s32 $0xFFFFFFB8  }
0x38: {  	[tilespmem:s9], [sflag:$0x2] =	stream.indirect.gather [hbm4b:s1+s30], $0x80, s26, s30, $0xb8;
	[tilespmem:$0x12E00] =	vst v63  }
0x39: {  	_ = 	snop  }
0x3a: {  	[tilespmem:s10], [sflag:$0x4] =	stream.indirect.gather [hbm4b:s1+s2], $0x80, s28, s2, $0xb8;
	[tilespmem:$0x12E00] =	vst v63  }
0x3b: {  	_ =	swait.ge [sflag:s11], $0x4000  }
0x3c: {  	[sflag:s11] =	ssyncset.done $0x0  }
0x3d: {  	s8 =	simm.s32 $0x6700;
	s22 =	rddreg [dreg:$0xa];
	[sflag:s11] =	ssyncadd.s32 $0xFFFFC000  }
0x3e: {  	[tilespmem:s24], [sflag:$0x7] =	stream.linear.gather [hbm4b:s22+s5], $0x80, $0x38;
	[tilespmem:$0x12E00] =	vst v63  }
0x3f: {  	s23 =	simm.s32 $0x100;
	v0 =	vld [tilespmem:s8+$0x80]  }
0x40: {  	v1 =	vld [tilespmem:s23+$0x80];
	_ =	sdelay $0x2  }
0x41: {  	v2 =	vld [tilespmem:s8+$0xFFFFFF80]  }
0x42: {  	v3 =	vld [tilespmem:s23+$0xFFFFFF80]  }
0x43: {  	v4 =	vld [tilespmem:s8+$0x0];
	v0 =	vadd.f32 v1, v0  }
0x44: {  	v6 =	vld [tilespmem:s8+$0xFFFFFF00]  }
0x45: {  	v1 =	vld [tilespmem:s23+$0xFFFFFF00];
	v0 =	vmul.f32 $7.071067690e-01, v0  }
0x46: {  	v5 =	vld [tilespmem:s23+$0x0]  }
0x47: {  	[tilespmem:s8+$0x80] =	vst v0;
	v0 =	vadd.f32 v3, v2;
	v2 =	vld [tilespmem:s8+$0x90]  }
0x48: {  	v3 =	vld [tilespmem:s23+$0x90]  }
0x49: {  	v0 =	vmul.f32 $7.071067690e-01, v0  }
0x4a: {  	v7 =	vld [tilespmem:s8+$0xFFFFFF10];
	v1 =	vadd.f32 v1, v6  }
0x4b: {  	v8 =	vld [tilespmem:s8+$0xFFFFFFA0];
	[tilespmem:s8+$0xFFFFFF80] =	vst v0;
	v0 =	vadd.f32 v5, v4  }
0x4c: {  	v1 =	vmul.f32 $7.071067690e-01, v1;
	v4 =	vld [tilespmem:s8+$0xFFFFFF90]  }
0x4d: {  	v5 =	vld [tilespmem:s23+$0xFFFFFF90];
	v0 =	vmul.f32 $7.071067690e-01, v0;
	v2 =	vadd.f32 v3, v2  }
0x4e: {  	[tilespmem:s8+$0xFFFFFF00] =	vst v1;
	v3 =	vld [tilespmem:s8+$0x10]  }
0x4f: {  	[tilespmem:s8+$0x0] =	vst v0;
	v0 =	vmul.f32 $7.071067690e-01, v2;
	v2 =	vld [tilespmem:s23+$0xFFFFFF10]  }
0x50: {  	v1 =	vld [tilespmem:s23+$0x10]  }
0x51: {  	[tilespmem:s8+$0x90] =	vst v0;
	v0 =	vld [tilespmem:s8+$0xA0]  }
0x52: {  	v4 =	vadd.f32 v5, v4;
	v5 =	vld [tilespmem:s23+$0xA0]  }
0x53: {  	v9 =	vld [tilespmem:s8+$0x20]  }
0x54: {  	s19 =	simm.s32 $0x300;
	v11 =	vld [tilespmem:s8+$0xFFFFFFD0];
	v4 =	vmul.f32 $7.071067690e-01, v4;
	v2 =	vadd.f32 v2, v7  }
0x55: {  	s18 =	simm.s32 $0x6900;
	v14 =	vld [tilespmem:s19+$0xFFFFFF80];
	v1 =	vadd.f32 v1, v3  }
0x56: {  	v15 =	vld [tilespmem:s18+$0x0];
	[tilespmem:s8+$0xFFFFFF90] =	vst v4;
	v2 =	vmul.f32 $7.071067690e-01, v2  }
0x57: {  	v4 =	vld [tilespmem:s23+$0xFFFFFFA0];
	v1 =	vmul.f32 $7.071067690e-01, v1;
	v0 =	vadd.f32 v5, v0  }
0x58: {  	v6 =	vld [tilespmem:s8+$0xFFFFFF20];
	[tilespmem:s8+$0xFFFFFF10] =	vst v2  }
0x59: {  	[tilespmem:s8+$0x10] =	vst v1;
	v0 =	vmul.f32 $7.071067690e-01, v0;
	v2 =	vld [tilespmem:s23+$0xFFFFFF20]  }
0x5a: {  	v1 =	vld [tilespmem:s23+$0x20]  }
0x5b: {  	[tilespmem:s8+$0xA0] =	vst v0;
	v0 =	vld [tilespmem:s8+$0xB0]  }
0x5c: {  	v4 =	vadd.f32 v4, v8;
	v10 =	vld [tilespmem:s23+$0xB0]  }
0x5d: {  	v16 =	vld [tilespmem:s19+$0x0]  }
0x5e: {  	v17 =	vld [tilespmem:s18+$0xFFFFFF00];
	v4 =	vmul.f32 $7.071067690e-01, v4  }
0x5f: {  	v20 =	vld [tilespmem:s18+$0xFFFFFF10];
	v1 =	vadd.f32 v1, v9  }
0x60: {  	v8 =	vld [tilespmem:s8+$0xFFFFFFB0];
	v2 =	vadd.f32 v2, v6;
	[tilespmem:s8+$0xFFFFFFA0] =	vst v4  }
0x61: {  	v1 =	vmul.f32 $7.071067690e-01, v1;
	v6 =	vadd.f32 v10, v0;
	v10 =	vld [tilespmem:s23+$0xFFFFFFB0]  }
0x62: {  	v3 =	vld [tilespmem:s8+$0xFFFFFF30];
	v2 =	vmul.f32 $7.071067690e-01, v2  }
0x63: {  	v5 =	vld [tilespmem:s8+$0x30];
	[tilespmem:s8+$0x20] =	vst v1  }
0x64: {  	[tilespmem:s8+$0xFFFFFF20] =	vst v2;
	v1 =	vmul.f32 $7.071067690e-01, v6;
	v2 =	vld [tilespmem:s23+$0x30]  }
0x65: {  	v6 =	vld [tilespmem:s23+$0xFFFFFF30]  }
0x66: {  	[tilespmem:s8+$0xB0] =	vst v1;
	v1 =	vld [tilespmem:s8+$0xC0];
	v8 =	vadd.f32 v10, v8  }
0x67: {  	v10 =	vld [tilespmem:s23+$0xC0]  }
0x68: {  	v51 =	vld [tilespmem:s18+$0xFFFFFF90];
	v8 =	vmul.f32 $7.071067690e-01, v8  }
0x69: {  	v53 =	vld [tilespmem:s18+$0xFFFFFF20];
	v2 =	vadd.f32 v2, v5  }
0x6a: {  	v9 =	vld [tilespmem:s8+$0xFFFFFFC0];
	v3 =	vadd.f32 v6, v3;
	[tilespmem:s8+$0xFFFFFFB0] =	vst v8  }
0x6b: {  	v5 =	vld [tilespmem:s23+$0xFFFFFFC0];
	v2 =	vmul.f32 $7.071067690e-01, v2  }
0x6c: {  	v7 =	vld [tilespmem:s8+$0xFFFFFF40];
	v3 =	vmul.f32 $7.071067690e-01, v3;
	v6 =	vadd.f32 v10, v1  }
0x6d: {  	v4 =	vld [tilespmem:s8+$0x40];
	[tilespmem:s8+$0x30] =	vst v2  }
0x6e: {  	[tilespmem:s8+$0xFFFFFF30] =	vst v3;
	v2 =	vmul.f32 $7.071067690e-01, v6;
	v6 =	vld [tilespmem:s23+$0x40]  }
0x6f: {  	v10 =	vld [tilespmem:s23+$0xFFFFFF40]  }
0x70: {  	[tilespmem:s8+$0xC0] =	vst v2;
	v2 =	vadd.f32 v5, v9;
	v5 =	vld [tilespmem:s8+$0xD0]  }
0x71: {  	v9 =	vld [tilespmem:s23+$0xD0]  }
0x72: {  	v21 =	vld [tilespmem:s8+$0x70]  }
0x73: {  	v22 =	vld [tilespmem:s18+$0xFFFFFFA0];
	v4 =	vadd.f32 v6, v4  }
0x74: {  	v23 =	vld [tilespmem:s18+$0x20]  }
0x75: {  	v55 =	vld [tilespmem:s18+$0x30];
	v6 =	vadd.f32 v10, v7;
	v10 =	vmul.f32 $7.071067690e-01, v4  }
0x76: {  	v5 =	vadd.f32 v9, v5;
	v9 =	vld [tilespmem:s18+$0x80]  }
0x77: {  	[tilespmem:s8+$0x40] =	vst v10;
	v10 =	vld [tilespmem:s19+$0x80]  }
0x78: {  	v56 =	vld [tilespmem:s18+$0xFFFFFF40];
	v5 =	vmul.f32 $7.071067690e-01, v5  }
0x79: {  	v57 =	vld [tilespmem:s8+$0xF0]  }
0x7a: {  	[tilespmem:s8+$0xD0] =	vst v5;
	v5 =	vld [tilespmem:s18+$0xFFFFFF80]  }
0x7b: {  	v59 =	vld [tilespmem:s18+$0xFFFFFFB0]  }
0x7c: {  	v60 =	vld [tilespmem:s18+$0xFFFFFFC0];
	v9 =	vadd.f32 v10, v9  }
0x7d: {  	v61 =	vld [tilespmem:s18+$0x40]  }
0x7e: {  	v10 =	vld [tilespmem:s19+$0xFFFFFF00];
	v9 =	vmul.f32 $7.071067690e-01, v9  }
0x7f: {  	v62 =	vld [tilespmem:s18+$0x50];
	v5 =	vadd.f32 v14, v5  }
0x80: {  	[tilespmem:s18+$0x80] =	vst v9;
	v9 =	vld [tilespmem:s18+$0x90]  }
0x81: {  	v15 =	vadd.f32 v16, v15;
	v19 =	vmul.f32 $7.071067690e-01, v5;
	v14 =	vld [tilespmem:s19+$0x90]  }
0x82: {  	v0 =	vld [tilespmem:s8+$0xFFFFFF50]  }
0x83: {  	v15 =	vmul.f32 $7.071067690e-01, v15;
	v8 =	vld [tilespmem:s8+$0x50];
	v10 =	vadd.f32 v10, v17;
	[tilespmem:s18+$0xFFFFFF80] =	vst v19  }
0x84: {  	v6 =	vmul.f32 $7.071067690e-01, v6;
	v52 =	vld [tilespmem:s19+$0xFFFFFF90]  }
0x85: {  	[tilespmem:s18+$0x0] =	vst v15;
	v1 =	vld [tilespmem:s8+$0xFFFFFF60];
	v10 =	vmul.f32 $7.071067690e-01, v10  }
0x86: {  	[tilespmem:s8+$0xFFFFFF40] =	vst v6;
	v6 =	vld [tilespmem:s8+$0xE0];
	v9 =	vadd.f32 v14, v9  }
0x87: {  	[tilespmem:s18+$0xFFFFFF00] =	vst v10;
	v10 =	vld [tilespmem:s19+$0x10]  }
0x88: {  	v14 =	vld [tilespmem:s18+$0x10];
	v9 =	vmul.f32 $7.071067690e-01, v9  }
0x89: {  	v15 =	vld [tilespmem:s19+$0xFFFFFF10];
	v16 =	vadd.f32 v52, v51  }
0x8a: {  	[tilespmem:s18+$0x90] =	vst v9;
	v9 =	vld [tilespmem:s18+$0xA0]  }
0x8b: {  	v16 =	vmul.f32 $7.071067690e-01, v16;
	v54 =	vld [tilespmem:s19+$0xA0]  }
0x8c: {  	v18 =	vld [tilespmem:s23+$0xE0]  }
0x8d: {  	v3 =	vld [tilespmem:s8+$0x60];
	v12 =	vmul.f32 $7.071067690e-01, v2;
	v10 =	vadd.f32 v10, v14;
	[tilespmem:s18+$0xFFFFFF90] =	vst v16  }
0x8e: {  	v15 =	vadd.f32 v15, v20;
	v16 =	vld [tilespmem:s19+$0xFFFFFFA0]  }
0x8f: {  	v2 =	vld [tilespmem:s8+$0xFFFFFFE0];
	[tilespmem:s8+$0xFFFFFFC0] =	vst v12;
	v10 =	vmul.f32 $7.071067690e-01, v10  }
0x90: {  	v7 =	vld [tilespmem:s23+$0xFFFFFFD0];
	v15 =	vmul.f32 $7.071067690e-01, v15;
	v9 =	vadd.f32 v54, v9  }
0x91: {  	v12 =	vld [tilespmem:s23+$0x50];
	v6 =	vadd.f32 v18, v6;
	[tilespmem:s18+$0x10] =	vst v10  }
0x92: {  	[tilespmem:s18+$0xFFFFFF10] =	vst v15;
	v10 =	vld [tilespmem:s19+$0x20];
	v9 =	vmul.f32 $7.071067690e-01, v9  }
0x93: {  	v6 =	vmul.f32 $7.071067690e-01, v6;
	v15 =	vld [tilespmem:s19+$0xFFFFFF20];
	v16 =	vadd.f32 v16, v22  }
0x94: {  	[tilespmem:s18+$0xA0] =	vst v9;
	v9 =	vld [tilespmem:s18+$0xB0]  }
0x95: {  	v7 =	vadd.f32 v7, v11;
	[tilespmem:s8+$0xE0] =	vst v6;
	v16 =	vmul.f32 $7.071067690e-01, v16;
	v6 =	vld [tilespmem:s19+$0xB0]  }
0x96: {  	v13 =	vld [tilespmem:s23+$0xFFFFFF50]  }
0x97: {  	v4 =	vld [tilespmem:s8+$0xFFFFFF70];
	v7 =	vmul.f32 $7.071067690e-01, v7;
	v8 =	vadd.f32 v12, v8;
	[tilespmem:s18+$0xFFFFFFA0] =	vst v16  }
0x98: {  	v10 =	vadd.f32 v10, v23;
	v24 =	vld [tilespmem:s19+$0xFFFFFFB0]  }
0x99: {  	v11 =	vld [tilespmem:s18+$0xC0];
	[tilespmem:s8+$0xFFFFFFD0] =	vst v7;
	v7 =	vmul.f32 $7.071067690e-01, v8;
	v15 =	vadd.f32 v15, v53  }
0x9a: {  	v12 =	vld [tilespmem:s18+$0xFFFFFFD0];
	v10 =	vmul.f32 $7.071067690e-01, v10;
	v9 =	vadd.f32 v6, v9  }
0x9b: {  	v0 =	vadd.f32 v13, v0;
	v5 =	vld [tilespmem:s8+$0xFFFFFFF0];
	[tilespmem:s8+$0x50] =	vst v7;
	v15 =	vmul.f32 $7.071067690e-01, v15  }
0x9c: {  	v14 =	vld [tilespmem:s18+$0xFFFFFF30];
	[tilespmem:s18+$0x20] =	vst v10;
	v9 =	vmul.f32 $7.071067690e-01, v9  }
0x9d: {  	v0 =	vmul.f32 $7.071067690e-01, v0;
	[tilespmem:s18+$0xFFFFFF20] =	vst v15;
	v10 =	vld [tilespmem:s19+$0x30];
	v13 =	vadd.f32 v24, v59  }
0x9e: {  	[tilespmem:s18+$0xB0] =	vst v9;
	v9 =	vld [tilespmem:s19+$0xFFFFFF30]  }
0x9f: {  	[tilespmem:s8+$0xFFFFFF50] =	vst v0;
	v0 =	vmul.f32 $7.071067690e-01, v13;
	v13 =	vld [tilespmem:s23+$0x60]  }
0xa0: {  	v15 =	vld [tilespmem:s19+$0xC0]  }
0xa1: {  	v58 =	vld [tilespmem:s23+$0xF0]  }
0xa2: {  	v6 =	vld [tilespmem:s18+$0xFFFFFF50];
	v8 =	vadd.f32 v10, v55  }
0xa3: {  	v10 =	vld [tilespmem:s23+$0xFFFFFF60];
	[tilespmem:s18+$0xFFFFFFB0] =	vst v0;
	v0 =	vadd.f32 v9, v14  }
0xa4: {  	v7 =	vld [tilespmem:s19+$0xFFFFFFC0];
	v8 =	vmul.f32 $7.071067690e-01, v8;
	v3 =	vadd.f32 v13, v3  }
0xa5: {  	v9 =	vld [tilespmem:s23+$0xFFFFFFE0];
	v11 =	vadd.f32 v15, v11;
	v14 =	vmul.f32 $7.071067690e-01, v0  }
0xa6: {  	[tilespmem:s18+$0x30] =	vst v8;
	v0 =	vld [tilespmem:s18+$0xFFFFFF60];
	v3 =	vmul.f32 $7.071067690e-01, v3  }
0xa7: {  	v8 =	vmul.f32 $7.071067690e-01, v11;
	v11 =	vld [tilespmem:s19+$0x40];
	[tilespmem:s18+$0xFFFFFF30] =	vst v14  }
0xa8: {  	v1 =	vadd.f32 v10, v1;
	[tilespmem:s8+$0x60] =	vst v3;
	v3 =	vld [tilespmem:s18+$0xFFFFFF70]  }
0xa9: {  	v7 =	vadd.f32 v7, v60;
	v10 =	vld [tilespmem:s19+$0xFFFFFF40]  }
0xaa: {  	v1 =	vmul.f32 $7.071067690e-01, v1;
	[tilespmem:s18+$0xC0] =	vst v8;
	v8 =	vld [tilespmem:s18+$0xD0];
	v9 =	vadd.f32 v9, v2  }
0xab: {  	v7 =	vmul.f32 $7.071067690e-01, v7;
	v14 =	vld [tilespmem:s19+$0xD0]  }
0xac: {  	v2 =	vld [tilespmem:s18+$0xFFFFFFE0];
	[tilespmem:s8+$0xFFFFFF60] =	vst v1;
	v9 =	vmul.f32 $7.071067690e-01, v9  }
0xad: {  	[tilespmem:s18+$0xFFFFFFC0] =	vst v7;
	v7 =	vadd.f32 v11, v61;
	v11 =	vld [tilespmem:s23+$0xFFFFFF70]  }
0xae: {  	v13 =	vld [tilespmem:s19+$0xFFFFFFD0];
	[tilespmem:s8+$0xFFFFFFE0] =	vst v9;
	v9 =	vadd.f32 v10, v56  }
0xaf: {  	v7 =	vmul.f32 $7.071067690e-01, v7;
	v15 =	vld [tilespmem:s23+$0xFFFFFFF0]  }
0xb0: {  	v8 =	vadd.f32 v14, v8;
	v14 =	vld [tilespmem:s23+$0x70];
	v9 =	vmul.f32 $7.071067690e-01, v9  }
0xb1: {  	v1 =	vld [tilespmem:s18+$0x60];
	v10 =	vadd.f32 v58, v57;
	[tilespmem:s18+$0x40] =	vst v7  }
0xb2: {  	v7 =	vmul.f32 $7.071067690e-01, v8;
	v63 =	vld [tilespmem:s19+$0x50];
	v4 =	vadd.f32 v11, v4;
	[tilespmem:s18+$0xFFFFFF40] =	vst v9  }
0xb3: {  	v8 =	vmul.f32 $7.071067690e-01, v10;
	v9 =	vadd.f32 v13, v12;
	v10 =	vld [tilespmem:s19+$0xFFFFFF50]  }
0xb4: {  	[tilespmem:s18+$0xD0] =	vst v7;
	v7 =	vld [tilespmem:s18+$0xE0];
	v11 =	vmul.f32 $7.071067690e-01, v4;
	v5 =	vadd.f32 v15, v5  }
0xb5: {  	[tilespmem:s8+$0xF0] =	vst v8;
	v12 =	vmul.f32 $7.071067690e-01, v9;
	v8 =	vld [tilespmem:s19+$0xE0];
	v13 =	vadd.f32 v14, v21  }
0xb6: {  	v4 =	vld [tilespmem:s18+$0xFFFFFFF0];
	[tilespmem:s8+$0xFFFFFF70] =	vst v11;
	v9 =	vmul.f32 $7.071067690e-01, v5  }
0xb7: {  	s7 =	simm.s32 $0x4;
	s17 =	simm.s32 $0x300;
	s20 =	simm.s32 $0x6B00;
	v5 =	vld [tilespmem:s18+$0x70];
	[tilespmem:s18+$0xFFFFFFD0] =	vst v12;
	v12 =	vadd.f32 v63, v62;
	v11 =	vmul.f32 $7.071067690e-01, v13  }
.LBB2_2:
0xb8: {  	v13 =	vld [tilespmem:s20+$0x80];
	v6 =	vadd.f32 v10, v6;
	s19 =	sadd.s32 $0x200, s19;
	[tilespmem:s8+$0xFFFFFFF0] =	vst v9  }
0xb9: {  	s7 =	sadd.s32 $0x4, s7;
	v9 =	vld [tilespmem:s19+$0x80];
	v10 =	vmul.f32 $7.071067690e-01, v12;
	[tilespmem:s8+$0x70] =	vst v11;
	s8 =	smov.u32 s18;
	s18 =	smov.u32 s20  }
0xba: {  	p0 =	slt.u32 s7, $0x7C;
	v11 =	vld [tilespmem:s19+$0xFFFFFF00];
	v6 =	vmul.f32 $7.071067690e-01, v6;
	v7 =	vadd.f32 v8, v7  }
0xbb: {  	v8 =	vld [tilespmem:s20+$0xFFFFFF80];
	[tilespmem:s8+$0x50] =	vst v10  }
0xbc: {  	v10 =	vld [tilespmem:s19+$0xFFFFFF80];
	[tilespmem:s8+$0xFFFFFF50] =	vst v6;
	v6 =	vmul.f32 $7.071067690e-01, v7  }
0xbd: {  	v7 =	vld [tilespmem:s20+$0x0]  }
0xbe: {  	v9 =	vadd.f32 v9, v13;
	[tilespmem:s8+$0xE0] =	vst v6;
	v6 =	vld [tilespmem:s8+$0xF0]  }
0xbf: {  	v12 =	vld [tilespmem:s17+$0xF0]  }
0xc0: {  	v13 =	vld [tilespmem:s19+$0x0];
	v9 =	vmul.f32 $7.071067690e-01, v9  }
0xc1: {  	v14 =	vld [tilespmem:s20+$0xFFFFFF00];
	v8 =	vadd.f32 v10, v8  }
0xc2: {  	[tilespmem:s20+$0x80] =	vst v9;
	v9 =	vld [tilespmem:s20+$0x90]  }
0xc3: {  	v8 =	vmul.f32 $7.071067690e-01, v8;
	v10 =	vld [tilespmem:s19+$0x90]  }
0xc4: {  	v15 =	vld [tilespmem:s20+$0xFFFFFF10];
	v6 =	vadd.f32 v12, v6  }
0xc5: {  	[tilespmem:s20+$0xFFFFFF80] =	vst v8;
	v8 =	vld [tilespmem:s20+$0xFFFFFF90];
	v7 =	vadd.f32 v13, v7  }
0xc6: {  	v11 =	vadd.f32 v11, v14;
	v12 =	vld [tilespmem:s19+$0xFFFFFF90];
	v6 =	vmul.f32 $7.071067690e-01, v6  }
0xc7: {  	v7 =	vmul.f32 $7.071067690e-01, v7;
	v13 =	vld [tilespmem:s20+$0x10]  }
0xc8: {  	v11 =	vmul.f32 $7.071067690e-01, v11;
	v14 =	vld [tilespmem:s20+$0xFFFFFF20];
	v9 =	vadd.f32 v10, v9;
	[tilespmem:s8+$0xF0] =	vst v6  }
0xc9: {  	v6 =	vld [tilespmem:s20+$0xFFFFFFA0];
	[tilespmem:s20+$0x0] =	vst v7  }
0xca: {  	[tilespmem:s20+$0xFFFFFF00] =	vst v11;
	v7 =	vld [tilespmem:s19+$0x10];
	v9 =	vmul.f32 $7.071067690e-01, v9  }
0xcb: {  	v10 =	vld [tilespmem:s19+$0xFFFFFF10];
	v8 =	vadd.f32 v12, v8  }
0xcc: {  	[tilespmem:s20+$0x90] =	vst v9;
	v9 =	vld [tilespmem:s20+$0xA0]  }
0xcd: {  	v8 =	vmul.f32 $7.071067690e-01, v8;
	v11 =	vld [tilespmem:s19+$0xA0]  }
0xce: {  	v12 =	vld [tilespmem:s20+$0x20]  }
0xcf: {  	v16 =	vld [tilespmem:s20+$0xFFFFFF30];
	[tilespmem:s20+$0xFFFFFF90] =	vst v8;
	v7 =	vadd.f32 v7, v13  }
0xd0: {  	v8 =	vadd.f32 v10, v15;
	v10 =	vld [tilespmem:s19+$0xFFFFFFA0]  }
0xd1: {  	v13 =	vld [tilespmem:s20+$0xFFFFFFB0];
	v7 =	vmul.f32 $7.071067690e-01, v7  }
0xd2: {  	v8 =	vmul.f32 $7.071067690e-01, v8;
	v15 =	vld [tilespmem:s20+$0x30];
	v9 =	vadd.f32 v11, v9  }
0xd3: {  	v11 =	vld [tilespmem:s20+$0xFFFFFF40];
	[tilespmem:s20+$0x10] =	vst v7  }
0xd4: {  	[tilespmem:s20+$0xFFFFFF10] =	vst v8;
	v7 =	vld [tilespmem:s19+$0x20];
	v8 =	vmul.f32 $7.071067690e-01, v9  }
0xd5: {  	v9 =	vld [tilespmem:s19+$0xFFFFFF20];
	v6 =	vadd.f32 v10, v6  }
0xd6: {  	[tilespmem:s20+$0xA0] =	vst v8;
	v8 =	vld [tilespmem:s20+$0xB0]  }
0xd7: {  	v6 =	vmul.f32 $7.071067690e-01, v6;
	v10 =	vld [tilespmem:s19+$0xB0]  }
0xd8: {  	v17 =	vld [tilespmem:s20+$0xFFFFFFC0]  }
0xd9: {  	[tilespmem:s20+$0xFFFFFFA0] =	vst v6;
	v7 =	vadd.f32 v7, v12;
	v12 =	vld [tilespmem:s20+$0x40]  }
0xda: {  	v9 =	vadd.f32 v9, v14;
	v14 =	vld [tilespmem:s19+$0xFFFFFFB0]  }
0xdb: {  	v6 =	vld [tilespmem:s20+$0xFFFFFF50];
	v7 =	vmul.f32 $7.071067690e-01, v7  }
0xdc: {  	v9 =	vmul.f32 $7.071067690e-01, v9;
	v18 =	vld [tilespmem:s20+$0xFFFFFFD0];
	v8 =	vadd.f32 v10, v8  }
0xdd: {  	[tilespmem:s20+$0x20] =	vst v7;
	v19 =	vld [tilespmem:s20+$0x50]  }
0xde: {  	[tilespmem:s20+$0xFFFFFF20] =	vst v9;
	v7 =	vld [tilespmem:s19+$0x30];
	v8 =	vmul.f32 $7.071067690e-01, v8  }
0xdf: {  	v9 =	vld [tilespmem:s19+$0xFFFFFF30];
	v10 =	vadd.f32 v14, v13  }
0xe0: {  	[tilespmem:s20+$0xB0] =	vst v8;
	v8 =	vld [tilespmem:s20+$0xC0]  }
0xe1: {  	v10 =	vmul.f32 $7.071067690e-01, v10;
	v13 =	vld [tilespmem:s19+$0xC0]  }
0xe2: {  	v14 =	vld [tilespmem:s17+$0xFFFFFF60]  }
0xe3: {  	[tilespmem:s20+$0xFFFFFFB0] =	vst v10;
	v7 =	vadd.f32 v7, v15;
	v10 =	vld [tilespmem:s17+$0xFFFFFFE0]  }
0xe4: {  	v9 =	vadd.f32 v9, v16;
	v15 =	vld [tilespmem:s19+$0xFFFFFFC0]  }
0xe5: {  	v7 =	vmul.f32 $7.071067690e-01, v7;
	v16 =	vld [tilespmem:s17+$0x60]  }
0xe6: {  	v9 =	vmul.f32 $7.071067690e-01, v9;
	v20 =	vld [tilespmem:s20+$0xFFFFFF60];
	v8 =	vadd.f32 v13, v8  }
0xe7: {  	v13 =	vld [tilespmem:s20+$0xFFFFFFE0];
	[tilespmem:s20+$0x30] =	vst v7;
	v0 =	vadd.f32 v14, v0  }
0xe8: {  	[tilespmem:s20+$0xFFFFFF30] =	vst v9;
	v7 =	vld [tilespmem:s19+$0x40];
	v8 =	vmul.f32 $7.071067690e-01, v8;
	v2 =	vadd.f32 v10, v2  }
0xe9: {  	v9 =	vld [tilespmem:s19+$0xFFFFFF40];
	v10 =	vadd.f32 v15, v17;
	v17 =	vmul.f32 $7.071067690e-01, v0  }
0xea: {  	[tilespmem:s20+$0xC0] =	vst v8;
	v8 =	vld [tilespmem:s20+$0xD0];
	v21 =	vmul.f32 $7.071067690e-01, v2;
	v14 =	vadd.f32 v16, v1  }
0xeb: {  	v10 =	vmul.f32 $7.071067690e-01, v10;
	v15 =	vld [tilespmem:s19+$0xD0];
	[tilespmem:s8+$0xFFFFFF60] =	vst v17;
	v0 =	vmov v20  }
0xec: {  	v1 =	vld [tilespmem:s20+$0x60];
	[tilespmem:s8+$0xFFFFFFE0] =	vst v21;
	v14 =	vmul.f32 $7.071067690e-01, v14;
	v2 =	vmov v13  }
0xed: {  	[tilespmem:s20+$0xFFFFFFC0] =	vst v10;
	v7 =	vadd.f32 v7, v12;
	v10 =	vld [tilespmem:s17+$0xFFFFFF70]  }
0xee: {  	v9 =	vadd.f32 v9, v11;
	v11 =	vld [tilespmem:s19+$0xFFFFFFD0];
	[tilespmem:s8+$0x60] =	vst v14  }
0xef: {  	v7 =	vmul.f32 $7.071067690e-01, v7;
	v12 =	vld [tilespmem:s17+$0xFFFFFFF0]  }
0xf0: {  	v9 =	vmul.f32 $7.071067690e-01, v9;
	v8 =	vadd.f32 v15, v8;
	v13 =	vld [tilespmem:s17+$0x70];
	s17 =	smov.u32 s19  }
0xf1: {  	v14 =	vld [tilespmem:s20+$0xFFFFFF70];
	[tilespmem:s20+$0x40] =	vst v7  }
0xf2: {  	[tilespmem:s20+$0xFFFFFF40] =	vst v9;
	v15 =	vld [tilespmem:s19+$0x50];
	v7 =	vmul.f32 $7.071067690e-01, v8;
	v3 =	vadd.f32 v10, v3  }
.Ltmp0:
0xf3: {  	v10 =	vld [tilespmem:s19+$0xFFFFFF50];
	v8 =	vadd.f32 v11, v18;
	(pc) =	sbr.rel @p0 .LBB2_2-.Ltmp0, $4  }
0xf4: {  	[tilespmem:s20+$0xD0] =	vst v7;
	v7 =	vld [tilespmem:s20+$0xE0];
	v16 =	vmul.f32 $7.071067690e-01, v3;
	v9 =	vadd.f32 v12, v4  }
0xf5: {  	v11 =	vmul.f32 $7.071067690e-01, v8;
	v8 =	vld [tilespmem:s19+$0xE0];
	v13 =	vadd.f32 v13, v5  }
0xf6: {  	v4 =	vld [tilespmem:s20+$0xFFFFFFF0];
	[tilespmem:s8+$0xFFFFFF70] =	vst v16;
	v9 =	vmul.f32 $7.071067690e-01, v9;
	v3 =	vmov v14  }
0xf7: {  	s20 =	sadd.s32 $0x200, s20;
	[tilespmem:s18+$0xFFFFFFD0] =	vst v11;
	v12 =	vadd.f32 v15, v19;
	v5 =	vld [tilespmem:s18+$0x70];
	v11 =	vmul.f32 $7.071067690e-01, v13  }
0xf8: {  	v6 =	vadd.f32 v10, v6;
	_ =	sdelay $0x1  }
0xf9: {  	v6 =	vmul.f32 $7.071067690e-01, v6;
	_ =	sdelay $0x1  }
0xfa: {  	v37 =	vmul.f32 $7.071067690e-01, v12;
	[tilespmem:s18+$0xFFFFFF50] =	vst v6  }
0xfb: {  	v6 =	vld [tilespmem:s17+$0xFFFFFF60]  }
0xfc: {  	v38 =	vld [tilespmem:s17+$0xFFFFFFE0];
	[tilespmem:s18+$0x50] =	vst v37  }
0xfd: {  	v39 =	vld [tilespmem:s17+$0x60]  }
0xfe: {  	v7 =	vadd.f32 v8, v7;
	_ =	sdelay $0x1  }
0xff: {  	v7 =	vmul.f32 $7.071067690e-01, v7;
	v0 =	vadd.f32 v6, v0  }
0x100: {  	v2 =	vadd.f32 v38, v2  }
0x101: {  	[tilespmem:s18+$0xE0] =	vst v7;
	v1 =	vadd.f32 v39, v1;
	v0 =	vmul.f32 $7.071067690e-01, v0  }
0x102: {  	v2 =	vmul.f32 $7.071067690e-01, v2;
	v7 =	vld [tilespmem:s17+$0xF0]  }
0x103: {  	v6 =	vld [tilespmem:s18+$0xF0];
	[tilespmem:s18+$0xFFFFFF60] =	vst v0;
	v0 =	vmul.f32 $7.071067690e-01, v1  }
0x104: {  	[tilespmem:s18+$0xFFFFFFE0] =	vst v2;
	v1 =	vld [tilespmem:s17+$0xFFFFFF70]  }
0x105: {  	[tilespmem:s18+$0x60] =	vst v0;
	v0 =	vld [tilespmem:s17+$0xFFFFFFF0]  }
0x106: {  	v2 =	vld [tilespmem:s17+$0x70];
	_ =	sdelay $0x1  }
0x107: {  	v6 =	vadd.f32 v7, v6  }
0x108: {  	v1 =	vadd.f32 v1, v3  }
0x109: {  	[tilespmem:s8+$0xFFFFFFF0] =	vst v9;
	v3 =	vmul.f32 $7.071067690e-01, v6;
	v0 =	vadd.f32 v0, v4  }
0x10a: {  	[tilespmem:s8+$0x70] =	vst v11;
	v1 =	vmul.f32 $7.071067690e-01, v1;
	v2 =	vadd.f32 v2, v5  }
0x10b: {  	[tilespmem:s18+$0xF0] =	vst v3;
	v0 =	vmul.f32 $7.071067690e-01, v0  }
0x10c: {  	[tilespmem:s18+$0xFFFFFF70] =	vst v1;
	v1 =	vmul.f32 $7.071067690e-01, v2  }
0x10d: {  	[tilespmem:s18+$0xFFFFFFF0] =	vst v0  }
0x10e: {  	[tilespmem:s18+$0x70] =	vst v1  }
0x10f: {  	s7 =	simm.s32 $0x0;
	s8 =	rddreg [dreg:$0xb]  }
0x110: {  	[hbm4b:s8+s7] =	stream.linear.scatter [tilespmem:s31], [sflag:$0x5], $0x4000, $0x38;
	[tilespmem:$0x12E00] =	vst v63  }
0x111: {  	_ =	swait.ge [sflag:s12], $0x2400  }
0x112: {  	[sflag:s12] =	ssyncset.done $0x0  }
0x113: {  	s8 =	simm.s32 $0x0;
	s23 =	rddreg [dreg:$0xc];
	[sflag:s12] =	ssyncadd.s32 $0xFFFFDC00  }
0x114: {  	[tilespmem:s25], [sflag:$0x7] =	stream.linear.gather [hbm4b:s23+s7], $0x48, $0x38;
	[tilespmem:$0x12E00] =	vst v63  }
0x115: {  	v0 =	vld [tilespmem:s8+$0xA600]  }
0x116: {  	v1 =	vld [tilespmem:s8+$0x4000]  }
0x117: {  	v2 =	vld [tilespmem:s8+$0xA610]  }
0x118: {  	v3 =	vld [tilespmem:s8+$0x4010]  }
0x119: {  	v4 =	vld [tilespmem:s8+$0xA620]  }
0x11a: {  	v5 =	vld [tilespmem:s8+$0x4020]  }
0x11b: {  	v6 =	vld [tilespmem:s8+$0x4030]  }
0x11c: {  	v7 =	vld [tilespmem:s8+$0xA640]  }
0x11d: {  	v8 =	vld [tilespmem:s8+$0xA7F0]  }
0x11e: {  	v40 =	vld [tilespmem:s8+$0x4050]  }
0x11f: {  	v41 =	vld [tilespmem:s8+$0x41F0]  }
0x120: {  	v42 =	vld [tilespmem:s8+$0x4060]  }
0x121: {  	v43 =	vld [tilespmem:s8+$0xA680]  }
0x122: {  	v13 =	vld [tilespmem:s8+$0x4080]  }
0x123: {  	v14 =	vld [tilespmem:s8+$0xA690]  }
0x124: {  	v15 =	vld [tilespmem:s8+$0x4090]  }
0x125: {  	v16 =	vld [tilespmem:s8+$0xA6A0]  }
0x126: {  	v44 =	vld [tilespmem:s8+$0xA6B0]  }
0x127: {  	v17 =	vld [tilespmem:s8+$0x40B0]  }
0x128: {  	v18 =	vld [tilespmem:s8+$0xA6C0]  }
0x129: {  	v45 =	vld [tilespmem:s8+$0x40C0]  }
0x12a: {  	v46 =	vld [tilespmem:s8+$0xA670]  }
0x12b: {  	v47 =	vld [tilespmem:s8+$0xA6D0]  }
0x12c: {  	v19 =	vld [tilespmem:s8+$0x40D0]  }
0x12d: {  	v20 =	vld [tilespmem:s8+$0x4070]  }
0x12e: {  	v21 =	vld [tilespmem:s8+$0xA700]  }
0x12f: {  	v22 =	vld [tilespmem:s8+$0x4100]  }
0x130: {  	v23 =	vld [tilespmem:s8+$0xA710]  }
0x131: {  	v24 =	vld [tilespmem:s8+$0x4110]  }
0x132: {  	v25 =	vld [tilespmem:s8+$0xA720]  }
0x133: {  	v26 =	vld [tilespmem:s8+$0x4120]  }
0x134: {  	v48 =	vld [tilespmem:s8+$0xA730]  }
0x135: {  	v27 =	vld [tilespmem:s8+$0x4130];
	v0 =	vadd.f32 v1, v0  }
0x136: {  	v4 =	vadd.f32 v5, v4;
	v5 =	vld [tilespmem:s8+$0x40A0]  }
0x137: {  	v50 =	vld [tilespmem:s8+$0xA740];
	v12 =	vadd.f32 v13, v43;
	v0 =	vmul.f32 $7.071067690e-01, v0  }
0x138: {  	v51 =	vld [tilespmem:s8+$0x4140];
	v21 =	vadd.f32 v22, v21;
	v4 =	vmul.f32 $7.071067690e-01, v4  }
0x139: {  	v1 =	vld [tilespmem:s8+$0xA630];
	v2 =	vadd.f32 v3, v2;
	v23 =	vadd.f32 v24, v23;
	v12 =	vmul.f32 $7.071067690e-01, v12;
	[tilespmem:s8+$0xA600] =	vst v0  }
0x13a: {  	v52 =	vld [tilespmem:s8+$0x40E0];
	v49 =	vmul.f32 $7.071067690e-01, v21;
	[tilespmem:s8+$0xA620] =	vst v4  }
0x13b: {  	v53 =	vmul.f32 $7.071067690e-01, v23;
	v0 =	vmul.f32 $7.071067690e-01, v2;
	v2 =	vld [tilespmem:s8+$0xA650];
	[tilespmem:s8+$0xA680] =	vst v12;
	v5 =	vadd.f32 v5, v16  }
0x13c: {  	v3 =	vld [tilespmem:s8+$0x4040];
	v8 =	vadd.f32 v41, v8;
	[tilespmem:s8+$0xA700] =	vst v49  }
0x13d: {  	v54 =	vld [tilespmem:s8+$0xA750];
	v4 =	vadd.f32 v15, v14;
	[tilespmem:s8+$0xA710] =	vst v53;
	v5 =	vmul.f32 $7.071067690e-01, v5  }
0x13e: {  	v1 =	vadd.f32 v6, v1;
	v6 =	vmul.f32 $7.071067690e-01, v8;
	[tilespmem:s8+$0xA610] =	vst v0;
	v0 =	vld [tilespmem:s8+$0xA660]  }
0x13f: {  	v55 =	vld [tilespmem:s8+$0x4150];
	v4 =	vmul.f32 $7.071067690e-01, v4;
	[tilespmem:s8+$0xA6A0] =	vst v5;
	v5 =	vadd.f32 v26, v25  }
0x140: {  	v56 =	vld [tilespmem:s8+$0xA770];
	[tilespmem:s8+$0xA7F0] =	vst v6;
	v1 =	vmul.f32 $7.071067690e-01, v1;
	v2 =	vadd.f32 v40, v2  }
0x141: {  	v3 =	vadd.f32 v3, v7;
	[tilespmem:s8+$0xA690] =	vst v4;
	v4 =	vld [tilespmem:s8+$0xA6E0];
	v5 =	vmul.f32 $7.071067690e-01, v5  }
0x142: {  	v58 =	vld [tilespmem:s8+$0xA780];
	[tilespmem:s8+$0xA630] =	vst v1;
	v1 =	vmul.f32 $7.071067690e-01, v2;
	v2 =	vadd.f32 v20, v46  }
0x143: {  	v8 =	vld [tilespmem:s8+$0xA6F0];
	v3 =	vmul.f32 $7.071067690e-01, v3;
	v0 =	vadd.f32 v42, v0;
	[tilespmem:s8+$0xA720] =	vst v5  }
0x144: {  	v5 =	vld [tilespmem:s8+$0x40F0];
	[tilespmem:s8+$0xA650] =	vst v1;
	v1 =	vmul.f32 $7.071067690e-01, v2;
	v2 =	vadd.f32 v45, v18  }
0x145: {  	v59 =	vld [tilespmem:s8+$0x4180];
	[tilespmem:s8+$0xA640] =	vst v3;
	v3 =	vadd.f32 v17, v44;
	v0 =	vmul.f32 $7.071067690e-01, v0  }
0x146: {  	v7 =	vld [tilespmem:s8+$0xA760];
	[tilespmem:s8+$0xA670] =	vst v1;
	v1 =	vmul.f32 $7.071067690e-01, v2;
	v2 =	vadd.f32 v52, v4  }
0x147: {  	v6 =	vld [tilespmem:s8+$0x4160];
	[tilespmem:s8+$0xA660] =	vst v0;
	v0 =	vmul.f32 $7.071067690e-01, v3;
	v3 =	vadd.f32 v19, v47  }
0x148: {  	v4 =	vld [tilespmem:s8+$0xA790];
	[tilespmem:s8+$0xA6C0] =	vst v1;
	v1 =	vmul.f32 $7.071067690e-01, v2;
	v2 =	vadd.f32 v27, v48  }
0x149: {  	[tilespmem:s8+$0xA6B0] =	vst v0;
	v0 =	vmul.f32 $7.071067690e-01, v3;
	v3 =	vadd.f32 v5, v8;
	v5 =	vld [tilespmem:s8+$0x4190]  }
0x14a: {  	v57 =	vld [tilespmem:s8+$0x4170];
	[tilespmem:s8+$0xA6E0] =	vst v1;
	v1 =	vmul.f32 $7.071067690e-01, v2;
	v2 =	vadd.f32 v59, v58  }
0x14b: {  	v60 =	vld [tilespmem:s8+$0x41A0];
	[tilespmem:s8+$0xA6D0] =	vst v0;
	v0 =	vmul.f32 $7.071067690e-01, v3;
	v3 =	vadd.f32 v51, v50  }
0x14c: {  	v6 =	vadd.f32 v6, v7;
	v8 =	vld [tilespmem:s8+$0xA7A0];
	[tilespmem:s8+$0xA730] =	vst v1;
	v2 =	vmul.f32 $7.071067690e-01, v2  }
0x14d: {  	v61 =	vld [tilespmem:s8+$0xA7B0];
	v62 =	vadd.f32 v55, v54;
	[tilespmem:s8+$0xA6F0] =	vst v0;
	v3 =	vmul.f32 $7.071067690e-01, v3  }
0x14e: {  	v63 =	vld [tilespmem:s8+$0x41B0];
	v4 =	vadd.f32 v5, v4;
	v5 =	vmul.f32 $7.071067690e-01, v6;
	[tilespmem:s8+$0xA780] =	vst v2  }
0x14f: {  	v1 =	vld [tilespmem:s8+$0x41C0];
	v6 =	vadd.f32 v57, v56;
	[tilespmem:s8+$0xA740] =	vst v3;
	v3 =	vmul.f32 $7.071067690e-01, v62  }
0x150: {  	v0 =	vld [tilespmem:s8+$0xA7C0];
	v4 =	vmul.f32 $7.071067690e-01, v4;
	[tilespmem:s8+$0xA760] =	vst v5  }
0x151: {  	v2 =	vld [tilespmem:s8+$0xA7D0];
	v5 =	vmul.f32 $7.071067690e-01, v6;
	v6 =	vadd.f32 v60, v8;
	[tilespmem:s8+$0xA750] =	vst v3  }
0x152: {  	v3 =	vld [tilespmem:s8+$0x41D0];
	[tilespmem:s8+$0xA790] =	vst v4  }
0x153: {  	s17 =	simm.s32 $0x800;
	s7 =	simm.s32 $0x80;
	[tilespmem:s8+$0xA770] =	vst v5;
	v5 =	vmul.f32 $7.071067690e-01, v6;
	v6 =	vadd.f32 v63, v61;
	v4 =	vld [tilespmem:s8+$0xA7E0]  }
.LBB2_4:
0x154: {  	s18 =	sshra.s32 s17, $0x2;
	v7 =	vld [tilespmem:s8+$0x41E0]  }
0x155: {  	s7 =	sadd.s32 $0x4, s7;
	v8 =	vld [tilespmem:s18+$0xA7F0];
	[tilespmem:s8+$0xA7A0] =	vst v5;
	v5 =	vmul.f32 $7.071067690e-01, v6;
	v0 =	vadd.f32 v1, v0  }
0x156: {  	p0 =	slt.u32 s7, $0xC4;
	v1 =	vld [tilespmem:s18+$0x41F0]  }
0x157: {  	v6 =	vld [tilespmem:s18+$0xA600];
	[tilespmem:s8+$0xA7B0] =	vst v5;
	v0 =	vmul.f32 $7.071067690e-01, v0;
	v2 =	vadd.f32 v3, v2  }
0x158: {  	v3 =	vld [tilespmem:s18+$0x4000]  }
0x159: {  	v5 =	vld [tilespmem:s18+$0xA610];
	[tilespmem:s8+$0xA7C0] =	vst v0;
	v0 =	vmul.f32 $7.071067690e-01, v2;
	v2 =	vadd.f32 v7, v4  }
0x15a: {  	v4 =	vld [tilespmem:s18+$0x4010]  }
0x15b: {  	v7 =	vld [tilespmem:s18+$0xA620];
	v1 =	vadd.f32 v1, v8;
	[tilespmem:s8+$0xA7D0] =	vst v0;
	v0 =	vmul.f32 $7.071067690e-01, v2  }
0x15c: {  	v2 =	vld [tilespmem:s18+$0x4020]  }
0x15d: {  	v3 =	vadd.f32 v3, v6;
	v6 =	vld [tilespmem:s18+$0xA630];
	v1 =	vmul.f32 $7.071067690e-01, v1;
	[tilespmem:s8+$0xA7E0] =	vst v0;
	s8 =	smov.u32 s18  }
0x15e: {  	v0 =	vld [tilespmem:s8+$0x4030]  }
0x15f: {  	v3 =	vmul.f32 $7.071067690e-01, v3;
	v4 =	vadd.f32 v4, v5;
	v5 =	vld [tilespmem:s8+$0xA640];
	[tilespmem:s8+$0xA7F0] =	vst v1  }
0x160: {  	v1 =	vld [tilespmem:s8+$0x4040]  }
0x161: {  	[tilespmem:s8+$0xA600] =	vst v3;
	v3 =	vmul.f32 $7.071067690e-01, v4;
	v2 =	vadd.f32 v2, v7;
	v4 =	vld [tilespmem:s8+$0xA650]  }
0x162: {  	v7 =	vld [tilespmem:s8+$0x4050]  }
0x163: {  	[tilespmem:s8+$0xA610] =	vst v3;
	v2 =	vmul.f32 $7.071067690e-01, v2;
	v0 =	vadd.f32 v0, v6;
	v3 =	vld [tilespmem:s8+$0xA660]  }
0x164: {  	v6 =	vld [tilespmem:s8+$0x4060]  }
0x165: {  	[tilespmem:s8+$0xA620] =	vst v2;
	v0 =	vmul.f32 $7.071067690e-01, v0;
	v1 =	vadd.f32 v1, v5;
	v2 =	vld [tilespmem:s8+$0xA670]  }
0x166: {  	v5 =	vld [tilespmem:s8+$0x4070]  }
0x167: {  	[tilespmem:s8+$0xA630] =	vst v0;
	v0 =	vmul.f32 $7.071067690e-01, v1;
	v1 =	vadd.f32 v7, v4;
	v4 =	vld [tilespmem:s8+$0xA680]  }
0x168: {  	v7 =	vld [tilespmem:s8+$0x4080]  }
0x169: {  	[tilespmem:s8+$0xA640] =	vst v0;
	v0 =	vmul.f32 $7.071067690e-01, v1;
	v1 =	vadd.f32 v6, v3;
	v3 =	vld [tilespmem:s8+$0xA690]  }
0x16a: {  	v6 =	vld [tilespmem:s8+$0x4090]  }
0x16b: {  	[tilespmem:s8+$0xA650] =	vst v0;
	v0 =	vmul.f32 $7.071067690e-01, v1;
	v1 =	vadd.f32 v5, v2;
	v2 =	vld [tilespmem:s8+$0xA6A0]  }
0x16c: {  	v5 =	vld [tilespmem:s8+$0x40A0]  }
0x16d: {  	[tilespmem:s8+$0xA660] =	vst v0;
	v0 =	vmul.f32 $7.071067690e-01, v1;
	v1 =	vadd.f32 v7, v4;
	v4 =	vld [tilespmem:s8+$0xA6B0]  }
0x16e: {  	v7 =	vld [tilespmem:s8+$0x40B0]  }
0x16f: {  	[tilespmem:s8+$0xA670] =	vst v0;
	v0 =	vmul.f32 $7.071067690e-01, v1;
	v1 =	vadd.f32 v6, v3;
	v3 =	vld [tilespmem:s8+$0xA6C0]  }
0x170: {  	v6 =	vld [tilespmem:s8+$0x40C0]  }
0x171: {  	[tilespmem:s8+$0xA680] =	vst v0;
	v0 =	vmul.f32 $7.071067690e-01, v1;
	v1 =	vadd.f32 v5, v2;
	v2 =	vld [tilespmem:s8+$0xA6D0]  }
0x172: {  	v5 =	vld [tilespmem:s8+$0x40D0]  }
0x173: {  	[tilespmem:s8+$0xA690] =	vst v0;
	v0 =	vmul.f32 $7.071067690e-01, v1;
	v1 =	vadd.f32 v7, v4;
	v4 =	vld [tilespmem:s8+$0xA6E0]  }
0x174: {  	v7 =	vld [tilespmem:s8+$0x40E0]  }
0x175: {  	[tilespmem:s8+$0xA6A0] =	vst v0;
	v0 =	vmul.f32 $7.071067690e-01, v1;
	v1 =	vadd.f32 v6, v3;
	v3 =	vld [tilespmem:s8+$0xA6F0]  }
0x176: {  	v6 =	vld [tilespmem:s8+$0x40F0]  }
0x177: {  	[tilespmem:s8+$0xA6B0] =	vst v0;
	v0 =	vmul.f32 $7.071067690e-01, v1;
	v1 =	vadd.f32 v5, v2;
	v2 =	vld [tilespmem:s8+$0xA700]  }
0x178: {  	v5 =	vld [tilespmem:s8+$0x4100]  }
0x179: {  	[tilespmem:s8+$0xA6C0] =	vst v0;
	v0 =	vmul.f32 $7.071067690e-01, v1;
	v1 =	vadd.f32 v7, v4;
	v4 =	vld [tilespmem:s8+$0xA710]  }
0x17a: {  	v7 =	vld [tilespmem:s8+$0x4110]  }
0x17b: {  	[tilespmem:s8+$0xA6D0] =	vst v0;
	v0 =	vmul.f32 $7.071067690e-01, v1;
	v1 =	vadd.f32 v6, v3;
	v3 =	vld [tilespmem:s8+$0xA720]  }
0x17c: {  	v6 =	vld [tilespmem:s8+$0x4120]  }
0x17d: {  	[tilespmem:s8+$0xA6E0] =	vst v0;
	v0 =	vmul.f32 $7.071067690e-01, v1;
	v1 =	vadd.f32 v5, v2;
	v2 =	vld [tilespmem:s8+$0xA730]  }
0x17e: {  	v5 =	vld [tilespmem:s8+$0x4130]  }
0x17f: {  	[tilespmem:s8+$0xA6F0] =	vst v0;
	v0 =	vmul.f32 $7.071067690e-01, v1;
	v1 =	vadd.f32 v7, v4;
	v4 =	vld [tilespmem:s8+$0xA740]  }
0x180: {  	v7 =	vld [tilespmem:s8+$0x4140]  }
0x181: {  	[tilespmem:s8+$0xA700] =	vst v0;
	v0 =	vmul.f32 $7.071067690e-01, v1;
	v1 =	vadd.f32 v6, v3;
	v3 =	vld [tilespmem:s8+$0xA750]  }
0x182: {  	v6 =	vld [tilespmem:s8+$0x4150]  }
0x183: {  	[tilespmem:s8+$0xA710] =	vst v0;
	v0 =	vmul.f32 $7.071067690e-01, v1;
	v1 =	vadd.f32 v5, v2;
	v2 =	vld [tilespmem:s8+$0xA760]  }
0x184: {  	v5 =	vld [tilespmem:s8+$0x4160]  }
0x185: {  	[tilespmem:s8+$0xA720] =	vst v0;
	v0 =	vmul.f32 $7.071067690e-01, v1;
	v1 =	vadd.f32 v7, v4;
	v4 =	vld [tilespmem:s8+$0xA770]  }
0x186: {  	v7 =	vld [tilespmem:s8+$0x4170]  }
0x187: {  	[tilespmem:s8+$0xA730] =	vst v0;
	v0 =	vmul.f32 $7.071067690e-01, v1;
	v1 =	vadd.f32 v6, v3;
	v3 =	vld [tilespmem:s8+$0xA780]  }
0x188: {  	v6 =	vld [tilespmem:s8+$0x4180]  }
0x189: {  	[tilespmem:s8+$0xA740] =	vst v0;
	v0 =	vmul.f32 $7.071067690e-01, v1;
	v1 =	vadd.f32 v5, v2;
	v2 =	vld [tilespmem:s8+$0xA790]  }
0x18a: {  	v5 =	vld [tilespmem:s8+$0x4190]  }
0x18b: {  	[tilespmem:s8+$0xA750] =	vst v0;
	v0 =	vmul.f32 $7.071067690e-01, v1;
	v1 =	vadd.f32 v7, v4;
	v4 =	vld [tilespmem:s8+$0xA7A0]  }
0x18c: {  	v7 =	vld [tilespmem:s8+$0x41A0]  }
0x18d: {  	[tilespmem:s8+$0xA760] =	vst v0;
	v0 =	vmul.f32 $7.071067690e-01, v1;
	v1 =	vadd.f32 v6, v3;
	v6 =	vld [tilespmem:s8+$0xA7B0]  }
0x18e: {  	v8 =	vld [tilespmem:s8+$0x41B0]  }
.Ltmp1:
0x18f: {  	[tilespmem:s8+$0xA770] =	vst v0;
	v3 =	vmul.f32 $7.071067690e-01, v1;
	v2 =	vadd.f32 v5, v2;
	v0 =	vld [tilespmem:s8+$0xA7C0];
	(pc) =	sbr.rel @p0 .LBB2_4-.Ltmp1, $4  }
0x190: {  	v1 =	vld [tilespmem:s8+$0x41C0]  }
0x191: {  	[tilespmem:s8+$0xA780] =	vst v3;
	v5 =	vmul.f32 $7.071067690e-01, v2;
	v4 =	vadd.f32 v7, v4;
	v2 =	vld [tilespmem:s8+$0xA7D0]  }
0x192: {  	v3 =	vld [tilespmem:s8+$0x41D0]  }
0x193: {  	s17 =	sadd.s32 $0x800, s17;
	[tilespmem:s8+$0xA790] =	vst v5;
	v5 =	vmul.f32 $7.071067690e-01, v4;
	v6 =	vadd.f32 v8, v6;
	v4 =	vld [tilespmem:s8+$0xA7E0]  }
0x194: {  	v7 =	vld [tilespmem:s8+$0x41E0];
	_ =	sdelay $0x2  }
0x195: {  	v0 =	vadd.f32 v1, v0  }
0x196: {  	v1 =	vmul.f32 $7.071067690e-01, v6;
	v2 =	vadd.f32 v3, v2  }
0x197: {  	[tilespmem:s8+$0xA7A0] =	vst v5;
	v0 =	vmul.f32 $7.071067690e-01, v0;
	v3 =	vadd.f32 v7, v4  }
0x198: {  	[tilespmem:s8+$0xA7B0] =	vst v1;
	v1 =	vmul.f32 $7.071067690e-01, v2  }
0x199: {  	[tilespmem:s8+$0xA7C0] =	vst v0;
	v0 =	vmul.f32 $7.071067690e-01, v3  }
0x19a: {  	[tilespmem:s8+$0xA7D0] =	vst v1  }
0x19b: {  	[tilespmem:s8+$0xA7E0] =	vst v0  }
0x19c: {  	s7 =	simm.s32 $0x0;
	s8 =	rddreg [dreg:$0xd]  }
0x19d: {  	[hbm4b:s8+s7] =	stream.linear.scatter [tilespmem:s0], [sflag:$0x5], $0x2400, $0x38;
	[tilespmem:$0x12E00] =	vst v63  }
0x19e: {  	_ =	swait.ge [sflag:s29], $0x80  }
0x19f: {  	[sflag:s29] =	ssyncset.done $0x0  }
0x1a0: {  	[sflag:s29] =	ssyncadd.s32 $0xFFFFFF80  }
0x1a1: {  	_ =	swait.ge [sflag:s29], $0x48  }
0x1a2: {  	[sflag:s29] =	ssyncset.done $0x0  }
0x1a3: {  	[sflag:s29] =	ssyncadd.s32 $0xFFFFFFB8  }
0x1a4: {  	_ =	swait.ge [sflag:s13], $0x4000  }
0x1a5: {  	[sflag:s13] =	ssyncset.done $0x0  }
0x1a6: {  	[sflag:s13] =	ssyncadd.s32 $0xFFFFC000  }
0x1a7: {  	_ =	swait.ge [sflag:s13], $0x2400  }
0x1a8: {  	[sflag:s13] =	ssyncset.done $0x0  }
0x1a9: {  	[sflag:s13] =	ssyncadd.s32 $0xFFFFDC00  }
0x1aa: {  	[tilespmem:s31], [sflag:$0x1] =	stream.indirect.gather [hbm4b:s1+s30], $0x80, s24, s30, $0xb8;
	[tilespmem:$0x12E00] =	vst v63  }
0x1ab: {  	_ = 	snop  }
0x1ac: {  	[tilespmem:s0], [sflag:$0x3] =	stream.indirect.gather [hbm4b:s1+s2], $0x80, s25, s2, $0xb8;
	[tilespmem:$0x12E00] =	vst v63  }
0x1ad: {  	_ =	swait.ge [sflag:s14], $0x4000  }
0x1ae: {  	[sflag:s14] =	ssyncset.done $0x0  }
0x1af: {  	s8 =	simm.s32 $0x0;
	s23 =	rddreg [dreg:$0xe];
	[sflag:s14] =	ssyncadd.s32 $0xFFFFC000  }
0x1b0: {  	[tilespmem:s26], [sflag:$0x8] =	stream.linear.gather [hbm4b:s23+s7], $0x80, $0x38;
	[tilespmem:$0x12E00] =	vst v63  }
0x1b1: {  	v0 =	vld [tilespmem:s8+$0xCA00]  }
0x1b2: {  	v1 =	vld [tilespmem:s8+$0x0]  }
0x1b3: {  	v2 =	vld [tilespmem:s8+$0xCA10]  }
0x1b4: {  	v3 =	vld [tilespmem:s8+$0x10]  }
0x1b5: {  	v4 =	vld [tilespmem:s8+$0xCA20]  }
0x1b6: {  	v5 =	vld [tilespmem:s8+$0x20]  }
0x1b7: {  	v6 =	vld [tilespmem:s8+$0x30]  }
0x1b8: {  	v7 =	vld [tilespmem:s8+$0xCA40]  }
0x1b9: {  	v8 =	vld [tilespmem:s8+$0xCBF0]  }
0x1ba: {  	v9 =	vld [tilespmem:s8+$0x50]  }
0x1bb: {  	v10 =	vld [tilespmem:s8+$0x1F0]  }
0x1bc: {  	v11 =	vld [tilespmem:s8+$0x60]  }
0x1bd: {  	v12 =	vld [tilespmem:s8+$0xCA80]  }
0x1be: {  	v13 =	vld [tilespmem:s8+$0x80]  }
0x1bf: {  	v14 =	vld [tilespmem:s8+$0xCA90]  }
0x1c0: {  	v15 =	vld [tilespmem:s8+$0x90]  }
0x1c1: {  	v16 =	vld [tilespmem:s8+$0xCAA0]  }
0x1c2: {  	v44 =	vld [tilespmem:s8+$0xCAB0]  }
0x1c3: {  	v17 =	vld [tilespmem:s8+$0xB0]  }
0x1c4: {  	v18 =	vld [tilespmem:s8+$0xCAC0]  }
0x1c5: {  	v45 =	vld [tilespmem:s8+$0xC0]  }
0x1c6: {  	v46 =	vld [tilespmem:s8+$0xCA70]  }
0x1c7: {  	v47 =	vld [tilespmem:s8+$0xCAD0]  }
0x1c8: {  	v19 =	vld [tilespmem:s8+$0xD0]  }
0x1c9: {  	v20 =	vld [tilespmem:s8+$0x70]  }
0x1ca: {  	v21 =	vld [tilespmem:s8+$0xCB00]  }
0x1cb: {  	v22 =	vld [tilespmem:s8+$0x100]  }
0x1cc: {  	v23 =	vld [tilespmem:s8+$0xCB10]  }
0x1cd: {  	v24 =	vld [tilespmem:s8+$0x110]  }
0x1ce: {  	v25 =	vld [tilespmem:s8+$0xCB20]  }
0x1cf: {  	v26 =	vld [tilespmem:s8+$0x120]  }
0x1d0: {  	v48 =	vld [tilespmem:s8+$0xCB30]  }
0x1d1: {  	v27 =	vld [tilespmem:s8+$0x130];
	v0 =	vadd.f32 v1, v0  }
0x1d2: {  	v50 =	vld [tilespmem:s8+$0xCB40];
	v4 =	vadd.f32 v5, v4  }
0x1d3: {  	v5 =	vld [tilespmem:s8+$0xA0];
	v12 =	vadd.f32 v13, v12;
	v0 =	vmul.f32 $7.071067690e-01, v0  }
0x1d4: {  	v1 =	vld [tilespmem:s8+$0xCA30];
	v21 =	vadd.f32 v22, v21;
	v4 =	vmul.f32 $7.071067690e-01, v4  }
0x1d5: {  	v51 =	vld [tilespmem:s8+$0x140];
	v2 =	vadd.f32 v3, v2;
	v12 =	vmul.f32 $7.071067690e-01, v12;
	[tilespmem:s8+$0xCA00] =	vst v0  }
0x1d6: {  	v3 =	vld [tilespmem:s8+$0x40];
	v23 =	vadd.f32 v24, v23;
	v49 =	vmul.f32 $7.071067690e-01, v21;
	[tilespmem:s8+$0xCA20] =	vst v4  }
0x1d7: {  	v52 =	vld [tilespmem:s8+$0xE0];
	v8 =	vadd.f32 v10, v8;
	v0 =	vmul.f32 $7.071067690e-01, v2;
	[tilespmem:s8+$0xCA80] =	vst v12  }
0x1d8: {  	v53 =	vmul.f32 $7.071067690e-01, v23;
	v2 =	vld [tilespmem:s8+$0xCA50];
	[tilespmem:s8+$0xCB00] =	vst v49;
	v5 =	vadd.f32 v5, v16  }
0x1d9: {  	v4 =	vadd.f32 v15, v14;
	v1 =	vadd.f32 v6, v1;
	v6 =	vmul.f32 $7.071067690e-01, v8;
	[tilespmem:s8+$0xCA10] =	vst v0;
	v0 =	vld [tilespmem:s8+$0xCA60]  }
0x1da: {  	v54 =	vld [tilespmem:s8+$0xCB50];
	[tilespmem:s8+$0xCB10] =	vst v53;
	v5 =	vmul.f32 $7.071067690e-01, v5  }
0x1db: {  	v55 =	vld [tilespmem:s8+$0x150];
	v3 =	vadd.f32 v3, v7;
	v4 =	vmul.f32 $7.071067690e-01, v4;
	[tilespmem:s8+$0xCBF0] =	vst v6  }
0x1dc: {  	v8 =	vld [tilespmem:s8+$0xCAF0];
	v1 =	vmul.f32 $7.071067690e-01, v1;
	[tilespmem:s8+$0xCAA0] =	vst v5;
	v5 =	vadd.f32 v26, v25  }
0x1dd: {  	v7 =	vld [tilespmem:s8+$0xCB60];
	v3 =	vmul.f32 $7.071067690e-01, v3;
	[tilespmem:s8+$0xCA90] =	vst v4;
	v2 =	vadd.f32 v9, v2  }
0x1de: {  	v4 =	vld [tilespmem:s8+$0xCAE0];
	[tilespmem:s8+$0xCA30] =	vst v1;
	v5 =	vmul.f32 $7.071067690e-01, v5;
	v0 =	vadd.f32 v11, v0  }
0x1df: {  	v6 =	vld [tilespmem:s8+$0x160];
	[tilespmem:s8+$0xCA40] =	vst v3;
	v1 =	vmul.f32 $7.071067690e-01, v2;
	v2 =	vadd.f32 v20, v46  }
0x1e0: {  	v3 =	vadd.f32 v17, v44;
	[tilespmem:s8+$0xCB20] =	vst v5;
	v5 =	vld [tilespmem:s8+$0xF0];
	v0 =	vmul.f32 $7.071067690e-01, v0  }
0x1e1: {  	v56 =	vld [tilespmem:s8+$0xCB70];
	[tilespmem:s8+$0xCA50] =	vst v1;
	v1 =	vmul.f32 $7.071067690e-01, v2;
	v2 =	vadd.f32 v45, v18  }
0x1e2: {  	v58 =	vld [tilespmem:s8+$0xCB80];
	[tilespmem:s8+$0xCA60] =	vst v0;
	v0 =	vmul.f32 $7.071067690e-01, v3;
	v3 =	vadd.f32 v19, v47  }
0x1e3: {  	v59 =	vld [tilespmem:s8+$0x180];
	[tilespmem:s8+$0xCA70] =	vst v1;
	v1 =	vmul.f32 $7.071067690e-01, v2;
	v2 =	vadd.f32 v52, v4  }
0x1e4: {  	v6 =	vadd.f32 v6, v7;
	v4 =	vld [tilespmem:s8+$0xCB90];
	[tilespmem:s8+$0xCAB0] =	vst v0;
	v0 =	vmul.f32 $7.071067690e-01, v3  }
0x1e5: {  	[tilespmem:s8+$0xCAC0] =	vst v1;
	v1 =	vmul.f32 $7.071067690e-01, v2;
	v2 =	vadd.f32 v27, v48;
	v3 =	vadd.f32 v5, v8;
	v5 =	vld [tilespmem:s8+$0x190]  }
0x1e6: {  	v57 =	vld [tilespmem:s8+$0x170];
	v6 =	vmul.f32 $7.071067690e-01, v6;
	[tilespmem:s8+$0xCAD0] =	vst v0  }
0x1e7: {  	v60 =	vld [tilespmem:s8+$0x1A0];
	[tilespmem:s8+$0xCAE0] =	vst v1;
	v1 =	vmul.f32 $7.071067690e-01, v2;
	v0 =	vmul.f32 $7.071067690e-01, v3;
	v3 =	vadd.f32 v51, v50  }
0x1e8: {  	[tilespmem:s8+$0xCB60] =	vst v6;
	v8 =	vld [tilespmem:s8+$0xCBA0];
	v2 =	vadd.f32 v59, v58  }
0x1e9: {  	v61 =	vld [tilespmem:s8+$0xCBB0];
	v62 =	vadd.f32 v55, v54;
	[tilespmem:s8+$0xCB30] =	vst v1;
	v3 =	vmul.f32 $7.071067690e-01, v3  }
0x1ea: {  	v63 =	vld [tilespmem:s8+$0x1B0];
	v2 =	vmul.f32 $7.071067690e-01, v2;
	[tilespmem:s8+$0xCAF0] =	vst v0;
	v4 =	vadd.f32 v5, v4  }
0x1eb: {  	v1 =	vld [tilespmem:s8+$0x1C0];
	v5 =	vadd.f32 v57, v56;
	[tilespmem:s8+$0xCB40] =	vst v3;
	v3 =	vmul.f32 $7.071067690e-01, v62  }
0x1ec: {  	v0 =	vld [tilespmem:s8+$0xCBC0];
	[tilespmem:s8+$0xCB80] =	vst v2;
	v4 =	vmul.f32 $7.071067690e-01, v4  }
0x1ed: {  	v2 =	vld [tilespmem:s8+$0xCBD0];
	v6 =	vadd.f32 v60, v8;
	v5 =	vmul.f32 $7.071067690e-01, v5;
	[tilespmem:s8+$0xCB50] =	vst v3  }
0x1ee: {  	v3 =	vld [tilespmem:s8+$0x1D0];
	[tilespmem:s8+$0xCB90] =	vst v4  }
0x1ef: {  	s17 =	simm.s32 $0x800;
	s7 =	simm.s32 $0x0;
	[tilespmem:s8+$0xCB70] =	vst v5;
	v5 =	vmul.f32 $7.071067690e-01, v6;
	v6 =	vadd.f32 v63, v61;
	v4 =	vld [tilespmem:s8+$0xCBE0]  }
.LBB2_6:
0x1f0: {  	s18 =	sshra.s32 s17, $0x2;
	v7 =	vld [tilespmem:s8+$0x1E0]  }
0x1f1: {  	s7 =	sadd.s32 $0x4, s7;
	v8 =	vld [tilespmem:s18+$0xCBF0];
	[tilespmem:s8+$0xCBA0] =	vst v5;
	v5 =	vmul.f32 $7.071067690e-01, v6;
	v0 =	vadd.f32 v1, v0  }
0x1f2: {  	p0 =	slt.u32 s7, $0x7C;
	v1 =	vld [tilespmem:s18+$0x1F0]  }
0x1f3: {  	v6 =	vld [tilespmem:s18+$0xCA00];
	[tilespmem:s8+$0xCBB0] =	vst v5;
	v0 =	vmul.f32 $7.071067690e-01, v0;
	v2 =	vadd.f32 v3, v2  }
0x1f4: {  	v3 =	vld [tilespmem:s18+$0x0]  }
0x1f5: {  	v5 =	vld [tilespmem:s18+$0xCA10];
	[tilespmem:s8+$0xCBC0] =	vst v0;
	v0 =	vmul.f32 $7.071067690e-01, v2;
	v2 =	vadd.f32 v7, v4  }
0x1f6: {  	v4 =	vld [tilespmem:s18+$0x10]  }
0x1f7: {  	v7 =	vld [tilespmem:s18+$0xCA20];
	v1 =	vadd.f32 v1, v8;
	[tilespmem:s8+$0xCBD0] =	vst v0;
	v0 =	vmul.f32 $7.071067690e-01, v2  }
0x1f8: {  	v2 =	vld [tilespmem:s18+$0x20]  }
0x1f9: {  	v3 =	vadd.f32 v3, v6;
	v6 =	vld [tilespmem:s18+$0xCA30];
	v1 =	vmul.f32 $7.071067690e-01, v1;
	[tilespmem:s8+$0xCBE0] =	vst v0;
	s8 =	smov.u32 s18  }
0x1fa: {  	v0 =	vld [tilespmem:s8+$0x30]  }
0x1fb: {  	v3 =	vmul.f32 $7.071067690e-01, v3;
	v4 =	vadd.f32 v4, v5;
	v5 =	vld [tilespmem:s8+$0xCA40];
	[tilespmem:s8+$0xCBF0] =	vst v1  }
0x1fc: {  	v1 =	vld [tilespmem:s8+$0x40]  }
0x1fd: {  	[tilespmem:s8+$0xCA00] =	vst v3;
	v3 =	vmul.f32 $7.071067690e-01, v4;
	v2 =	vadd.f32 v2, v7;
	v4 =	vld [tilespmem:s8+$0xCA50]  }
0x1fe: {  	v7 =	vld [tilespmem:s8+$0x50]  }
0x1ff: {  	[tilespmem:s8+$0xCA10] =	vst v3;
	v2 =	vmul.f32 $7.071067690e-01, v2;
	v0 =	vadd.f32 v0, v6;
	v3 =	vld [tilespmem:s8+$0xCA60]  }
0x200: {  	v6 =	vld [tilespmem:s8+$0x60]  }
0x201: {  	[tilespmem:s8+$0xCA20] =	vst v2;
	v0 =	vmul.f32 $7.071067690e-01, v0;
	v1 =	vadd.f32 v1, v5;
	v2 =	vld [tilespmem:s8+$0xCA70]  }
0x202: {  	v5 =	vld [tilespmem:s8+$0x70]  }
0x203: {  	[tilespmem:s8+$0xCA30] =	vst v0;
	v0 =	vmul.f32 $7.071067690e-01, v1;
	v1 =	vadd.f32 v7, v4;
	v4 =	vld [tilespmem:s8+$0xCA80]  }
0x204: {  	v7 =	vld [tilespmem:s8+$0x80]  }
0x205: {  	[tilespmem:s8+$0xCA40] =	vst v0;
	v0 =	vmul.f32 $7.071067690e-01, v1;
	v1 =	vadd.f32 v6, v3;
	v3 =	vld [tilespmem:s8+$0xCA90]  }
0x206: {  	v6 =	vld [tilespmem:s8+$0x90]  }
0x207: {  	[tilespmem:s8+$0xCA50] =	vst v0;
	v0 =	vmul.f32 $7.071067690e-01, v1;
	v1 =	vadd.f32 v5, v2;
	v2 =	vld [tilespmem:s8+$0xCAA0]  }
0x208: {  	v5 =	vld [tilespmem:s8+$0xA0]  }
0x209: {  	[tilespmem:s8+$0xCA60] =	vst v0;
	v0 =	vmul.f32 $7.071067690e-01, v1;
	v1 =	vadd.f32 v7, v4;
	v4 =	vld [tilespmem:s8+$0xCAB0]  }
0x20a: {  	v7 =	vld [tilespmem:s8+$0xB0]  }
0x20b: {  	[tilespmem:s8+$0xCA70] =	vst v0;
	v0 =	vmul.f32 $7.071067690e-01, v1;
	v1 =	vadd.f32 v6, v3;
	v3 =	vld [tilespmem:s8+$0xCAC0]  }
0x20c: {  	v6 =	vld [tilespmem:s8+$0xC0]  }
0x20d: {  	[tilespmem:s8+$0xCA80] =	vst v0;
	v0 =	vmul.f32 $7.071067690e-01, v1;
	v1 =	vadd.f32 v5, v2;
	v2 =	vld [tilespmem:s8+$0xCAD0]  }
0x20e: {  	v5 =	vld [tilespmem:s8+$0xD0]  }
0x20f: {  	[tilespmem:s8+$0xCA90] =	vst v0;
	v0 =	vmul.f32 $7.071067690e-01, v1;
	v1 =	vadd.f32 v7, v4;
	v4 =	vld [tilespmem:s8+$0xCAE0]  }
0x210: {  	v7 =	vld [tilespmem:s8+$0xE0]  }
0x211: {  	[tilespmem:s8+$0xCAA0] =	vst v0;
	v0 =	vmul.f32 $7.071067690e-01, v1;
	v1 =	vadd.f32 v6, v3;
	v3 =	vld [tilespmem:s8+$0xCAF0]  }
0x212: {  	v6 =	vld [tilespmem:s8+$0xF0]  }
0x213: {  	[tilespmem:s8+$0xCAB0] =	vst v0;
	v0 =	vmul.f32 $7.071067690e-01, v1;
	v1 =	vadd.f32 v5, v2;
	v2 =	vld [tilespmem:s8+$0xCB00]  }
0x214: {  	v5 =	vld [tilespmem:s8+$0x100]  }
0x215: {  	[tilespmem:s8+$0xCAC0] =	vst v0;
	v0 =	vmul.f32 $7.071067690e-01, v1;
	v1 =	vadd.f32 v7, v4;
	v4 =	vld [tilespmem:s8+$0xCB10]  }
0x216: {  	v7 =	vld [tilespmem:s8+$0x110]  }
0x217: {  	[tilespmem:s8+$0xCAD0] =	vst v0;
	v0 =	vmul.f32 $7.071067690e-01, v1;
	v1 =	vadd.f32 v6, v3;
	v3 =	vld [tilespmem:s8+$0xCB20]  }
0x218: {  	v6 =	vld [tilespmem:s8+$0x120]  }
0x219: {  	[tilespmem:s8+$0xCAE0] =	vst v0;
	v0 =	vmul.f32 $7.071067690e-01, v1;
	v1 =	vadd.f32 v5, v2;
	v2 =	vld [tilespmem:s8+$0xCB30]  }
0x21a: {  	v5 =	vld [tilespmem:s8+$0x130]  }
0x21b: {  	[tilespmem:s8+$0xCAF0] =	vst v0;
	v0 =	vmul.f32 $7.071067690e-01, v1;
	v1 =	vadd.f32 v7, v4;
	v4 =	vld [tilespmem:s8+$0xCB40]  }
0x21c: {  	v7 =	vld [tilespmem:s8+$0x140]  }
0x21d: {  	[tilespmem:s8+$0xCB00] =	vst v0;
	v0 =	vmul.f32 $7.071067690e-01, v1;
	v1 =	vadd.f32 v6, v3;
	v3 =	vld [tilespmem:s8+$0xCB50]  }
0x21e: {  	v6 =	vld [tilespmem:s8+$0x150]  }
0x21f: {  	[tilespmem:s8+$0xCB10] =	vst v0;
	v0 =	vmul.f32 $7.071067690e-01, v1;
	v1 =	vadd.f32 v5, v2;
	v2 =	vld [tilespmem:s8+$0xCB60]  }
0x220: {  	v5 =	vld [tilespmem:s8+$0x160]  }
0x221: {  	[tilespmem:s8+$0xCB20] =	vst v0;
	v0 =	vmul.f32 $7.071067690e-01, v1;
	v1 =	vadd.f32 v7, v4;
	v4 =	vld [tilespmem:s8+$0xCB70]  }
0x222: {  	v7 =	vld [tilespmem:s8+$0x170]  }
0x223: {  	[tilespmem:s8+$0xCB30] =	vst v0;
	v0 =	vmul.f32 $7.071067690e-01, v1;
	v1 =	vadd.f32 v6, v3;
	v3 =	vld [tilespmem:s8+$0xCB80]  }
0x224: {  	v6 =	vld [tilespmem:s8+$0x180]  }
0x225: {  	[tilespmem:s8+$0xCB40] =	vst v0;
	v0 =	vmul.f32 $7.071067690e-01, v1;
	v1 =	vadd.f32 v5, v2;
	v2 =	vld [tilespmem:s8+$0xCB90]  }
0x226: {  	v5 =	vld [tilespmem:s8+$0x190]  }
0x227: {  	[tilespmem:s8+$0xCB50] =	vst v0;
	v0 =	vmul.f32 $7.071067690e-01, v1;
	v1 =	vadd.f32 v7, v4;
	v4 =	vld [tilespmem:s8+$0xCBA0]  }
0x228: {  	v7 =	vld [tilespmem:s8+$0x1A0]  }
0x229: {  	[tilespmem:s8+$0xCB60] =	vst v0;
	v0 =	vmul.f32 $7.071067690e-01, v1;
	v1 =	vadd.f32 v6, v3;
	v6 =	vld [tilespmem:s8+$0xCBB0]  }
0x22a: {  	v8 =	vld [tilespmem:s8+$0x1B0]  }
.Ltmp2:
0x22b: {  	[tilespmem:s8+$0xCB70] =	vst v0;
	v3 =	vmul.f32 $7.071067690e-01, v1;
	v2 =	vadd.f32 v5, v2;
	v0 =	vld [tilespmem:s8+$0xCBC0];
	(pc) =	sbr.rel @p0 .LBB2_6-.Ltmp2, $4  }
0x22c: {  	v1 =	vld [tilespmem:s8+$0x1C0]  }
0x22d: {  	[tilespmem:s8+$0xCB80] =	vst v3;
	v5 =	vmul.f32 $7.071067690e-01, v2;
	v4 =	vadd.f32 v7, v4;
	v2 =	vld [tilespmem:s8+$0xCBD0]  }
0x22e: {  	v3 =	vld [tilespmem:s8+$0x1D0]  }
0x22f: {  	s17 =	sadd.s32 $0x800, s17;
	[tilespmem:s8+$0xCB90] =	vst v5;
	v5 =	vmul.f32 $7.071067690e-01, v4;
	v6 =	vadd.f32 v8, v6;
	v4 =	vld [tilespmem:s8+$0xCBE0]  }
0x230: {  	v7 =	vld [tilespmem:s8+$0x1E0];
	_ =	sdelay $0x2  }
0x231: {  	v0 =	vadd.f32 v1, v0  }
0x232: {  	v1 =	vmul.f32 $7.071067690e-01, v6;
	v2 =	vadd.f32 v3, v2  }
0x233: {  	[tilespmem:s8+$0xCBA0] =	vst v5;
	v0 =	vmul.f32 $7.071067690e-01, v0;
	v3 =	vadd.f32 v7, v4  }
0x234: {  	[tilespmem:s8+$0xCBB0] =	vst v1;
	v1 =	vmul.f32 $7.071067690e-01, v2  }
0x235: {  	[tilespmem:s8+$0xCBC0] =	vst v0;
	v0 =	vmul.f32 $7.071067690e-01, v3  }
0x236: {  	[tilespmem:s8+$0xCBD0] =	vst v1  }
0x237: {  	[tilespmem:s8+$0xCBE0] =	vst v0  }
0x238: {  	s7 =	simm.s32 $0x0;
	s8 =	rddreg [dreg:$0xf]  }
0x239: {  	[hbm4b:s8+s7] =	stream.linear.scatter [tilespmem:s9], [sflag:$0x6], $0x4000, $0x38;
	[tilespmem:$0x12E00] =	vst v63  }
0x23a: {  	_ =	swait.ge [sflag:s15], $0x2400  }
0x23b: {  	[sflag:s15] =	ssyncset.done $0x0  }
0x23c: {  	s8 =	simm.s32 $0x0;
	s23 =	rddreg [dreg:$0x10];
	[sflag:s15] =	ssyncadd.s32 $0xFFFFDC00  }
0x23d: {  	[tilespmem:s28], [sflag:$0x8] =	stream.linear.gather [hbm4b:s23+s7], $0x48, $0x38;
	[tilespmem:$0x12E00] =	vst v63  }
0x23e: {  	v0 =	vld [tilespmem:s8+$0x10A00]  }
0x23f: {  	v1 =	vld [tilespmem:s8+$0x4000]  }
0x240: {  	v2 =	vld [tilespmem:s8+$0x10A10]  }
0x241: {  	v3 =	vld [tilespmem:s8+$0x4010]  }
0x242: {  	v4 =	vld [tilespmem:s8+$0x10A20]  }
0x243: {  	v5 =	vld [tilespmem:s8+$0x4020]  }
0x244: {  	v6 =	vld [tilespmem:s8+$0x4030]  }
0x245: {  	v7 =	vld [tilespmem:s8+$0x10A40]  }
0x246: {  	v8 =	vld [tilespmem:s8+$0x10BF0]  }
0x247: {  	v9 =	vld [tilespmem:s8+$0x4050]  }
0x248: {  	v10 =	vld [tilespmem:s8+$0x41F0]  }
0x249: {  	v11 =	vld [tilespmem:s8+$0x4060]  }
0x24a: {  	v12 =	vld [tilespmem:s8+$0x10A80]  }
0x24b: {  	v13 =	vld [tilespmem:s8+$0x4080]  }
0x24c: {  	v14 =	vld [tilespmem:s8+$0x10A90]  }
0x24d: {  	v15 =	vld [tilespmem:s8+$0x4090]  }
0x24e: {  	v16 =	vld [tilespmem:s8+$0x10AA0]  }
0x24f: {  	v44 =	vld [tilespmem:s8+$0x10AB0]  }
0x250: {  	v17 =	vld [tilespmem:s8+$0x40B0]  }
0x251: {  	v18 =	vld [tilespmem:s8+$0x10AC0]  }
0x252: {  	v45 =	vld [tilespmem:s8+$0x40C0]  }
0x253: {  	v46 =	vld [tilespmem:s8+$0x10A70]  }
0x254: {  	v47 =	vld [tilespmem:s8+$0x10AD0]  }
0x255: {  	v19 =	vld [tilespmem:s8+$0x40D0]  }
0x256: {  	v20 =	vld [tilespmem:s8+$0x4070]  }
0x257: {  	v21 =	vld [tilespmem:s8+$0x10B00]  }
0x258: {  	v22 =	vld [tilespmem:s8+$0x4100]  }
0x259: {  	v23 =	vld [tilespmem:s8+$0x10B10]  }
0x25a: {  	v24 =	vld [tilespmem:s8+$0x4110]  }
0x25b: {  	v25 =	vld [tilespmem:s8+$0x10B20]  }
0x25c: {  	v26 =	vld [tilespmem:s8+$0x4120]  }
0x25d: {  	v48 =	vld [tilespmem:s8+$0x10B30]  }
0x25e: {  	v27 =	vld [tilespmem:s8+$0x4130];
	v0 =	vadd.f32 v1, v0  }
0x25f: {  	v50 =	vld [tilespmem:s8+$0x10B40];
	v4 =	vadd.f32 v5, v4  }
0x260: {  	v5 =	vld [tilespmem:s8+$0x40A0];
	v12 =	vadd.f32 v13, v12;
	v0 =	vmul.f32 $7.071067690e-01, v0  }
0x261: {  	v1 =	vld [tilespmem:s8+$0x10A30];
	v21 =	vadd.f32 v22, v21;
	v4 =	vmul.f32 $7.071067690e-01, v4  }
0x262: {  	v51 =	vld [tilespmem:s8+$0x4140];
	v2 =	vadd.f32 v3, v2;
	v12 =	vmul.f32 $7.071067690e-01, v12;
	[tilespmem:s8+$0x10A00] =	vst v0  }
0x263: {  	v3 =	vld [tilespmem:s8+$0x4040];
	v23 =	vadd.f32 v24, v23;
	v49 =	vmul.f32 $7.071067690e-01, v21;
	[tilespmem:s8+$0x10A20] =	vst v4  }
0x264: {  	v52 =	vld [tilespmem:s8+$0x40E0];
	v8 =	vadd.f32 v10, v8;
	v0 =	vmul.f32 $7.071067690e-01, v2;
	[tilespmem:s8+$0x10A80] =	vst v12  }
0x265: {  	v53 =	vmul.f32 $7.071067690e-01, v23;
	v2 =	vld [tilespmem:s8+$0x10A50];
	[tilespmem:s8+$0x10B00] =	vst v49;
	v5 =	vadd.f32 v5, v16  }
0x266: {  	v4 =	vadd.f32 v15, v14;
	v1 =	vadd.f32 v6, v1;
	v6 =	vmul.f32 $7.071067690e-01, v8;
	[tilespmem:s8+$0x10A10] =	vst v0;
	v0 =	vld [tilespmem:s8+$0x10A60]  }
0x267: {  	v54 =	vld [tilespmem:s8+$0x10B50];
	[tilespmem:s8+$0x10B10] =	vst v53;
	v5 =	vmul.f32 $7.071067690e-01, v5  }
0x268: {  	v55 =	vld [tilespmem:s8+$0x4150];
	v3 =	vadd.f32 v3, v7;
	v4 =	vmul.f32 $7.071067690e-01, v4;
	[tilespmem:s8+$0x10BF0] =	vst v6  }
0x269: {  	v8 =	vld [tilespmem:s8+$0x10AF0];
	v1 =	vmul.f32 $7.071067690e-01, v1;
	[tilespmem:s8+$0x10AA0] =	vst v5;
	v5 =	vadd.f32 v26, v25  }
0x26a: {  	v7 =	vld [tilespmem:s8+$0x10B60];
	v3 =	vmul.f32 $7.071067690e-01, v3;
	[tilespmem:s8+$0x10A90] =	vst v4;
	v2 =	vadd.f32 v9, v2  }
0x26b: {  	v4 =	vld [tilespmem:s8+$0x10AE0];
	[tilespmem:s8+$0x10A30] =	vst v1;
	v5 =	vmul.f32 $7.071067690e-01, v5;
	v0 =	vadd.f32 v11, v0  }
0x26c: {  	v6 =	vld [tilespmem:s8+$0x4160];
	[tilespmem:s8+$0x10A40] =	vst v3;
	v1 =	vmul.f32 $7.071067690e-01, v2;
	v2 =	vadd.f32 v20, v46  }
0x26d: {  	v3 =	vadd.f32 v17, v44;
	[tilespmem:s8+$0x10B20] =	vst v5;
	v5 =	vld [tilespmem:s8+$0x40F0];
	v0 =	vmul.f32 $7.071067690e-01, v0  }
0x26e: {  	v56 =	vld [tilespmem:s8+$0x10B70];
	[tilespmem:s8+$0x10A50] =	vst v1;
	v1 =	vmul.f32 $7.071067690e-01, v2;
	v2 =	vadd.f32 v45, v18  }
0x26f: {  	v58 =	vld [tilespmem:s8+$0x10B80];
	[tilespmem:s8+$0x10A60] =	vst v0;
	v0 =	vmul.f32 $7.071067690e-01, v3;
	v3 =	vadd.f32 v19, v47  }
0x270: {  	v59 =	vld [tilespmem:s8+$0x4180];
	[tilespmem:s8+$0x10A70] =	vst v1;
	v1 =	vmul.f32 $7.071067690e-01, v2;
	v2 =	vadd.f32 v52, v4  }
0x271: {  	v6 =	vadd.f32 v6, v7;
	v4 =	vld [tilespmem:s8+$0x10B90];
	[tilespmem:s8+$0x10AB0] =	vst v0;
	v0 =	vmul.f32 $7.071067690e-01, v3  }
0x272: {  	[tilespmem:s8+$0x10AC0] =	vst v1;
	v1 =	vmul.f32 $7.071067690e-01, v2;
	v2 =	vadd.f32 v27, v48;
	v3 =	vadd.f32 v5, v8;
	v5 =	vld [tilespmem:s8+$0x4190]  }
0x273: {  	v57 =	vld [tilespmem:s8+$0x4170];
	v6 =	vmul.f32 $7.071067690e-01, v6;
	[tilespmem:s8+$0x10AD0] =	vst v0  }
0x274: {  	v60 =	vld [tilespmem:s8+$0x41A0];
	[tilespmem:s8+$0x10AE0] =	vst v1;
	v1 =	vmul.f32 $7.071067690e-01, v2;
	v0 =	vmul.f32 $7.071067690e-01, v3;
	v3 =	vadd.f32 v51, v50  }
0x275: {  	[tilespmem:s8+$0x10B60] =	vst v6;
	v8 =	vld [tilespmem:s8+$0x10BA0];
	v2 =	vadd.f32 v59, v58  }
0x276: {  	v61 =	vld [tilespmem:s8+$0x10BB0];
	v62 =	vadd.f32 v55, v54;
	[tilespmem:s8+$0x10B30] =	vst v1;
	v3 =	vmul.f32 $7.071067690e-01, v3  }
0x277: {  	v63 =	vld [tilespmem:s8+$0x41B0];
	v2 =	vmul.f32 $7.071067690e-01, v2;
	[tilespmem:s8+$0x10AF0] =	vst v0;
	v4 =	vadd.f32 v5, v4  }
0x278: {  	v1 =	vld [tilespmem:s8+$0x41C0];
	v5 =	vadd.f32 v57, v56;
	[tilespmem:s8+$0x10B40] =	vst v3;
	v3 =	vmul.f32 $7.071067690e-01, v62  }
0x279: {  	v0 =	vld [tilespmem:s8+$0x10BC0];
	[tilespmem:s8+$0x10B80] =	vst v2;
	v4 =	vmul.f32 $7.071067690e-01, v4  }
0x27a: {  	v2 =	vld [tilespmem:s8+$0x10BD0];
	v6 =	vadd.f32 v60, v8;
	v5 =	vmul.f32 $7.071067690e-01, v5;
	[tilespmem:s8+$0x10B50] =	vst v3  }
0x27b: {  	v3 =	vld [tilespmem:s8+$0x41D0];
	[tilespmem:s8+$0x10B90] =	vst v4  }
0x27c: {  	s17 =	simm.s32 $0x800;
	s7 =	simm.s32 $0x80;
	[tilespmem:s8+$0x10B70] =	vst v5;
	v5 =	vmul.f32 $7.071067690e-01, v6;
	v6 =	vadd.f32 v63, v61;
	v4 =	vld [tilespmem:s8+$0x10BE0]  }
.LBB2_8:
0x27d: {  	s18 =	sshra.s32 s17, $0x2;
	v7 =	vld [tilespmem:s8+$0x41E0]  }
0x27e: {  	s7 =	sadd.s32 $0x4, s7;
	v8 =	vld [tilespmem:s18+$0x10BF0];
	[tilespmem:s8+$0x10BA0] =	vst v5;
	v5 =	vmul.f32 $7.071067690e-01, v6;
	v0 =	vadd.f32 v1, v0  }
0x27f: {  	p0 =	slt.u32 s7, $0xC4;
	v1 =	vld [tilespmem:s18+$0x41F0]  }
0x280: {  	v6 =	vld [tilespmem:s18+$0x10A00];
	[tilespmem:s8+$0x10BB0] =	vst v5;
	v0 =	vmul.f32 $7.071067690e-01, v0;
	v2 =	vadd.f32 v3, v2  }
0x281: {  	v3 =	vld [tilespmem:s18+$0x4000]  }
0x282: {  	v5 =	vld [tilespmem:s18+$0x10A10];
	[tilespmem:s8+$0x10BC0] =	vst v0;
	v0 =	vmul.f32 $7.071067690e-01, v2;
	v2 =	vadd.f32 v7, v4  }
0x283: {  	v4 =	vld [tilespmem:s18+$0x4010]  }
0x284: {  	v7 =	vld [tilespmem:s18+$0x10A20];
	v1 =	vadd.f32 v1, v8;
	[tilespmem:s8+$0x10BD0] =	vst v0;
	v0 =	vmul.f32 $7.071067690e-01, v2  }
0x285: {  	v2 =	vld [tilespmem:s18+$0x4020]  }
0x286: {  	v3 =	vadd.f32 v3, v6;
	v6 =	vld [tilespmem:s18+$0x10A30];
	v1 =	vmul.f32 $7.071067690e-01, v1;
	[tilespmem:s8+$0x10BE0] =	vst v0;
	s8 =	smov.u32 s18  }
0x287: {  	v0 =	vld [tilespmem:s8+$0x4030]  }
0x288: {  	v3 =	vmul.f32 $7.071067690e-01, v3;
	v4 =	vadd.f32 v4, v5;
	v5 =	vld [tilespmem:s8+$0x10A40];
	[tilespmem:s8+$0x10BF0] =	vst v1  }
0x289: {  	v1 =	vld [tilespmem:s8+$0x4040]  }
0x28a: {  	[tilespmem:s8+$0x10A00] =	vst v3;
	v3 =	vmul.f32 $7.071067690e-01, v4;
	v2 =	vadd.f32 v2, v7;
	v4 =	vld [tilespmem:s8+$0x10A50]  }
0x28b: {  	v7 =	vld [tilespmem:s8+$0x4050]  }
0x28c: {  	[tilespmem:s8+$0x10A10] =	vst v3;
	v2 =	vmul.f32 $7.071067690e-01, v2;
	v0 =	vadd.f32 v0, v6;
	v3 =	vld [tilespmem:s8+$0x10A60]  }
0x28d: {  	v6 =	vld [tilespmem:s8+$0x4060]  }
0x28e: {  	[tilespmem:s8+$0x10A20] =	vst v2;
	v0 =	vmul.f32 $7.071067690e-01, v0;
	v1 =	vadd.f32 v1, v5;
	v2 =	vld [tilespmem:s8+$0x10A70]  }
0x28f: {  	v5 =	vld [tilespmem:s8+$0x4070]  }
0x290: {  	[tilespmem:s8+$0x10A30] =	vst v0;
	v0 =	vmul.f32 $7.071067690e-01, v1;
	v1 =	vadd.f32 v7, v4;
	v4 =	vld [tilespmem:s8+$0x10A80]  }
0x291: {  	v7 =	vld [tilespmem:s8+$0x4080]  }
0x292: {  	[tilespmem:s8+$0x10A40] =	vst v0;
	v0 =	vmul.f32 $7.071067690e-01, v1;
	v1 =	vadd.f32 v6, v3;
	v3 =	vld [tilespmem:s8+$0x10A90]  }
0x293: {  	v6 =	vld [tilespmem:s8+$0x4090]  }
0x294: {  	[tilespmem:s8+$0x10A50] =	vst v0;
	v0 =	vmul.f32 $7.071067690e-01, v1;
	v1 =	vadd.f32 v5, v2;
	v2 =	vld [tilespmem:s8+$0x10AA0]  }
0x295: {  	v5 =	vld [tilespmem:s8+$0x40A0]  }
0x296: {  	[tilespmem:s8+$0x10A60] =	vst v0;
	v0 =	vmul.f32 $7.071067690e-01, v1;
	v1 =	vadd.f32 v7, v4;
	v4 =	vld [tilespmem:s8+$0x10AB0]  }
0x297: {  	v7 =	vld [tilespmem:s8+$0x40B0]  }
0x298: {  	[tilespmem:s8+$0x10A70] =	vst v0;
	v0 =	vmul.f32 $7.071067690e-01, v1;
	v1 =	vadd.f32 v6, v3;
	v3 =	vld [tilespmem:s8+$0x10AC0]  }
0x299: {  	v6 =	vld [tilespmem:s8+$0x40C0]  }
0x29a: {  	[tilespmem:s8+$0x10A80] =	vst v0;
	v0 =	vmul.f32 $7.071067690e-01, v1;
	v1 =	vadd.f32 v5, v2;
	v2 =	vld [tilespmem:s8+$0x10AD0]  }
0x29b: {  	v5 =	vld [tilespmem:s8+$0x40D0]  }
0x29c: {  	[tilespmem:s8+$0x10A90] =	vst v0;
	v0 =	vmul.f32 $7.071067690e-01, v1;
	v1 =	vadd.f32 v7, v4;
	v4 =	vld [tilespmem:s8+$0x10AE0]  }
0x29d: {  	v7 =	vld [tilespmem:s8+$0x40E0]  }
0x29e: {  	[tilespmem:s8+$0x10AA0] =	vst v0;
	v0 =	vmul.f32 $7.071067690e-01, v1;
	v1 =	vadd.f32 v6, v3;
	v3 =	vld [tilespmem:s8+$0x10AF0]  }
0x29f: {  	v6 =	vld [tilespmem:s8+$0x40F0]  }
0x2a0: {  	[tilespmem:s8+$0x10AB0] =	vst v0;
	v0 =	vmul.f32 $7.071067690e-01, v1;
	v1 =	vadd.f32 v5, v2;
	v2 =	vld [tilespmem:s8+$0x10B00]  }
0x2a1: {  	v5 =	vld [tilespmem:s8+$0x4100]  }
0x2a2: {  	[tilespmem:s8+$0x10AC0] =	vst v0;
	v0 =	vmul.f32 $7.071067690e-01, v1;
	v1 =	vadd.f32 v7, v4;
	v4 =	vld [tilespmem:s8+$0x10B10]  }
0x2a3: {  	v7 =	vld [tilespmem:s8+$0x4110]  }
0x2a4: {  	[tilespmem:s8+$0x10AD0] =	vst v0;
	v0 =	vmul.f32 $7.071067690e-01, v1;
	v1 =	vadd.f32 v6, v3;
	v3 =	vld [tilespmem:s8+$0x10B20]  }
0x2a5: {  	v6 =	vld [tilespmem:s8+$0x4120]  }
0x2a6: {  	[tilespmem:s8+$0x10AE0] =	vst v0;
	v0 =	vmul.f32 $7.071067690e-01, v1;
	v1 =	vadd.f32 v5, v2;
	v2 =	vld [tilespmem:s8+$0x10B30]  }
0x2a7: {  	v5 =	vld [tilespmem:s8+$0x4130]  }
0x2a8: {  	[tilespmem:s8+$0x10AF0] =	vst v0;
	v0 =	vmul.f32 $7.071067690e-01, v1;
	v1 =	vadd.f32 v7, v4;
	v4 =	vld [tilespmem:s8+$0x10B40]  }
0x2a9: {  	v7 =	vld [tilespmem:s8+$0x4140]  }
0x2aa: {  	[tilespmem:s8+$0x10B00] =	vst v0;
	v0 =	vmul.f32 $7.071067690e-01, v1;
	v1 =	vadd.f32 v6, v3;
	v3 =	vld [tilespmem:s8+$0x10B50]  }
0x2ab: {  	v6 =	vld [tilespmem:s8+$0x4150]  }
0x2ac: {  	[tilespmem:s8+$0x10B10] =	vst v0;
	v0 =	vmul.f32 $7.071067690e-01, v1;
	v1 =	vadd.f32 v5, v2;
	v2 =	vld [tilespmem:s8+$0x10B60]  }
0x2ad: {  	v5 =	vld [tilespmem:s8+$0x4160]  }
0x2ae: {  	[tilespmem:s8+$0x10B20] =	vst v0;
	v0 =	vmul.f32 $7.071067690e-01, v1;
	v1 =	vadd.f32 v7, v4;
	v4 =	vld [tilespmem:s8+$0x10B70]  }
0x2af: {  	v7 =	vld [tilespmem:s8+$0x4170]  }
0x2b0: {  	[tilespmem:s8+$0x10B30] =	vst v0;
	v0 =	vmul.f32 $7.071067690e-01, v1;
	v1 =	vadd.f32 v6, v3;
	v3 =	vld [tilespmem:s8+$0x10B80]  }
0x2b1: {  	v6 =	vld [tilespmem:s8+$0x4180]  }
0x2b2: {  	[tilespmem:s8+$0x10B40] =	vst v0;
	v0 =	vmul.f32 $7.071067690e-01, v1;
	v1 =	vadd.f32 v5, v2;
	v2 =	vld [tilespmem:s8+$0x10B90]  }
0x2b3: {  	v5 =	vld [tilespmem:s8+$0x4190]  }
0x2b4: {  	[tilespmem:s8+$0x10B50] =	vst v0;
	v0 =	vmul.f32 $7.071067690e-01, v1;
	v1 =	vadd.f32 v7, v4;
	v4 =	vld [tilespmem:s8+$0x10BA0]  }
0x2b5: {  	v7 =	vld [tilespmem:s8+$0x41A0]  }
0x2b6: {  	[tilespmem:s8+$0x10B60] =	vst v0;
	v0 =	vmul.f32 $7.071067690e-01, v1;
	v1 =	vadd.f32 v6, v3;
	v6 =	vld [tilespmem:s8+$0x10BB0]  }
0x2b7: {  	v8 =	vld [tilespmem:s8+$0x41B0]  }
.Ltmp3:
0x2b8: {  	[tilespmem:s8+$0x10B70] =	vst v0;
	v3 =	vmul.f32 $7.071067690e-01, v1;
	v2 =	vadd.f32 v5, v2;
	v0 =	vld [tilespmem:s8+$0x10BC0];
	(pc) =	sbr.rel @p0 .LBB2_8-.Ltmp3, $4  }
0x2b9: {  	v1 =	vld [tilespmem:s8+$0x41C0]  }
0x2ba: {  	[tilespmem:s8+$0x10B80] =	vst v3;
	v5 =	vmul.f32 $7.071067690e-01, v2;
	v4 =	vadd.f32 v7, v4;
	v2 =	vld [tilespmem:s8+$0x10BD0]  }
0x2bb: {  	v3 =	vld [tilespmem:s8+$0x41D0]  }
0x2bc: {  	s17 =	sadd.s32 $0x800, s17;
	[tilespmem:s8+$0x10B90] =	vst v5;
	v5 =	vmul.f32 $7.071067690e-01, v4;
	v6 =	vadd.f32 v8, v6;
	v4 =	vld [tilespmem:s8+$0x10BE0]  }
0x2bd: {  	v7 =	vld [tilespmem:s8+$0x41E0];
	_ =	sdelay $0x2  }
0x2be: {  	v0 =	vadd.f32 v1, v0  }
0x2bf: {  	v60 =	vmul.f32 $7.071067690e-01, v6;
	v2 =	vadd.f32 v3, v2  }
0x2c0: {  	[tilespmem:s8+$0x10BA0] =	vst v5;
	v0 =	vmul.f32 $7.071067690e-01, v0;
	v61 =	vadd.f32 v7, v4  }
0x2c1: {  	[tilespmem:s8+$0x10BB0] =	vst v60;
	v62 =	vmul.f32 $7.071067690e-01, v2  }
0x2c2: {  	[tilespmem:s8+$0x10BC0] =	vst v0;
	v63 =	vmul.f32 $7.071067690e-01, v61  }
0x2c3: {  	[tilespmem:s8+$0x10BD0] =	vst v62  }
0x2c4: {  	[tilespmem:s8+$0x10BE0] =	vst v63  }
0x2c5: {  	s18 =	simm.s32 $0x1;
	s7 =	rddreg [dreg:$0x11]  }
0x2c6: {  	[hbm4b:s7+s5] =	stream.linear.scatter [tilespmem:s10], [sflag:$0x6], $0x2400, $0x38;
	[tilespmem:$0x12E00] =	vst v63  }
.LBB2_10:
0x2c7: {  	_ =	swait.ge [sflag:s3], $0x80  }
0x2c8: {  	[sflag:s3] =	ssyncset.done $0x0  }
0x2c9: {  	[sflag:s3] =	ssyncadd.s32 $0xFFFFFF80  }
0x2ca: {  	_ =	swait.ge [sflag:s3], $0x48  }
0x2cb: {  	[sflag:s3] =	ssyncset.done $0x0  }
0x2cc: {  	[sflag:s3] =	ssyncadd.s32 $0xFFFFFFB8  }
0x2cd: {  	_ =	swait.ge [sflag:s16], $0x4000  }
0x2ce: {  	[sflag:s16] =	ssyncset.done $0x0  }
0x2cf: {  	[sflag:s16] =	ssyncadd.s32 $0xFFFFC000  }
0x2d0: {  	_ =	swait.ge [sflag:s16], $0x2400  }
0x2d1: {  	s19 =	sshll.u32 s18, $0x1;
	[sflag:s16] =	ssyncset.done $0x0;
	s7 =	rddreg [dreg:$0x12]  }
0x2d2: {  	[sflag:s16] =	ssyncadd.s32 $0xFFFFDC00;
	s7 =	sadd.s32 s19, s7  }
0x2d3: {  	[tilespmem:s9], [sflag:$0x2] =	stream.indirect.gather [hbm4b:s1+s30], $0x80, s26, s30, $0xb8;
	[tilespmem:$0x12E00] =	vst v63  }
0x2d4: {  	s7 =	smul.u32 $0xC8, s7  }
0x2d5: {  	[tilespmem:s10], [sflag:$0x4] =	stream.indirect.gather [hbm4b:s1+s2], $0x80, s28, s2, $0xb8;
	[tilespmem:$0x12E00] =	vst v63  }
0x2d6: {  	_ =	swait.ge [sflag:s11], $0x4000  }
0x2d7: {  	s7 =	sshrl.u32 s7, $0x3;
	[sflag:s11] =	ssyncset.done $0x0  }
0x2d8: {  	s22 =	simm.s32 $0x6700;
	s8 =	sadd.s32 s6, s7;
	[sflag:s11] =	ssyncadd.s32 $0xFFFFC000  }
0x2d9: {  	[tilespmem:s24], [sflag:$0x7] =	stream.linear.gather [hbm4b:s8+s5], $0x80, $0x38;
	[tilespmem:$0x12E00] =	vst v63  }
0x2da: {  	s21 =	simm.s32 $0x100;
	v0 =	vld [tilespmem:s22+$0x80]  }
0x2db: {  	v1 =	vld [tilespmem:s21+$0x80];
	_ =	sdelay $0x2  }
0x2dc: {  	v2 =	vld [tilespmem:s22+$0xFFFFFF80]  }
0x2dd: {  	v3 =	vld [tilespmem:s21+$0xFFFFFF80]  }
0x2de: {  	v4 =	vld [tilespmem:s22+$0x0];
	v0 =	vadd.f32 v1, v0  }
0x2df: {  	v6 =	vld [tilespmem:s22+$0xFFFFFF00]  }
0x2e0: {  	v1 =	vld [tilespmem:s21+$0xFFFFFF00];
	v0 =	vmul.f32 $7.071067690e-01, v0  }
0x2e1: {  	v5 =	vld [tilespmem:s21+$0x0]  }
0x2e2: {  	[tilespmem:s22+$0x80] =	vst v0;
	v0 =	vadd.f32 v3, v2;
	v2 =	vld [tilespmem:s22+$0x90]  }
0x2e3: {  	v3 =	vld [tilespmem:s21+$0x90]  }
0x2e4: {  	v0 =	vmul.f32 $7.071067690e-01, v0  }
0x2e5: {  	v7 =	vld [tilespmem:s22+$0xFFFFFF10];
	v1 =	vadd.f32 v1, v6  }
0x2e6: {  	v8 =	vld [tilespmem:s22+$0xFFFFFFA0];
	[tilespmem:s22+$0xFFFFFF80] =	vst v0;
	v0 =	vadd.f32 v5, v4  }
0x2e7: {  	v1 =	vmul.f32 $7.071067690e-01, v1;
	v4 =	vld [tilespmem:s22+$0xFFFFFF90]  }
0x2e8: {  	v5 =	vld [tilespmem:s21+$0xFFFFFF90];
	v0 =	vmul.f32 $7.071067690e-01, v0;
	v2 =	vadd.f32 v3, v2  }
0x2e9: {  	[tilespmem:s22+$0xFFFFFF00] =	vst v1;
	v3 =	vld [tilespmem:s22+$0x10]  }
0x2ea: {  	[tilespmem:s22+$0x0] =	vst v0;
	v0 =	vmul.f32 $7.071067690e-01, v2;
	v2 =	vld [tilespmem:s21+$0xFFFFFF10]  }
0x2eb: {  	v1 =	vld [tilespmem:s21+$0x10]  }
0x2ec: {  	[tilespmem:s22+$0x90] =	vst v0;
	v0 =	vld [tilespmem:s22+$0xA0]  }
0x2ed: {  	v4 =	vadd.f32 v5, v4;
	v5 =	vld [tilespmem:s21+$0xA0]  }
0x2ee: {  	v9 =	vld [tilespmem:s22+$0x20]  }
0x2ef: {  	s17 =	simm.s32 $0x300;
	v11 =	vld [tilespmem:s22+$0xFFFFFFD0];
	v4 =	vmul.f32 $7.071067690e-01, v4;
	v2 =	vadd.f32 v2, v7  }
0x2f0: {  	s23 =	simm.s32 $0x6900;
	v14 =	vld [tilespmem:s17+$0xFFFFFF80];
	v1 =	vadd.f32 v1, v3  }
0x2f1: {  	v15 =	vld [tilespmem:s23+$0x0];
	[tilespmem:s22+$0xFFFFFF90] =	vst v4;
	v2 =	vmul.f32 $7.071067690e-01, v2  }
0x2f2: {  	v4 =	vld [tilespmem:s21+$0xFFFFFFA0];
	v1 =	vmul.f32 $7.071067690e-01, v1;
	v0 =	vadd.f32 v5, v0  }
0x2f3: {  	v6 =	vld [tilespmem:s22+$0xFFFFFF20];
	[tilespmem:s22+$0xFFFFFF10] =	vst v2  }
0x2f4: {  	[tilespmem:s22+$0x10] =	vst v1;
	v0 =	vmul.f32 $7.071067690e-01, v0;
	v2 =	vld [tilespmem:s21+$0xFFFFFF20]  }
0x2f5: {  	v1 =	vld [tilespmem:s21+$0x20]  }
0x2f6: {  	[tilespmem:s22+$0xA0] =	vst v0;
	v0 =	vld [tilespmem:s22+$0xB0]  }
0x2f7: {  	v4 =	vadd.f32 v4, v8;
	v10 =	vld [tilespmem:s21+$0xB0]  }
0x2f8: {  	v16 =	vld [tilespmem:s17+$0x0]  }
0x2f9: {  	v17 =	vld [tilespmem:s23+$0xFFFFFF00];
	v4 =	vmul.f32 $7.071067690e-01, v4  }
0x2fa: {  	v20 =	vld [tilespmem:s23+$0xFFFFFF10];
	v1 =	vadd.f32 v1, v9  }
0x2fb: {  	v8 =	vld [tilespmem:s22+$0xFFFFFFB0];
	v2 =	vadd.f32 v2, v6;
	[tilespmem:s22+$0xFFFFFFA0] =	vst v4  }
0x2fc: {  	v1 =	vmul.f32 $7.071067690e-01, v1;
	v6 =	vadd.f32 v10, v0;
	v10 =	vld [tilespmem:s21+$0xFFFFFFB0]  }
0x2fd: {  	v3 =	vld [tilespmem:s22+$0xFFFFFF30];
	v2 =	vmul.f32 $7.071067690e-01, v2  }
0x2fe: {  	v5 =	vld [tilespmem:s22+$0x30];
	[tilespmem:s22+$0x20] =	vst v1  }
0x2ff: {  	[tilespmem:s22+$0xFFFFFF20] =	vst v2;
	v1 =	vmul.f32 $7.071067690e-01, v6;
	v2 =	vld [tilespmem:s21+$0x30]  }
0x300: {  	v6 =	vld [tilespmem:s21+$0xFFFFFF30]  }
0x301: {  	[tilespmem:s22+$0xB0] =	vst v1;
	v1 =	vld [tilespmem:s22+$0xC0];
	v8 =	vadd.f32 v10, v8  }
0x302: {  	v10 =	vld [tilespmem:s21+$0xC0]  }
0x303: {  	v51 =	vld [tilespmem:s23+$0xFFFFFF90];
	v8 =	vmul.f32 $7.071067690e-01, v8  }
0x304: {  	v53 =	vld [tilespmem:s23+$0xFFFFFF20];
	v2 =	vadd.f32 v2, v5  }
0x305: {  	v9 =	vld [tilespmem:s22+$0xFFFFFFC0];
	v3 =	vadd.f32 v6, v3;
	[tilespmem:s22+$0xFFFFFFB0] =	vst v8  }
0x306: {  	v5 =	vld [tilespmem:s21+$0xFFFFFFC0];
	v2 =	vmul.f32 $7.071067690e-01, v2  }
0x307: {  	v7 =	vld [tilespmem:s22+$0xFFFFFF40];
	v3 =	vmul.f32 $7.071067690e-01, v3;
	v6 =	vadd.f32 v10, v1  }
0x308: {  	v4 =	vld [tilespmem:s22+$0x40];
	[tilespmem:s22+$0x30] =	vst v2  }
0x309: {  	[tilespmem:s22+$0xFFFFFF30] =	vst v3;
	v2 =	vmul.f32 $7.071067690e-01, v6;
	v6 =	vld [tilespmem:s21+$0x40]  }
0x30a: {  	v10 =	vld [tilespmem:s21+$0xFFFFFF40]  }
0x30b: {  	[tilespmem:s22+$0xC0] =	vst v2;
	v2 =	vadd.f32 v5, v9;
	v5 =	vld [tilespmem:s22+$0xD0]  }
0x30c: {  	v9 =	vld [tilespmem:s21+$0xD0]  }
0x30d: {  	v21 =	vld [tilespmem:s22+$0x70]  }
0x30e: {  	v22 =	vld [tilespmem:s23+$0xFFFFFFA0];
	v4 =	vadd.f32 v6, v4  }
0x30f: {  	v23 =	vld [tilespmem:s23+$0x20]  }
0x310: {  	v55 =	vld [tilespmem:s23+$0x30];
	v6 =	vadd.f32 v10, v7;
	v10 =	vmul.f32 $7.071067690e-01, v4  }
0x311: {  	v5 =	vadd.f32 v9, v5;
	v9 =	vld [tilespmem:s23+$0x80]  }
0x312: {  	[tilespmem:s22+$0x40] =	vst v10;
	v10 =	vld [tilespmem:s17+$0x80]  }
0x313: {  	v56 =	vld [tilespmem:s23+$0xFFFFFF40];
	v5 =	vmul.f32 $7.071067690e-01, v5  }
0x314: {  	v57 =	vld [tilespmem:s22+$0xF0]  }
0x315: {  	[tilespmem:s22+$0xD0] =	vst v5;
	v5 =	vld [tilespmem:s23+$0xFFFFFF80]  }
0x316: {  	v59 =	vld [tilespmem:s23+$0xFFFFFFB0]  }
0x317: {  	v60 =	vld [tilespmem:s23+$0xFFFFFFC0];
	v9 =	vadd.f32 v10, v9  }
0x318: {  	v61 =	vld [tilespmem:s23+$0x40]  }
0x319: {  	v10 =	vld [tilespmem:s17+$0xFFFFFF00];
	v9 =	vmul.f32 $7.071067690e-01, v9  }
0x31a: {  	v62 =	vld [tilespmem:s23+$0x50];
	v5 =	vadd.f32 v14, v5  }
0x31b: {  	[tilespmem:s23+$0x80] =	vst v9;
	v9 =	vld [tilespmem:s23+$0x90]  }
0x31c: {  	v15 =	vadd.f32 v16, v15;
	v19 =	vmul.f32 $7.071067690e-01, v5;
	v14 =	vld [tilespmem:s17+$0x90]  }
0x31d: {  	v0 =	vld [tilespmem:s22+$0xFFFFFF50]  }
0x31e: {  	v15 =	vmul.f32 $7.071067690e-01, v15;
	v8 =	vld [tilespmem:s22+$0x50];
	v10 =	vadd.f32 v10, v17;
	[tilespmem:s23+$0xFFFFFF80] =	vst v19  }
0x31f: {  	v6 =	vmul.f32 $7.071067690e-01, v6;
	v52 =	vld [tilespmem:s17+$0xFFFFFF90]  }
0x320: {  	[tilespmem:s23+$0x0] =	vst v15;
	v1 =	vld [tilespmem:s22+$0xFFFFFF60];
	v10 =	vmul.f32 $7.071067690e-01, v10  }
0x321: {  	[tilespmem:s22+$0xFFFFFF40] =	vst v6;
	v6 =	vld [tilespmem:s22+$0xE0];
	v9 =	vadd.f32 v14, v9  }
0x322: {  	[tilespmem:s23+$0xFFFFFF00] =	vst v10;
	v10 =	vld [tilespmem:s17+$0x10]  }
0x323: {  	v14 =	vld [tilespmem:s23+$0x10];
	v9 =	vmul.f32 $7.071067690e-01, v9  }
0x324: {  	v15 =	vld [tilespmem:s17+$0xFFFFFF10];
	v16 =	vadd.f32 v52, v51  }
0x325: {  	[tilespmem:s23+$0x90] =	vst v9;
	v9 =	vld [tilespmem:s23+$0xA0]  }
0x326: {  	v16 =	vmul.f32 $7.071067690e-01, v16;
	v54 =	vld [tilespmem:s17+$0xA0]  }
0x327: {  	v18 =	vld [tilespmem:s21+$0xE0]  }
0x328: {  	v3 =	vld [tilespmem:s22+$0x60];
	v12 =	vmul.f32 $7.071067690e-01, v2;
	v10 =	vadd.f32 v10, v14;
	[tilespmem:s23+$0xFFFFFF90] =	vst v16  }
0x329: {  	v15 =	vadd.f32 v15, v20;
	v16 =	vld [tilespmem:s17+$0xFFFFFFA0]  }
0x32a: {  	v2 =	vld [tilespmem:s22+$0xFFFFFFE0];
	[tilespmem:s22+$0xFFFFFFC0] =	vst v12;
	v10 =	vmul.f32 $7.071067690e-01, v10  }
0x32b: {  	v7 =	vld [tilespmem:s21+$0xFFFFFFD0];
	v15 =	vmul.f32 $7.071067690e-01, v15;
	v9 =	vadd.f32 v54, v9  }
0x32c: {  	v12 =	vld [tilespmem:s21+$0x50];
	v6 =	vadd.f32 v18, v6;
	[tilespmem:s23+$0x10] =	vst v10  }
0x32d: {  	[tilespmem:s23+$0xFFFFFF10] =	vst v15;
	v10 =	vld [tilespmem:s17+$0x20];
	v9 =	vmul.f32 $7.071067690e-01, v9  }
0x32e: {  	v6 =	vmul.f32 $7.071067690e-01, v6;
	v15 =	vld [tilespmem:s17+$0xFFFFFF20];
	v16 =	vadd.f32 v16, v22  }
0x32f: {  	[tilespmem:s23+$0xA0] =	vst v9;
	v9 =	vld [tilespmem:s23+$0xB0]  }
0x330: {  	v7 =	vadd.f32 v7, v11;
	[tilespmem:s22+$0xE0] =	vst v6;
	v16 =	vmul.f32 $7.071067690e-01, v16;
	v6 =	vld [tilespmem:s17+$0xB0]  }
0x331: {  	v13 =	vld [tilespmem:s21+$0xFFFFFF50]  }
0x332: {  	v4 =	vld [tilespmem:s22+$0xFFFFFF70];
	v7 =	vmul.f32 $7.071067690e-01, v7;
	v8 =	vadd.f32 v12, v8;
	[tilespmem:s23+$0xFFFFFFA0] =	vst v16  }
0x333: {  	v10 =	vadd.f32 v10, v23;
	v24 =	vld [tilespmem:s17+$0xFFFFFFB0]  }
0x334: {  	v11 =	vld [tilespmem:s23+$0xC0];
	[tilespmem:s22+$0xFFFFFFD0] =	vst v7;
	v7 =	vmul.f32 $7.071067690e-01, v8;
	v15 =	vadd.f32 v15, v53  }
0x335: {  	v12 =	vld [tilespmem:s23+$0xFFFFFFD0];
	v10 =	vmul.f32 $7.071067690e-01, v10;
	v9 =	vadd.f32 v6, v9  }
0x336: {  	v0 =	vadd.f32 v13, v0;
	v5 =	vld [tilespmem:s22+$0xFFFFFFF0];
	[tilespmem:s22+$0x50] =	vst v7;
	v15 =	vmul.f32 $7.071067690e-01, v15  }
0x337: {  	v14 =	vld [tilespmem:s23+$0xFFFFFF30];
	[tilespmem:s23+$0x20] =	vst v10;
	v9 =	vmul.f32 $7.071067690e-01, v9  }
0x338: {  	v0 =	vmul.f32 $7.071067690e-01, v0;
	[tilespmem:s23+$0xFFFFFF20] =	vst v15;
	v10 =	vld [tilespmem:s17+$0x30];
	v13 =	vadd.f32 v24, v59  }
0x339: {  	[tilespmem:s23+$0xB0] =	vst v9;
	v9 =	vld [tilespmem:s17+$0xFFFFFF30]  }
0x33a: {  	[tilespmem:s22+$0xFFFFFF50] =	vst v0;
	v0 =	vmul.f32 $7.071067690e-01, v13;
	v13 =	vld [tilespmem:s21+$0x60]  }
0x33b: {  	v15 =	vld [tilespmem:s17+$0xC0]  }
0x33c: {  	v58 =	vld [tilespmem:s21+$0xF0]  }
0x33d: {  	v6 =	vld [tilespmem:s23+$0xFFFFFF50];
	v8 =	vadd.f32 v10, v55  }
0x33e: {  	v10 =	vld [tilespmem:s21+$0xFFFFFF60];
	[tilespmem:s23+$0xFFFFFFB0] =	vst v0;
	v0 =	vadd.f32 v9, v14  }
0x33f: {  	v7 =	vld [tilespmem:s17+$0xFFFFFFC0];
	v8 =	vmul.f32 $7.071067690e-01, v8;
	v3 =	vadd.f32 v13, v3  }
0x340: {  	v9 =	vld [tilespmem:s21+$0xFFFFFFE0];
	v11 =	vadd.f32 v15, v11;
	v14 =	vmul.f32 $7.071067690e-01, v0  }
0x341: {  	[tilespmem:s23+$0x30] =	vst v8;
	v0 =	vld [tilespmem:s23+$0xFFFFFF60];
	v3 =	vmul.f32 $7.071067690e-01, v3  }
0x342: {  	v8 =	vmul.f32 $7.071067690e-01, v11;
	v11 =	vld [tilespmem:s17+$0x40];
	[tilespmem:s23+$0xFFFFFF30] =	vst v14  }
0x343: {  	v1 =	vadd.f32 v10, v1;
	[tilespmem:s22+$0x60] =	vst v3;
	v3 =	vld [tilespmem:s23+$0xFFFFFF70]  }
0x344: {  	v7 =	vadd.f32 v7, v60;
	v10 =	vld [tilespmem:s17+$0xFFFFFF40]  }
0x345: {  	v1 =	vmul.f32 $7.071067690e-01, v1;
	[tilespmem:s23+$0xC0] =	vst v8;
	v8 =	vld [tilespmem:s23+$0xD0];
	v9 =	vadd.f32 v9, v2  }
0x346: {  	v7 =	vmul.f32 $7.071067690e-01, v7;
	v14 =	vld [tilespmem:s17+$0xD0]  }
0x347: {  	v2 =	vld [tilespmem:s23+$0xFFFFFFE0];
	[tilespmem:s22+$0xFFFFFF60] =	vst v1;
	v9 =	vmul.f32 $7.071067690e-01, v9  }
0x348: {  	[tilespmem:s23+$0xFFFFFFC0] =	vst v7;
	v7 =	vadd.f32 v11, v61;
	v11 =	vld [tilespmem:s21+$0xFFFFFF70]  }
0x349: {  	v13 =	vld [tilespmem:s17+$0xFFFFFFD0];
	[tilespmem:s22+$0xFFFFFFE0] =	vst v9;
	v9 =	vadd.f32 v10, v56  }
0x34a: {  	v7 =	vmul.f32 $7.071067690e-01, v7;
	v15 =	vld [tilespmem:s21+$0xFFFFFFF0]  }
0x34b: {  	v8 =	vadd.f32 v14, v8;
	v14 =	vld [tilespmem:s21+$0x70];
	v9 =	vmul.f32 $7.071067690e-01, v9  }
0x34c: {  	v1 =	vld [tilespmem:s23+$0x60];
	v10 =	vadd.f32 v58, v57;
	[tilespmem:s23+$0x40] =	vst v7  }
0x34d: {  	v7 =	vmul.f32 $7.071067690e-01, v8;
	v63 =	vld [tilespmem:s17+$0x50];
	v4 =	vadd.f32 v11, v4;
	[tilespmem:s23+$0xFFFFFF40] =	vst v9  }
0x34e: {  	v8 =	vmul.f32 $7.071067690e-01, v10;
	v9 =	vadd.f32 v13, v12;
	v10 =	vld [tilespmem:s17+$0xFFFFFF50]  }
0x34f: {  	[tilespmem:s23+$0xD0] =	vst v7;
	v7 =	vld [tilespmem:s23+$0xE0];
	v11 =	vmul.f32 $7.071067690e-01, v4;
	v5 =	vadd.f32 v15, v5  }
0x350: {  	[tilespmem:s22+$0xF0] =	vst v8;
	v12 =	vmul.f32 $7.071067690e-01, v9;
	v8 =	vld [tilespmem:s17+$0xE0];
	v13 =	vadd.f32 v14, v21  }
0x351: {  	v4 =	vld [tilespmem:s23+$0xFFFFFFF0];
	[tilespmem:s22+$0xFFFFFF70] =	vst v11;
	v9 =	vmul.f32 $7.071067690e-01, v5  }
0x352: {  	s20 =	simm.s32 $0x4;
	s7 =	simm.s32 $0x300;
	s21 =	simm.s32 $0x6B00;
	v5 =	vld [tilespmem:s23+$0x70];
	[tilespmem:s23+$0xFFFFFFD0] =	vst v12;
	v12 =	vadd.f32 v63, v62;
	v11 =	vmul.f32 $7.071067690e-01, v13  }
.LBB2_11:
0x353: {  	v13 =	vld [tilespmem:s21+$0x80];
	v6 =	vadd.f32 v10, v6;
	s17 =	sadd.s32 $0x200, s17;
	[tilespmem:s22+$0xFFFFFFF0] =	vst v9  }
0x354: {  	s20 =	sadd.s32 $0x4, s20;
	v9 =	vld [tilespmem:s17+$0x80];
	v10 =	vmul.f32 $7.071067690e-01, v12;
	[tilespmem:s22+$0x70] =	vst v11;
	s22 =	smov.u32 s23;
	s23 =	smov.u32 s21  }
0x355: {  	p0 =	slt.u32 s20, $0x7C;
	v11 =	vld [tilespmem:s17+$0xFFFFFF00];
	v6 =	vmul.f32 $7.071067690e-01, v6;
	v7 =	vadd.f32 v8, v7  }
0x356: {  	v8 =	vld [tilespmem:s21+$0xFFFFFF80];
	[tilespmem:s22+$0x50] =	vst v10  }
0x357: {  	v10 =	vld [tilespmem:s17+$0xFFFFFF80];
	[tilespmem:s22+$0xFFFFFF50] =	vst v6;
	v6 =	vmul.f32 $7.071067690e-01, v7  }
0x358: {  	v7 =	vld [tilespmem:s21+$0x0]  }
0x359: {  	v9 =	vadd.f32 v9, v13;
	[tilespmem:s22+$0xE0] =	vst v6;
	v6 =	vld [tilespmem:s22+$0xF0]  }
0x35a: {  	v12 =	vld [tilespmem:s7+$0xF0]  }
0x35b: {  	v13 =	vld [tilespmem:s17+$0x0];
	v9 =	vmul.f32 $7.071067690e-01, v9  }
0x35c: {  	v14 =	vld [tilespmem:s21+$0xFFFFFF00];
	v8 =	vadd.f32 v10, v8  }
0x35d: {  	[tilespmem:s21+$0x80] =	vst v9;
	v9 =	vld [tilespmem:s21+$0x90]  }
0x35e: {  	v8 =	vmul.f32 $7.071067690e-01, v8;
	v10 =	vld [tilespmem:s17+$0x90]  }
0x35f: {  	v15 =	vld [tilespmem:s21+$0xFFFFFF10];
	v6 =	vadd.f32 v12, v6  }
0x360: {  	[tilespmem:s21+$0xFFFFFF80] =	vst v8;
	v8 =	vld [tilespmem:s21+$0xFFFFFF90];
	v7 =	vadd.f32 v13, v7  }
0x361: {  	v11 =	vadd.f32 v11, v14;
	v12 =	vld [tilespmem:s17+$0xFFFFFF90];
	v6 =	vmul.f32 $7.071067690e-01, v6  }
0x362: {  	v7 =	vmul.f32 $7.071067690e-01, v7;
	v13 =	vld [tilespmem:s21+$0x10]  }
0x363: {  	v11 =	vmul.f32 $7.071067690e-01, v11;
	v14 =	vld [tilespmem:s21+$0xFFFFFF20];
	v9 =	vadd.f32 v10, v9;
	[tilespmem:s22+$0xF0] =	vst v6  }
0x364: {  	v6 =	vld [tilespmem:s21+$0xFFFFFFA0];
	[tilespmem:s21+$0x0] =	vst v7  }
0x365: {  	[tilespmem:s21+$0xFFFFFF00] =	vst v11;
	v7 =	vld [tilespmem:s17+$0x10];
	v9 =	vmul.f32 $7.071067690e-01, v9  }
0x366: {  	v10 =	vld [tilespmem:s17+$0xFFFFFF10];
	v8 =	vadd.f32 v12, v8  }
0x367: {  	[tilespmem:s21+$0x90] =	vst v9;
	v9 =	vld [tilespmem:s21+$0xA0]  }
0x368: {  	v8 =	vmul.f32 $7.071067690e-01, v8;
	v11 =	vld [tilespmem:s17+$0xA0]  }
0x369: {  	v12 =	vld [tilespmem:s21+$0x20]  }
0x36a: {  	v16 =	vld [tilespmem:s21+$0xFFFFFF30];
	[tilespmem:s21+$0xFFFFFF90] =	vst v8;
	v7 =	vadd.f32 v7, v13  }
0x36b: {  	v8 =	vadd.f32 v10, v15;
	v10 =	vld [tilespmem:s17+$0xFFFFFFA0]  }
0x36c: {  	v13 =	vld [tilespmem:s21+$0xFFFFFFB0];
	v7 =	vmul.f32 $7.071067690e-01, v7  }
0x36d: {  	v8 =	vmul.f32 $7.071067690e-01, v8;
	v15 =	vld [tilespmem:s21+$0x30];
	v9 =	vadd.f32 v11, v9  }
0x36e: {  	v11 =	vld [tilespmem:s21+$0xFFFFFF40];
	[tilespmem:s21+$0x10] =	vst v7  }
0x36f: {  	[tilespmem:s21+$0xFFFFFF10] =	vst v8;
	v7 =	vld [tilespmem:s17+$0x20];
	v8 =	vmul.f32 $7.071067690e-01, v9  }
0x370: {  	v9 =	vld [tilespmem:s17+$0xFFFFFF20];
	v6 =	vadd.f32 v10, v6  }
0x371: {  	[tilespmem:s21+$0xA0] =	vst v8;
	v8 =	vld [tilespmem:s21+$0xB0]  }
0x372: {  	v6 =	vmul.f32 $7.071067690e-01, v6;
	v10 =	vld [tilespmem:s17+$0xB0]  }
0x373: {  	v17 =	vld [tilespmem:s21+$0xFFFFFFC0]  }
0x374: {  	[tilespmem:s21+$0xFFFFFFA0] =	vst v6;
	v7 =	vadd.f32 v7, v12;
	v12 =	vld [tilespmem:s21+$0x40]  }
0x375: {  	v9 =	vadd.f32 v9, v14;
	v14 =	vld [tilespmem:s17+$0xFFFFFFB0]  }
0x376: {  	v6 =	vld [tilespmem:s21+$0xFFFFFF50];
	v7 =	vmul.f32 $7.071067690e-01, v7  }
0x377: {  	v9 =	vmul.f32 $7.071067690e-01, v9;
	v18 =	vld [tilespmem:s21+$0xFFFFFFD0];
	v8 =	vadd.f32 v10, v8  }
0x378: {  	[tilespmem:s21+$0x20] =	vst v7;
	v19 =	vld [tilespmem:s21+$0x50]  }
0x379: {  	[tilespmem:s21+$0xFFFFFF20] =	vst v9;
	v7 =	vld [tilespmem:s17+$0x30];
	v8 =	vmul.f32 $7.071067690e-01, v8  }
0x37a: {  	v9 =	vld [tilespmem:s17+$0xFFFFFF30];
	v10 =	vadd.f32 v14, v13  }
0x37b: {  	[tilespmem:s21+$0xB0] =	vst v8;
	v8 =	vld [tilespmem:s21+$0xC0]  }
0x37c: {  	v10 =	vmul.f32 $7.071067690e-01, v10;
	v13 =	vld [tilespmem:s17+$0xC0]  }
0x37d: {  	v14 =	vld [tilespmem:s7+$0xFFFFFF60]  }
0x37e: {  	[tilespmem:s21+$0xFFFFFFB0] =	vst v10;
	v7 =	vadd.f32 v7, v15;
	v10 =	vld [tilespmem:s7+$0xFFFFFFE0]  }
0x37f: {  	v9 =	vadd.f32 v9, v16;
	v15 =	vld [tilespmem:s17+$0xFFFFFFC0]  }
0x380: {  	v7 =	vmul.f32 $7.071067690e-01, v7;
	v16 =	vld [tilespmem:s7+$0x60]  }
0x381: {  	v9 =	vmul.f32 $7.071067690e-01, v9;
	v20 =	vld [tilespmem:s21+$0xFFFFFF60];
	v8 =	vadd.f32 v13, v8  }
0x382: {  	v13 =	vld [tilespmem:s21+$0xFFFFFFE0];
	[tilespmem:s21+$0x30] =	vst v7;
	v0 =	vadd.f32 v14, v0  }
0x383: {  	[tilespmem:s21+$0xFFFFFF30] =	vst v9;
	v7 =	vld [tilespmem:s17+$0x40];
	v8 =	vmul.f32 $7.071067690e-01, v8;
	v2 =	vadd.f32 v10, v2  }
0x384: {  	v9 =	vld [tilespmem:s17+$0xFFFFFF40];
	v10 =	vadd.f32 v15, v17;
	v17 =	vmul.f32 $7.071067690e-01, v0  }
0x385: {  	[tilespmem:s21+$0xC0] =	vst v8;
	v8 =	vld [tilespmem:s21+$0xD0];
	v21 =	vmul.f32 $7.071067690e-01, v2;
	v14 =	vadd.f32 v16, v1  }
0x386: {  	v10 =	vmul.f32 $7.071067690e-01, v10;
	v15 =	vld [tilespmem:s17+$0xD0];
	[tilespmem:s22+$0xFFFFFF60] =	vst v17;
	v0 =	vmov v20  }
0x387: {  	v1 =	vld [tilespmem:s21+$0x60];
	[tilespmem:s22+$0xFFFFFFE0] =	vst v21;
	v14 =	vmul.f32 $7.071067690e-01, v14;
	v2 =	vmov v13  }
0x388: {  	[tilespmem:s21+$0xFFFFFFC0] =	vst v10;
	v7 =	vadd.f32 v7, v12;
	v10 =	vld [tilespmem:s7+$0xFFFFFF70]  }
0x389: {  	v9 =	vadd.f32 v9, v11;
	v11 =	vld [tilespmem:s17+$0xFFFFFFD0];
	[tilespmem:s22+$0x60] =	vst v14  }
0x38a: {  	v7 =	vmul.f32 $7.071067690e-01, v7;
	v12 =	vld [tilespmem:s7+$0xFFFFFFF0]  }
0x38b: {  	v9 =	vmul.f32 $7.071067690e-01, v9;
	v8 =	vadd.f32 v15, v8;
	v13 =	vld [tilespmem:s7+$0x70];
	s7 =	smov.u32 s17  }
0x38c: {  	v14 =	vld [tilespmem:s21+$0xFFFFFF70];
	[tilespmem:s21+$0x40] =	vst v7  }
0x38d: {  	[tilespmem:s21+$0xFFFFFF40] =	vst v9;
	v15 =	vld [tilespmem:s17+$0x50];
	v7 =	vmul.f32 $7.071067690e-01, v8;
	v3 =	vadd.f32 v10, v3  }
.Ltmp4:
0x38e: {  	v10 =	vld [tilespmem:s17+$0xFFFFFF50];
	v8 =	vadd.f32 v11, v18;
	(pc) =	sbr.rel @p0 .LBB2_11-.Ltmp4, $4  }
0x38f: {  	[tilespmem:s21+$0xD0] =	vst v7;
	v7 =	vld [tilespmem:s21+$0xE0];
	v16 =	vmul.f32 $7.071067690e-01, v3;
	v9 =	vadd.f32 v12, v4  }
0x390: {  	v11 =	vmul.f32 $7.071067690e-01, v8;
	v8 =	vld [tilespmem:s17+$0xE0];
	v13 =	vadd.f32 v13, v5  }
0x391: {  	v4 =	vld [tilespmem:s21+$0xFFFFFFF0];
	[tilespmem:s22+$0xFFFFFF70] =	vst v16;
	v9 =	vmul.f32 $7.071067690e-01, v9;
	v3 =	vmov v14  }
0x392: {  	s21 =	sadd.s32 $0x200, s21;
	[tilespmem:s23+$0xFFFFFFD0] =	vst v11;
	v12 =	vadd.f32 v15, v19;
	v5 =	vld [tilespmem:s23+$0x70];
	v11 =	vmul.f32 $7.071067690e-01, v13  }
0x393: {  	v6 =	vadd.f32 v10, v6;
	_ =	sdelay $0x1  }
0x394: {  	v6 =	vmul.f32 $7.071067690e-01, v6;
	_ =	sdelay $0x1  }
0x395: {  	[tilespmem:s23+$0xFFFFFF50] =	vst v6  }
0x396: {  	v37 =	vmul.f32 $7.071067690e-01, v12;
	v6 =	vld [tilespmem:s7+$0xFFFFFF60];
	_ =	sdelay $0x1  }
0x397: {  	v38 =	vld [tilespmem:s7+$0xFFFFFFE0];
	v7 =	vadd.f32 v8, v7;
	[tilespmem:s23+$0x50] =	vst v37  }
0x398: {  	v39 =	vld [tilespmem:s7+$0x60]  }
0x399: {  	v7 =	vmul.f32 $7.071067690e-01, v7  }
0x39a: {  	v0 =	vadd.f32 v6, v0  }
0x39b: {  	[tilespmem:s23+$0xE0] =	vst v7  }
0x39c: {  	v2 =	vadd.f32 v38, v2;
	v7 =	vld [tilespmem:s7+$0xF0];
	v0 =	vmul.f32 $7.071067690e-01, v0  }
0x39d: {  	v1 =	vadd.f32 v39, v1;
	v6 =	vld [tilespmem:s23+$0xF0]  }
0x39e: {  	v2 =	vmul.f32 $7.071067690e-01, v2;
	[tilespmem:s23+$0xFFFFFF60] =	vst v0  }
0x39f: {  	v0 =	vmul.f32 $7.071067690e-01, v1;
	v1 =	vld [tilespmem:s7+$0xFFFFFF70]  }
0x3a0: {  	[tilespmem:s23+$0xFFFFFFE0] =	vst v2  }
0x3a1: {  	[tilespmem:s23+$0x60] =	vst v0;
	v0 =	vld [tilespmem:s7+$0xFFFFFFF0]  }
0x3a2: {  	v6 =	vadd.f32 v7, v6;
	v2 =	vld [tilespmem:s7+$0x70];
	_ =	sdelay $0x1  }
0x3a3: {  	[tilespmem:s22+$0xFFFFFFF0] =	vst v9;
	v1 =	vadd.f32 v1, v3;
	v3 =	vmul.f32 $7.071067690e-01, v6  }
0x3a4: {  	[tilespmem:s22+$0x70] =	vst v11  }
0x3a5: {  	v0 =	vadd.f32 v0, v4;
	[tilespmem:s23+$0xF0] =	vst v3  }
0x3a6: {  	v1 =	vmul.f32 $7.071067690e-01, v1;
	v2 =	vadd.f32 v2, v5;
	s22 =	rddreg [dreg:$0x5]  }
0x3a7: {  	v0 =	vmul.f32 $7.071067690e-01, v0;
	s22 =	sor.u32 s22, s19  }
0x3a8: {  	[tilespmem:s23+$0xFFFFFF70] =	vst v1;
	v1 =	vmul.f32 $7.071067690e-01, v2;
	s7 =	smul.u32 $0xC80, s22  }
0x3a9: {  	[tilespmem:s23+$0xFFFFFFF0] =	vst v0  }
0x3aa: {  	s17 =	simm.s32 $0x0;
	[tilespmem:s23+$0x70] =	vst v1;
	s7 =	sadd.s32 s4, s7  }
0x3ab: {  	[hbm4b:s7+s17] =	stream.linear.scatter [tilespmem:s31], [sflag:$0x5], $0x4000, $0x38;
	[tilespmem:$0x12E00] =	vst v63  }
0x3ac: {  	_ =	swait.ge [sflag:s12], $0x2400  }
0x3ad: {  	[sflag:s12] =	ssyncset.done $0x0  }
0x3ae: {  	s23 =	sadd.s32 $0x10, s8;
	s8 =	simm.s32 $0x0;
	[sflag:s12] =	ssyncadd.s32 $0xFFFFDC00  }
0x3af: {  	[tilespmem:s25], [sflag:$0x7] =	stream.linear.gather [hbm4b:s23+s17], $0x48, $0x38;
	[tilespmem:$0x12E00] =	vst v63  }
0x3b0: {  	v0 =	vld [tilespmem:s8+$0xA600]  }
0x3b1: {  	v1 =	vld [tilespmem:s8+$0x4000]  }
0x3b2: {  	v2 =	vld [tilespmem:s8+$0xA610]  }
0x3b3: {  	v3 =	vld [tilespmem:s8+$0x4010]  }
0x3b4: {  	v4 =	vld [tilespmem:s8+$0xA620]  }
0x3b5: {  	v5 =	vld [tilespmem:s8+$0x4020]  }
0x3b6: {  	v6 =	vld [tilespmem:s8+$0x4030]  }
0x3b7: {  	v7 =	vld [tilespmem:s8+$0xA640]  }
0x3b8: {  	v8 =	vld [tilespmem:s8+$0xA7F0]  }
0x3b9: {  	v40 =	vld [tilespmem:s8+$0x4050]  }
0x3ba: {  	v41 =	vld [tilespmem:s8+$0x41F0]  }
0x3bb: {  	v42 =	vld [tilespmem:s8+$0x4060]  }
0x3bc: {  	v43 =	vld [tilespmem:s8+$0xA680]  }
0x3bd: {  	v13 =	vld [tilespmem:s8+$0x4080]  }
0x3be: {  	v14 =	vld [tilespmem:s8+$0xA690]  }
0x3bf: {  	v15 =	vld [tilespmem:s8+$0x4090]  }
0x3c0: {  	v16 =	vld [tilespmem:s8+$0xA6A0]  }
0x3c1: {  	v44 =	vld [tilespmem:s8+$0xA6B0]  }
0x3c2: {  	v17 =	vld [tilespmem:s8+$0x40B0]  }
0x3c3: {  	v18 =	vld [tilespmem:s8+$0xA6C0]  }
0x3c4: {  	v45 =	vld [tilespmem:s8+$0x40C0]  }
0x3c5: {  	v46 =	vld [tilespmem:s8+$0xA670]  }
0x3c6: {  	v47 =	vld [tilespmem:s8+$0xA6D0]  }
0x3c7: {  	v19 =	vld [tilespmem:s8+$0x40D0]  }
0x3c8: {  	v20 =	vld [tilespmem:s8+$0x4070]  }
0x3c9: {  	v21 =	vld [tilespmem:s8+$0xA700]  }
0x3ca: {  	v22 =	vld [tilespmem:s8+$0x4100]  }
0x3cb: {  	v23 =	vld [tilespmem:s8+$0xA710]  }
0x3cc: {  	v24 =	vld [tilespmem:s8+$0x4110]  }
0x3cd: {  	v25 =	vld [tilespmem:s8+$0xA720]  }
0x3ce: {  	v26 =	vld [tilespmem:s8+$0x4120]  }
0x3cf: {  	v48 =	vld [tilespmem:s8+$0xA730]  }
0x3d0: {  	v27 =	vld [tilespmem:s8+$0x4130];
	v0 =	vadd.f32 v1, v0  }
0x3d1: {  	v4 =	vadd.f32 v5, v4;
	v5 =	vld [tilespmem:s8+$0x40A0]  }
0x3d2: {  	v50 =	vld [tilespmem:s8+$0xA740];
	v12 =	vadd.f32 v13, v43;
	v0 =	vmul.f32 $7.071067690e-01, v0  }
0x3d3: {  	v51 =	vld [tilespmem:s8+$0x4140];
	v21 =	vadd.f32 v22, v21;
	v4 =	vmul.f32 $7.071067690e-01, v4  }
0x3d4: {  	v1 =	vld [tilespmem:s8+$0xA630];
	v2 =	vadd.f32 v3, v2;
	v23 =	vadd.f32 v24, v23;
	v12 =	vmul.f32 $7.071067690e-01, v12;
	[tilespmem:s8+$0xA600] =	vst v0  }
0x3d5: {  	v52 =	vld [tilespmem:s8+$0x40E0];
	v49 =	vmul.f32 $7.071067690e-01, v21;
	[tilespmem:s8+$0xA620] =	vst v4  }
0x3d6: {  	v53 =	vmul.f32 $7.071067690e-01, v23;
	v0 =	vmul.f32 $7.071067690e-01, v2;
	v2 =	vld [tilespmem:s8+$0xA650];
	[tilespmem:s8+$0xA680] =	vst v12;
	v5 =	vadd.f32 v5, v16  }
0x3d7: {  	v3 =	vld [tilespmem:s8+$0x4040];
	v8 =	vadd.f32 v41, v8;
	[tilespmem:s8+$0xA700] =	vst v49  }
0x3d8: {  	v54 =	vld [tilespmem:s8+$0xA750];
	v4 =	vadd.f32 v15, v14;
	[tilespmem:s8+$0xA710] =	vst v53;
	v5 =	vmul.f32 $7.071067690e-01, v5  }
0x3d9: {  	v1 =	vadd.f32 v6, v1;
	v6 =	vmul.f32 $7.071067690e-01, v8;
	[tilespmem:s8+$0xA610] =	vst v0;
	v0 =	vld [tilespmem:s8+$0xA660]  }
0x3da: {  	v55 =	vld [tilespmem:s8+$0x4150];
	v4 =	vmul.f32 $7.071067690e-01, v4;
	[tilespmem:s8+$0xA6A0] =	vst v5;
	v5 =	vadd.f32 v26, v25  }
0x3db: {  	v56 =	vld [tilespmem:s8+$0xA770];
	[tilespmem:s8+$0xA7F0] =	vst v6;
	v1 =	vmul.f32 $7.071067690e-01, v1;
	v2 =	vadd.f32 v40, v2  }
0x3dc: {  	v3 =	vadd.f32 v3, v7;
	[tilespmem:s8+$0xA690] =	vst v4;
	v4 =	vld [tilespmem:s8+$0xA6E0];
	v5 =	vmul.f32 $7.071067690e-01, v5  }
0x3dd: {  	v58 =	vld [tilespmem:s8+$0xA780];
	[tilespmem:s8+$0xA630] =	vst v1;
	v1 =	vmul.f32 $7.071067690e-01, v2;
	v2 =	vadd.f32 v20, v46  }
0x3de: {  	v8 =	vld [tilespmem:s8+$0xA6F0];
	v3 =	vmul.f32 $7.071067690e-01, v3;
	v0 =	vadd.f32 v42, v0;
	[tilespmem:s8+$0xA720] =	vst v5  }
0x3df: {  	v5 =	vld [tilespmem:s8+$0x40F0];
	[tilespmem:s8+$0xA650] =	vst v1;
	v1 =	vmul.f32 $7.071067690e-01, v2;
	v2 =	vadd.f32 v45, v18  }
0x3e0: {  	v59 =	vld [tilespmem:s8+$0x4180];
	[tilespmem:s8+$0xA640] =	vst v3;
	v3 =	vadd.f32 v17, v44;
	v0 =	vmul.f32 $7.071067690e-01, v0  }
0x3e1: {  	v7 =	vld [tilespmem:s8+$0xA760];
	[tilespmem:s8+$0xA670] =	vst v1;
	v1 =	vmul.f32 $7.071067690e-01, v2;
	v2 =	vadd.f32 v52, v4  }
0x3e2: {  	v6 =	vld [tilespmem:s8+$0x4160];
	[tilespmem:s8+$0xA660] =	vst v0;
	v0 =	vmul.f32 $7.071067690e-01, v3;
	v3 =	vadd.f32 v19, v47  }
0x3e3: {  	v4 =	vld [tilespmem:s8+$0xA790];
	[tilespmem:s8+$0xA6C0] =	vst v1;
	v1 =	vmul.f32 $7.071067690e-01, v2;
	v2 =	vadd.f32 v27, v48  }
0x3e4: {  	[tilespmem:s8+$0xA6B0] =	vst v0;
	v0 =	vmul.f32 $7.071067690e-01, v3;
	v3 =	vadd.f32 v5, v8;
	v5 =	vld [tilespmem:s8+$0x4190]  }
0x3e5: {  	v57 =	vld [tilespmem:s8+$0x4170];
	[tilespmem:s8+$0xA6E0] =	vst v1;
	v1 =	vmul.f32 $7.071067690e-01, v2;
	v2 =	vadd.f32 v59, v58  }
0x3e6: {  	v60 =	vld [tilespmem:s8+$0x41A0];
	[tilespmem:s8+$0xA6D0] =	vst v0;
	v0 =	vmul.f32 $7.071067690e-01, v3;
	v3 =	vadd.f32 v51, v50  }
0x3e7: {  	v6 =	vadd.f32 v6, v7;
	v8 =	vld [tilespmem:s8+$0xA7A0];
	[tilespmem:s8+$0xA730] =	vst v1;
	v2 =	vmul.f32 $7.071067690e-01, v2  }
0x3e8: {  	v61 =	vld [tilespmem:s8+$0xA7B0];
	v62 =	vadd.f32 v55, v54;
	[tilespmem:s8+$0xA6F0] =	vst v0;
	v3 =	vmul.f32 $7.071067690e-01, v3  }
0x3e9: {  	v63 =	vld [tilespmem:s8+$0x41B0];
	v4 =	vadd.f32 v5, v4;
	v5 =	vmul.f32 $7.071067690e-01, v6;
	[tilespmem:s8+$0xA780] =	vst v2  }
0x3ea: {  	v1 =	vld [tilespmem:s8+$0x41C0];
	v6 =	vadd.f32 v57, v56;
	[tilespmem:s8+$0xA740] =	vst v3;
	v3 =	vmul.f32 $7.071067690e-01, v62  }
0x3eb: {  	v0 =	vld [tilespmem:s8+$0xA7C0];
	v4 =	vmul.f32 $7.071067690e-01, v4;
	[tilespmem:s8+$0xA760] =	vst v5  }
0x3ec: {  	v2 =	vld [tilespmem:s8+$0xA7D0];
	v5 =	vmul.f32 $7.071067690e-01, v6;
	v6 =	vadd.f32 v60, v8;
	[tilespmem:s8+$0xA750] =	vst v3  }
0x3ed: {  	v3 =	vld [tilespmem:s8+$0x41D0];
	[tilespmem:s8+$0xA790] =	vst v4  }
0x3ee: {  	s7 =	simm.s32 $0x80;
	s17 =	simm.s32 $0x800;
	[tilespmem:s8+$0xA770] =	vst v5;
	v5 =	vmul.f32 $7.071067690e-01, v6;
	v6 =	vadd.f32 v63, v61;
	v4 =	vld [tilespmem:s8+$0xA7E0]  }
.LBB2_13:
0x3ef: {  	s20 =	sshra.s32 s17, $0x2;
	v7 =	vld [tilespmem:s8+$0x41E0]  }
0x3f0: {  	s7 =	sadd.s32 $0x4, s7;
	v8 =	vld [tilespmem:s20+$0xA7F0];
	[tilespmem:s8+$0xA7A0] =	vst v5;
	v5 =	vmul.f32 $7.071067690e-01, v6;
	v0 =	vadd.f32 v1, v0  }
0x3f1: {  	p0 =	slt.u32 s7, $0xC4;
	v1 =	vld [tilespmem:s20+$0x41F0]  }
0x3f2: {  	v6 =	vld [tilespmem:s20+$0xA600];
	[tilespmem:s8+$0xA7B0] =	vst v5;
	v0 =	vmul.f32 $7.071067690e-01, v0;
	v2 =	vadd.f32 v3, v2  }
0x3f3: {  	v3 =	vld [tilespmem:s20+$0x4000]  }
0x3f4: {  	v5 =	vld [tilespmem:s20+$0xA610];
	[tilespmem:s8+$0xA7C0] =	vst v0;
	v0 =	vmul.f32 $7.071067690e-01, v2;
	v2 =	vadd.f32 v7, v4  }
0x3f5: {  	v4 =	vld [tilespmem:s20+$0x4010]  }
0x3f6: {  	v7 =	vld [tilespmem:s20+$0xA620];
	v1 =	vadd.f32 v1, v8;
	[tilespmem:s8+$0xA7D0] =	vst v0;
	v0 =	vmul.f32 $7.071067690e-01, v2  }
0x3f7: {  	v2 =	vld [tilespmem:s20+$0x4020]  }
0x3f8: {  	v3 =	vadd.f32 v3, v6;
	v6 =	vld [tilespmem:s20+$0xA630];
	v1 =	vmul.f32 $7.071067690e-01, v1;
	[tilespmem:s8+$0xA7E0] =	vst v0;
	s8 =	smov.u32 s20  }
0x3f9: {  	v0 =	vld [tilespmem:s8+$0x4030]  }
0x3fa: {  	v3 =	vmul.f32 $7.071067690e-01, v3;
	v4 =	vadd.f32 v4, v5;
	v5 =	vld [tilespmem:s8+$0xA640];
	[tilespmem:s8+$0xA7F0] =	vst v1  }
0x3fb: {  	v1 =	vld [tilespmem:s8+$0x4040]  }
0x3fc: {  	[tilespmem:s8+$0xA600] =	vst v3;
	v3 =	vmul.f32 $7.071067690e-01, v4;
	v2 =	vadd.f32 v2, v7;
	v4 =	vld [tilespmem:s8+$0xA650]  }
0x3fd: {  	v7 =	vld [tilespmem:s8+$0x4050]  }
0x3fe: {  	[tilespmem:s8+$0xA610] =	vst v3;
	v2 =	vmul.f32 $7.071067690e-01, v2;
	v0 =	vadd.f32 v0, v6;
	v3 =	vld [tilespmem:s8+$0xA660]  }
0x3ff: {  	v6 =	vld [tilespmem:s8+$0x4060]  }
0x400: {  	[tilespmem:s8+$0xA620] =	vst v2;
	v0 =	vmul.f32 $7.071067690e-01, v0;
	v1 =	vadd.f32 v1, v5;
	v2 =	vld [tilespmem:s8+$0xA670]  }
0x401: {  	v5 =	vld [tilespmem:s8+$0x4070]  }
0x402: {  	[tilespmem:s8+$0xA630] =	vst v0;
	v0 =	vmul.f32 $7.071067690e-01, v1;
	v1 =	vadd.f32 v7, v4;
	v4 =	vld [tilespmem:s8+$0xA680]  }
0x403: {  	v7 =	vld [tilespmem:s8+$0x4080]  }
0x404: {  	[tilespmem:s8+$0xA640] =	vst v0;
	v0 =	vmul.f32 $7.071067690e-01, v1;
	v1 =	vadd.f32 v6, v3;
	v3 =	vld [tilespmem:s8+$0xA690]  }
0x405: {  	v6 =	vld [tilespmem:s8+$0x4090]  }
0x406: {  	[tilespmem:s8+$0xA650] =	vst v0;
	v0 =	vmul.f32 $7.071067690e-01, v1;
	v1 =	vadd.f32 v5, v2;
	v2 =	vld [tilespmem:s8+$0xA6A0]  }
0x407: {  	v5 =	vld [tilespmem:s8+$0x40A0]  }
0x408: {  	[tilespmem:s8+$0xA660] =	vst v0;
	v0 =	vmul.f32 $7.071067690e-01, v1;
	v1 =	vadd.f32 v7, v4;
	v4 =	vld [tilespmem:s8+$0xA6B0]  }
0x409: {  	v7 =	vld [tilespmem:s8+$0x40B0]  }
0x40a: {  	[tilespmem:s8+$0xA670] =	vst v0;
	v0 =	vmul.f32 $7.071067690e-01, v1;
	v1 =	vadd.f32 v6, v3;
	v3 =	vld [tilespmem:s8+$0xA6C0]  }
0x40b: {  	v6 =	vld [tilespmem:s8+$0x40C0]  }
0x40c: {  	[tilespmem:s8+$0xA680] =	vst v0;
	v0 =	vmul.f32 $7.071067690e-01, v1;
	v1 =	vadd.f32 v5, v2;
	v2 =	vld [tilespmem:s8+$0xA6D0]  }
0x40d: {  	v5 =	vld [tilespmem:s8+$0x40D0]  }
0x40e: {  	[tilespmem:s8+$0xA690] =	vst v0;
	v0 =	vmul.f32 $7.071067690e-01, v1;
	v1 =	vadd.f32 v7, v4;
	v4 =	vld [tilespmem:s8+$0xA6E0]  }
0x40f: {  	v7 =	vld [tilespmem:s8+$0x40E0]  }
0x410: {  	[tilespmem:s8+$0xA6A0] =	vst v0;
	v0 =	vmul.f32 $7.071067690e-01, v1;
	v1 =	vadd.f32 v6, v3;
	v3 =	vld [tilespmem:s8+$0xA6F0]  }
0x411: {  	v6 =	vld [tilespmem:s8+$0x40F0]  }
0x412: {  	[tilespmem:s8+$0xA6B0] =	vst v0;
	v0 =	vmul.f32 $7.071067690e-01, v1;
	v1 =	vadd.f32 v5, v2;
	v2 =	vld [tilespmem:s8+$0xA700]  }
0x413: {  	v5 =	vld [tilespmem:s8+$0x4100]  }
0x414: {  	[tilespmem:s8+$0xA6C0] =	vst v0;
	v0 =	vmul.f32 $7.071067690e-01, v1;
	v1 =	vadd.f32 v7, v4;
	v4 =	vld [tilespmem:s8+$0xA710]  }
0x415: {  	v7 =	vld [tilespmem:s8+$0x4110]  }
0x416: {  	[tilespmem:s8+$0xA6D0] =	vst v0;
	v0 =	vmul.f32 $7.071067690e-01, v1;
	v1 =	vadd.f32 v6, v3;
	v3 =	vld [tilespmem:s8+$0xA720]  }
0x417: {  	v6 =	vld [tilespmem:s8+$0x4120]  }
0x418: {  	[tilespmem:s8+$0xA6E0] =	vst v0;
	v0 =	vmul.f32 $7.071067690e-01, v1;
	v1 =	vadd.f32 v5, v2;
	v2 =	vld [tilespmem:s8+$0xA730]  }
0x419: {  	v5 =	vld [tilespmem:s8+$0x4130]  }
0x41a: {  	[tilespmem:s8+$0xA6F0] =	vst v0;
	v0 =	vmul.f32 $7.071067690e-01, v1;
	v1 =	vadd.f32 v7, v4;
	v4 =	vld [tilespmem:s8+$0xA740]  }
0x41b: {  	v7 =	vld [tilespmem:s8+$0x4140]  }
0x41c: {  	[tilespmem:s8+$0xA700] =	vst v0;
	v0 =	vmul.f32 $7.071067690e-01, v1;
	v1 =	vadd.f32 v6, v3;
	v3 =	vld [tilespmem:s8+$0xA750]  }
0x41d: {  	v6 =	vld [tilespmem:s8+$0x4150]  }
0x41e: {  	[tilespmem:s8+$0xA710] =	vst v0;
	v0 =	vmul.f32 $7.071067690e-01, v1;
	v1 =	vadd.f32 v5, v2;
	v2 =	vld [tilespmem:s8+$0xA760]  }
0x41f: {  	v5 =	vld [tilespmem:s8+$0x4160]  }
0x420: {  	[tilespmem:s8+$0xA720] =	vst v0;
	v0 =	vmul.f32 $7.071067690e-01, v1;
	v1 =	vadd.f32 v7, v4;
	v4 =	vld [tilespmem:s8+$0xA770]  }
0x421: {  	v7 =	vld [tilespmem:s8+$0x4170]  }
0x422: {  	[tilespmem:s8+$0xA730] =	vst v0;
	v0 =	vmul.f32 $7.071067690e-01, v1;
	v1 =	vadd.f32 v6, v3;
	v3 =	vld [tilespmem:s8+$0xA780]  }
0x423: {  	v6 =	vld [tilespmem:s8+$0x4180]  }
0x424: {  	[tilespmem:s8+$0xA740] =	vst v0;
	v0 =	vmul.f32 $7.071067690e-01, v1;
	v1 =	vadd.f32 v5, v2;
	v2 =	vld [tilespmem:s8+$0xA790]  }
0x425: {  	v5 =	vld [tilespmem:s8+$0x4190]  }
0x426: {  	[tilespmem:s8+$0xA750] =	vst v0;
	v0 =	vmul.f32 $7.071067690e-01, v1;
	v1 =	vadd.f32 v7, v4;
	v4 =	vld [tilespmem:s8+$0xA7A0]  }
0x427: {  	v7 =	vld [tilespmem:s8+$0x41A0]  }
0x428: {  	[tilespmem:s8+$0xA760] =	vst v0;
	v0 =	vmul.f32 $7.071067690e-01, v1;
	v1 =	vadd.f32 v6, v3;
	v6 =	vld [tilespmem:s8+$0xA7B0]  }
0x429: {  	v8 =	vld [tilespmem:s8+$0x41B0]  }
.Ltmp5:
0x42a: {  	[tilespmem:s8+$0xA770] =	vst v0;
	v3 =	vmul.f32 $7.071067690e-01, v1;
	v2 =	vadd.f32 v5, v2;
	v0 =	vld [tilespmem:s8+$0xA7C0];
	(pc) =	sbr.rel @p0 .LBB2_13-.Ltmp5, $4  }
0x42b: {  	v1 =	vld [tilespmem:s8+$0x41C0]  }
0x42c: {  	[tilespmem:s8+$0xA780] =	vst v3;
	v5 =	vmul.f32 $7.071067690e-01, v2;
	v4 =	vadd.f32 v7, v4;
	v2 =	vld [tilespmem:s8+$0xA7D0]  }
0x42d: {  	v3 =	vld [tilespmem:s8+$0x41D0]  }
0x42e: {  	s17 =	sadd.s32 $0x800, s17;
	[tilespmem:s8+$0xA790] =	vst v5;
	v5 =	vmul.f32 $7.071067690e-01, v4;
	v6 =	vadd.f32 v8, v6;
	v4 =	vld [tilespmem:s8+$0xA7E0]  }
0x42f: {  	v7 =	vld [tilespmem:s8+$0x41E0];
	_ =	sdelay $0x2  }
0x430: {  	v0 =	vadd.f32 v1, v0  }
0x431: {  	v1 =	vmul.f32 $7.071067690e-01, v6;
	v2 =	vadd.f32 v3, v2  }
0x432: {  	s7 =	smul.u32 $0x6400, s22;
	[tilespmem:s8+$0xA7A0] =	vst v5;
	v0 =	vmul.f32 $7.071067690e-01, v0;
	v3 =	vadd.f32 v7, v4  }
0x433: {  	[tilespmem:s8+$0xA7B0] =	vst v1;
	v1 =	vmul.f32 $7.071067690e-01, v2  }
0x434: {  	s7 =	sshrl.u32 s7, $0x3;
	[tilespmem:s8+$0xA7C0] =	vst v0;
	v0 =	vmul.f32 $7.071067690e-01, v3  }
0x435: {  	s7 =	sadd.s32 s4, s7;
	[tilespmem:s8+$0xA7D0] =	vst v1  }
0x436: {  	s17 =	simm.s32 $0x0;
	s7 =	sadd.s32 $0x800, s7;
	[tilespmem:s8+$0xA7E0] =	vst v0  }
0x437: {  	[hbm4b:s7+s17] =	stream.linear.scatter [tilespmem:s0], [sflag:$0x5], $0x2400, $0x38;
	[tilespmem:$0x12E00] =	vst v63  }
0x438: {  	_ =	swait.ge [sflag:s29], $0x80  }
0x439: {  	[sflag:s29] =	ssyncset.done $0x0  }
0x43a: {  	[sflag:s29] =	ssyncadd.s32 $0xFFFFFF80  }
0x43b: {  	_ =	swait.ge [sflag:s29], $0x48  }
0x43c: {  	[sflag:s29] =	ssyncset.done $0x0  }
0x43d: {  	[sflag:s29] =	ssyncadd.s32 $0xFFFFFFB8  }
0x43e: {  	_ =	swait.ge [sflag:s13], $0x4000  }
0x43f: {  	[sflag:s13] =	ssyncset.done $0x0  }
0x440: {  	[sflag:s13] =	ssyncadd.s32 $0xFFFFC000  }
0x441: {  	_ =	swait.ge [sflag:s13], $0x2400  }
0x442: {  	[sflag:s13] =	ssyncset.done $0x0;
	s23 =	rddreg [dreg:$0x13]  }
0x443: {  	[sflag:s13] =	ssyncadd.s32 $0xFFFFDC00;
	s7 =	sadd.s32 s19, s23  }
0x444: {  	[tilespmem:s31], [sflag:$0x1] =	stream.indirect.gather [hbm4b:s1+s30], $0x80, s24, s30, $0xb8;
	[tilespmem:$0x12E00] =	vst v63  }
0x445: {  	s7 =	smul.u32 $0xC8, s7  }
0x446: {  	[tilespmem:s0], [sflag:$0x3] =	stream.indirect.gather [hbm4b:s1+s2], $0x80, s25, s2, $0xb8;
	[tilespmem:$0x12E00] =	vst v63  }
0x447: {  	_ =	swait.ge [sflag:s14], $0x4000  }
0x448: {  	s7 =	sshrl.u32 s7, $0x3;
	[sflag:s14] =	ssyncset.done $0x0  }
0x449: {  	s19 =	simm.s32 $0x0;
	s8 =	sadd.s32 s6, s7;
	[sflag:s14] =	ssyncadd.s32 $0xFFFFC000  }
0x44a: {  	[tilespmem:s26], [sflag:$0x8] =	stream.linear.gather [hbm4b:s8+s17], $0x80, $0x38;
	[tilespmem:$0x12E00] =	vst v63  }
0x44b: {  	v0 =	vld [tilespmem:s19+$0xCA00]  }
0x44c: {  	v1 =	vld [tilespmem:s19+$0x0]  }
0x44d: {  	v2 =	vld [tilespmem:s19+$0xCA10]  }
0x44e: {  	v3 =	vld [tilespmem:s19+$0x10]  }
0x44f: {  	v4 =	vld [tilespmem:s19+$0xCA20]  }
0x450: {  	v5 =	vld [tilespmem:s19+$0x20]  }
0x451: {  	v6 =	vld [tilespmem:s19+$0x30]  }
0x452: {  	v7 =	vld [tilespmem:s19+$0xCA40]  }
0x453: {  	v8 =	vld [tilespmem:s19+$0xCBF0]  }
0x454: {  	v9 =	vld [tilespmem:s19+$0x50]  }
0x455: {  	v10 =	vld [tilespmem:s19+$0x1F0]  }
0x456: {  	v11 =	vld [tilespmem:s19+$0x60]  }
0x457: {  	v12 =	vld [tilespmem:s19+$0xCA80]  }
0x458: {  	v13 =	vld [tilespmem:s19+$0x80]  }
0x459: {  	v14 =	vld [tilespmem:s19+$0xCA90]  }
0x45a: {  	v15 =	vld [tilespmem:s19+$0x90]  }
0x45b: {  	v16 =	vld [tilespmem:s19+$0xCAA0]  }
0x45c: {  	v44 =	vld [tilespmem:s19+$0xCAB0]  }
0x45d: {  	v17 =	vld [tilespmem:s19+$0xB0]  }
0x45e: {  	v18 =	vld [tilespmem:s19+$0xCAC0]  }
0x45f: {  	v45 =	vld [tilespmem:s19+$0xC0]  }
0x460: {  	v46 =	vld [tilespmem:s19+$0xCA70]  }
0x461: {  	v47 =	vld [tilespmem:s19+$0xCAD0]  }
0x462: {  	v19 =	vld [tilespmem:s19+$0xD0]  }
0x463: {  	v20 =	vld [tilespmem:s19+$0x70]  }
0x464: {  	v21 =	vld [tilespmem:s19+$0xCB00]  }
0x465: {  	v22 =	vld [tilespmem:s19+$0x100]  }
0x466: {  	v23 =	vld [tilespmem:s19+$0xCB10]  }
0x467: {  	v24 =	vld [tilespmem:s19+$0x110]  }
0x468: {  	v25 =	vld [tilespmem:s19+$0xCB20]  }
0x469: {  	v26 =	vld [tilespmem:s19+$0x120]  }
0x46a: {  	v48 =	vld [tilespmem:s19+$0xCB30]  }
0x46b: {  	v27 =	vld [tilespmem:s19+$0x130];
	v0 =	vadd.f32 v1, v0  }
0x46c: {  	v50 =	vld [tilespmem:s19+$0xCB40];
	v4 =	vadd.f32 v5, v4  }
0x46d: {  	v5 =	vld [tilespmem:s19+$0xA0];
	v12 =	vadd.f32 v13, v12;
	v0 =	vmul.f32 $7.071067690e-01, v0  }
0x46e: {  	v1 =	vld [tilespmem:s19+$0xCA30];
	v21 =	vadd.f32 v22, v21;
	v4 =	vmul.f32 $7.071067690e-01, v4  }
0x46f: {  	v51 =	vld [tilespmem:s19+$0x140];
	v2 =	vadd.f32 v3, v2;
	v12 =	vmul.f32 $7.071067690e-01, v12;
	[tilespmem:s19+$0xCA00] =	vst v0  }
0x470: {  	v3 =	vld [tilespmem:s19+$0x40];
	v23 =	vadd.f32 v24, v23;
	v49 =	vmul.f32 $7.071067690e-01, v21;
	[tilespmem:s19+$0xCA20] =	vst v4  }
0x471: {  	v52 =	vld [tilespmem:s19+$0xE0];
	v8 =	vadd.f32 v10, v8;
	v0 =	vmul.f32 $7.071067690e-01, v2;
	[tilespmem:s19+$0xCA80] =	vst v12  }
0x472: {  	v53 =	vmul.f32 $7.071067690e-01, v23;
	v2 =	vld [tilespmem:s19+$0xCA50];
	[tilespmem:s19+$0xCB00] =	vst v49;
	v5 =	vadd.f32 v5, v16  }
0x473: {  	v4 =	vadd.f32 v15, v14;
	v1 =	vadd.f32 v6, v1;
	v6 =	vmul.f32 $7.071067690e-01, v8;
	[tilespmem:s19+$0xCA10] =	vst v0;
	v0 =	vld [tilespmem:s19+$0xCA60]  }
0x474: {  	v54 =	vld [tilespmem:s19+$0xCB50];
	[tilespmem:s19+$0xCB10] =	vst v53;
	v5 =	vmul.f32 $7.071067690e-01, v5  }
0x475: {  	v55 =	vld [tilespmem:s19+$0x150];
	v3 =	vadd.f32 v3, v7;
	v4 =	vmul.f32 $7.071067690e-01, v4;
	[tilespmem:s19+$0xCBF0] =	vst v6  }
0x476: {  	v8 =	vld [tilespmem:s19+$0xCAF0];
	v1 =	vmul.f32 $7.071067690e-01, v1;
	[tilespmem:s19+$0xCAA0] =	vst v5;
	v5 =	vadd.f32 v26, v25  }
0x477: {  	v7 =	vld [tilespmem:s19+$0xCB60];
	v3 =	vmul.f32 $7.071067690e-01, v3;
	[tilespmem:s19+$0xCA90] =	vst v4;
	v2 =	vadd.f32 v9, v2  }
0x478: {  	v4 =	vld [tilespmem:s19+$0xCAE0];
	[tilespmem:s19+$0xCA30] =	vst v1;
	v5 =	vmul.f32 $7.071067690e-01, v5;
	v0 =	vadd.f32 v11, v0  }
0x479: {  	v6 =	vld [tilespmem:s19+$0x160];
	[tilespmem:s19+$0xCA40] =	vst v3;
	v1 =	vmul.f32 $7.071067690e-01, v2;
	v2 =	vadd.f32 v20, v46  }
0x47a: {  	v3 =	vadd.f32 v17, v44;
	[tilespmem:s19+$0xCB20] =	vst v5;
	v5 =	vld [tilespmem:s19+$0xF0];
	v0 =	vmul.f32 $7.071067690e-01, v0  }
0x47b: {  	v56 =	vld [tilespmem:s19+$0xCB70];
	[tilespmem:s19+$0xCA50] =	vst v1;
	v1 =	vmul.f32 $7.071067690e-01, v2;
	v2 =	vadd.f32 v45, v18  }
0x47c: {  	v58 =	vld [tilespmem:s19+$0xCB80];
	[tilespmem:s19+$0xCA60] =	vst v0;
	v0 =	vmul.f32 $7.071067690e-01, v3;
	v3 =	vadd.f32 v19, v47  }
0x47d: {  	v59 =	vld [tilespmem:s19+$0x180];
	[tilespmem:s19+$0xCA70] =	vst v1;
	v1 =	vmul.f32 $7.071067690e-01, v2;
	v2 =	vadd.f32 v52, v4  }
0x47e: {  	v6 =	vadd.f32 v6, v7;
	v4 =	vld [tilespmem:s19+$0xCB90];
	[tilespmem:s19+$0xCAB0] =	vst v0;
	v0 =	vmul.f32 $7.071067690e-01, v3  }
0x47f: {  	[tilespmem:s19+$0xCAC0] =	vst v1;
	v1 =	vmul.f32 $7.071067690e-01, v2;
	v2 =	vadd.f32 v27, v48;
	v3 =	vadd.f32 v5, v8;
	v5 =	vld [tilespmem:s19+$0x190]  }
0x480: {  	v57 =	vld [tilespmem:s19+$0x170];
	v6 =	vmul.f32 $7.071067690e-01, v6;
	[tilespmem:s19+$0xCAD0] =	vst v0  }
0x481: {  	v60 =	vld [tilespmem:s19+$0x1A0];
	[tilespmem:s19+$0xCAE0] =	vst v1;
	v1 =	vmul.f32 $7.071067690e-01, v2;
	v0 =	vmul.f32 $7.071067690e-01, v3;
	v3 =	vadd.f32 v51, v50  }
0x482: {  	[tilespmem:s19+$0xCB60] =	vst v6;
	v8 =	vld [tilespmem:s19+$0xCBA0];
	v2 =	vadd.f32 v59, v58  }
0x483: {  	v61 =	vld [tilespmem:s19+$0xCBB0];
	v62 =	vadd.f32 v55, v54;
	[tilespmem:s19+$0xCB30] =	vst v1;
	v3 =	vmul.f32 $7.071067690e-01, v3  }
0x484: {  	v63 =	vld [tilespmem:s19+$0x1B0];
	v2 =	vmul.f32 $7.071067690e-01, v2;
	[tilespmem:s19+$0xCAF0] =	vst v0;
	v4 =	vadd.f32 v5, v4  }
0x485: {  	v1 =	vld [tilespmem:s19+$0x1C0];
	v5 =	vadd.f32 v57, v56;
	[tilespmem:s19+$0xCB40] =	vst v3;
	v3 =	vmul.f32 $7.071067690e-01, v62  }
0x486: {  	v0 =	vld [tilespmem:s19+$0xCBC0];
	[tilespmem:s19+$0xCB80] =	vst v2;
	v4 =	vmul.f32 $7.071067690e-01, v4  }
0x487: {  	v2 =	vld [tilespmem:s19+$0xCBD0];
	v6 =	vadd.f32 v60, v8;
	v5 =	vmul.f32 $7.071067690e-01, v5;
	[tilespmem:s19+$0xCB50] =	vst v3  }
0x488: {  	v3 =	vld [tilespmem:s19+$0x1D0];
	[tilespmem:s19+$0xCB90] =	vst v4  }
0x489: {  	s7 =	simm.s32 $0x0;
	s17 =	simm.s32 $0x800;
	[tilespmem:s19+$0xCB70] =	vst v5;
	v5 =	vmul.f32 $7.071067690e-01, v6;
	v6 =	vadd.f32 v63, v61;
	v4 =	vld [tilespmem:s19+$0xCBE0]  }
.LBB2_15:
0x48a: {  	s20 =	sshra.s32 s17, $0x2;
	v7 =	vld [tilespmem:s19+$0x1E0]  }
0x48b: {  	s7 =	sadd.s32 $0x4, s7;
	v8 =	vld [tilespmem:s20+$0xCBF0];
	[tilespmem:s19+$0xCBA0] =	vst v5;
	v5 =	vmul.f32 $7.071067690e-01, v6;
	v0 =	vadd.f32 v1, v0  }
0x48c: {  	p0 =	slt.u32 s7, $0x7C;
	v1 =	vld [tilespmem:s20+$0x1F0]  }
0x48d: {  	v6 =	vld [tilespmem:s20+$0xCA00];
	[tilespmem:s19+$0xCBB0] =	vst v5;
	v0 =	vmul.f32 $7.071067690e-01, v0;
	v2 =	vadd.f32 v3, v2  }
0x48e: {  	v3 =	vld [tilespmem:s20+$0x0]  }
0x48f: {  	v5 =	vld [tilespmem:s20+$0xCA10];
	[tilespmem:s19+$0xCBC0] =	vst v0;
	v0 =	vmul.f32 $7.071067690e-01, v2;
	v2 =	vadd.f32 v7, v4  }
0x490: {  	v4 =	vld [tilespmem:s20+$0x10]  }
0x491: {  	v7 =	vld [tilespmem:s20+$0xCA20];
	v1 =	vadd.f32 v1, v8;
	[tilespmem:s19+$0xCBD0] =	vst v0;
	v0 =	vmul.f32 $7.071067690e-01, v2  }
0x492: {  	v2 =	vld [tilespmem:s20+$0x20]  }
0x493: {  	v3 =	vadd.f32 v3, v6;
	v6 =	vld [tilespmem:s20+$0xCA30];
	v1 =	vmul.f32 $7.071067690e-01, v1;
	[tilespmem:s19+$0xCBE0] =	vst v0;
	s19 =	smov.u32 s20  }
0x494: {  	v0 =	vld [tilespmem:s19+$0x30]  }
0x495: {  	v3 =	vmul.f32 $7.071067690e-01, v3;
	v4 =	vadd.f32 v4, v5;
	v5 =	vld [tilespmem:s19+$0xCA40];
	[tilespmem:s19+$0xCBF0] =	vst v1  }
0x496: {  	v1 =	vld [tilespmem:s19+$0x40]  }
0x497: {  	[tilespmem:s19+$0xCA00] =	vst v3;
	v3 =	vmul.f32 $7.071067690e-01, v4;
	v2 =	vadd.f32 v2, v7;
	v4 =	vld [tilespmem:s19+$0xCA50]  }
0x498: {  	v7 =	vld [tilespmem:s19+$0x50]  }
0x499: {  	[tilespmem:s19+$0xCA10] =	vst v3;
	v2 =	vmul.f32 $7.071067690e-01, v2;
	v0 =	vadd.f32 v0, v6;
	v3 =	vld [tilespmem:s19+$0xCA60]  }
0x49a: {  	v6 =	vld [tilespmem:s19+$0x60]  }
0x49b: {  	[tilespmem:s19+$0xCA20] =	vst v2;
	v0 =	vmul.f32 $7.071067690e-01, v0;
	v1 =	vadd.f32 v1, v5;
	v2 =	vld [tilespmem:s19+$0xCA70]  }
0x49c: {  	v5 =	vld [tilespmem:s19+$0x70]  }
0x49d: {  	[tilespmem:s19+$0xCA30] =	vst v0;
	v0 =	vmul.f32 $7.071067690e-01, v1;
	v1 =	vadd.f32 v7, v4;
	v4 =	vld [tilespmem:s19+$0xCA80]  }
0x49e: {  	v7 =	vld [tilespmem:s19+$0x80]  }
0x49f: {  	[tilespmem:s19+$0xCA40] =	vst v0;
	v0 =	vmul.f32 $7.071067690e-01, v1;
	v1 =	vadd.f32 v6, v3;
	v3 =	vld [tilespmem:s19+$0xCA90]  }
0x4a0: {  	v6 =	vld [tilespmem:s19+$0x90]  }
0x4a1: {  	[tilespmem:s19+$0xCA50] =	vst v0;
	v0 =	vmul.f32 $7.071067690e-01, v1;
	v1 =	vadd.f32 v5, v2;
	v2 =	vld [tilespmem:s19+$0xCAA0]  }
0x4a2: {  	v5 =	vld [tilespmem:s19+$0xA0]  }
0x4a3: {  	[tilespmem:s19+$0xCA60] =	vst v0;
	v0 =	vmul.f32 $7.071067690e-01, v1;
	v1 =	vadd.f32 v7, v4;
	v4 =	vld [tilespmem:s19+$0xCAB0]  }
0x4a4: {  	v7 =	vld [tilespmem:s19+$0xB0]  }
0x4a5: {  	[tilespmem:s19+$0xCA70] =	vst v0;
	v0 =	vmul.f32 $7.071067690e-01, v1;
	v1 =	vadd.f32 v6, v3;
	v3 =	vld [tilespmem:s19+$0xCAC0]  }
0x4a6: {  	v6 =	vld [tilespmem:s19+$0xC0]  }
0x4a7: {  	[tilespmem:s19+$0xCA80] =	vst v0;
	v0 =	vmul.f32 $7.071067690e-01, v1;
	v1 =	vadd.f32 v5, v2;
	v2 =	vld [tilespmem:s19+$0xCAD0]  }
0x4a8: {  	v5 =	vld [tilespmem:s19+$0xD0]  }
0x4a9: {  	[tilespmem:s19+$0xCA90] =	vst v0;
	v0 =	vmul.f32 $7.071067690e-01, v1;
	v1 =	vadd.f32 v7, v4;
	v4 =	vld [tilespmem:s19+$0xCAE0]  }
0x4aa: {  	v7 =	vld [tilespmem:s19+$0xE0]  }
0x4ab: {  	[tilespmem:s19+$0xCAA0] =	vst v0;
	v0 =	vmul.f32 $7.071067690e-01, v1;
	v1 =	vadd.f32 v6, v3;
	v3 =	vld [tilespmem:s19+$0xCAF0]  }
0x4ac: {  	v6 =	vld [tilespmem:s19+$0xF0]  }
0x4ad: {  	[tilespmem:s19+$0xCAB0] =	vst v0;
	v0 =	vmul.f32 $7.071067690e-01, v1;
	v1 =	vadd.f32 v5, v2;
	v2 =	vld [tilespmem:s19+$0xCB00]  }
0x4ae: {  	v5 =	vld [tilespmem:s19+$0x100]  }
0x4af: {  	[tilespmem:s19+$0xCAC0] =	vst v0;
	v0 =	vmul.f32 $7.071067690e-01, v1;
	v1 =	vadd.f32 v7, v4;
	v4 =	vld [tilespmem:s19+$0xCB10]  }
0x4b0: {  	v7 =	vld [tilespmem:s19+$0x110]  }
0x4b1: {  	[tilespmem:s19+$0xCAD0] =	vst v0;
	v0 =	vmul.f32 $7.071067690e-01, v1;
	v1 =	vadd.f32 v6, v3;
	v3 =	vld [tilespmem:s19+$0xCB20]  }
0x4b2: {  	v6 =	vld [tilespmem:s19+$0x120]  }
0x4b3: {  	[tilespmem:s19+$0xCAE0] =	vst v0;
	v0 =	vmul.f32 $7.071067690e-01, v1;
	v1 =	vadd.f32 v5, v2;
	v2 =	vld [tilespmem:s19+$0xCB30]  }
0x4b4: {  	v5 =	vld [tilespmem:s19+$0x130]  }
0x4b5: {  	[tilespmem:s19+$0xCAF0] =	vst v0;
	v0 =	vmul.f32 $7.071067690e-01, v1;
	v1 =	vadd.f32 v7, v4;
	v4 =	vld [tilespmem:s19+$0xCB40]  }
0x4b6: {  	v7 =	vld [tilespmem:s19+$0x140]  }
0x4b7: {  	[tilespmem:s19+$0xCB00] =	vst v0;
	v0 =	vmul.f32 $7.071067690e-01, v1;
	v1 =	vadd.f32 v6, v3;
	v3 =	vld [tilespmem:s19+$0xCB50]  }
0x4b8: {  	v6 =	vld [tilespmem:s19+$0x150]  }
0x4b9: {  	[tilespmem:s19+$0xCB10] =	vst v0;
	v0 =	vmul.f32 $7.071067690e-01, v1;
	v1 =	vadd.f32 v5, v2;
	v2 =	vld [tilespmem:s19+$0xCB60]  }
0x4ba: {  	v5 =	vld [tilespmem:s19+$0x160]  }
0x4bb: {  	[tilespmem:s19+$0xCB20] =	vst v0;
	v0 =	vmul.f32 $7.071067690e-01, v1;
	v1 =	vadd.f32 v7, v4;
	v4 =	vld [tilespmem:s19+$0xCB70]  }
0x4bc: {  	v7 =	vld [tilespmem:s19+$0x170]  }
0x4bd: {  	[tilespmem:s19+$0xCB30] =	vst v0;
	v0 =	vmul.f32 $7.071067690e-01, v1;
	v1 =	vadd.f32 v6, v3;
	v3 =	vld [tilespmem:s19+$0xCB80]  }
0x4be: {  	v6 =	vld [tilespmem:s19+$0x180]  }
0x4bf: {  	[tilespmem:s19+$0xCB40] =	vst v0;
	v0 =	vmul.f32 $7.071067690e-01, v1;
	v1 =	vadd.f32 v5, v2;
	v2 =	vld [tilespmem:s19+$0xCB90]  }
0x4c0: {  	v5 =	vld [tilespmem:s19+$0x190]  }
0x4c1: {  	[tilespmem:s19+$0xCB50] =	vst v0;
	v0 =	vmul.f32 $7.071067690e-01, v1;
	v1 =	vadd.f32 v7, v4;
	v4 =	vld [tilespmem:s19+$0xCBA0]  }
0x4c2: {  	v7 =	vld [tilespmem:s19+$0x1A0]  }
0x4c3: {  	[tilespmem:s19+$0xCB60] =	vst v0;
	v0 =	vmul.f32 $7.071067690e-01, v1;
	v1 =	vadd.f32 v6, v3;
	v6 =	vld [tilespmem:s19+$0xCBB0]  }
0x4c4: {  	v8 =	vld [tilespmem:s19+$0x1B0]  }
.Ltmp6:
0x4c5: {  	[tilespmem:s19+$0xCB70] =	vst v0;
	v3 =	vmul.f32 $7.071067690e-01, v1;
	v2 =	vadd.f32 v5, v2;
	v0 =	vld [tilespmem:s19+$0xCBC0];
	(pc) =	sbr.rel @p0 .LBB2_15-.Ltmp6, $4  }
0x4c6: {  	v1 =	vld [tilespmem:s19+$0x1C0]  }
0x4c7: {  	[tilespmem:s19+$0xCB80] =	vst v3;
	v5 =	vmul.f32 $7.071067690e-01, v2;
	v4 =	vadd.f32 v7, v4;
	v2 =	vld [tilespmem:s19+$0xCBD0]  }
0x4c8: {  	v3 =	vld [tilespmem:s19+$0x1D0]  }
0x4c9: {  	s17 =	sadd.s32 $0x800, s17;
	[tilespmem:s19+$0xCB90] =	vst v5;
	v5 =	vmul.f32 $7.071067690e-01, v4;
	v6 =	vadd.f32 v8, v6;
	v4 =	vld [tilespmem:s19+$0xCBE0]  }
0x4ca: {  	v7 =	vld [tilespmem:s19+$0x1E0];
	_ =	sdelay $0x2  }
0x4cb: {  	v0 =	vadd.f32 v1, v0  }
0x4cc: {  	v1 =	vmul.f32 $7.071067690e-01, v6;
	v2 =	vadd.f32 v3, v2  }
0x4cd: {  	[tilespmem:s19+$0xCBA0] =	vst v5;
	v0 =	vmul.f32 $7.071067690e-01, v0;
	v3 =	vadd.f32 v7, v4  }
0x4ce: {  	s17 =	sor.u32 $0x1, s22;
	[tilespmem:s19+$0xCBB0] =	vst v1;
	v1 =	vmul.f32 $7.071067690e-01, v2  }
0x4cf: {  	s7 =	smul.u32 $0xC80, s17;
	[tilespmem:s19+$0xCBC0] =	vst v0;
	v0 =	vmul.f32 $7.071067690e-01, v3  }
0x4d0: {  	[tilespmem:s19+$0xCBD0] =	vst v1  }
0x4d1: {  	s22 =	simm.s32 $0x0;
	s7 =	sadd.s32 s4, s7;
	[tilespmem:s19+$0xCBE0] =	vst v0  }
0x4d2: {  	[hbm4b:s7+s22] =	stream.linear.scatter [tilespmem:s9], [sflag:$0x6], $0x4000, $0x38;
	[tilespmem:$0x12E00] =	vst v63  }
0x4d3: {  	_ =	swait.ge [sflag:s15], $0x2400  }
0x4d4: {  	[sflag:s15] =	ssyncset.done $0x0  }
0x4d5: {  	s23 =	sadd.s32 $0x10, s8;
	s8 =	simm.s32 $0x0;
	[sflag:s15] =	ssyncadd.s32 $0xFFFFDC00  }
0x4d6: {  	[tilespmem:s28], [sflag:$0x8] =	stream.linear.gather [hbm4b:s23+s22], $0x48, $0x38;
	[tilespmem:$0x12E00] =	vst v63  }
0x4d7: {  	v0 =	vld [tilespmem:s8+$0x10A00]  }
0x4d8: {  	v1 =	vld [tilespmem:s8+$0x4000]  }
0x4d9: {  	v2 =	vld [tilespmem:s8+$0x10A10]  }
0x4da: {  	v3 =	vld [tilespmem:s8+$0x4010]  }
0x4db: {  	v4 =	vld [tilespmem:s8+$0x10A20]  }
0x4dc: {  	v5 =	vld [tilespmem:s8+$0x4020]  }
0x4dd: {  	v6 =	vld [tilespmem:s8+$0x4030]  }
0x4de: {  	v7 =	vld [tilespmem:s8+$0x10A40]  }
0x4df: {  	v8 =	vld [tilespmem:s8+$0x10BF0]  }
0x4e0: {  	v9 =	vld [tilespmem:s8+$0x4050]  }
0x4e1: {  	v10 =	vld [tilespmem:s8+$0x41F0]  }
0x4e2: {  	v11 =	vld [tilespmem:s8+$0x4060]  }
0x4e3: {  	v12 =	vld [tilespmem:s8+$0x10A80]  }
0x4e4: {  	v13 =	vld [tilespmem:s8+$0x4080]  }
0x4e5: {  	v14 =	vld [tilespmem:s8+$0x10A90]  }
0x4e6: {  	v15 =	vld [tilespmem:s8+$0x4090]  }
0x4e7: {  	v16 =	vld [tilespmem:s8+$0x10AA0]  }
0x4e8: {  	v44 =	vld [tilespmem:s8+$0x10AB0]  }
0x4e9: {  	v17 =	vld [tilespmem:s8+$0x40B0]  }
0x4ea: {  	v18 =	vld [tilespmem:s8+$0x10AC0]  }
0x4eb: {  	v45 =	vld [tilespmem:s8+$0x40C0]  }
0x4ec: {  	v46 =	vld [tilespmem:s8+$0x10A70]  }
0x4ed: {  	v47 =	vld [tilespmem:s8+$0x10AD0]  }
0x4ee: {  	v19 =	vld [tilespmem:s8+$0x40D0]  }
0x4ef: {  	v20 =	vld [tilespmem:s8+$0x4070]  }
0x4f0: {  	v21 =	vld [tilespmem:s8+$0x10B00]  }
0x4f1: {  	v22 =	vld [tilespmem:s8+$0x4100]  }
0x4f2: {  	v23 =	vld [tilespmem:s8+$0x10B10]  }
0x4f3: {  	v24 =	vld [tilespmem:s8+$0x4110]  }
0x4f4: {  	v25 =	vld [tilespmem:s8+$0x10B20]  }
0x4f5: {  	v26 =	vld [tilespmem:s8+$0x4120]  }
0x4f6: {  	v48 =	vld [tilespmem:s8+$0x10B30]  }
0x4f7: {  	v27 =	vld [tilespmem:s8+$0x4130];
	v0 =	vadd.f32 v1, v0  }
0x4f8: {  	v50 =	vld [tilespmem:s8+$0x10B40];
	v4 =	vadd.f32 v5, v4  }
0x4f9: {  	v5 =	vld [tilespmem:s8+$0x40A0];
	v12 =	vadd.f32 v13, v12;
	v0 =	vmul.f32 $7.071067690e-01, v0  }
0x4fa: {  	v1 =	vld [tilespmem:s8+$0x10A30];
	v21 =	vadd.f32 v22, v21;
	v4 =	vmul.f32 $7.071067690e-01, v4  }
0x4fb: {  	v51 =	vld [tilespmem:s8+$0x4140];
	v2 =	vadd.f32 v3, v2;
	v12 =	vmul.f32 $7.071067690e-01, v12;
	[tilespmem:s8+$0x10A00] =	vst v0  }
0x4fc: {  	v3 =	vld [tilespmem:s8+$0x4040];
	v23 =	vadd.f32 v24, v23;
	v49 =	vmul.f32 $7.071067690e-01, v21;
	[tilespmem:s8+$0x10A20] =	vst v4  }
0x4fd: {  	v52 =	vld [tilespmem:s8+$0x40E0];
	v8 =	vadd.f32 v10, v8;
	v0 =	vmul.f32 $7.071067690e-01, v2;
	[tilespmem:s8+$0x10A80] =	vst v12  }
0x4fe: {  	v53 =	vmul.f32 $7.071067690e-01, v23;
	v2 =	vld [tilespmem:s8+$0x10A50];
	[tilespmem:s8+$0x10B00] =	vst v49;
	v5 =	vadd.f32 v5, v16  }
0x4ff: {  	v4 =	vadd.f32 v15, v14;
	v1 =	vadd.f32 v6, v1;
	v6 =	vmul.f32 $7.071067690e-01, v8;
	[tilespmem:s8+$0x10A10] =	vst v0;
	v0 =	vld [tilespmem:s8+$0x10A60]  }
0x500: {  	v54 =	vld [tilespmem:s8+$0x10B50];
	[tilespmem:s8+$0x10B10] =	vst v53;
	v5 =	vmul.f32 $7.071067690e-01, v5  }
0x501: {  	v55 =	vld [tilespmem:s8+$0x4150];
	v3 =	vadd.f32 v3, v7;
	v4 =	vmul.f32 $7.071067690e-01, v4;
	[tilespmem:s8+$0x10BF0] =	vst v6  }
0x502: {  	v8 =	vld [tilespmem:s8+$0x10AF0];
	v1 =	vmul.f32 $7.071067690e-01, v1;
	[tilespmem:s8+$0x10AA0] =	vst v5;
	v5 =	vadd.f32 v26, v25  }
0x503: {  	v7 =	vld [tilespmem:s8+$0x10B60];
	v3 =	vmul.f32 $7.071067690e-01, v3;
	[tilespmem:s8+$0x10A90] =	vst v4;
	v2 =	vadd.f32 v9, v2  }
0x504: {  	v4 =	vld [tilespmem:s8+$0x10AE0];
	[tilespmem:s8+$0x10A30] =	vst v1;
	v5 =	vmul.f32 $7.071067690e-01, v5;
	v0 =	vadd.f32 v11, v0  }
0x505: {  	v6 =	vld [tilespmem:s8+$0x4160];
	[tilespmem:s8+$0x10A40] =	vst v3;
	v1 =	vmul.f32 $7.071067690e-01, v2;
	v2 =	vadd.f32 v20, v46  }
0x506: {  	v3 =	vadd.f32 v17, v44;
	[tilespmem:s8+$0x10B20] =	vst v5;
	v5 =	vld [tilespmem:s8+$0x40F0];
	v0 =	vmul.f32 $7.071067690e-01, v0  }
0x507: {  	v56 =	vld [tilespmem:s8+$0x10B70];
	[tilespmem:s8+$0x10A50] =	vst v1;
	v1 =	vmul.f32 $7.071067690e-01, v2;
	v2 =	vadd.f32 v45, v18  }
0x508: {  	v58 =	vld [tilespmem:s8+$0x10B80];
	[tilespmem:s8+$0x10A60] =	vst v0;
	v0 =	vmul.f32 $7.071067690e-01, v3;
	v3 =	vadd.f32 v19, v47  }
0x509: {  	v59 =	vld [tilespmem:s8+$0x4180];
	[tilespmem:s8+$0x10A70] =	vst v1;
	v1 =	vmul.f32 $7.071067690e-01, v2;
	v2 =	vadd.f32 v52, v4  }
0x50a: {  	v6 =	vadd.f32 v6, v7;
	v4 =	vld [tilespmem:s8+$0x10B90];
	[tilespmem:s8+$0x10AB0] =	vst v0;
	v0 =	vmul.f32 $7.071067690e-01, v3  }
0x50b: {  	[tilespmem:s8+$0x10AC0] =	vst v1;
	v1 =	vmul.f32 $7.071067690e-01, v2;
	v2 =	vadd.f32 v27, v48;
	v3 =	vadd.f32 v5, v8;
	v5 =	vld [tilespmem:s8+$0x4190]  }
0x50c: {  	v57 =	vld [tilespmem:s8+$0x4170];
	v6 =	vmul.f32 $7.071067690e-01, v6;
	[tilespmem:s8+$0x10AD0] =	vst v0  }
0x50d: {  	v60 =	vld [tilespmem:s8+$0x41A0];
	[tilespmem:s8+$0x10AE0] =	vst v1;
	v1 =	vmul.f32 $7.071067690e-01, v2;
	v0 =	vmul.f32 $7.071067690e-01, v3;
	v3 =	vadd.f32 v51, v50  }
0x50e: {  	[tilespmem:s8+$0x10B60] =	vst v6;
	v8 =	vld [tilespmem:s8+$0x10BA0];
	v2 =	vadd.f32 v59, v58  }
0x50f: {  	v61 =	vld [tilespmem:s8+$0x10BB0];
	v62 =	vadd.f32 v55, v54;
	[tilespmem:s8+$0x10B30] =	vst v1;
	v3 =	vmul.f32 $7.071067690e-01, v3  }
0x510: {  	v63 =	vld [tilespmem:s8+$0x41B0];
	v2 =	vmul.f32 $7.071067690e-01, v2;
	[tilespmem:s8+$0x10AF0] =	vst v0;
	v4 =	vadd.f32 v5, v4  }
0x511: {  	v1 =	vld [tilespmem:s8+$0x41C0];
	v5 =	vadd.f32 v57, v56;
	[tilespmem:s8+$0x10B40] =	vst v3;
	v3 =	vmul.f32 $7.071067690e-01, v62  }
0x512: {  	v0 =	vld [tilespmem:s8+$0x10BC0];
	[tilespmem:s8+$0x10B80] =	vst v2;
	v4 =	vmul.f32 $7.071067690e-01, v4  }
0x513: {  	v2 =	vld [tilespmem:s8+$0x10BD0];
	v6 =	vadd.f32 v60, v8;
	v5 =	vmul.f32 $7.071067690e-01, v5;
	[tilespmem:s8+$0x10B50] =	vst v3  }
0x514: {  	v3 =	vld [tilespmem:s8+$0x41D0];
	[tilespmem:s8+$0x10B90] =	vst v4  }
0x515: {  	s19 =	simm.s32 $0x800;
	s7 =	simm.s32 $0x80;
	[tilespmem:s8+$0x10B70] =	vst v5;
	v5 =	vmul.f32 $7.071067690e-01, v6;
	v6 =	vadd.f32 v63, v61;
	v4 =	vld [tilespmem:s8+$0x10BE0]  }
.LBB2_17:
0x516: {  	s20 =	sshra.s32 s19, $0x2;
	v7 =	vld [tilespmem:s8+$0x41E0]  }
0x517: {  	s7 =	sadd.s32 $0x4, s7;
	v8 =	vld [tilespmem:s20+$0x10BF0];
	[tilespmem:s8+$0x10BA0] =	vst v5;
	v5 =	vmul.f32 $7.071067690e-01, v6;
	v0 =	vadd.f32 v1, v0  }
0x518: {  	p0 =	slt.u32 s7, $0xC4;
	v1 =	vld [tilespmem:s20+$0x41F0]  }
0x519: {  	v6 =	vld [tilespmem:s20+$0x10A00];
	[tilespmem:s8+$0x10BB0] =	vst v5;
	v0 =	vmul.f32 $7.071067690e-01, v0;
	v2 =	vadd.f32 v3, v2  }
0x51a: {  	v3 =	vld [tilespmem:s20+$0x4000]  }
0x51b: {  	v5 =	vld [tilespmem:s20+$0x10A10];
	[tilespmem:s8+$0x10BC0] =	vst v0;
	v0 =	vmul.f32 $7.071067690e-01, v2;
	v2 =	vadd.f32 v7, v4  }
0x51c: {  	v4 =	vld [tilespmem:s20+$0x4010]  }
0x51d: {  	v7 =	vld [tilespmem:s20+$0x10A20];
	v1 =	vadd.f32 v1, v8;
	[tilespmem:s8+$0x10BD0] =	vst v0;
	v0 =	vmul.f32 $7.071067690e-01, v2  }
0x51e: {  	v2 =	vld [tilespmem:s20+$0x4020]  }
0x51f: {  	v3 =	vadd.f32 v3, v6;
	v6 =	vld [tilespmem:s20+$0x10A30];
	v1 =	vmul.f32 $7.071067690e-01, v1;
	[tilespmem:s8+$0x10BE0] =	vst v0;
	s8 =	smov.u32 s20  }
0x520: {  	v0 =	vld [tilespmem:s8+$0x4030]  }
0x521: {  	v3 =	vmul.f32 $7.071067690e-01, v3;
	v4 =	vadd.f32 v4, v5;
	v5 =	vld [tilespmem:s8+$0x10A40];
	[tilespmem:s8+$0x10BF0] =	vst v1  }
0x522: {  	v1 =	vld [tilespmem:s8+$0x4040]  }
0x523: {  	[tilespmem:s8+$0x10A00] =	vst v3;
	v3 =	vmul.f32 $7.071067690e-01, v4;
	v2 =	vadd.f32 v2, v7;
	v4 =	vld [tilespmem:s8+$0x10A50]  }
0x524: {  	v7 =	vld [tilespmem:s8+$0x4050]  }
0x525: {  	[tilespmem:s8+$0x10A10] =	vst v3;
	v2 =	vmul.f32 $7.071067690e-01, v2;
	v0 =	vadd.f32 v0, v6;
	v3 =	vld [tilespmem:s8+$0x10A60]  }
0x526: {  	v6 =	vld [tilespmem:s8+$0x4060]  }
0x527: {  	[tilespmem:s8+$0x10A20] =	vst v2;
	v0 =	vmul.f32 $7.071067690e-01, v0;
	v1 =	vadd.f32 v1, v5;
	v2 =	vld [tilespmem:s8+$0x10A70]  }
0x528: {  	v5 =	vld [tilespmem:s8+$0x4070]  }
0x529: {  	[tilespmem:s8+$0x10A30] =	vst v0;
	v0 =	vmul.f32 $7.071067690e-01, v1;
	v1 =	vadd.f32 v7, v4;
	v4 =	vld [tilespmem:s8+$0x10A80]  }
0x52a: {  	v7 =	vld [tilespmem:s8+$0x4080]  }
0x52b: {  	[tilespmem:s8+$0x10A40] =	vst v0;
	v0 =	vmul.f32 $7.071067690e-01, v1;
	v1 =	vadd.f32 v6, v3;
	v3 =	vld [tilespmem:s8+$0x10A90]  }
0x52c: {  	v6 =	vld [tilespmem:s8+$0x4090]  }
0x52d: {  	[tilespmem:s8+$0x10A50] =	vst v0;
	v0 =	vmul.f32 $7.071067690e-01, v1;
	v1 =	vadd.f32 v5, v2;
	v2 =	vld [tilespmem:s8+$0x10AA0]  }
0x52e: {  	v5 =	vld [tilespmem:s8+$0x40A0]  }
0x52f: {  	[tilespmem:s8+$0x10A60] =	vst v0;
	v0 =	vmul.f32 $7.071067690e-01, v1;
	v1 =	vadd.f32 v7, v4;
	v4 =	vld [tilespmem:s8+$0x10AB0]  }
0x530: {  	v7 =	vld [tilespmem:s8+$0x40B0]  }
0x531: {  	[tilespmem:s8+$0x10A70] =	vst v0;
	v0 =	vmul.f32 $7.071067690e-01, v1;
	v1 =	vadd.f32 v6, v3;
	v3 =	vld [tilespmem:s8+$0x10AC0]  }
0x532: {  	v6 =	vld [tilespmem:s8+$0x40C0]  }
0x533: {  	[tilespmem:s8+$0x10A80] =	vst v0;
	v0 =	vmul.f32 $7.071067690e-01, v1;
	v1 =	vadd.f32 v5, v2;
	v2 =	vld [tilespmem:s8+$0x10AD0]  }
0x534: {  	v5 =	vld [tilespmem:s8+$0x40D0]  }
0x535: {  	[tilespmem:s8+$0x10A90] =	vst v0;
	v0 =	vmul.f32 $7.071067690e-01, v1;
	v1 =	vadd.f32 v7, v4;
	v4 =	vld [tilespmem:s8+$0x10AE0]  }
0x536: {  	v7 =	vld [tilespmem:s8+$0x40E0]  }
0x537: {  	[tilespmem:s8+$0x10AA0] =	vst v0;
	v0 =	vmul.f32 $7.071067690e-01, v1;
	v1 =	vadd.f32 v6, v3;
	v3 =	vld [tilespmem:s8+$0x10AF0]  }
0x538: {  	v6 =	vld [tilespmem:s8+$0x40F0]  }
0x539: {  	[tilespmem:s8+$0x10AB0] =	vst v0;
	v0 =	vmul.f32 $7.071067690e-01, v1;
	v1 =	vadd.f32 v5, v2;
	v2 =	vld [tilespmem:s8+$0x10B00]  }
0x53a: {  	v5 =	vld [tilespmem:s8+$0x4100]  }
0x53b: {  	[tilespmem:s8+$0x10AC0] =	vst v0;
	v0 =	vmul.f32 $7.071067690e-01, v1;
	v1 =	vadd.f32 v7, v4;
	v4 =	vld [tilespmem:s8+$0x10B10]  }
0x53c: {  	v7 =	vld [tilespmem:s8+$0x4110]  }
0x53d: {  	[tilespmem:s8+$0x10AD0] =	vst v0;
	v0 =	vmul.f32 $7.071067690e-01, v1;
	v1 =	vadd.f32 v6, v3;
	v3 =	vld [tilespmem:s8+$0x10B20]  }
0x53e: {  	v6 =	vld [tilespmem:s8+$0x4120]  }
0x53f: {  	[tilespmem:s8+$0x10AE0] =	vst v0;
	v0 =	vmul.f32 $7.071067690e-01, v1;
	v1 =	vadd.f32 v5, v2;
	v2 =	vld [tilespmem:s8+$0x10B30]  }
0x540: {  	v5 =	vld [tilespmem:s8+$0x4130]  }
0x541: {  	[tilespmem:s8+$0x10AF0] =	vst v0;
	v0 =	vmul.f32 $7.071067690e-01, v1;
	v1 =	vadd.f32 v7, v4;
	v4 =	vld [tilespmem:s8+$0x10B40]  }
0x542: {  	v7 =	vld [tilespmem:s8+$0x4140]  }
0x543: {  	[tilespmem:s8+$0x10B00] =	vst v0;
	v0 =	vmul.f32 $7.071067690e-01, v1;
	v1 =	vadd.f32 v6, v3;
	v3 =	vld [tilespmem:s8+$0x10B50]  }
0x544: {  	v6 =	vld [tilespmem:s8+$0x4150]  }
0x545: {  	[tilespmem:s8+$0x10B10] =	vst v0;
	v0 =	vmul.f32 $7.071067690e-01, v1;
	v1 =	vadd.f32 v5, v2;
	v2 =	vld [tilespmem:s8+$0x10B60]  }
0x546: {  	v5 =	vld [tilespmem:s8+$0x4160]  }
0x547: {  	[tilespmem:s8+$0x10B20] =	vst v0;
	v0 =	vmul.f32 $7.071067690e-01, v1;
	v1 =	vadd.f32 v7, v4;
	v4 =	vld [tilespmem:s8+$0x10B70]  }
0x548: {  	v7 =	vld [tilespmem:s8+$0x4170]  }
0x549: {  	[tilespmem:s8+$0x10B30] =	vst v0;
	v0 =	vmul.f32 $7.071067690e-01, v1;
	v1 =	vadd.f32 v6, v3;
	v3 =	vld [tilespmem:s8+$0x10B80]  }
0x54a: {  	v6 =	vld [tilespmem:s8+$0x4180]  }
0x54b: {  	[tilespmem:s8+$0x10B40] =	vst v0;
	v0 =	vmul.f32 $7.071067690e-01, v1;
	v1 =	vadd.f32 v5, v2;
	v2 =	vld [tilespmem:s8+$0x10B90]  }
0x54c: {  	v5 =	vld [tilespmem:s8+$0x4190]  }
0x54d: {  	[tilespmem:s8+$0x10B50] =	vst v0;
	v0 =	vmul.f32 $7.071067690e-01, v1;
	v1 =	vadd.f32 v7, v4;
	v4 =	vld [tilespmem:s8+$0x10BA0]  }
0x54e: {  	v7 =	vld [tilespmem:s8+$0x41A0]  }
0x54f: {  	[tilespmem:s8+$0x10B60] =	vst v0;
	v0 =	vmul.f32 $7.071067690e-01, v1;
	v1 =	vadd.f32 v6, v3;
	v6 =	vld [tilespmem:s8+$0x10BB0]  }
0x550: {  	v8 =	vld [tilespmem:s8+$0x41B0]  }
.Ltmp7:
0x551: {  	[tilespmem:s8+$0x10B70] =	vst v0;
	v3 =	vmul.f32 $7.071067690e-01, v1;
	v2 =	vadd.f32 v5, v2;
	v0 =	vld [tilespmem:s8+$0x10BC0];
	(pc) =	sbr.rel @p0 .LBB2_17-.Ltmp7, $4  }
0x552: {  	v1 =	vld [tilespmem:s8+$0x41C0]  }
0x553: {  	[tilespmem:s8+$0x10B80] =	vst v3;
	v5 =	vmul.f32 $7.071067690e-01, v2;
	v4 =	vadd.f32 v7, v4;
	v2 =	vld [tilespmem:s8+$0x10BD0]  }
0x554: {  	v3 =	vld [tilespmem:s8+$0x41D0]  }
0x555: {  	s19 =	sadd.s32 $0x800, s19;
	[tilespmem:s8+$0x10B90] =	vst v5;
	v5 =	vmul.f32 $7.071067690e-01, v4;
	v6 =	vadd.f32 v8, v6;
	v4 =	vld [tilespmem:s8+$0x10BE0]  }
0x556: {  	v7 =	vld [tilespmem:s8+$0x41E0];
	_ =	sdelay $0x2  }
0x557: {  	v0 =	vadd.f32 v1, v0  }
0x558: {  	s18 =	sadd.s32 $0x1, s18;
	v60 =	vmul.f32 $7.071067690e-01, v6;
	v2 =	vadd.f32 v3, v2  }
0x559: {  	s7 =	smul.u32 $0x6400, s17;
	[tilespmem:s8+$0x10BA0] =	vst v5;
	p0 =	sne.s32 s18, $0x40;
	v0 =	vmul.f32 $7.071067690e-01, v0;
	v61 =	vadd.f32 v7, v4  }
.Ltmp8:
0x55a: {  	[tilespmem:s8+$0x10BB0] =	vst v60;
	v62 =	vmul.f32 $7.071067690e-01, v2;
	(pc) =	sbr.rel @p0 .LBB2_10-.Ltmp8, $4  }
0x55b: {  	s7 =	sshrl.u32 s7, $0x3;
	[tilespmem:s8+$0x10BC0] =	vst v0;
	v63 =	vmul.f32 $7.071067690e-01, v61  }
0x55c: {  	s7 =	sadd.s32 s4, s7;
	[tilespmem:s8+$0x10BD0] =	vst v62  }
0x55d: {  	s7 =	sadd.s32 $0x800, s7;
	[tilespmem:s8+$0x10BE0] =	vst v63  }
0x55e: {  	[hbm4b:s7+s5] =	stream.linear.scatter [tilespmem:s10], [sflag:$0x6], $0x2400, $0x38;
	[tilespmem:$0x12E00] =	vst v63  }
0x55f: {  	_ =	swait.ge [sflag:s3], $0x80  }
0x560: {  	[sflag:s3] =	ssyncset.done $0x0  }
0x561: {  	[sflag:s3] =	ssyncadd.s32 $0xFFFFFF80  }
0x562: {  	_ =	swait.ge [sflag:s3], $0x48  }
0x563: {  	[sflag:s3] =	ssyncset.done $0x0  }
0x564: {  	[sflag:s3] =	ssyncadd.s32 $0xFFFFFFB8  }
0x565: {  	_ =	swait.ge [sflag:s11], $0x4000  }
0x566: {  	[sflag:s11] =	ssyncset.done $0x0  }
0x567: {  	[sflag:s11] =	ssyncadd.s32 $0xFFFFC000  }
0x568: {  	_ =	swait.ge [sflag:s12], $0x2400  }
0x569: {  	[sflag:s12] =	ssyncset.done $0x0  }
0x56a: {  	[sflag:s12] =	ssyncadd.s32 $0xFFFFDC00  }
0x56b: {  	_ =	swait.ge [sflag:s16], $0x4000  }
0x56c: {  	[sflag:s16] =	ssyncset.done $0x0  }
0x56d: {  	[sflag:s16] =	ssyncadd.s32 $0xFFFFC000  }
0x56e: {  	_ =	swait.ge [sflag:s16], $0x2400  }
0x56f: {  	s8 =	rddreg [dreg:$0x15]  }
0x570: {  	s7 =	rddreg [dreg:$0x14];
	s8 =	sadd.s32 $0x1, s8  }
0x571: {  	p0 =	sne.s32 s8, s7  }
.Ltmp9:
0x572: {  	_ = 	snop;
	(pc) =	sbr.rel @p0 .LBB2_1-.Ltmp9, $3  }
0x573: {  	_ =	sdelay $0x1  }
0x574: {  	[sflag:s16] =	ssyncset.done $0x0  }
0x575: {  	[sflag:s16] =	ssyncadd.s32 $0xFFFFDC00  }
0x576: {  	_ =	sfence.sel $0x180000  }
0x577: {  	[bflag:$0x0] =	sbarrier.arrive $0xFFFF  }
0x578: {  	_ =	strace $0x90000047  }
0x579: {  	s0 =	stileid.u32;
	[bflag:$0x2] =	sbarrier.arrive $0xFFFF  }
0x57a: {  	p0 =	sne.s32 s0, $0x0;
	s0 =	rddreg [dreg:$0x4]  }
0x57b: {  	s0 =	sadd.s32 @!p0 $0x100000, s0  }
0x57c: {  	[sflag:s0] =	ssyncadd.tile.s32 @!p0 $0x1;
	_ =	shalt  }
.Lfunc_end2:
_tile_overlayer_lowered:
.L_overlay_start_2:
0x57d: {  	(tag) =	ssettag $0x2  }
0x57e: {  	s0 =	rddreg [dreg:$0x0];
	s2 =	stileid.u32  }
0x57f: {  	s1 =	rddreg [dreg:$0x1];
	p0 =	sne.s32 s2, $0x0  }
0x580: {  	s3 =	rddreg [dreg:$0x2];
	[bflag:$0x3] =	sbarrier.arrive $0xFFFF;
	s2 =	simm.s32 @!p0 $0x1C09  }
0x581: {  	[timem:s3], [sflag:s2] =	dma.local @!p0 [hbm:s0], s1  }
0x582: {  	s0 =	simm.s32 @!p0 $0x9  }
0x583: {  	_ =	swait.ge @!p0 [sflag:s0], s1  }
0x584: {  	s1 =	ssub.s32 @!p0 $0x0, s1;
	[sflag:s0] =	ssyncset.done @!p0 $0x0  }
0x585: {  	[sflag:s0] =	ssyncadd.s32 @!p0 s1  }
0x586: {  	[bflag:$0x3] =	sbarrier.arrive $0xFFFF  }
0x587: {  	_ =	shalt  }

</sc_bundles>
